<compile_context>
chip_gen: v7x
topology: tpu7x:2x2x1
jax: 0.10.2.dev20260603
libtpu: 0.0.44.dev20260713+nightly
codegen_flags: <defaults>
</compile_context>

<pallas_src>
import functools

import jax
import jax.numpy as jnp
from jax import lax
from jax.experimental import pallas as pl
from jax.experimental.pallas import tpu as pltpu
from jax.experimental.pallas import tpu_sc as plsc


_NC = 2
_NS = 16
_NW = _NC * _NS
_ROWS_W = 3128
_CHUNK = 184
_NSLOT = 4
_SLAG = 2
_CROWS_W = 32


def _sc_relay(item_ref, cat_ref, oitem_ref, ocat_ref,
              bufs, cat_buf, in_sems, out_sems, cat_sem):
    n = item_ref.shape[0]
    nc = cat_ref.shape[0]
    wid = lax.axis_index("s") * _NC + lax.axis_index("c")
    start = jnp.minimum(wid * _ROWS_W, n - _ROWS_W)
    nchunk = _ROWS_W // _CHUNK

    cstart = jnp.minimum(wid * _CROWS_W, nc - _CROWS_W)
    pltpu.make_async_copy(
        cat_ref.at[pl.ds(cstart, _CROWS_W)], cat_buf, cat_sem).start()

    for idx in range(nchunk + _SLAG):
        slot = idx % _NSLOT
        if idx < nchunk:
            off = start + idx * _CHUNK
            if idx >= _NSLOT:
                poff = start + (idx - _NSLOT) * _CHUNK
                pltpu.make_async_copy(
                    bufs.at[slot], oitem_ref.at[pl.ds(poff, _CHUNK)],
                    out_sems.at[slot]).wait()
            pltpu.make_async_copy(
                item_ref.at[pl.ds(off, _CHUNK)], bufs.at[slot],
                in_sems.at[slot]).start()
        j = idx - _SLAG
        if 0 <= j < nchunk:
            jslot = j % _NSLOT
            joff = start + j * _CHUNK
            pltpu.make_async_copy(
                item_ref.at[pl.ds(joff, _CHUNK)], bufs.at[jslot],
                in_sems.at[jslot]).wait()
            pltpu.make_async_copy(
                bufs.at[jslot], oitem_ref.at[pl.ds(joff, _CHUNK)],
                out_sems.at[jslot]).start()

    pltpu.make_async_copy(
        cat_ref.at[pl.ds(cstart, _CROWS_W)], cat_buf, cat_sem).wait()
    pltpu.make_async_copy(
        cat_buf, ocat_ref.at[pl.ds(cstart, _CROWS_W)], cat_sem).start()

    for j in range(max(nchunk - _NSLOT, 0), nchunk):
        jslot = j % _NSLOT
        joff = start + j * _CHUNK
        pltpu.make_async_copy(
            bufs.at[jslot], oitem_ref.at[pl.ds(joff, _CHUNK)],
            out_sems.at[jslot]).wait()
    pltpu.make_async_copy(
        cat_buf, ocat_ref.at[pl.ds(cstart, _CROWS_W)], cat_sem).wait()


def _sc_copy(emb_item, emb_category):
    d = emb_item.shape[1]
    mesh = plsc.VectorSubcoreMesh(core_axis_name="c", subcore_axis_name="s")
    run = functools.partial(
        pl.kernel,
        out_type=(
            jax.ShapeDtypeStruct(emb_item.shape, emb_item.dtype),
            jax.ShapeDtypeStruct(emb_category.shape, emb_category.dtype),
        ),
        mesh=mesh,
        scratch_types=[
            pltpu.VMEM((_NSLOT, _CHUNK, d), jnp.float32),
            pltpu.VMEM((_CROWS_W, d), jnp.float32),
            pltpu.SemaphoreType.DMA((_NSLOT,)),
            pltpu.SemaphoreType.DMA((_NSLOT,)),
            pltpu.SemaphoreType.DMA,
        ],
    )(_sc_relay)
    return run(emb_item, emb_category)



_B = 5000
_NBUF = 8
_LAG = 4


def _tc_relay(u_ref, ou_ref, bufs, in_sems, out_sems):
    n = u_ref.shape[0]
    total = n // _B
    for idx in range(total + _LAG):
        slot = idx % _NBUF
        if idx < total:
            off = idx * _B
            if idx >= _NBUF:
                poff = (idx - _NBUF) * _B
                pltpu.make_async_copy(
                    bufs.at[slot], ou_ref.at[pl.ds(poff, _B)],
                    out_sems.at[slot]).wait()
            pltpu.make_async_copy(
                u_ref.at[pl.ds(off, _B)], bufs.at[slot],
                in_sems.at[slot]).start()
        j = idx - _LAG
        if 0 <= j < total:
            jslot = j % _NBUF
            joff = j * _B
            pltpu.make_async_copy(
                u_ref.at[pl.ds(joff, _B)], bufs.at[jslot],
                in_sems.at[jslot]).wait()
            pltpu.make_async_copy(
                bufs.at[jslot], ou_ref.at[pl.ds(joff, _B)],
                out_sems.at[jslot]).start()
    for j in range(max(total - _NBUF, 0), total):
        jslot = j % _NBUF
        joff = j * _B
        pltpu.make_async_copy(
            bufs.at[jslot], ou_ref.at[pl.ds(joff, _B)],
            out_sems.at[jslot]).wait()


def _tc_copy(emb_user):
    n, d = emb_user.shape
    any_spec = pl.BlockSpec(memory_space=pl.ANY)
    return pl.pallas_call(
        _tc_relay,
        out_shape=jax.ShapeDtypeStruct(emb_user.shape, emb_user.dtype),
        in_specs=[any_spec],
        out_specs=any_spec,
        scratch_shapes=[
            pltpu.VMEM((_NBUF, _B, d), jnp.float32),
            pltpu.SemaphoreType.DMA((_NBUF,)),
            pltpu.SemaphoreType.DMA((_NBUF,)),
        ],
    )(emb_user)


def kernel(emb_user, emb_item, emb_category):
    out_item, out_cat = _sc_copy(emb_item, emb_category)
    out_user = _tc_copy(emb_user)
    return (out_user, out_item, out_cat)

# --- scband reference (transcript-rebuilt; emitter-appended) ---
"""Pipeline reference for scband-rel-graph-embedding-85066122264691 (READ-ONLY COPY).

The authoritative reference and input builder live on the scoring server;
editing this copy changes nothing except your own understanding.
"""

import jax, jax.numpy as jnp
import numpy as np

_NTYPE_SIZES = {"user": 100000, "item": 100000, "category": 1000}
_EMBED_DIM = 64


def _xavier_uniform(key, n, d, gain):
    bound = gain * np.sqrt(6.0 / (n + d))
    return jax.random.uniform(key, (n, d), minval=-bound, maxval=bound, dtype=jnp.float32)


def setup_inputs(seed: int = 0) -> dict:
    key = jax.random.key(seed)
    gain = float(np.sqrt(2.0))  # nn.init.calculate_gain('relu')
    inp = {}
    for i, (ntype, n) in enumerate(_NTYPE_SIZES.items()):
        k = jax.random.fold_in(key, i)
        inp["emb_" + ntype] = _xavier_uniform(k, n, _EMBED_DIM, gain)
    return inp


def reference(emb_user, emb_item, emb_category):
    # Faithful to RelGraphEmbedding.forward: returns the per-ntype embedding
    # parameters themselves (a dict in torch; a tuple of arrays here, ordered
    # as user, item, category).
    return (emb_user, emb_item, emb_category)

if __name__ == "__main__":
    import jax
    _d = setup_inputs()
    print(jax.jit(kernel)(*tuple(_d.values())))

</pallas_src>

<mosaic_0001>
#map = affine_map<(d0, d1) -> (0, 0)>
module attributes {stable_mosaic.version = 14 : i64} {
  func.func @_sc_relay(%arg0: i32, %arg1: i32, %arg2: memref<100000x64xf32, #tpu.memory_space<hbm>>, %arg3: memref<1000x64xf32, #tpu.memory_space<hbm>>, %arg4: memref<100000x64xf32, #tpu.memory_space<hbm>>, %arg5: memref<1000x64xf32, #tpu.memory_space<hbm>>, %arg6: memref<4x184x64xf32, #tpu.memory_space<vmem>>, %arg7: memref<32x64xf32, #tpu.memory_space<vmem>>, %arg8: memref<4x!tpu.dma_semaphore, #tpu.memory_space<semaphore_mem>>, %arg9: memref<4x!tpu.dma_semaphore, #tpu.memory_space<semaphore_mem>>, %arg10: memref<!tpu.dma_semaphore, #tpu.memory_space<semaphore_mem>>) attributes {dimension_semantics = [#tpu.dimension_semantics<core_parallel>, #tpu.dimension_semantics<subcore_parallel>], iteration_bounds = array<i64: 2, 16>, scalar_prefetch = 0 : i64, scratch_operands = 5 : i64, tpu.core_type = #tpu.core_type<sc_vector_subcore>, window_params = [{transform_indices = #map}, {transform_indices = #map}, {transform_indices = #map}, {transform_indices = #map}]} {
    %mul3A = arith.constant 2 : i32
    %mul3A_0 = arith.muli %arg1, %mul3A : i32
    %add3A = arith.addi %mul3A_0, %arg0 : i32
    %mul3A_1 = arith.constant 3128 : i32
    %mul3A_2 = arith.muli %add3A, %mul3A_1 : i32
    %min3A = arith.constant 96872 : i32
    %min3A_3 = arith.minsi %mul3A_2, %min3A : i32
    %mul3A_4 = arith.constant 32 : i32
    %mul3A_5 = arith.muli %add3A, %mul3A_4 : i32
    %min3A_6 = arith.constant 968 : i32
    %min3A_7 = arith.minsi %mul3A_5, %min3A_6 : i32
    %dma_start3A = arith.constant 0 : i32
    %dma_start3A_8 = tpu.memref_slice %arg3[%min3A_7, %dma_start3A] : memref<1000x64xf32, #tpu.memory_space<hbm>> -> memref<32x64xf32, #tpu.memory_space<hbm>>
    %dma_start3A_9 = arith.constant 0 : i32
    %dma_start3A_10 = tpu.memref_slice %arg3[%min3A_7, %dma_start3A_9] : memref<1000x64xf32, #tpu.memory_space<hbm>> -> memref<32x64xf32, #tpu.memory_space<hbm>>
    tpu.enqueue_dma source(%dma_start3A_10 : memref<32x64xf32, #tpu.memory_space<hbm>>) target(%arg7 : memref<32x64xf32, #tpu.memory_space<vmem>>) target_semaphore(%arg10 : memref<!tpu.dma_semaphore, #tpu.memory_space<semaphore_mem>>)
    %add3A_11 = arith.constant 0 : i32
    %add3A_12 = arith.addi %min3A_3, %add3A_11 : i32
    %dma_start3A_13 = arith.constant 0 : i32
    %dma_start3A_14 = arith.constant 0 : i32
    %dma_start3A_15 = arith.constant 0 : i32
    %dma_start3A_16 = arith.constant 0 : i32
    %dma_start3A_17 = tpu.memref_slice %arg6[%dma_start3A_13, %dma_start3A_15, %dma_start3A_16] : memref<4x184x64xf32, #tpu.memory_space<vmem>> -> memref<1x184x64xf32, #tpu.memory_space<vmem>>
    %dma_start3A_18 = tpu.memref_squeeze %dma_start3A_17 : memref<1x184x64xf32, #tpu.memory_space<vmem>> -> memref<184x64xf32, #tpu.memory_space<vmem>>
    %dma_start3A_19 = arith.constant 0 : i32
    %dma_start3A_20 = tpu.memref_slice %arg2[%add3A_12, %dma_start3A_19] : memref<100000x64xf32, #tpu.memory_space<hbm>> -> memref<184x64xf32, #tpu.memory_space<hbm>>
    %dma_start3A_21 = tpu.memref_slice %arg8[%dma_start3A_14] : memref<4x!tpu.dma_semaphore, #tpu.memory_space<semaphore_mem>> -> memref<1x!tpu.dma_semaphore, #tpu.memory_space<semaphore_mem>>
    %dma_start3A_22 = tpu.memref_squeeze %dma_start3A_21 : memref<1x!tpu.dma_semaphore, #tpu.memory_space<semaphore_mem>> -> memref<!tpu.dma_semaphore, #tpu.memory_space<semaphore_mem>>
    %dma_start3A_23 = arith.constant 0 : i32
    %dma_start3A_24 = arith.constant 0 : i32
    %dma_start3A_25 = tpu.memref_slice %arg6[%dma_start3A_13, %dma_start3A_23, %dma_start3A_24] : memref<4x184x64xf32, #tpu.memory_space<vmem>> -> memref<1x184x64xf32, #tpu.memory_space<vmem>>
    %dma_start3A_26 = tpu.memref_squeeze %dma_start3A_25 : memref<1x184x64xf32, #tpu.memory_space<vmem>> -> memref<184x64xf32, #tpu.memory_space<vmem>>
    %dma_start3A_27 = arith.constant 0 : i32
    %dma_start3A_28 = tpu.memref_slice %arg2[%add3A_12, %dma_start3A_27] : memref<100000x64xf32, #tpu.memory_space<hbm>> -> memref<184x64xf32, #tpu.memory_space<hbm>>
    tpu.enqueue_dma source(%dma_start3A_28 : memref<184x64xf32, #tpu.memory_space<hbm>>) target(%dma_start3A_26 : memref<184x64xf32, #tpu.memory_space<vmem>>) target_semaphore(%dma_start3A_22 : memref<!tpu.dma_semaphore, #tpu.memory_space<semaphore_mem>>)
    %add3A_29 = arith.constant 184 : i32
    %add3A_30 = arith.addi %min3A_3, %add3A_29 : i32
    %dma_start3A_31 = arith.constant 1 : i32
    %dma_start3A_32 = arith.constant 1 : i32
    %dma_start3A_33 = arith.constant 0 : i32
    %dma_start3A_34 = arith.constant 0 : i32
    %dma_start3A_35 = tpu.memref_slice %arg6[%dma_start3A_31, %dma_start3A_33, %dma_start3A_34] : memref<4x184x64xf32, #tpu.memory_space<vmem>> -> memref<1x184x64xf32, #tpu.memory_space<vmem>>
    %dma_start3A_36 = tpu.memref_squeeze %dma_start3A_35 : memref<1x184x64xf32, #tpu.memory_space<vmem>> -> memref<184x64xf32, #tpu.memory_space<vmem>>
    %dma_start3A_37 = arith.constant 0 : i32
    %dma_start3A_38 = tpu.memref_slice %arg2[%add3A_30, %dma_start3A_37] : memref<100000x64xf32, #tpu.memory_space<hbm>> -> memref<184x64xf32, #tpu.memory_space<hbm>>
    %dma_start3A_39 = tpu.memref_slice %arg8[%dma_start3A_32] : memref<4x!tpu.dma_semaphore, #tpu.memory_space<semaphore_mem>> -> memref<1x!tpu.dma_semaphore, #tpu.memory_space<semaphore_mem>>
    %dma_start3A_40 = tpu.memref_squeeze %dma_start3A_39 : memref<1x!tpu.dma_semaphore, #tpu.memory_space<semaphore_mem>> -> memref<!tpu.dma_semaphore, #tpu.memory_space<semaphore_mem>>
    %dma_start3A_41 = arith.constant 0 : i32
    %dma_start3A_42 = arith.constant 0 : i32
    %dma_start3A_43 = tpu.memref_slice %arg6[%dma_start3A_31, %dma_start3A_41, %dma_start3A_42] : memref<4x184x64xf32, #tpu.memory_space<vmem>> -> memref<1x184x64xf32, #tpu.memory_space<vmem>>
    %dma_start3A_44 = tpu.memref_squeeze %dma_start3A_43 : memref<1x184x64xf32, #tpu.memory_space<vmem>> -> memref<184x64xf32, #tpu.memory_space<vmem>>
    %dma_start3A_45 = arith.constant 0 : i32
    %dma_start3A_46 = tpu.memref_slice %arg2[%add3A_30, %dma_start3A_45] : memref<100000x64xf32, #tpu.memory_space<hbm>> -> memref<184x64xf32, #tpu.memory_space<hbm>>
    tpu.enqueue_dma source(%dma_start3A_46 : memref<184x64xf32, #tpu.memory_space<hbm>>) target(%dma_start3A_44 : memref<184x64xf32, #tpu.memory_space<vmem>>) target_semaphore(%dma_start3A_40 : memref<!tpu.dma_semaphore, #tpu.memory_space<semaphore_mem>>)
    %add3A_47 = arith.constant 368 : i32
    %add3A_48 = arith.addi %min3A_3, %add3A_47 : i32
    %dma_start3A_49 = arith.constant 2 : i32
    %dma_start3A_50 = arith.constant 2 : i32
    %dma_start3A_51 = arith.constant 0 : i32
    %dma_start3A_52 = arith.constant 0 : i32
    %dma_start3A_53 = tpu.memref_slice %arg6[%dma_start3A_49, %dma_start3A_51, %dma_start3A_52] : memref<4x184x64xf32, #tpu.memory_space<vmem>> -> memref<1x184x64xf32, #tpu.memory_space<vmem>>
    %dma_start3A_54 = tpu.memref_squeeze %dma_start3A_53 : memref<1x184x64xf32, #tpu.memory_space<vmem>> -> memref<184x64xf32, #tpu.memory_space<vmem>>
    %dma_start3A_55 = arith.constant 0 : i32
    %dma_start3A_56 = tpu.memref_slice %arg2[%add3A_48, %dma_start3A_55] : memref<100000x64xf32, #tpu.memory_space<hbm>> -> memref<184x64xf32, #tpu.memory_space<hbm>>
    %dma_start3A_57 = tpu.memref_slice %arg8[%dma_start3A_50] : memref<4x!tpu.dma_semaphore, #tpu.memory_space<semaphore_mem>> -> memref<1x!tpu.dma_semaphore, #tpu.memory_space<semaphore_mem>>
    %dma_start3A_58 = tpu.memref_squeeze %dma_start3A_57 : memref<1x!tpu.dma_semaphore, #tpu.memory_space<semaphore_mem>> -> memref<!tpu.dma_semaphore, #tpu.memory_space<semaphore_mem>>
    %dma_start3A_59 = arith.constant 0 : i32
    %dma_start3A_60 = arith.constant 0 : i32
    %dma_start3A_61 = tpu.memref_slice %arg6[%dma_start3A_49, %dma_start3A_59, %dma_start3A_60] : memref<4x184x64xf32, #tpu.memory_space<vmem>> -> memref<1x184x64xf32, #tpu.memory_space<vmem>>
    %dma_start3A_62 = tpu.memref_squeeze %dma_start3A_61 : memref<1x184x64xf32, #tpu.memory_space<vmem>> -> memref<184x64xf32, #tpu.memory_space<vmem>>
    %dma_start3A_63 = arith.constant 0 : i32
    %dma_start3A_64 = tpu.memref_slice %arg2[%add3A_48, %dma_start3A_63] : memref<100000x64xf32, #tpu.memory_space<hbm>> -> memref<184x64xf32, #tpu.memory_space<hbm>>
    tpu.enqueue_dma source(%dma_start3A_64 : memref<184x64xf32, #tpu.memory_space<hbm>>) target(%dma_start3A_62 : memref<184x64xf32, #tpu.memory_space<vmem>>) target_semaphore(%dma_start3A_58 : memref<!tpu.dma_semaphore, #tpu.memory_space<semaphore_mem>>)
    %add3A_65 = arith.constant 0 : i32
    %add3A_66 = arith.addi %min3A_3, %add3A_65 : i32
    %dma_wait3A = arith.constant 0 : i32
    %dma_wait3A_67 = arith.constant 0 : i32
    %dma_wait3A_68 = arith.constant 0 : i32
    %dma_wait3A_69 = arith.constant 0 : i32
    %dma_wait3A_70 = tpu.memref_slice %arg6[%dma_wait3A, %dma_wait3A_68, %dma_wait3A_69] : memref<4x184x64xf32, #tpu.memory_space<vmem>> -> memref<1x184x64xf32, #tpu.memory_space<vmem>>
    %dma_wait3A_71 = tpu.memref_squeeze %dma_wait3A_70 : memref<1x184x64xf32, #tpu.memory_space<vmem>> -> memref<184x64xf32, #tpu.memory_space<vmem>>
    %dma_wait3A_72 = arith.constant 0 : i32
    %dma_wait3A_73 = tpu.memref_slice %arg2[%add3A_66, %dma_wait3A_72] : memref<100000x64xf32, #tpu.memory_space<hbm>> -> memref<184x64xf32, #tpu.memory_space<hbm>>
    %dma_wait3A_74 = tpu.memref_slice %arg8[%dma_wait3A_67] : memref<4x!tpu.dma_semaphore, #tpu.memory_space<semaphore_mem>> -> memref<1x!tpu.dma_semaphore, #tpu.memory_space<semaphore_mem>>
    %dma_wait3A_75 = tpu.memref_squeeze %dma_wait3A_74 : memref<1x!tpu.dma_semaphore, #tpu.memory_space<semaphore_mem>> -> memref<!tpu.dma_semaphore, #tpu.memory_space<semaphore_mem>>
    %dma_wait3A_76 = arith.constant 0 : i32
    %dma_wait3A_77 = arith.constant 0 : i32
    %dma_wait3A_78 = tpu.memref_slice %arg6[%dma_wait3A, %dma_wait3A_76, %dma_wait3A_77] : memref<4x184x64xf32, #tpu.memory_space<vmem>> -> memref<1x184x64xf32, #tpu.memory_space<vmem>>
    %dma_wait3A_79 = tpu.memref_squeeze %dma_wait3A_78 : memref<1x184x64xf32, #tpu.memory_space<vmem>> -> memref<184x64xf32, #tpu.memory_space<vmem>>
    %dma_wait3A_80 = arith.constant 0 : i32
    %dma_wait3A_81 = tpu.memref_slice %arg2[%add3A_66, %dma_wait3A_80] : memref<100000x64xf32, #tpu.memory_space<hbm>> -> memref<184x64xf32, #tpu.memory_space<hbm>>
    tpu.wait_dma2 semaphore(%dma_wait3A_75 : memref<!tpu.dma_semaphore, #tpu.memory_space<semaphore_mem>>) src(%dma_wait3A_81 : memref<184x64xf32, #tpu.memory_space<hbm>>) dst(%dma_wait3A_79 : memref<184x64xf32, #tpu.memory_space<vmem>>)
    %dma_start3A_82 = arith.constant 0 : i32
    %dma_start3A_83 = arith.constant 0 : i32
    %dma_start3A_84 = arith.constant 0 : i32
    %dma_start3A_85 = arith.constant 0 : i32
    %dma_start3A_86 = tpu.memref_slice %arg6[%dma_start3A_82, %dma_start3A_84, %dma_start3A_85] : memref<4x184x64xf32, #tpu.memory_space<vmem>> -> memref<1x184x64xf32, #tpu.memory_space<vmem>>
    %dma_start3A_87 = tpu.memref_squeeze %dma_start3A_86 : memref<1x184x64xf32, #tpu.memory_space<vmem>> -> memref<184x64xf32, #tpu.memory_space<vmem>>
    %dma_start3A_88 = arith.constant 0 : i32
    %dma_start3A_89 = tpu.memref_slice %arg4[%add3A_66, %dma_start3A_88] : memref<100000x64xf32, #tpu.memory_space<hbm>> -> memref<184x64xf32, #tpu.memory_space<hbm>>
    %dma_start3A_90 = tpu.memref_slice %arg9[%dma_start3A_83] : memref<4x!tpu.dma_semaphore, #tpu.memory_space<semaphore_mem>> -> memref<1x!tpu.dma_semaphore, #tpu.memory_space<semaphore_mem>>
    %dma_start3A_91 = tpu.memref_squeeze %dma_start3A_90 : memref<1x!tpu.dma_semaphore, #tpu.memory_space<semaphore_mem>> -> memref<!tpu.dma_semaphore, #tpu.memory_space<semaphore_mem>>
    %dma_start3A_92 = arith.constant 0 : i32
    %dma_start3A_93 = tpu.memref_slice %arg4[%add3A_66, %dma_start3A_92] : memref<100000x64xf32, #tpu.memory_space<hbm>> -> memref<184x64xf32, #tpu.memory_space<hbm>>
    %dma_start3A_94 = arith.constant 0 : i32
    %dma_start3A_95 = arith.constant 0 : i32
    %dma_start3A_96 = tpu.memref_slice %arg6[%dma_start3A_82, %dma_start3A_94, %dma_start3A_95] : memref<4x184x64xf32, #tpu.memory_space<vmem>> -> memref<1x184x64xf32, #tpu.memory_space<vmem>>
    %dma_start3A_97 = tpu.memref_squeeze %dma_start3A_96 : memref<1x184x64xf32, #tpu.memory_space<vmem>> -> memref<184x64xf32, #tpu.memory_space<vmem>>
    tpu.enqueue_dma source(%dma_start3A_97 : memref<184x64xf32, #tpu.memory_space<vmem>>) target(%dma_start3A_93 : memref<184x64xf32, #tpu.memory_space<hbm>>) target_semaphore(%dma_start3A_91 : memref<!tpu.dma_semaphore, #tpu.memory_space<semaphore_mem>>)
    %add3A_98 = arith.constant 552 : i32
    %add3A_99 = arith.addi %min3A_3, %add3A_98 : i32
    %dma_start3A_100 = arith.constant 3 : i32
    %dma_start3A_101 = arith.constant 3 : i32
    %dma_start3A_102 = arith.constant 0 : i32
    %dma_start3A_103 = arith.constant 0 : i32
    %dma_start3A_104 = tpu.memref_slice %arg6[%dma_start3A_100, %dma_start3A_102, %dma_start3A_103] : memref<4x184x64xf32, #tpu.memory_space<vmem>> -> memref<1x184x64xf32, #tpu.memory_space<vmem>>
    %dma_start3A_105 = tpu.memref_squeeze %dma_start3A_104 : memref<1x184x64xf32, #tpu.memory_space<vmem>> -> memref<184x64xf32, #tpu.memory_space<vmem>>
    %dma_start3A_106 = arith.constant 0 : i32
    %dma_start3A_107 = tpu.memref_slice %arg2[%add3A_99, %dma_start3A_106] : memref<100000x64xf32, #tpu.memory_space<hbm>> -> memref<184x64xf32, #tpu.memory_space<hbm>>
    %dma_start3A_108 = tpu.memref_slice %arg8[%dma_start3A_101] : memref<4x!tpu.dma_semaphore, #tpu.memory_space<semaphore_mem>> -> memref<1x!tpu.dma_semaphore, #tpu.memory_space<semaphore_mem>>
    %dma_start3A_109 = tpu.memref_squeeze %dma_start3A_108 : memref<1x!tpu.dma_semaphore, #tpu.memory_space<semaphore_mem>> -> memref<!tpu.dma_semaphore, #tpu.memory_space<semaphore_mem>>
    %dma_start3A_110 = arith.constant 0 : i32
    %dma_start3A_111 = arith.constant 0 : i32
    %dma_start3A_112 = tpu.memref_slice %arg6[%dma_start3A_100, %dma_start3A_110, %dma_start3A_111] : memref<4x184x64xf32, #tpu.memory_space<vmem>> -> memref<1x184x64xf32, #tpu.memory_space<vmem>>
    %dma_start3A_113 = tpu.memref_squeeze %dma_start3A_112 : memref<1x184x64xf32, #tpu.memory_space<vmem>> -> memref<184x64xf32, #tpu.memory_space<vmem>>
    %dma_start3A_114 = arith.constant 0 : i32
    %dma_start3A_115 = tpu.memref_slice %arg2[%add3A_99, %dma_start3A_114] : memref<100000x64xf32, #tpu.memory_space<hbm>> -> memref<184x64xf32, #tpu.memory_space<hbm>>
    tpu.enqueue_dma source(%dma_start3A_115 : memref<184x64xf32, #tpu.memory_space<hbm>>) target(%dma_start3A_113 : memref<184x64xf32, #tpu.memory_space<vmem>>) target_semaphore(%dma_start3A_109 : memref<!tpu.dma_semaphore, #tpu.memory_space<semaphore_mem>>)
    %add3A_116 = arith.constant 184 : i32
    %add3A_117 = arith.addi %min3A_3, %add3A_116 : i32
    %dma_wait3A_118 = arith.constant 1 : i32
    %dma_wait3A_119 = arith.constant 1 : i32
    %dma_wait3A_120 = arith.constant 0 : i32
    %dma_wait3A_121 = arith.constant 0 : i32
    %dma_wait3A_122 = tpu.memref_slice %arg6[%dma_wait3A_118, %dma_wait3A_120, %dma_wait3A_121] : memref<4x184x64xf32, #tpu.memory_space<vmem>> -> memref<1x184x64xf32, #tpu.memory_space<vmem>>
    %dma_wait3A_123 = tpu.memref_squeeze %dma_wait3A_122 : memref<1x184x64xf32, #tpu.memory_space<vmem>> -> memref<184x64xf32, #tpu.memory_space<vmem>>
    %dma_wait3A_124 = arith.constant 0 : i32
    %dma_wait3A_125 = tpu.memref_slice %arg2[%add3A_117, %dma_wait3A_124] : memref<100000x64xf32, #tpu.memory_space<hbm>> -> memref<184x64xf32, #tpu.memory_space<hbm>>
    %dma_wait3A_126 = tpu.memref_slice %arg8[%dma_wait3A_119] : memref<4x!tpu.dma_semaphore, #tpu.memory_space<semaphore_mem>> -> memref<1x!tpu.dma_semaphore, #tpu.memory_space<semaphore_mem>>
    %dma_wait3A_127 = tpu.memref_squeeze %dma_wait3A_126 : memref<1x!tpu.dma_semaphore, #tpu.memory_space<semaphore_mem>> -> memref<!tpu.dma_semaphore, #tpu.memory_space<semaphore_mem>>
    %dma_wait3A_128 = arith.constant 0 : i32
    %dma_wait3A_129 = arith.constant 0 : i32
    %dma_wait3A_130 = tpu.memref_slice %arg6[%dma_wait3A_118, %dma_wait3A_128, %dma_wait3A_129] : memref<4x184x64xf32, #tpu.memory_space<vmem>> -> memref<1x184x64xf32, #tpu.memory_space<vmem>>
    %dma_wait3A_131 = tpu.memref_squeeze %dma_wait3A_130 : memref<1x184x64xf32, #tpu.memory_space<vmem>> -> memref<184x64xf32, #tpu.memory_space<vmem>>
    %dma_wait3A_132 = arith.constant 0 : i32
    %dma_wait3A_133 = tpu.memref_slice %arg2[%add3A_117, %dma_wait3A_132] : memref<100000x64xf32, #tpu.memory_space<hbm>> -> memref<184x64xf32, #tpu.memory_space<hbm>>
    tpu.wait_dma2 semaphore(%dma_wait3A_127 : memref<!tpu.dma_semaphore, #tpu.memory_space<semaphore_mem>>) src(%dma_wait3A_133 : memref<184x64xf32, #tpu.memory_space<hbm>>) dst(%dma_wait3A_131 : memref<184x64xf32, #tpu.memory_space<vmem>>)
    %dma_start3A_134 = arith.constant 1 : i32
    %dma_start3A_135 = arith.constant 1 : i32
    %dma_start3A_136 = arith.constant 0 : i32
    %dma_start3A_137 = arith.constant 0 : i32
    %dma_start3A_138 = tpu.memref_slice %arg6[%dma_start3A_134, %dma_start3A_136, %dma_start3A_137] : memref<4x184x64xf32, #tpu.memory_space<vmem>> -> memref<1x184x64xf32, #tpu.memory_space<vmem>>
    %dma_start3A_139 = tpu.memref_squeeze %dma_start3A_138 : memref<1x184x64xf32, #tpu.memory_space<vmem>> -> memref<184x64xf32, #tpu.memory_space<vmem>>
    %dma_start3A_140 = arith.constant 0 : i32
    %dma_start3A_141 = tpu.memref_slice %arg4[%add3A_117, %dma_start3A_140] : memref<100000x64xf32, #tpu.memory_space<hbm>> -> memref<184x64xf32, #tpu.memory_space<hbm>>
    %dma_start3A_142 = tpu.memref_slice %arg9[%dma_start3A_135] : memref<4x!tpu.dma_semaphore, #tpu.memory_space<semaphore_mem>> -> memref<1x!tpu.dma_semaphore, #tpu.memory_space<semaphore_mem>>
    %dma_start3A_143 = tpu.memref_squeeze %dma_start3A_142 : memref<1x!tpu.dma_semaphore, #tpu.memory_space<semaphore_mem>> -> memref<!tpu.dma_semaphore, #tpu.memory_space<semaphore_mem>>
    %dma_start3A_144 = arith.constant 0 : i32
    %dma_start3A_145 = tpu.memref_slice %arg4[%add3A_117, %dma_start3A_144] : memref<100000x64xf32, #tpu.memory_space<hbm>> -> memref<184x64xf32, #tpu.memory_space<hbm>>
    %dma_start3A_146 = arith.constant 0 : i32
    %dma_start3A_147 = arith.constant 0 : i32
    %dma_start3A_148 = tpu.memref_slice %arg6[%dma_start3A_134, %dma_start3A_146, %dma_start3A_147] : memref<4x184x64xf32, #tpu.memory_space<vmem>> -> memref<1x184x64xf32, #tpu.memory_space<vmem>>
    %dma_start3A_149 = tpu.memref_squeeze %dma_start3A_148 : memref<1x184x64xf32, #tpu.memory_space<vmem>> -> memref<184x64xf32, #tpu.memory_space<vmem>>
    tpu.enqueue_dma source(%dma_start3A_149 : memref<184x64xf32, #tpu.memory_space<vmem>>) target(%dma_start3A_145 : memref<184x64xf32, #tpu.memory_space<hbm>>) target_semaphore(%dma_start3A_143 : memref<!tpu.dma_semaphore, #tpu.memory_space<semaphore_mem>>)
    %add3A_150 = arith.constant 736 : i32
    %add3A_151 = arith.addi %min3A_3, %add3A_150 : i32
    %add3A_152 = arith.constant 0 : i32
    %add3A_153 = arith.addi %min3A_3, %add3A_152 : i32
    %dma_wait3A_154 = arith.constant 0 : i32
    %dma_wait3A_155 = arith.constant 0 : i32
    %dma_wait3A_156 = arith.constant 0 : i32
    %dma_wait3A_157 = arith.constant 0 : i32
    %dma_wait3A_158 = tpu.memref_slice %arg6[%dma_wait3A_154, %dma_wait3A_156, %dma_wait3A_157] : memref<4x184x64xf32, #tpu.memory_space<vmem>> -> memref<1x184x64xf32, #tpu.memory_space<vmem>>
    %dma_wait3A_159 = tpu.memref_squeeze %dma_wait3A_158 : memref<1x184x64xf32, #tpu.memory_space<vmem>> -> memref<184x64xf32, #tpu.memory_space<vmem>>
    %dma_wait3A_160 = arith.constant 0 : i32
    %dma_wait3A_161 = tpu.memref_slice %arg4[%add3A_153, %dma_wait3A_160] : memref<100000x64xf32, #tpu.memory_space<hbm>> -> memref<184x64xf32, #tpu.memory_space<hbm>>
    %dma_wait3A_162 = tpu.memref_slice %arg9[%dma_wait3A_155] : memref<4x!tpu.dma_semaphore, #tpu.memory_space<semaphore_mem>> -> memref<1x!tpu.dma_semaphore, #tpu.memory_space<semaphore_mem>>
    %dma_wait3A_163 = tpu.memref_squeeze %dma_wait3A_162 : memref<1x!tpu.dma_semaphore, #tpu.memory_space<semaphore_mem>> -> memref<!tpu.dma_semaphore, #tpu.memory_space<semaphore_mem>>
    %dma_wait3A_164 = arith.constant 0 : i32
    %dma_wait3A_165 = tpu.memref_slice %arg4[%add3A_153, %dma_wait3A_164] : memref<100000x64xf32, #tpu.memory_space<hbm>> -> memref<184x64xf32, #tpu.memory_space<hbm>>
    %dma_wait3A_166 = arith.constant 0 : i32
    %dma_wait3A_167 = arith.constant 0 : i32
    %dma_wait3A_168 = tpu.memref_slice %arg6[%dma_wait3A_154, %dma_wait3A_166, %dma_wait3A_167] : memref<4x184x64xf32, #tpu.memory_space<vmem>> -> memref<1x184x64xf32, #tpu.memory_space<vmem>>
    %dma_wait3A_169 = tpu.memref_squeeze %dma_wait3A_168 : memref<1x184x64xf32, #tpu.memory_space<vmem>> -> memref<184x64xf32, #tpu.memory_space<vmem>>
    tpu.wait_dma2 semaphore(%dma_wait3A_163 : memref<!tpu.dma_semaphore, #tpu.memory_space<semaphore_mem>>) src(%dma_wait3A_169 : memref<184x64xf32, #tpu.memory_space<vmem>>) dst(%dma_wait3A_165 : memref<184x64xf32, #tpu.memory_space<hbm>>)
    %dma_start3A_170 = arith.constant 0 : i32
    %dma_start3A_171 = arith.constant 0 : i32
    %dma_start3A_172 = arith.constant 0 : i32
    %dma_start3A_173 = arith.constant 0 : i32
    %dma_start3A_174 = tpu.memref_slice %arg6[%dma_start3A_170, %dma_start3A_172, %dma_start3A_173] : memref<4x184x64xf32, #tpu.memory_space<vmem>> -> memref<1x184x64xf32, #tpu.memory_space<vmem>>
    %dma_start3A_175 = tpu.memref_squeeze %dma_start3A_174 : memref<1x184x64xf32, #tpu.memory_space<vmem>> -> memref<184x64xf32, #tpu.memory_space<vmem>>
    %dma_start3A_176 = arith.constant 0 : i32
    %dma_start3A_177 = tpu.memref_slice %arg2[%add3A_151, %dma_start3A_176] : memref<100000x64xf32, #tpu.memory_space<hbm>> -> memref<184x64xf32, #tpu.memory_space<hbm>>
    %dma_start3A_178 = tpu.memref_slice %arg8[%dma_start3A_171] : memref<4x!tpu.dma_semaphore, #tpu.memory_space<semaphore_mem>> -> memref<1x!tpu.dma_semaphore, #tpu.memory_space<semaphore_mem>>
    %dma_start3A_179 = tpu.memref_squeeze %dma_start3A_178 : memref<1x!tpu.dma_semaphore, #tpu.memory_space<semaphore_mem>> -> memref<!tpu.dma_semaphore, #tpu.memory_space<semaphore_mem>>
    %dma_start3A_180 = arith.constant 0 : i32
    %dma_start3A_181 = arith.constant 0 : i32
    %dma_start3A_182 = tpu.memref_slice %arg6[%dma_start3A_170, %dma_start3A_180, %dma_start3A_181] : memref<4x184x64xf32, #tpu.memory_space<vmem>> -> memref<1x184x64xf32, #tpu.memory_space<vmem>>
    %dma_start3A_183 = tpu.memref_squeeze %dma_start3A_182 : memref<1x184x64xf32, #tpu.memory_space<vmem>> -> memref<184x64xf32, #tpu.memory_space<vmem>>
    %dma_start3A_184 = arith.constant 0 : i32
    %dma_start3A_185 = tpu.memref_slice %arg2[%add3A_151, %dma_start3A_184] : memref<100000x64xf32, #tpu.memory_space<hbm>> -> memref<184x64xf32, #tpu.memory_space<hbm>>
    tpu.enqueue_dma source(%dma_start3A_185 : memref<184x64xf32, #tpu.memory_space<hbm>>) target(%dma_start3A_183 : memref<184x64xf32, #tpu.memory_space<vmem>>) target_semaphore(%dma_start3A_179 : memref<!tpu.dma_semaphore, #tpu.memory_space<semaphore_mem>>)
    %add3A_186 = arith.constant 368 : i32
    %add3A_187 = arith.addi %min3A_3, %add3A_186 : i32
    %dma_wait3A_188 = arith.constant 2 : i32
    %dma_wait3A_189 = arith.constant 2 : i32
    %dma_wait3A_190 = arith.constant 0 : i32
    %dma_wait3A_191 = arith.constant 0 : i32
    %dma_wait3A_192 = tpu.memref_slice %arg6[%dma_wait3A_188, %dma_wait3A_190, %dma_wait3A_191] : memref<4x184x64xf32, #tpu.memory_space<vmem>> -> memref<1x184x64xf32, #tpu.memory_space<vmem>>
    %dma_wait3A_193 = tpu.memref_squeeze %dma_wait3A_192 : memref<1x184x64xf32, #tpu.memory_space<vmem>> -> memref<184x64xf32, #tpu.memory_space<vmem>>
    %dma_wait3A_194 = arith.constant 0 : i32
    %dma_wait3A_195 = tpu.memref_slice %arg2[%add3A_187, %dma_wait3A_194] : memref<100000x64xf32, #tpu.memory_space<hbm>> -> memref<184x64xf32, #tpu.memory_space<hbm>>
    %dma_wait3A_196 = tpu.memref_slice %arg8[%dma_wait3A_189] : memref<4x!tpu.dma_semaphore, #tpu.memory_space<semaphore_mem>> -> memref<1x!tpu.dma_semaphore, #tpu.memory_space<semaphore_mem>>
    %dma_wait3A_197 = tpu.memref_squeeze %dma_wait3A_196 : memref<1x!tpu.dma_semaphore, #tpu.memory_space<semaphore_mem>> -> memref<!tpu.dma_semaphore, #tpu.memory_space<semaphore_mem>>
    %dma_wait3A_198 = arith.constant 0 : i32
    %dma_wait3A_199 = arith.constant 0 : i32
    %dma_wait3A_200 = tpu.memref_slice %arg6[%dma_wait3A_188, %dma_wait3A_198, %dma_wait3A_199] : memref<4x184x64xf32, #tpu.memory_space<vmem>> -> memref<1x184x64xf32, #tpu.memory_space<vmem>>
    %dma_wait3A_201 = tpu.memref_squeeze %dma_wait3A_200 : memref<1x184x64xf32, #tpu.memory_space<vmem>> -> memref<184x64xf32, #tpu.memory_space<vmem>>
    %dma_wait3A_202 = arith.constant 0 : i32
    %dma_wait3A_203 = tpu.memref_slice %arg2[%add3A_187, %dma_wait3A_202] : memref<100000x64xf32, #tpu.memory_space<hbm>> -> memref<184x64xf32, #tpu.memory_space<hbm>>
    tpu.wait_dma2 semaphore(%dma_wait3A_197 : memref<!tpu.dma_semaphore, #tpu.memory_space<semaphore_mem>>) src(%dma_wait3A_203 : memref<184x64xf32, #tpu.memory_space<hbm>>) dst(%dma_wait3A_201 : memref<184x64xf32, #tpu.memory_space<vmem>>)
    %dma_start3A_204 = arith.constant 2 : i32
    %dma_start3A_205 = arith.constant 2 : i32
    %dma_start3A_206 = arith.constant 0 : i32
    %dma_start3A_207 = arith.constant 0 : i32
    %dma_start3A_208 = tpu.memref_slice %arg6[%dma_start3A_204, %dma_start3A_206, %dma_start3A_207] : memref<4x184x64xf32, #tpu.memory_space<vmem>> -> memref<1x184x64xf32, #tpu.memory_space<vmem>>
    %dma_start3A_209 = tpu.memref_squeeze %dma_start3A_208 : memref<1x184x64xf32, #tpu.memory_space<vmem>> -> memref<184x64xf32, #tpu.memory_space<vmem>>
    %dma_start3A_210 = arith.constant 0 : i32
    %dma_start3A_211 = tpu.memref_slice %arg4[%add3A_187, %dma_start3A_210] : memref<100000x64xf32, #tpu.memory_space<hbm>> -> memref<184x64xf32, #tpu.memory_space<hbm>>
    %dma_start3A_212 = tpu.memref_slice %arg9[%dma_start3A_205] : memref<4x!tpu.dma_semaphore, #tpu.memory_space<semaphore_mem>> -> memref<1x!tpu.dma_semaphore, #tpu.memory_space<semaphore_mem>>
    %dma_start3A_213 = tpu.memref_squeeze %dma_start3A_212 : memref<1x!tpu.dma_semaphore, #tpu.memory_space<semaphore_mem>> -> memref<!tpu.dma_semaphore, #tpu.memory_space<semaphore_mem>>
    %dma_start3A_214 = arith.constant 0 : i32
    %dma_start3A_215 = tpu.memref_slice %arg4[%add3A_187, %dma_start3A_214] : memref<100000x64xf32, #tpu.memory_space<hbm>> -> memref<184x64xf32, #tpu.memory_space<hbm>>
    %dma_start3A_216 = arith.constant 0 : i32
    %dma_start3A_217 = arith.constant 0 : i32
    %dma_start3A_218 = tpu.memref_slice %arg6[%dma_start3A_204, %dma_start3A_216, %dma_start3A_217] : memref<4x184x64xf32, #tpu.memory_space<vmem>> -> memref<1x184x64xf32, #tpu.memory_space<vmem>>
    %dma_start3A_219 = tpu.memref_squeeze %dma_start3A_218 : memref<1x184x64xf32, #tpu.memory_space<vmem>> -> memref<184x64xf32, #tpu.memory_space<vmem>>
    tpu.enqueue_dma source(%dma_start3A_219 : memref<184x64xf32, #tpu.memory_space<vmem>>) target(%dma_start3A_215 : memref<184x64xf32, #tpu.memory_space<hbm>>) target_semaphore(%dma_start3A_213 : memref<!tpu.dma_semaphore, #tpu.memory_space<semaphore_mem>>)
    %add3A_220 = arith.constant 920 : i32
    %add3A_221 = arith.addi %min3A_3, %add3A_220 : i32
    %add3A_222 = arith.constant 184 : i32
    %add3A_223 = arith.addi %min3A_3, %add3A_222 : i32
    %dma_wait3A_224 = arith.constant 1 : i32
    %dma_wait3A_225 = arith.constant 1 : i32
    %dma_wait3A_226 = arith.constant 0 : i32
    %dma_wait3A_227 = arith.constant 0 : i32
    %dma_wait3A_228 = tpu.memref_slice %arg6[%dma_wait3A_224, %dma_wait3A_226, %dma_wait3A_227] : memref<4x184x64xf32, #tpu.memory_space<vmem>> -> memref<1x184x64xf32, #tpu.memory_space<vmem>>
    %dma_wait3A_229 = tpu.memref_squeeze %dma_wait3A_228 : memref<1x184x64xf32, #tpu.memory_space<vmem>> -> memref<184x64xf32, #tpu.memory_space<vmem>>
    %dma_wait3A_230 = arith.constant 0 : i32
    %dma_wait3A_231 = tpu.memref_slice %arg4[%add3A_223, %dma_wait3A_230] : memref<100000x64xf32, #tpu.memory_space<hbm>> -> memref<184x64xf32, #tpu.memory_space<hbm>>
    %dma_wait3A_232 = tpu.memref_slice %arg9[%dma_wait3A_225] : memref<4x!tpu.dma_semaphore, #tpu.memory_space<semaphore_mem>> -> memref<1x!tpu.dma_semaphore, #tpu.memory_space<semaphore_mem>>
    %dma_wait3A_233 = tpu.memref_squeeze %dma_wait3A_232 : memref<1x!tpu.dma_semaphore, #tpu.memory_space<semaphore_mem>> -> memref<!tpu.dma_semaphore, #tpu.memory_space<semaphore_mem>>
    %dma_wait3A_234 = arith.constant 0 : i32
    %dma_wait3A_235 = tpu.memref_slice %arg4[%add3A_223, %dma_wait3A_234] : memref<100000x64xf32, #tpu.memory_space<hbm>> -> memref<184x64xf32, #tpu.memory_space<hbm>>
    %dma_wait3A_236 = arith.constant 0 : i32
    %dma_wait3A_237 = arith.constant 0 : i32
    %dma_wait3A_238 = tpu.memref_slice %arg6[%dma_wait3A_224, %dma_wait3A_236, %dma_wait3A_237] : memref<4x184x64xf32, #tpu.memory_space<vmem>> -> memref<1x184x64xf32, #tpu.memory_space<vmem>>
    %dma_wait3A_239 = tpu.memref_squeeze %dma_wait3A_238 : memref<1x184x64xf32, #tpu.memory_space<vmem>> -> memref<184x64xf32, #tpu.memory_space<vmem>>
    tpu.wait_dma2 semaphore(%dma_wait3A_233 : memref<!tpu.dma_semaphore, #tpu.memory_space<semaphore_mem>>) src(%dma_wait3A_239 : memref<184x64xf32, #tpu.memory_space<vmem>>) dst(%dma_wait3A_235 : memref<184x64xf32, #tpu.memory_space<hbm>>)
    %dma_start3A_240 = arith.constant 1 : i32
    %dma_start3A_241 = arith.constant 1 : i32
    %dma_start3A_242 = arith.constant 0 : i32
    %dma_start3A_243 = arith.constant 0 : i32
    %dma_start3A_244 = tpu.memref_slice %arg6[%dma_start3A_240, %dma_start3A_242, %dma_start3A_243] : memref<4x184x64xf32, #tpu.memory_space<vmem>> -> memref<1x184x64xf32, #tpu.memory_space<vmem>>
    %dma_start3A_245 = tpu.memref_squeeze %dma_start3A_244 : memref<1x184x64xf32, #tpu.memory_space<vmem>> -> memref<184x64xf32, #tpu.memory_space<vmem>>
    %dma_start3A_246 = arith.constant 0 : i32
    %dma_start3A_247 = tpu.memref_slice %arg2[%add3A_221, %dma_start3A_246] : memref<100000x64xf32, #tpu.memory_space<hbm>> -> memref<184x64xf32, #tpu.memory_space<hbm>>
    %dma_start3A_248 = tpu.memref_slice %arg8[%dma_start3A_241] : memref<4x!tpu.dma_semaphore, #tpu.memory_space<semaphore_mem>> -> memref<1x!tpu.dma_semaphore, #tpu.memory_space<semaphore_mem>>
    %dma_start3A_249 = tpu.memref_squeeze %dma_start3A_248 : memref<1x!tpu.dma_semaphore, #tpu.memory_space<semaphore_mem>> -> memref<!tpu.dma_semaphore, #tpu.memory_space<semaphore_mem>>
    %dma_start3A_250 = arith.constant 0 : i32
    %dma_start3A_251 = arith.constant 0 : i32
    %dma_start3A_252 = tpu.memref_slice %arg6[%dma_start3A_240, %dma_start3A_250, %dma_start3A_251] : memref<4x184x64xf32, #tpu.memory_space<vmem>> -> memref<1x184x64xf32, #tpu.memory_space<vmem>>
    %dma_start3A_253 = tpu.memref_squeeze %dma_start3A_252 : memref<1x184x64xf32, #tpu.memory_space<vmem>> -> memref<184x64xf32, #tpu.memory_space<vmem>>
    %dma_start3A_254 = arith.constant 0 : i32
    %dma_start3A_255 = tpu.memref_slice %arg2[%add3A_221, %dma_start3A_254] : memref<100000x64xf32, #tpu.memory_space<hbm>> -> memref<184x64xf32, #tpu.memory_space<hbm>>
    tpu.enqueue_dma source(%dma_start3A_255 : memref<184x64xf32, #tpu.memory_space<hbm>>) target(%dma_start3A_253 : memref<184x64xf32, #tpu.memory_space<vmem>>) target_semaphore(%dma_start3A_249 : memref<!tpu.dma_semaphore, #tpu.memory_space<semaphore_mem>>)
    %add3A_256 = arith.constant 552 : i32
    %add3A_257 = arith.addi %min3A_3, %add3A_256 : i32
    %dma_wait3A_258 = arith.constant 3 : i32
    %dma_wait3A_259 = arith.constant 3 : i32
    %dma_wait3A_260 = arith.constant 0 : i32
    %dma_wait3A_261 = arith.constant 0 : i32
    %dma_wait3A_262 = tpu.memref_slice %arg6[%dma_wait3A_258, %dma_wait3A_260, %dma_wait3A_261] : memref<4x184x64xf32, #tpu.memory_space<vmem>> -> memref<1x184x64xf32, #tpu.memory_space<vmem>>
    %dma_wait3A_263 = tpu.memref_squeeze %dma_wait3A_262 : memref<1x184x64xf32, #tpu.memory_space<vmem>> -> memref<184x64xf32, #tpu.memory_space<vmem>>
    %dma_wait3A_264 = arith.constant 0 : i32
    %dma_wait3A_265 = tpu.memref_slice %arg2[%add3A_257, %dma_wait3A_264] : memref<100000x64xf32, #tpu.memory_space<hbm>> -> memref<184x64xf32, #tpu.memory_space<hbm>>
    %dma_wait3A_266 = tpu.memref_slice %arg8[%dma_wait3A_259] : memref<4x!tpu.dma_semaphore, #tpu.memory_space<semaphore_mem>> -> memref<1x!tpu.dma_semaphore, #tpu.memory_space<semaphore_mem>>
    %dma_wait3A_267 = tpu.memref_squeeze %dma_wait3A_266 : memref<1x!tpu.dma_semaphore, #tpu.memory_space<semaphore_mem>> -> memref<!tpu.dma_semaphore, #tpu.memory_space<semaphore_mem>>
    %dma_wait3A_268 = arith.constant 0 : i32
    %dma_wait3A_269 = arith.constant 0 : i32
    %dma_wait3A_270 = tpu.memref_slice %arg6[%dma_wait3A_258, %dma_wait3A_268, %dma_wait3A_269] : memref<4x184x64xf32, #tpu.memory_space<vmem>> -> memref<1x184x64xf32, #tpu.memory_space<vmem>>
    %dma_wait3A_271 = tpu.memref_squeeze %dma_wait3A_270 : memref<1x184x64xf32, #tpu.memory_space<vmem>> -> memref<184x64xf32, #tpu.memory_space<vmem>>
    %dma_wait3A_272 = arith.constant 0 : i32
    %dma_wait3A_273 = tpu.memref_slice %arg2[%add3A_257, %dma_wait3A_272] : memref<100000x64xf32, #tpu.memory_space<hbm>> -> memref<184x64xf32, #tpu.memory_space<hbm>>
    tpu.wait_dma2 semaphore(%dma_wait3A_267 : memref<!tpu.dma_semaphore, #tpu.memory_space<semaphore_mem>>) src(%dma_wait3A_273 : memref<184x64xf32, #tpu.memory_space<hbm>>) dst(%dma_wait3A_271 : memref<184x64xf32, #tpu.memory_space<vmem>>)
    %dma_start3A_274 = arith.constant 3 : i32
    %dma_start3A_275 = arith.constant 3 : i32
    %dma_start3A_276 = arith.constant 0 : i32
    %dma_start3A_277 = arith.constant 0 : i32
    %dma_start3A_278 = tpu.memref_slice %arg6[%dma_start3A_274, %dma_start3A_276, %dma_start3A_277] : memref<4x184x64xf32, #tpu.memory_space<vmem>> -> memref<1x184x64xf32, #tpu.memory_space<vmem>>
    %dma_start3A_279 = tpu.memref_squeeze %dma_start3A_278 : memref<1x184x64xf32, #tpu.memory_space<vmem>> -> memref<184x64xf32, #tpu.memory_space<vmem>>
    %dma_start3A_280 = arith.constant 0 : i32
    %dma_start3A_281 = tpu.memref_slice %arg4[%add3A_257, %dma_start3A_280] : memref<100000x64xf32, #tpu.memory_space<hbm>> -> memref<184x64xf32, #tpu.memory_space<hbm>>
    %dma_start3A_282 = tpu.memref_slice %arg9[%dma_start3A_275] : memref<4x!tpu.dma_semaphore, #tpu.memory_space<semaphore_mem>> -> memref<1x!tpu.dma_semaphore, #tpu.memory_space<semaphore_mem>>
    %dma_start3A_283 = tpu.memref_squeeze %dma_start3A_282 : memref<1x!tpu.dma_semaphore, #tpu.memory_space<semaphore_mem>> -> memref<!tpu.dma_semaphore, #tpu.memory_space<semaphore_mem>>
    %dma_start3A_284 = arith.constant 0 : i32
    %dma_start3A_285 = tpu.memref_slice %arg4[%add3A_257, %dma_start3A_284] : memref<100000x64xf32, #tpu.memory_space<hbm>> -> memref<184x64xf32, #tpu.memory_space<hbm>>
    %dma_start3A_286 = arith.constant 0 : i32
    %dma_start3A_287 = arith.constant 0 : i32
    %dma_start3A_288 = tpu.memref_slice %arg6[%dma_start3A_274, %dma_start3A_286, %dma_start3A_287] : memref<4x184x64xf32, #tpu.memory_space<vmem>> -> memref<1x184x64xf32, #tpu.memory_space<vmem>>
    %dma_start3A_289 = tpu.memref_squeeze %dma_start3A_288 : memref<1x184x64xf32, #tpu.memory_space<vmem>> -> memref<184x64xf32, #tpu.memory_space<vmem>>
    tpu.enqueue_dma source(%dma_start3A_289 : memref<184x64xf32, #tpu.memory_space<vmem>>) target(%dma_start3A_285 : memref<184x64xf32, #tpu.memory_space<hbm>>) target_semaphore(%dma_start3A_283 : memref<!tpu.dma_semaphore, #tpu.memory_space<semaphore_mem>>)
    %add3A_290 = arith.constant 1104 : i32
    %add3A_291 = arith.addi %min3A_3, %add3A_290 : i32
    %add3A_292 = arith.constant 368 : i32
    %add3A_293 = arith.addi %min3A_3, %add3A_292 : i32
    %dma_wait3A_294 = arith.constant 2 : i32
    %dma_wait3A_295 = arith.constant 2 : i32
    %dma_wait3A_296 = arith.constant 0 : i32
    %dma_wait3A_297 = arith.constant 0 : i32
    %dma_wait3A_298 = tpu.memref_slice %arg6[%dma_wait3A_294, %dma_wait3A_296, %dma_wait3A_297] : memref<4x184x64xf32, #tpu.memory_space<vmem>> -> memref<1x184x64xf32, #tpu.memory_space<vmem>>
    %dma_wait3A_299 = tpu.memref_squeeze %dma_wait3A_298 : memref<1x184x64xf32, #tpu.memory_space<vmem>> -> memref<184x64xf32, #tpu.memory_space<vmem>>
    %dma_wait3A_300 = arith.constant 0 : i32
    %dma_wait3A_301 = tpu.memref_slice %arg4[%add3A_293, %dma_wait3A_300] : memref<100000x64xf32, #tpu.memory_space<hbm>> -> memref<184x64xf32, #tpu.memory_space<hbm>>
    %dma_wait3A_302 = tpu.memref_slice %arg9[%dma_wait3A_295] : memref<4x!tpu.dma_semaphore, #tpu.memory_space<semaphore_mem>> -> memref<1x!tpu.dma_semaphore, #tpu.memory_space<semaphore_mem>>
    %dma_wait3A_303 = tpu.memref_squeeze %dma_wait3A_302 : memref<1x!tpu.dma_semaphore, #tpu.memory_space<semaphore_mem>> -> memref<!tpu.dma_semaphore, #tpu.memory_space<semaphore_mem>>
    %dma_wait3A_304 = arith.constant 0 : i32
    %dma_wait3A_305 = tpu.memref_slice %arg4[%add3A_293, %dma_wait3A_304] : memref<100000x64xf32, #tpu.memory_space<hbm>> -> memref<184x64xf32, #tpu.memory_space<hbm>>
    %dma_wait3A_306 = arith.constant 0 : i32
    %dma_wait3A_307 = arith.constant 0 : i32
    %dma_wait3A_308 = tpu.memref_slice %arg6[%dma_wait3A_294, %dma_wait3A_306, %dma_wait3A_307] : memref<4x184x64xf32, #tpu.memory_space<vmem>> -> memref<1x184x64xf32, #tpu.memory_space<vmem>>
    %dma_wait3A_309 = tpu.memref_squeeze %dma_wait3A_308 : memref<1x184x64xf32, #tpu.memory_space<vmem>> -> memref<184x64xf32, #tpu.memory_space<vmem>>
    tpu.wait_dma2 semaphore(%dma_wait3A_303 : memref<!tpu.dma_semaphore, #tpu.memory_space<semaphore_mem>>) src(%dma_wait3A_309 : memref<184x64xf32, #tpu.memory_space<vmem>>) dst(%dma_wait3A_305 : memref<184x64xf32, #tpu.memory_space<hbm>>)
    %dma_start3A_310 = arith.constant 2 : i32
    %dma_start3A_311 = arith.constant 2 : i32
    %dma_start3A_312 = arith.constant 0 : i32
    %dma_start3A_313 = arith.constant 0 : i32
    %dma_start3A_314 = tpu.memref_slice %arg6[%dma_start3A_310, %dma_start3A_312, %dma_start3A_313] : memref<4x184x64xf32, #tpu.memory_space<vmem>> -> memref<1x184x64xf32, #tpu.memory_space<vmem>>
    %dma_start3A_315 = tpu.memref_squeeze %dma_start3A_314 : memref<1x184x64xf32, #tpu.memory_space<vmem>> -> memref<184x64xf32, #tpu.memory_space<vmem>>
    %dma_start3A_316 = arith.constant 0 : i32
    %dma_start3A_317 = tpu.memref_slice %arg2[%add3A_291, %dma_start3A_316] : memref<100000x64xf32, #tpu.memory_space<hbm>> -> memref<184x64xf32, #tpu.memory_space<hbm>>
    %dma_start3A_318 = tpu.memref_slice %arg8[%dma_start3A_311] : memref<4x!tpu.dma_semaphore, #tpu.memory_space<semaphore_mem>> -> memref<1x!tpu.dma_semaphore, #tpu.memory_space<semaphore_mem>>
    %dma_start3A_319 = tpu.memref_squeeze %dma_start3A_318 : memref<1x!tpu.dma_semaphore, #tpu.memory_space<semaphore_mem>> -> memref<!tpu.dma_semaphore, #tpu.memory_space<semaphore_mem>>
    %dma_start3A_320 = arith.constant 0 : i32
    %dma_start3A_321 = arith.constant 0 : i32
    %dma_start3A_322 = tpu.memref_slice %arg6[%dma_start3A_310, %dma_start3A_320, %dma_start3A_321] : memref<4x184x64xf32, #tpu.memory_space<vmem>> -> memref<1x184x64xf32, #tpu.memory_space<vmem>>
    %dma_start3A_323 = tpu.memref_squeeze %dma_start3A_322 : memref<1x184x64xf32, #tpu.memory_space<vmem>> -> memref<184x64xf32, #tpu.memory_space<vmem>>
    %dma_start3A_324 = arith.constant 0 : i32
    %dma_start3A_325 = tpu.memref_slice %arg2[%add3A_291, %dma_start3A_324] : memref<100000x64xf32, #tpu.memory_space<hbm>> -> memref<184x64xf32, #tpu.memory_space<hbm>>
    tpu.enqueue_dma source(%dma_start3A_325 : memref<184x64xf32, #tpu.memory_space<hbm>>) target(%dma_start3A_323 : memref<184x64xf32, #tpu.memory_space<vmem>>) target_semaphore(%dma_start3A_319 : memref<!tpu.dma_semaphore, #tpu.memory_space<semaphore_mem>>)
    %add3A_326 = arith.constant 736 : i32
    %add3A_327 = arith.addi %min3A_3, %add3A_326 : i32
    %dma_wait3A_328 = arith.constant 0 : i32
    %dma_wait3A_329 = arith.constant 0 : i32
    %dma_wait3A_330 = arith.constant 0 : i32
    %dma_wait3A_331 = arith.constant 0 : i32
    %dma_wait3A_332 = tpu.memref_slice %arg6[%dma_wait3A_328, %dma_wait3A_330, %dma_wait3A_331] : memref<4x184x64xf32, #tpu.memory_space<vmem>> -> memref<1x184x64xf32, #tpu.memory_space<vmem>>
    %dma_wait3A_333 = tpu.memref_squeeze %dma_wait3A_332 : memref<1x184x64xf32, #tpu.memory_space<vmem>> -> memref<184x64xf32, #tpu.memory_space<vmem>>
    %dma_wait3A_334 = arith.constant 0 : i32
    %dma_wait3A_335 = tpu.memref_slice %arg2[%add3A_327, %dma_wait3A_334] : memref<100000x64xf32, #tpu.memory_space<hbm>> -> memref<184x64xf32, #tpu.memory_space<hbm>>
    %dma_wait3A_336 = tpu.memref_slice %arg8[%dma_wait3A_329] : memref<4x!tpu.dma_semaphore, #tpu.memory_space<semaphore_mem>> -> memref<1x!tpu.dma_semaphore, #tpu.memory_space<semaphore_mem>>
    %dma_wait3A_337 = tpu.memref_squeeze %dma_wait3A_336 : memref<1x!tpu.dma_semaphore, #tpu.memory_space<semaphore_mem>> -> memref<!tpu.dma_semaphore, #tpu.memory_space<semaphore_mem>>
    %dma_wait3A_338 = arith.constant 0 : i32
    %dma_wait3A_339 = arith.constant 0 : i32
    %dma_wait3A_340 = tpu.memref_slice %arg6[%dma_wait3A_328, %dma_wait3A_338, %dma_wait3A_339] : memref<4x184x64xf32, #tpu.memory_space<vmem>> -> memref<1x184x64xf32, #tpu.memory_space<vmem>>
    %dma_wait3A_341 = tpu.memref_squeeze %dma_wait3A_340 : memref<1x184x64xf32, #tpu.memory_space<vmem>> -> memref<184x64xf32, #tpu.memory_space<vmem>>
    %dma_wait3A_342 = arith.constant 0 : i32
    %dma_wait3A_343 = tpu.memref_slice %arg2[%add3A_327, %dma_wait3A_342] : memref<100000x64xf32, #tpu.memory_space<hbm>> -> memref<184x64xf32, #tpu.memory_space<hbm>>
    tpu.wait_dma2 semaphore(%dma_wait3A_337 : memref<!tpu.dma_semaphore, #tpu.memory_space<semaphore_mem>>) src(%dma_wait3A_343 : memref<184x64xf32, #tpu.memory_space<hbm>>) dst(%dma_wait3A_341 : memref<184x64xf32, #tpu.memory_space<vmem>>)
    %dma_start3A_344 = arith.constant 0 : i32
    %dma_start3A_345 = arith.constant 0 : i32
    %dma_start3A_346 = arith.constant 0 : i32
    %dma_start3A_347 = arith.constant 0 : i32
    %dma_start3A_348 = tpu.memref_slice %arg6[%dma_start3A_344, %dma_start3A_346, %dma_start3A_347] : memref<4x184x64xf32, #tpu.memory_space<vmem>> -> memref<1x184x64xf32, #tpu.memory_space<vmem>>
    %dma_start3A_349 = tpu.memref_squeeze %dma_start3A_348 : memref<1x184x64xf32, #tpu.memory_space<vmem>> -> memref<184x64xf32, #tpu.memory_space<vmem>>
    %dma_start3A_350 = arith.constant 0 : i32
    %dma_start3A_351 = tpu.memref_slice %arg4[%add3A_327, %dma_start3A_350] : memref<100000x64xf32, #tpu.memory_space<hbm>> -> memref<184x64xf32, #tpu.memory_space<hbm>>
    %dma_start3A_352 = tpu.memref_slice %arg9[%dma_start3A_345] : memref<4x!tpu.dma_semaphore, #tpu.memory_space<semaphore_mem>> -> memref<1x!tpu.dma_semaphore, #tpu.memory_space<semaphore_mem>>
    %dma_start3A_353 = tpu.memref_squeeze %dma_start3A_352 : memref<1x!tpu.dma_semaphore, #tpu.memory_space<semaphore_mem>> -> memref<!tpu.dma_semaphore, #tpu.memory_space<semaphore_mem>>
    %dma_start3A_354 = arith.constant 0 : i32
    %dma_start3A_355 = tpu.memref_slice %arg4[%add3A_327, %dma_start3A_354] : memref<100000x64xf32, #tpu.memory_space<hbm>> -> memref<184x64xf32, #tpu.memory_space<hbm>>
    %dma_start3A_356 = arith.constant 0 : i32
    %dma_start3A_357 = arith.constant 0 : i32
    %dma_start3A_358 = tpu.memref_slice %arg6[%dma_start3A_344, %dma_start3A_356, %dma_start3A_357] : memref<4x184x64xf32, #tpu.memory_space<vmem>> -> memref<1x184x64xf32, #tpu.memory_space<vmem>>
    %dma_start3A_359 = tpu.memref_squeeze %dma_start3A_358 : memref<1x184x64xf32, #tpu.memory_space<vmem>> -> memref<184x64xf32, #tpu.memory_space<vmem>>
    tpu.enqueue_dma source(%dma_start3A_359 : memref<184x64xf32, #tpu.memory_space<vmem>>) target(%dma_start3A_355 : memref<184x64xf32, #tpu.memory_space<hbm>>) target_semaphore(%dma_start3A_353 : memref<!tpu.dma_semaphore, #tpu.memory_space<semaphore_mem>>)
    %add3A_360 = arith.constant 1288 : i32
    %add3A_361 = arith.addi %min3A_3, %add3A_360 : i32
    %add3A_362 = arith.constant 552 : i32
    %add3A_363 = arith.addi %min3A_3, %add3A_362 : i32
    %dma_wait3A_364 = arith.constant 3 : i32
    %dma_wait3A_365 = arith.constant 3 : i32
    %dma_wait3A_366 = arith.constant 0 : i32
    %dma_wait3A_367 = arith.constant 0 : i32
    %dma_wait3A_368 = tpu.memref_slice %arg6[%dma_wait3A_364, %dma_wait3A_366, %dma_wait3A_367] : memref<4x184x64xf32, #tpu.memory_space<vmem>> -> memref<1x184x64xf32, #tpu.memory_space<vmem>>
    %dma_wait3A_369 = tpu.memref_squeeze %dma_wait3A_368 : memref<1x184x64xf32, #tpu.memory_space<vmem>> -> memref<184x64xf32, #tpu.memory_space<vmem>>
    %dma_wait3A_370 = arith.constant 0 : i32
    %dma_wait3A_371 = tpu.memref_slice %arg4[%add3A_363, %dma_wait3A_370] : memref<100000x64xf32, #tpu.memory_space<hbm>> -> memref<184x64xf32, #tpu.memory_space<hbm>>
    %dma_wait3A_372 = tpu.memref_slice %arg9[%dma_wait3A_365] : memref<4x!tpu.dma_semaphore, #tpu.memory_space<semaphore_mem>> -> memref<1x!tpu.dma_semaphore, #tpu.memory_space<semaphore_mem>>
    %dma_wait3A_373 = tpu.memref_squeeze %dma_wait3A_372 : memref<1x!tpu.dma_semaphore, #tpu.memory_space<semaphore_mem>> -> memref<!tpu.dma_semaphore, #tpu.memory_space<semaphore_mem>>
    %dma_wait3A_374 = arith.constant 0 : i32
    %dma_wait3A_375 = tpu.memref_slice %arg4[%add3A_363, %dma_wait3A_374] : memref<100000x64xf32, #tpu.memory_space<hbm>> -> memref<184x64xf32, #tpu.memory_space<hbm>>
    %dma_wait3A_376 = arith.constant 0 : i32
    %dma_wait3A_377 = arith.constant 0 : i32
    %dma_wait3A_378 = tpu.memref_slice %arg6[%dma_wait3A_364, %dma_wait3A_376, %dma_wait3A_377] : memref<4x184x64xf32, #tpu.memory_space<vmem>> -> memref<1x184x64xf32, #tpu.memory_space<vmem>>
    %dma_wait3A_379 = tpu.memref_squeeze %dma_wait3A_378 : memref<1x184x64xf32, #tpu.memory_space<vmem>> -> memref<184x64xf32, #tpu.memory_space<vmem>>
    tpu.wait_dma2 semaphore(%dma_wait3A_373 : memref<!tpu.dma_semaphore, #tpu.memory_space<semaphore_mem>>) src(%dma_wait3A_379 : memref<184x64xf32, #tpu.memory_space<vmem>>) dst(%dma_wait3A_375 : memref<184x64xf32, #tpu.memory_space<hbm>>)
    %dma_start3A_380 = arith.constant 3 : i32
    %dma_start3A_381 = arith.constant 3 : i32
    %dma_start3A_382 = arith.constant 0 : i32
    %dma_start3A_383 = arith.constant 0 : i32
    %dma_start3A_384 = tpu.memref_slice %arg6[%dma_start3A_380, %dma_start3A_382, %dma_start3A_383] : memref<4x184x64xf32, #tpu.memory_space<vmem>> -> memref<1x184x64xf32, #tpu.memory_space<vmem>>
    %dma_start3A_385 = tpu.memref_squeeze %dma_start3A_384 : memref<1x184x64xf32, #tpu.memory_space<vmem>> -> memref<184x64xf32, #tpu.memory_space<vmem>>
    %dma_start3A_386 = arith.constant 0 : i32
    %dma_start3A_387 = tpu.memref_slice %arg2[%add3A_361, %dma_start3A_386] : memref<100000x64xf32, #tpu.memory_space<hbm>> -> memref<184x64xf32, #tpu.memory_space<hbm>>
    %dma_start3A_388 = tpu.memref_slice %arg8[%dma_start3A_381] : memref<4x!tpu.dma_semaphore, #tpu.memory_space<semaphore_mem>> -> memref<1x!tpu.dma_semaphore, #tpu.memory_space<semaphore_mem>>
    %dma_start3A_389 = tpu.memref_squeeze %dma_start3A_388 : memref<1x!tpu.dma_semaphore, #tpu.memory_space<semaphore_mem>> -> memref<!tpu.dma_semaphore, #tpu.memory_space<semaphore_mem>>
    %dma_start3A_390 = arith.constant 0 : i32
    %dma_start3A_391 = arith.constant 0 : i32
    %dma_start3A_392 = tpu.memref_slice %arg6[%dma_start3A_380, %dma_start3A_390, %dma_start3A_391] : memref<4x184x64xf32, #tpu.memory_space<vmem>> -> memref<1x184x64xf32, #tpu.memory_space<vmem>>
    %dma_start3A_393 = tpu.memref_squeeze %dma_start3A_392 : memref<1x184x64xf32, #tpu.memory_space<vmem>> -> memref<184x64xf32, #tpu.memory_space<vmem>>
    %dma_start3A_394 = arith.constant 0 : i32
    %dma_start3A_395 = tpu.memref_slice %arg2[%add3A_361, %dma_start3A_394] : memref<100000x64xf32, #tpu.memory_space<hbm>> -> memref<184x64xf32, #tpu.memory_space<hbm>>
    tpu.enqueue_dma source(%dma_start3A_395 : memref<184x64xf32, #tpu.memory_space<hbm>>) target(%dma_start3A_393 : memref<184x64xf32, #tpu.memory_space<vmem>>) target_semaphore(%dma_start3A_389 : memref<!tpu.dma_semaphore, #tpu.memory_space<semaphore_mem>>)
    %add3A_396 = arith.constant 920 : i32
    %add3A_397 = arith.addi %min3A_3, %add3A_396 : i32
    %dma_wait3A_398 = arith.constant 1 : i32
    %dma_wait3A_399 = arith.constant 1 : i32
    %dma_wait3A_400 = arith.constant 0 : i32
    %dma_wait3A_401 = arith.constant 0 : i32
    %dma_wait3A_402 = tpu.memref_slice %arg6[%dma_wait3A_398, %dma_wait3A_400, %dma_wait3A_401] : memref<4x184x64xf32, #tpu.memory_space<vmem>> -> memref<1x184x64xf32, #tpu.memory_space<vmem>>
    %dma_wait3A_403 = tpu.memref_squeeze %dma_wait3A_402 : memref<1x184x64xf32, #tpu.memory_space<vmem>> -> memref<184x64xf32, #tpu.memory_space<vmem>>
    %dma_wait3A_404 = arith.constant 0 : i32
    %dma_wait3A_405 = tpu.memref_slice %arg2[%add3A_397, %dma_wait3A_404] : memref<100000x64xf32, #tpu.memory_space<hbm>> -> memref<184x64xf32, #tpu.memory_space<hbm>>
    %dma_wait3A_406 = tpu.memref_slice %arg8[%dma_wait3A_399] : memref<4x!tpu.dma_semaphore, #tpu.memory_space<semaphore_mem>> -> memref<1x!tpu.dma_semaphore, #tpu.memory_space<semaphore_mem>>
    %dma_wait3A_407 = tpu.memref_squeeze %dma_wait3A_406 : memref<1x!tpu.dma_semaphore, #tpu.memory_space<semaphore_mem>> -> memref<!tpu.dma_semaphore, #tpu.memory_space<semaphore_mem>>
    %dma_wait3A_408 = arith.constant 0 : i32
    %dma_wait3A_409 = arith.constant 0 : i32
    %dma_wait3A_410 = tpu.memref_slice %arg6[%dma_wait3A_398, %dma_wait3A_408, %dma_wait3A_409] : memref<4x184x64xf32, #tpu.memory_space<vmem>> -> memref<1x184x64xf32, #tpu.memory_space<vmem>>
    %dma_wait3A_411 = tpu.memref_squeeze %dma_wait3A_410 : memref<1x184x64xf32, #tpu.memory_space<vmem>> -> memref<184x64xf32, #tpu.memory_space<vmem>>
    %dma_wait3A_412 = arith.constant 0 : i32
    %dma_wait3A_413 = tpu.memref_slice %arg2[%add3A_397, %dma_wait3A_412] : memref<100000x64xf32, #tpu.memory_space<hbm>> -> memref<184x64xf32, #tpu.memory_space<hbm>>
    tpu.wait_dma2 semaphore(%dma_wait3A_407 : memref<!tpu.dma_semaphore, #tpu.memory_space<semaphore_mem>>) src(%dma_wait3A_413 : memref<184x64xf32, #tpu.memory_space<hbm>>) dst(%dma_wait3A_411 : memref<184x64xf32, #tpu.memory_space<vmem>>)
    %dma_start3A_414 = arith.constant 1 : i32
    %dma_start3A_415 = arith.constant 1 : i32
    %dma_start3A_416 = arith.constant 0 : i32
    %dma_start3A_417 = arith.constant 0 : i32
    %dma_start3A_418 = tpu.memref_slice %arg6[%dma_start3A_414, %dma_start3A_416, %dma_start3A_417] : memref<4x184x64xf32, #tpu.memory_space<vmem>> -> memref<1x184x64xf32, #tpu.memory_space<vmem>>
    %dma_start3A_419 = tpu.memref_squeeze %dma_start3A_418 : memref<1x184x64xf32, #tpu.memory_space<vmem>> -> memref<184x64xf32, #tpu.memory_space<vmem>>
    %dma_start3A_420 = arith.constant 0 : i32
    %dma_start3A_421 = tpu.memref_slice %arg4[%add3A_397, %dma_start3A_420] : memref<100000x64xf32, #tpu.memory_space<hbm>> -> memref<184x64xf32, #tpu.memory_space<hbm>>
    %dma_start3A_422 = tpu.memref_slice %arg9[%dma_start3A_415] : memref<4x!tpu.dma_semaphore, #tpu.memory_space<semaphore_mem>> -> memref<1x!tpu.dma_semaphore, #tpu.memory_space<semaphore_mem>>
    %dma_start3A_423 = tpu.memref_squeeze %dma_start3A_422 : memref<1x!tpu.dma_semaphore, #tpu.memory_space<semaphore_mem>> -> memref<!tpu.dma_semaphore, #tpu.memory_space<semaphore_mem>>
    %dma_start3A_424 = arith.constant 0 : i32
    %dma_start3A_425 = tpu.memref_slice %arg4[%add3A_397, %dma_start3A_424] : memref<100000x64xf32, #tpu.memory_space<hbm>> -> memref<184x64xf32, #tpu.memory_space<hbm>>
    %dma_start3A_426 = arith.constant 0 : i32
    %dma_start3A_427 = arith.constant 0 : i32
    %dma_start3A_428 = tpu.memref_slice %arg6[%dma_start3A_414, %dma_start3A_426, %dma_start3A_427] : memref<4x184x64xf32, #tpu.memory_space<vmem>> -> memref<1x184x64xf32, #tpu.memory_space<vmem>>
    %dma_start3A_429 = tpu.memref_squeeze %dma_start3A_428 : memref<1x184x64xf32, #tpu.memory_space<vmem>> -> memref<184x64xf32, #tpu.memory_space<vmem>>
    tpu.enqueue_dma source(%dma_start3A_429 : memref<184x64xf32, #tpu.memory_space<vmem>>) target(%dma_start3A_425 : memref<184x64xf32, #tpu.memory_space<hbm>>) target_semaphore(%dma_start3A_423 : memref<!tpu.dma_semaphore, #tpu.memory_space<semaphore_mem>>)
    %add3A_430 = arith.constant 1472 : i32
    %add3A_431 = arith.addi %min3A_3, %add3A_430 : i32
    %add3A_432 = arith.constant 736 : i32
    %add3A_433 = arith.addi %min3A_3, %add3A_432 : i32
    %dma_wait3A_434 = arith.constant 0 : i32
    %dma_wait3A_435 = arith.constant 0 : i32
    %dma_wait3A_436 = arith.constant 0 : i32
    %dma_wait3A_437 = arith.constant 0 : i32
    %dma_wait3A_438 = tpu.memref_slice %arg6[%dma_wait3A_434, %dma_wait3A_436, %dma_wait3A_437] : memref<4x184x64xf32, #tpu.memory_space<vmem>> -> memref<1x184x64xf32, #tpu.memory_space<vmem>>
    %dma_wait3A_439 = tpu.memref_squeeze %dma_wait3A_438 : memref<1x184x64xf32, #tpu.memory_space<vmem>> -> memref<184x64xf32, #tpu.memory_space<vmem>>
    %dma_wait3A_440 = arith.constant 0 : i32
    %dma_wait3A_441 = tpu.memref_slice %arg4[%add3A_433, %dma_wait3A_440] : memref<100000x64xf32, #tpu.memory_space<hbm>> -> memref<184x64xf32, #tpu.memory_space<hbm>>
    %dma_wait3A_442 = tpu.memref_slice %arg9[%dma_wait3A_435] : memref<4x!tpu.dma_semaphore, #tpu.memory_space<semaphore_mem>> -> memref<1x!tpu.dma_semaphore, #tpu.memory_space<semaphore_mem>>
    %dma_wait3A_443 = tpu.memref_squeeze %dma_wait3A_442 : memref<1x!tpu.dma_semaphore, #tpu.memory_space<semaphore_mem>> -> memref<!tpu.dma_semaphore, #tpu.memory_space<semaphore_mem>>
    %dma_wait3A_444 = arith.constant 0 : i32
    %dma_wait3A_445 = tpu.memref_slice %arg4[%add3A_433, %dma_wait3A_444] : memref<100000x64xf32, #tpu.memory_space<hbm>> -> memref<184x64xf32, #tpu.memory_space<hbm>>
    %dma_wait3A_446 = arith.constant 0 : i32
    %dma_wait3A_447 = arith.constant 0 : i32
    %dma_wait3A_448 = tpu.memref_slice %arg6[%dma_wait3A_434, %dma_wait3A_446, %dma_wait3A_447] : memref<4x184x64xf32, #tpu.memory_space<vmem>> -> memref<1x184x64xf32, #tpu.memory_space<vmem>>
    %dma_wait3A_449 = tpu.memref_squeeze %dma_wait3A_448 : memref<1x184x64xf32, #tpu.memory_space<vmem>> -> memref<184x64xf32, #tpu.memory_space<vmem>>
    tpu.wait_dma2 semaphore(%dma_wait3A_443 : memref<!tpu.dma_semaphore, #tpu.memory_space<semaphore_mem>>) src(%dma_wait3A_449 : memref<184x64xf32, #tpu.memory_space<vmem>>) dst(%dma_wait3A_445 : memref<184x64xf32, #tpu.memory_space<hbm>>)
    %dma_start3A_450 = arith.constant 0 : i32
    %dma_start3A_451 = arith.constant 0 : i32
    %dma_start3A_452 = arith.constant 0 : i32
    %dma_start3A_453 = arith.constant 0 : i32
    %dma_start3A_454 = tpu.memref_slice %arg6[%dma_start3A_450, %dma_start3A_452, %dma_start3A_453] : memref<4x184x64xf32, #tpu.memory_space<vmem>> -> memref<1x184x64xf32, #tpu.memory_space<vmem>>
    %dma_start3A_455 = tpu.memref_squeeze %dma_start3A_454 : memref<1x184x64xf32, #tpu.memory_space<vmem>> -> memref<184x64xf32, #tpu.memory_space<vmem>>
    %dma_start3A_456 = arith.constant 0 : i32
    %dma_start3A_457 = tpu.memref_slice %arg2[%add3A_431, %dma_start3A_456] : memref<100000x64xf32, #tpu.memory_space<hbm>> -> memref<184x64xf32, #tpu.memory_space<hbm>>
    %dma_start3A_458 = tpu.memref_slice %arg8[%dma_start3A_451] : memref<4x!tpu.dma_semaphore, #tpu.memory_space<semaphore_mem>> -> memref<1x!tpu.dma_semaphore, #tpu.memory_space<semaphore_mem>>
    %dma_start3A_459 = tpu.memref_squeeze %dma_start3A_458 : memref<1x!tpu.dma_semaphore, #tpu.memory_space<semaphore_mem>> -> memref<!tpu.dma_semaphore, #tpu.memory_space<semaphore_mem>>
    %dma_start3A_460 = arith.constant 0 : i32
    %dma_start3A_461 = arith.constant 0 : i32
    %dma_start3A_462 = tpu.memref_slice %arg6[%dma_start3A_450, %dma_start3A_460, %dma_start3A_461] : memref<4x184x64xf32, #tpu.memory_space<vmem>> -> memref<1x184x64xf32, #tpu.memory_space<vmem>>
    %dma_start3A_463 = tpu.memref_squeeze %dma_start3A_462 : memref<1x184x64xf32, #tpu.memory_space<vmem>> -> memref<184x64xf32, #tpu.memory_space<vmem>>
    %dma_start3A_464 = arith.constant 0 : i32
    %dma_start3A_465 = tpu.memref_slice %arg2[%add3A_431, %dma_start3A_464] : memref<100000x64xf32, #tpu.memory_space<hbm>> -> memref<184x64xf32, #tpu.memory_space<hbm>>
    tpu.enqueue_dma source(%dma_start3A_465 : memref<184x64xf32, #tpu.memory_space<hbm>>) target(%dma_start3A_463 : memref<184x64xf32, #tpu.memory_space<vmem>>) target_semaphore(%dma_start3A_459 : memref<!tpu.dma_semaphore, #tpu.memory_space<semaphore_mem>>)
    %add3A_466 = arith.constant 1104 : i32
    %add3A_467 = arith.addi %min3A_3, %add3A_466 : i32
    %dma_wait3A_468 = arith.constant 2 : i32
    %dma_wait3A_469 = arith.constant 2 : i32
    %dma_wait3A_470 = arith.constant 0 : i32
    %dma_wait3A_471 = arith.constant 0 : i32
    %dma_wait3A_472 = tpu.memref_slice %arg6[%dma_wait3A_468, %dma_wait3A_470, %dma_wait3A_471] : memref<4x184x64xf32, #tpu.memory_space<vmem>> -> memref<1x184x64xf32, #tpu.memory_space<vmem>>
    %dma_wait3A_473 = tpu.memref_squeeze %dma_wait3A_472 : memref<1x184x64xf32, #tpu.memory_space<vmem>> -> memref<184x64xf32, #tpu.memory_space<vmem>>
    %dma_wait3A_474 = arith.constant 0 : i32
    %dma_wait3A_475 = tpu.memref_slice %arg2[%add3A_467, %dma_wait3A_474] : memref<100000x64xf32, #tpu.memory_space<hbm>> -> memref<184x64xf32, #tpu.memory_space<hbm>>
    %dma_wait3A_476 = tpu.memref_slice %arg8[%dma_wait3A_469] : memref<4x!tpu.dma_semaphore, #tpu.memory_space<semaphore_mem>> -> memref<1x!tpu.dma_semaphore, #tpu.memory_space<semaphore_mem>>
    %dma_wait3A_477 = tpu.memref_squeeze %dma_wait3A_476 : memref<1x!tpu.dma_semaphore, #tpu.memory_space<semaphore_mem>> -> memref<!tpu.dma_semaphore, #tpu.memory_space<semaphore_mem>>
    %dma_wait3A_478 = arith.constant 0 : i32
    %dma_wait3A_479 = arith.constant 0 : i32
    %dma_wait3A_480 = tpu.memref_slice %arg6[%dma_wait3A_468, %dma_wait3A_478, %dma_wait3A_479] : memref<4x184x64xf32, #tpu.memory_space<vmem>> -> memref<1x184x64xf32, #tpu.memory_space<vmem>>
    %dma_wait3A_481 = tpu.memref_squeeze %dma_wait3A_480 : memref<1x184x64xf32, #tpu.memory_space<vmem>> -> memref<184x64xf32, #tpu.memory_space<vmem>>
    %dma_wait3A_482 = arith.constant 0 : i32
    %dma_wait3A_483 = tpu.memref_slice %arg2[%add3A_467, %dma_wait3A_482] : memref<100000x64xf32, #tpu.memory_space<hbm>> -> memref<184x64xf32, #tpu.memory_space<hbm>>
    tpu.wait_dma2 semaphore(%dma_wait3A_477 : memref<!tpu.dma_semaphore, #tpu.memory_space<semaphore_mem>>) src(%dma_wait3A_483 : memref<184x64xf32, #tpu.memory_space<hbm>>) dst(%dma_wait3A_481 : memref<184x64xf32, #tpu.memory_space<vmem>>)
    %dma_start3A_484 = arith.constant 2 : i32
    %dma_start3A_485 = arith.constant 2 : i32
    %dma_start3A_486 = arith.constant 0 : i32
    %dma_start3A_487 = arith.constant 0 : i32
    %dma_start3A_488 = tpu.memref_slice %arg6[%dma_start3A_484, %dma_start3A_486, %dma_start3A_487] : memref<4x184x64xf32, #tpu.memory_space<vmem>> -> memref<1x184x64xf32, #tpu.memory_space<vmem>>
    %dma_start3A_489 = tpu.memref_squeeze %dma_start3A_488 : memref<1x184x64xf32, #tpu.memory_space<vmem>> -> memref<184x64xf32, #tpu.memory_space<vmem>>
    %dma_start3A_490 = arith.constant 0 : i32
    %dma_start3A_491 = tpu.memref_slice %arg4[%add3A_467, %dma_start3A_490] : memref<100000x64xf32, #tpu.memory_space<hbm>> -> memref<184x64xf32, #tpu.memory_space<hbm>>
    %dma_start3A_492 = tpu.memref_slice %arg9[%dma_start3A_485] : memref<4x!tpu.dma_semaphore, #tpu.memory_space<semaphore_mem>> -> memref<1x!tpu.dma_semaphore, #tpu.memory_space<semaphore_mem>>
    %dma_start3A_493 = tpu.memref_squeeze %dma_start3A_492 : memref<1x!tpu.dma_semaphore, #tpu.memory_space<semaphore_mem>> -> memref<!tpu.dma_semaphore, #tpu.memory_space<semaphore_mem>>
    %dma_start3A_494 = arith.constant 0 : i32
    %dma_start3A_495 = tpu.memref_slice %arg4[%add3A_467, %dma_start3A_494] : memref<100000x64xf32, #tpu.memory_space<hbm>> -> memref<184x64xf32, #tpu.memory_space<hbm>>
    %dma_start3A_496 = arith.constant 0 : i32
    %dma_start3A_497 = arith.constant 0 : i32
    %dma_start3A_498 = tpu.memref_slice %arg6[%dma_start3A_484, %dma_start3A_496, %dma_start3A_497] : memref<4x184x64xf32, #tpu.memory_space<vmem>> -> memref<1x184x64xf32, #tpu.memory_space<vmem>>
    %dma_start3A_499 = tpu.memref_squeeze %dma_start3A_498 : memref<1x184x64xf32, #tpu.memory_space<vmem>> -> memref<184x64xf32, #tpu.memory_space<vmem>>
    tpu.enqueue_dma source(%dma_start3A_499 : memref<184x64xf32, #tpu.memory_space<vmem>>) target(%dma_start3A_495 : memref<184x64xf32, #tpu.memory_space<hbm>>) target_semaphore(%dma_start3A_493 : memref<!tpu.dma_semaphore, #tpu.memory_space<semaphore_mem>>)
    %add3A_500 = arith.constant 1656 : i32
    %add3A_501 = arith.addi %min3A_3, %add3A_500 : i32
    %add3A_502 = arith.constant 920 : i32
    %add3A_503 = arith.addi %min3A_3, %add3A_502 : i32
    %dma_wait3A_504 = arith.constant 1 : i32
    %dma_wait3A_505 = arith.constant 1 : i32
    %dma_wait3A_506 = arith.constant 0 : i32
    %dma_wait3A_507 = arith.constant 0 : i32
    %dma_wait3A_508 = tpu.memref_slice %arg6[%dma_wait3A_504, %dma_wait3A_506, %dma_wait3A_507] : memref<4x184x64xf32, #tpu.memory_space<vmem>> -> memref<1x184x64xf32, #tpu.memory_space<vmem>>
    %dma_wait3A_509 = tpu.memref_squeeze %dma_wait3A_508 : memref<1x184x64xf32, #tpu.memory_space<vmem>> -> memref<184x64xf32, #tpu.memory_space<vmem>>
    %dma_wait3A_510 = arith.constant 0 : i32
    %dma_wait3A_511 = tpu.memref_slice %arg4[%add3A_503, %dma_wait3A_510] : memref<100000x64xf32, #tpu.memory_space<hbm>> -> memref<184x64xf32, #tpu.memory_space<hbm>>
    %dma_wait3A_512 = tpu.memref_slice %arg9[%dma_wait3A_505] : memref<4x!tpu.dma_semaphore, #tpu.memory_space<semaphore_mem>> -> memref<1x!tpu.dma_semaphore, #tpu.memory_space<semaphore_mem>>
    %dma_wait3A_513 = tpu.memref_squeeze %dma_wait3A_512 : memref<1x!tpu.dma_semaphore, #tpu.memory_space<semaphore_mem>> -> memref<!tpu.dma_semaphore, #tpu.memory_space<semaphore_mem>>
    %dma_wait3A_514 = arith.constant 0 : i32
    %dma_wait3A_515 = tpu.memref_slice %arg4[%add3A_503, %dma_wait3A_514] : memref<100000x64xf32, #tpu.memory_space<hbm>> -> memref<184x64xf32, #tpu.memory_space<hbm>>
    %dma_wait3A_516 = arith.constant 0 : i32
    %dma_wait3A_517 = arith.constant 0 : i32
    %dma_wait3A_518 = tpu.memref_slice %arg6[%dma_wait3A_504, %dma_wait3A_516, %dma_wait3A_517] : memref<4x184x64xf32, #tpu.memory_space<vmem>> -> memref<1x184x64xf32, #tpu.memory_space<vmem>>
    %dma_wait3A_519 = tpu.memref_squeeze %dma_wait3A_518 : memref<1x184x64xf32, #tpu.memory_space<vmem>> -> memref<184x64xf32, #tpu.memory_space<vmem>>
    tpu.wait_dma2 semaphore(%dma_wait3A_513 : memref<!tpu.dma_semaphore, #tpu.memory_space<semaphore_mem>>) src(%dma_wait3A_519 : memref<184x64xf32, #tpu.memory_space<vmem>>) dst(%dma_wait3A_515 : memref<184x64xf32, #tpu.memory_space<hbm>>)
    %dma_start3A_520 = arith.constant 1 : i32
    %dma_start3A_521 = arith.constant 1 : i32
    %dma_start3A_522 = arith.constant 0 : i32
    %dma_start3A_523 = arith.constant 0 : i32
    %dma_start3A_524 = tpu.memref_slice %arg6[%dma_start3A_520, %dma_start3A_522, %dma_start3A_523] : memref<4x184x64xf32, #tpu.memory_space<vmem>> -> memref<1x184x64xf32, #tpu.memory_space<vmem>>
    %dma_start3A_525 = tpu.memref_squeeze %dma_start3A_524 : memref<1x184x64xf32, #tpu.memory_space<vmem>> -> memref<184x64xf32, #tpu.memory_space<vmem>>
    %dma_start3A_526 = arith.constant 0 : i32
    %dma_start3A_527 = tpu.memref_slice %arg2[%add3A_501, %dma_start3A_526] : memref<100000x64xf32, #tpu.memory_space<hbm>> -> memref<184x64xf32, #tpu.memory_space<hbm>>
    %dma_start3A_528 = tpu.memref_slice %arg8[%dma_start3A_521] : memref<4x!tpu.dma_semaphore, #tpu.memory_space<semaphore_mem>> -> memref<1x!tpu.dma_semaphore, #tpu.memory_space<semaphore_mem>>
    %dma_start3A_529 = tpu.memref_squeeze %dma_start3A_528 : memref<1x!tpu.dma_semaphore, #tpu.memory_space<semaphore_mem>> -> memref<!tpu.dma_semaphore, #tpu.memory_space<semaphore_mem>>
    %dma_start3A_530 = arith.constant 0 : i32
    %dma_start3A_531 = arith.constant 0 : i32
    %dma_start3A_532 = tpu.memref_slice %arg6[%dma_start3A_520, %dma_start3A_530, %dma_start3A_531] : memref<4x184x64xf32, #tpu.memory_space<vmem>> -> memref<1x184x64xf32, #tpu.memory_space<vmem>>
    %dma_start3A_533 = tpu.memref_squeeze %dma_start3A_532 : memref<1x184x64xf32, #tpu.memory_space<vmem>> -> memref<184x64xf32, #tpu.memory_space<vmem>>
    %dma_start3A_534 = arith.constant 0 : i32
    %dma_start3A_535 = tpu.memref_slice %arg2[%add3A_501, %dma_start3A_534] : memref<100000x64xf32, #tpu.memory_space<hbm>> -> memref<184x64xf32, #tpu.memory_space<hbm>>
    tpu.enqueue_dma source(%dma_start3A_535 : memref<184x64xf32, #tpu.memory_space<hbm>>) target(%dma_start3A_533 : memref<184x64xf32, #tpu.memory_space<vmem>>) target_semaphore(%dma_start3A_529 : memref<!tpu.dma_semaphore, #tpu.memory_space<semaphore_mem>>)
    %add3A_536 = arith.constant 1288 : i32
    %add3A_537 = arith.addi %min3A_3, %add3A_536 : i32
    %dma_wait3A_538 = arith.constant 3 : i32
    %dma_wait3A_539 = arith.constant 3 : i32
    %dma_wait3A_540 = arith.constant 0 : i32
    %dma_wait3A_541 = arith.constant 0 : i32
    %dma_wait3A_542 = tpu.memref_slice %arg6[%dma_wait3A_538, %dma_wait3A_540, %dma_wait3A_541] : memref<4x184x64xf32, #tpu.memory_space<vmem>> -> memref<1x184x64xf32, #tpu.memory_space<vmem>>
    %dma_wait3A_543 = tpu.memref_squeeze %dma_wait3A_542 : memref<1x184x64xf32, #tpu.memory_space<vmem>> -> memref<184x64xf32, #tpu.memory_space<vmem>>
    %dma_wait3A_544 = arith.constant 0 : i32
    %dma_wait3A_545 = tpu.memref_slice %arg2[%add3A_537, %dma_wait3A_544] : memref<100000x64xf32, #tpu.memory_space<hbm>> -> memref<184x64xf32, #tpu.memory_space<hbm>>
    %dma_wait3A_546 = tpu.memref_slice %arg8[%dma_wait3A_539] : memref<4x!tpu.dma_semaphore, #tpu.memory_space<semaphore_mem>> -> memref<1x!tpu.dma_semaphore, #tpu.memory_space<semaphore_mem>>
    %dma_wait3A_547 = tpu.memref_squeeze %dma_wait3A_546 : memref<1x!tpu.dma_semaphore, #tpu.memory_space<semaphore_mem>> -> memref<!tpu.dma_semaphore, #tpu.memory_space<semaphore_mem>>
    %dma_wait3A_548 = arith.constant 0 : i32
    %dma_wait3A_549 = arith.constant 0 : i32
    %dma_wait3A_550 = tpu.memref_slice %arg6[%dma_wait3A_538, %dma_wait3A_548, %dma_wait3A_549] : memref<4x184x64xf32, #tpu.memory_space<vmem>> -> memref<1x184x64xf32, #tpu.memory_space<vmem>>
    %dma_wait3A_551 = tpu.memref_squeeze %dma_wait3A_550 : memref<1x184x64xf32, #tpu.memory_space<vmem>> -> memref<184x64xf32, #tpu.memory_space<vmem>>
    %dma_wait3A_552 = arith.constant 0 : i32
    %dma_wait3A_553 = tpu.memref_slice %arg2[%add3A_537, %dma_wait3A_552] : memref<100000x64xf32, #tpu.memory_space<hbm>> -> memref<184x64xf32, #tpu.memory_space<hbm>>
    tpu.wait_dma2 semaphore(%dma_wait3A_547 : memref<!tpu.dma_semaphore, #tpu.memory_space<semaphore_mem>>) src(%dma_wait3A_553 : memref<184x64xf32, #tpu.memory_space<hbm>>) dst(%dma_wait3A_551 : memref<184x64xf32, #tpu.memory_space<vmem>>)
    %dma_start3A_554 = arith.constant 3 : i32
    %dma_start3A_555 = arith.constant 3 : i32
    %dma_start3A_556 = arith.constant 0 : i32
    %dma_start3A_557 = arith.constant 0 : i32
    %dma_start3A_558 = tpu.memref_slice %arg6[%dma_start3A_554, %dma_start3A_556, %dma_start3A_557] : memref<4x184x64xf32, #tpu.memory_space<vmem>> -> memref<1x184x64xf32, #tpu.memory_space<vmem>>
    %dma_start3A_559 = tpu.memref_squeeze %dma_start3A_558 : memref<1x184x64xf32, #tpu.memory_space<vmem>> -> memref<184x64xf32, #tpu.memory_space<vmem>>
    %dma_start3A_560 = arith.constant 0 : i32
    %dma_start3A_561 = tpu.memref_slice %arg4[%add3A_537, %dma_start3A_560] : memref<100000x64xf32, #tpu.memory_space<hbm>> -> memref<184x64xf32, #tpu.memory_space<hbm>>
    %dma_start3A_562 = tpu.memref_slice %arg9[%dma_start3A_555] : memref<4x!tpu.dma_semaphore, #tpu.memory_space<semaphore_mem>> -> memref<1x!tpu.dma_semaphore, #tpu.memory_space<semaphore_mem>>
    %dma_start3A_563 = tpu.memref_squeeze %dma_start3A_562 : memref<1x!tpu.dma_semaphore, #tpu.memory_space<semaphore_mem>> -> memref<!tpu.dma_semaphore, #tpu.memory_space<semaphore_mem>>
    %dma_start3A_564 = arith.constant 0 : i32
    %dma_start3A_565 = tpu.memref_slice %arg4[%add3A_537, %dma_start3A_564] : memref<100000x64xf32, #tpu.memory_space<hbm>> -> memref<184x64xf32, #tpu.memory_space<hbm>>
    %dma_start3A_566 = arith.constant 0 : i32
    %dma_start3A_567 = arith.constant 0 : i32
    %dma_start3A_568 = tpu.memref_slice %arg6[%dma_start3A_554, %dma_start3A_566, %dma_start3A_567] : memref<4x184x64xf32, #tpu.memory_space<vmem>> -> memref<1x184x64xf32, #tpu.memory_space<vmem>>
    %dma_start3A_569 = tpu.memref_squeeze %dma_start3A_568 : memref<1x184x64xf32, #tpu.memory_space<vmem>> -> memref<184x64xf32, #tpu.memory_space<vmem>>
    tpu.enqueue_dma source(%dma_start3A_569 : memref<184x64xf32, #tpu.memory_space<vmem>>) target(%dma_start3A_565 : memref<184x64xf32, #tpu.memory_space<hbm>>) target_semaphore(%dma_start3A_563 : memref<!tpu.dma_semaphore, #tpu.memory_space<semaphore_mem>>)
    %add3A_570 = arith.constant 1840 : i32
    %add3A_571 = arith.addi %min3A_3, %add3A_570 : i32
    %add3A_572 = arith.constant 1104 : i32
    %add3A_573 = arith.addi %min3A_3, %add3A_572 : i32
    %dma_wait3A_574 = arith.constant 2 : i32
    %dma_wait3A_575 = arith.constant 2 : i32
    %dma_wait3A_576 = arith.constant 0 : i32
    %dma_wait3A_577 = arith.constant 0 : i32
    %dma_wait3A_578 = tpu.memref_slice %arg6[%dma_wait3A_574, %dma_wait3A_576, %dma_wait3A_577] : memref<4x184x64xf32, #tpu.memory_space<vmem>> -> memref<1x184x64xf32, #tpu.memory_space<vmem>>
    %dma_wait3A_579 = tpu.memref_squeeze %dma_wait3A_578 : memref<1x184x64xf32, #tpu.memory_space<vmem>> -> memref<184x64xf32, #tpu.memory_space<vmem>>
    %dma_wait3A_580 = arith.constant 0 : i32
    %dma_wait3A_581 = tpu.memref_slice %arg4[%add3A_573, %dma_wait3A_580] : memref<100000x64xf32, #tpu.memory_space<hbm>> -> memref<184x64xf32, #tpu.memory_space<hbm>>
    %dma_wait3A_582 = tpu.memref_slice %arg9[%dma_wait3A_575] : memref<4x!tpu.dma_semaphore, #tpu.memory_space<semaphore_mem>> -> memref<1x!tpu.dma_semaphore, #tpu.memory_space<semaphore_mem>>
    %dma_wait3A_583 = tpu.memref_squeeze %dma_wait3A_582 : memref<1x!tpu.dma_semaphore, #tpu.memory_space<semaphore_mem>> -> memref<!tpu.dma_semaphore, #tpu.memory_space<semaphore_mem>>
    %dma_wait3A_584 = arith.constant 0 : i32
    %dma_wait3A_585 = tpu.memref_slice %arg4[%add3A_573, %dma_wait3A_584] : memref<100000x64xf32, #tpu.memory_space<hbm>> -> memref<184x64xf32, #tpu.memory_space<hbm>>
    %dma_wait3A_586 = arith.constant 0 : i32
    %dma_wait3A_587 = arith.constant 0 : i32
    %dma_wait3A_588 = tpu.memref_slice %arg6[%dma_wait3A_574, %dma_wait3A_586, %dma_wait3A_587] : memref<4x184x64xf32, #tpu.memory_space<vmem>> -> memref<1x184x64xf32, #tpu.memory_space<vmem>>
    %dma_wait3A_589 = tpu.memref_squeeze %dma_wait3A_588 : memref<1x184x64xf32, #tpu.memory_space<vmem>> -> memref<184x64xf32, #tpu.memory_space<vmem>>
    tpu.wait_dma2 semaphore(%dma_wait3A_583 : memref<!tpu.dma_semaphore, #tpu.memory_space<semaphore_mem>>) src(%dma_wait3A_589 : memref<184x64xf32, #tpu.memory_space<vmem>>) dst(%dma_wait3A_585 : memref<184x64xf32, #tpu.memory_space<hbm>>)
    %dma_start3A_590 = arith.constant 2 : i32
    %dma_start3A_591 = arith.constant 2 : i32
    %dma_start3A_592 = arith.constant 0 : i32
    %dma_start3A_593 = arith.constant 0 : i32
    %dma_start3A_594 = tpu.memref_slice %arg6[%dma_start3A_590, %dma_start3A_592, %dma_start3A_593] : memref<4x184x64xf32, #tpu.memory_space<vmem>> -> memref<1x184x64xf32, #tpu.memory_space<vmem>>
    %dma_start3A_595 = tpu.memref_squeeze %dma_start3A_594 : memref<1x184x64xf32, #tpu.memory_space<vmem>> -> memref<184x64xf32, #tpu.memory_space<vmem>>
    %dma_start3A_596 = arith.constant 0 : i32
    %dma_start3A_597 = tpu.memref_slice %arg2[%add3A_571, %dma_start3A_596] : memref<100000x64xf32, #tpu.memory_space<hbm>> -> memref<184x64xf32, #tpu.memory_space<hbm>>
    %dma_start3A_598 = tpu.memref_slice %arg8[%dma_start3A_591] : memref<4x!tpu.dma_semaphore, #tpu.memory_space<semaphore_mem>> -> memref<1x!tpu.dma_semaphore, #tpu.memory_space<semaphore_mem>>
    %dma_start3A_599 = tpu.memref_squeeze %dma_start3A_598 : memref<1x!tpu.dma_semaphore, #tpu.memory_space<semaphore_mem>> -> memref<!tpu.dma_semaphore, #tpu.memory_space<semaphore_mem>>
    %dma_start3A_600 = arith.constant 0 : i32
    %dma_start3A_601 = arith.constant 0 : i32
    %dma_start3A_602 = tpu.memref_slice %arg6[%dma_start3A_590, %dma_start3A_600, %dma_start3A_601] : memref<4x184x64xf32, #tpu.memory_space<vmem>> -> memref<1x184x64xf32, #tpu.memory_space<vmem>>
    %dma_start3A_603 = tpu.memref_squeeze %dma_start3A_602 : memref<1x184x64xf32, #tpu.memory_space<vmem>> -> memref<184x64xf32, #tpu.memory_space<vmem>>
    %dma_start3A_604 = arith.constant 0 : i32
    %dma_start3A_605 = tpu.memref_slice %arg2[%add3A_571, %dma_start3A_604] : memref<100000x64xf32, #tpu.memory_space<hbm>> -> memref<184x64xf32, #tpu.memory_space<hbm>>
    tpu.enqueue_dma source(%dma_start3A_605 : memref<184x64xf32, #tpu.memory_space<hbm>>) target(%dma_start3A_603 : memref<184x64xf32, #tpu.memory_space<vmem>>) target_semaphore(%dma_start3A_599 : memref<!tpu.dma_semaphore, #tpu.memory_space<semaphore_mem>>)
    %add3A_606 = arith.constant 1472 : i32
    %add3A_607 = arith.addi %min3A_3, %add3A_606 : i32
    %dma_wait3A_608 = arith.constant 0 : i32
    %dma_wait3A_609 = arith.constant 0 : i32
    %dma_wait3A_610 = arith.constant 0 : i32
    %dma_wait3A_611 = arith.constant 0 : i32
    %dma_wait3A_612 = tpu.memref_slice %arg6[%dma_wait3A_608, %dma_wait3A_610, %dma_wait3A_611] : memref<4x184x64xf32, #tpu.memory_space<vmem>> -> memref<1x184x64xf32, #tpu.memory_space<vmem>>
    %dma_wait3A_613 = tpu.memref_squeeze %dma_wait3A_612 : memref<1x184x64xf32, #tpu.memory_space<vmem>> -> memref<184x64xf32, #tpu.memory_space<vmem>>
    %dma_wait3A_614 = arith.constant 0 : i32
    %dma_wait3A_615 = tpu.memref_slice %arg2[%add3A_607, %dma_wait3A_614] : memref<100000x64xf32, #tpu.memory_space<hbm>> -> memref<184x64xf32, #tpu.memory_space<hbm>>
    %dma_wait3A_616 = tpu.memref_slice %arg8[%dma_wait3A_609] : memref<4x!tpu.dma_semaphore, #tpu.memory_space<semaphore_mem>> -> memref<1x!tpu.dma_semaphore, #tpu.memory_space<semaphore_mem>>
    %dma_wait3A_617 = tpu.memref_squeeze %dma_wait3A_616 : memref<1x!tpu.dma_semaphore, #tpu.memory_space<semaphore_mem>> -> memref<!tpu.dma_semaphore, #tpu.memory_space<semaphore_mem>>
    %dma_wait3A_618 = arith.constant 0 : i32
    %dma_wait3A_619 = arith.constant 0 : i32
    %dma_wait3A_620 = tpu.memref_slice %arg6[%dma_wait3A_608, %dma_wait3A_618, %dma_wait3A_619] : memref<4x184x64xf32, #tpu.memory_space<vmem>> -> memref<1x184x64xf32, #tpu.memory_space<vmem>>
    %dma_wait3A_621 = tpu.memref_squeeze %dma_wait3A_620 : memref<1x184x64xf32, #tpu.memory_space<vmem>> -> memref<184x64xf32, #tpu.memory_space<vmem>>
    %dma_wait3A_622 = arith.constant 0 : i32
    %dma_wait3A_623 = tpu.memref_slice %arg2[%add3A_607, %dma_wait3A_622] : memref<100000x64xf32, #tpu.memory_space<hbm>> -> memref<184x64xf32, #tpu.memory_space<hbm>>
    tpu.wait_dma2 semaphore(%dma_wait3A_617 : memref<!tpu.dma_semaphore, #tpu.memory_space<semaphore_mem>>) src(%dma_wait3A_623 : memref<184x64xf32, #tpu.memory_space<hbm>>) dst(%dma_wait3A_621 : memref<184x64xf32, #tpu.memory_space<vmem>>)
    %dma_start3A_624 = arith.constant 0 : i32
    %dma_start3A_625 = arith.constant 0 : i32
    %dma_start3A_626 = arith.constant 0 : i32
    %dma_start3A_627 = arith.constant 0 : i32
    %dma_start3A_628 = tpu.memref_slice %arg6[%dma_start3A_624, %dma_start3A_626, %dma_start3A_627] : memref<4x184x64xf32, #tpu.memory_space<vmem>> -> memref<1x184x64xf32, #tpu.memory_space<vmem>>
    %dma_start3A_629 = tpu.memref_squeeze %dma_start3A_628 : memref<1x184x64xf32, #tpu.memory_space<vmem>> -> memref<184x64xf32, #tpu.memory_space<vmem>>
    %dma_start3A_630 = arith.constant 0 : i32
    %dma_start3A_631 = tpu.memref_slice %arg4[%add3A_607, %dma_start3A_630] : memref<100000x64xf32, #tpu.memory_space<hbm>> -> memref<184x64xf32, #tpu.memory_space<hbm>>
    %dma_start3A_632 = tpu.memref_slice %arg9[%dma_start3A_625] : memref<4x!tpu.dma_semaphore, #tpu.memory_space<semaphore_mem>> -> memref<1x!tpu.dma_semaphore, #tpu.memory_space<semaphore_mem>>
    %dma_start3A_633 = tpu.memref_squeeze %dma_start3A_632 : memref<1x!tpu.dma_semaphore, #tpu.memory_space<semaphore_mem>> -> memref<!tpu.dma_semaphore, #tpu.memory_space<semaphore_mem>>
    %dma_start3A_634 = arith.constant 0 : i32
    %dma_start3A_635 = tpu.memref_slice %arg4[%add3A_607, %dma_start3A_634] : memref<100000x64xf32, #tpu.memory_space<hbm>> -> memref<184x64xf32, #tpu.memory_space<hbm>>
    %dma_start3A_636 = arith.constant 0 : i32
    %dma_start3A_637 = arith.constant 0 : i32
    %dma_start3A_638 = tpu.memref_slice %arg6[%dma_start3A_624, %dma_start3A_636, %dma_start3A_637] : memref<4x184x64xf32, #tpu.memory_space<vmem>> -> memref<1x184x64xf32, #tpu.memory_space<vmem>>
    %dma_start3A_639 = tpu.memref_squeeze %dma_start3A_638 : memref<1x184x64xf32, #tpu.memory_space<vmem>> -> memref<184x64xf32, #tpu.memory_space<vmem>>
    tpu.enqueue_dma source(%dma_start3A_639 : memref<184x64xf32, #tpu.memory_space<vmem>>) target(%dma_start3A_635 : memref<184x64xf32, #tpu.memory_space<hbm>>) target_semaphore(%dma_start3A_633 : memref<!tpu.dma_semaphore, #tpu.memory_space<semaphore_mem>>)
    %add3A_640 = arith.constant 2024 : i32
    %add3A_641 = arith.addi %min3A_3, %add3A_640 : i32
    %add3A_642 = arith.constant 1288 : i32
    %add3A_643 = arith.addi %min3A_3, %add3A_642 : i32
    %dma_wait3A_644 = arith.constant 3 : i32
    %dma_wait3A_645 = arith.constant 3 : i32
    %dma_wait3A_646 = arith.constant 0 : i32
    %dma_wait3A_647 = arith.constant 0 : i32
    %dma_wait3A_648 = tpu.memref_slice %arg6[%dma_wait3A_644, %dma_wait3A_646, %dma_wait3A_647] : memref<4x184x64xf32, #tpu.memory_space<vmem>> -> memref<1x184x64xf32, #tpu.memory_space<vmem>>
    %dma_wait3A_649 = tpu.memref_squeeze %dma_wait3A_648 : memref<1x184x64xf32, #tpu.memory_space<vmem>> -> memref<184x64xf32, #tpu.memory_space<vmem>>
    %dma_wait3A_650 = arith.constant 0 : i32
    %dma_wait3A_651 = tpu.memref_slice %arg4[%add3A_643, %dma_wait3A_650] : memref<100000x64xf32, #tpu.memory_space<hbm>> -> memref<184x64xf32, #tpu.memory_space<hbm>>
    %dma_wait3A_652 = tpu.memref_slice %arg9[%dma_wait3A_645] : memref<4x!tpu.dma_semaphore, #tpu.memory_space<semaphore_mem>> -> memref<1x!tpu.dma_semaphore, #tpu.memory_space<semaphore_mem>>
    %dma_wait3A_653 = tpu.memref_squeeze %dma_wait3A_652 : memref<1x!tpu.dma_semaphore, #tpu.memory_space<semaphore_mem>> -> memref<!tpu.dma_semaphore, #tpu.memory_space<semaphore_mem>>
    %dma_wait3A_654 = arith.constant 0 : i32
    %dma_wait3A_655 = tpu.memref_slice %arg4[%add3A_643, %dma_wait3A_654] : memref<100000x64xf32, #tpu.memory_space<hbm>> -> memref<184x64xf32, #tpu.memory_space<hbm>>
    %dma_wait3A_656 = arith.constant 0 : i32
    %dma_wait3A_657 = arith.constant 0 : i32
    %dma_wait3A_658 = tpu.memref_slice %arg6[%dma_wait3A_644, %dma_wait3A_656, %dma_wait3A_657] : memref<4x184x64xf32, #tpu.memory_space<vmem>> -> memref<1x184x64xf32, #tpu.memory_space<vmem>>
    %dma_wait3A_659 = tpu.memref_squeeze %dma_wait3A_658 : memref<1x184x64xf32, #tpu.memory_space<vmem>> -> memref<184x64xf32, #tpu.memory_space<vmem>>
    tpu.wait_dma2 semaphore(%dma_wait3A_653 : memref<!tpu.dma_semaphore, #tpu.memory_space<semaphore_mem>>) src(%dma_wait3A_659 : memref<184x64xf32, #tpu.memory_space<vmem>>) dst(%dma_wait3A_655 : memref<184x64xf32, #tpu.memory_space<hbm>>)
    %dma_start3A_660 = arith.constant 3 : i32
    %dma_start3A_661 = arith.constant 3 : i32
    %dma_start3A_662 = arith.constant 0 : i32
    %dma_start3A_663 = arith.constant 0 : i32
    %dma_start3A_664 = tpu.memref_slice %arg6[%dma_start3A_660, %dma_start3A_662, %dma_start3A_663] : memref<4x184x64xf32, #tpu.memory_space<vmem>> -> memref<1x184x64xf32, #tpu.memory_space<vmem>>
    %dma_start3A_665 = tpu.memref_squeeze %dma_start3A_664 : memref<1x184x64xf32, #tpu.memory_space<vmem>> -> memref<184x64xf32, #tpu.memory_space<vmem>>
    %dma_start3A_666 = arith.constant 0 : i32
    %dma_start3A_667 = tpu.memref_slice %arg2[%add3A_641, %dma_start3A_666] : memref<100000x64xf32, #tpu.memory_space<hbm>> -> memref<184x64xf32, #tpu.memory_space<hbm>>
    %dma_start3A_668 = tpu.memref_slice %arg8[%dma_start3A_661] : memref<4x!tpu.dma_semaphore, #tpu.memory_space<semaphore_mem>> -> memref<1x!tpu.dma_semaphore, #tpu.memory_space<semaphore_mem>>
    %dma_start3A_669 = tpu.memref_squeeze %dma_start3A_668 : memref<1x!tpu.dma_semaphore, #tpu.memory_space<semaphore_mem>> -> memref<!tpu.dma_semaphore, #tpu.memory_space<semaphore_mem>>
    %dma_start3A_670 = arith.constant 0 : i32
    %dma_start3A_671 = arith.constant 0 : i32
    %dma_start3A_672 = tpu.memref_slice %arg6[%dma_start3A_660, %dma_start3A_670, %dma_start3A_671] : memref<4x184x64xf32, #tpu.memory_space<vmem>> -> memref<1x184x64xf32, #tpu.memory_space<vmem>>
    %dma_start3A_673 = tpu.memref_squeeze %dma_start3A_672 : memref<1x184x64xf32, #tpu.memory_space<vmem>> -> memref<184x64xf32, #tpu.memory_space<vmem>>
    %dma_start3A_674 = arith.constant 0 : i32
    %dma_start3A_675 = tpu.memref_slice %arg2[%add3A_641, %dma_start3A_674] : memref<100000x64xf32, #tpu.memory_space<hbm>> -> memref<184x64xf32, #tpu.memory_space<hbm>>
    tpu.enqueue_dma source(%dma_start3A_675 : memref<184x64xf32, #tpu.memory_space<hbm>>) target(%dma_start3A_673 : memref<184x64xf32, #tpu.memory_space<vmem>>) target_semaphore(%dma_start3A_669 : memref<!tpu.dma_semaphore, #tpu.memory_space<semaphore_mem>>)
    %add3A_676 = arith.constant 1656 : i32
    %add3A_677 = arith.addi %min3A_3, %add3A_676 : i32
    %dma_wait3A_678 = arith.constant 1 : i32
    %dma_wait3A_679 = arith.constant 1 : i32
    %dma_wait3A_680 = arith.constant 0 : i32
    %dma_wait3A_681 = arith.constant 0 : i32
    %dma_wait3A_682 = tpu.memref_slice %arg6[%dma_wait3A_678, %dma_wait3A_680, %dma_wait3A_681] : memref<4x184x64xf32, #tpu.memory_space<vmem>> -> memref<1x184x64xf32, #tpu.memory_space<vmem>>
    %dma_wait3A_683 = tpu.memref_squeeze %dma_wait3A_682 : memref<1x184x64xf32, #tpu.memory_space<vmem>> -> memref<184x64xf32, #tpu.memory_space<vmem>>
    %dma_wait3A_684 = arith.constant 0 : i32
    %dma_wait3A_685 = tpu.memref_slice %arg2[%add3A_677, %dma_wait3A_684] : memref<100000x64xf32, #tpu.memory_space<hbm>> -> memref<184x64xf32, #tpu.memory_space<hbm>>
    %dma_wait3A_686 = tpu.memref_slice %arg8[%dma_wait3A_679] : memref<4x!tpu.dma_semaphore, #tpu.memory_space<semaphore_mem>> -> memref<1x!tpu.dma_semaphore, #tpu.memory_space<semaphore_mem>>
    %dma_wait3A_687 = tpu.memref_squeeze %dma_wait3A_686 : memref<1x!tpu.dma_semaphore, #tpu.memory_space<semaphore_mem>> -> memref<!tpu.dma_semaphore, #tpu.memory_space<semaphore_mem>>
    %dma_wait3A_688 = arith.constant 0 : i32
    %dma_wait3A_689 = arith.constant 0 : i32
    %dma_wait3A_690 = tpu.memref_slice %arg6[%dma_wait3A_678, %dma_wait3A_688, %dma_wait3A_689] : memref<4x184x64xf32, #tpu.memory_space<vmem>> -> memref<1x184x64xf32, #tpu.memory_space<vmem>>
    %dma_wait3A_691 = tpu.memref_squeeze %dma_wait3A_690 : memref<1x184x64xf32, #tpu.memory_space<vmem>> -> memref<184x64xf32, #tpu.memory_space<vmem>>
    %dma_wait3A_692 = arith.constant 0 : i32
    %dma_wait3A_693 = tpu.memref_slice %arg2[%add3A_677, %dma_wait3A_692] : memref<100000x64xf32, #tpu.memory_space<hbm>> -> memref<184x64xf32, #tpu.memory_space<hbm>>
    tpu.wait_dma2 semaphore(%dma_wait3A_687 : memref<!tpu.dma_semaphore, #tpu.memory_space<semaphore_mem>>) src(%dma_wait3A_693 : memref<184x64xf32, #tpu.memory_space<hbm>>) dst(%dma_wait3A_691 : memref<184x64xf32, #tpu.memory_space<vmem>>)
    %dma_start3A_694 = arith.constant 1 : i32
    %dma_start3A_695 = arith.constant 1 : i32
    %dma_start3A_696 = arith.constant 0 : i32
    %dma_start3A_697 = arith.constant 0 : i32
    %dma_start3A_698 = tpu.memref_slice %arg6[%dma_start3A_694, %dma_start3A_696, %dma_start3A_697] : memref<4x184x64xf32, #tpu.memory_space<vmem>> -> memref<1x184x64xf32, #tpu.memory_space<vmem>>
    %dma_start3A_699 = tpu.memref_squeeze %dma_start3A_698 : memref<1x184x64xf32, #tpu.memory_space<vmem>> -> memref<184x64xf32, #tpu.memory_space<vmem>>
    %dma_start3A_700 = arith.constant 0 : i32
    %dma_start3A_701 = tpu.memref_slice %arg4[%add3A_677, %dma_start3A_700] : memref<100000x64xf32, #tpu.memory_space<hbm>> -> memref<184x64xf32, #tpu.memory_space<hbm>>
    %dma_start3A_702 = tpu.memref_slice %arg9[%dma_start3A_695] : memref<4x!tpu.dma_semaphore, #tpu.memory_space<semaphore_mem>> -> memref<1x!tpu.dma_semaphore, #tpu.memory_space<semaphore_mem>>
    %dma_start3A_703 = tpu.memref_squeeze %dma_start3A_702 : memref<1x!tpu.dma_semaphore, #tpu.memory_space<semaphore_mem>> -> memref<!tpu.dma_semaphore, #tpu.memory_space<semaphore_mem>>
    %dma_start3A_704 = arith.constant 0 : i32
    %dma_start3A_705 = tpu.memref_slice %arg4[%add3A_677, %dma_start3A_704] : memref<100000x64xf32, #tpu.memory_space<hbm>> -> memref<184x64xf32, #tpu.memory_space<hbm>>
    %dma_start3A_706 = arith.constant 0 : i32
    %dma_start3A_707 = arith.constant 0 : i32
    %dma_start3A_708 = tpu.memref_slice %arg6[%dma_start3A_694, %dma_start3A_706, %dma_start3A_707] : memref<4x184x64xf32, #tpu.memory_space<vmem>> -> memref<1x184x64xf32, #tpu.memory_space<vmem>>
    %dma_start3A_709 = tpu.memref_squeeze %dma_start3A_708 : memref<1x184x64xf32, #tpu.memory_space<vmem>> -> memref<184x64xf32, #tpu.memory_space<vmem>>
    tpu.enqueue_dma source(%dma_start3A_709 : memref<184x64xf32, #tpu.memory_space<vmem>>) target(%dma_start3A_705 : memref<184x64xf32, #tpu.memory_space<hbm>>) target_semaphore(%dma_start3A_703 : memref<!tpu.dma_semaphore, #tpu.memory_space<semaphore_mem>>)
    %add3A_710 = arith.constant 2208 : i32
    %add3A_711 = arith.addi %min3A_3, %add3A_710 : i32
    %add3A_712 = arith.constant 1472 : i32
    %add3A_713 = arith.addi %min3A_3, %add3A_712 : i32
    %dma_wait3A_714 = arith.constant 0 : i32
    %dma_wait3A_715 = arith.constant 0 : i32
    %dma_wait3A_716 = arith.constant 0 : i32
    %dma_wait3A_717 = arith.constant 0 : i32
    %dma_wait3A_718 = tpu.memref_slice %arg6[%dma_wait3A_714, %dma_wait3A_716, %dma_wait3A_717] : memref<4x184x64xf32, #tpu.memory_space<vmem>> -> memref<1x184x64xf32, #tpu.memory_space<vmem>>
    %dma_wait3A_719 = tpu.memref_squeeze %dma_wait3A_718 : memref<1x184x64xf32, #tpu.memory_space<vmem>> -> memref<184x64xf32, #tpu.memory_space<vmem>>
    %dma_wait3A_720 = arith.constant 0 : i32
    %dma_wait3A_721 = tpu.memref_slice %arg4[%add3A_713, %dma_wait3A_720] : memref<100000x64xf32, #tpu.memory_space<hbm>> -> memref<184x64xf32, #tpu.memory_space<hbm>>
    %dma_wait3A_722 = tpu.memref_slice %arg9[%dma_wait3A_715] : memref<4x!tpu.dma_semaphore, #tpu.memory_space<semaphore_mem>> -> memref<1x!tpu.dma_semaphore, #tpu.memory_space<semaphore_mem>>
    %dma_wait3A_723 = tpu.memref_squeeze %dma_wait3A_722 : memref<1x!tpu.dma_semaphore, #tpu.memory_space<semaphore_mem>> -> memref<!tpu.dma_semaphore, #tpu.memory_space<semaphore_mem>>
    %dma_wait3A_724 = arith.constant 0 : i32
    %dma_wait3A_725 = tpu.memref_slice %arg4[%add3A_713, %dma_wait3A_724] : memref<100000x64xf32, #tpu.memory_space<hbm>> -> memref<184x64xf32, #tpu.memory_space<hbm>>
    %dma_wait3A_726 = arith.constant 0 : i32
    %dma_wait3A_727 = arith.constant 0 : i32
    %dma_wait3A_728 = tpu.memref_slice %arg6[%dma_wait3A_714, %dma_wait3A_726, %dma_wait3A_727] : memref<4x184x64xf32, #tpu.memory_space<vmem>> -> memref<1x184x64xf32, #tpu.memory_space<vmem>>
    %dma_wait3A_729 = tpu.memref_squeeze %dma_wait3A_728 : memref<1x184x64xf32, #tpu.memory_space<vmem>> -> memref<184x64xf32, #tpu.memory_space<vmem>>
    tpu.wait_dma2 semaphore(%dma_wait3A_723 : memref<!tpu.dma_semaphore, #tpu.memory_space<semaphore_mem>>) src(%dma_wait3A_729 : memref<184x64xf32, #tpu.memory_space<vmem>>) dst(%dma_wait3A_725 : memref<184x64xf32, #tpu.memory_space<hbm>>)
    %dma_start3A_730 = arith.constant 0 : i32
    %dma_start3A_731 = arith.constant 0 : i32
    %dma_start3A_732 = arith.constant 0 : i32
    %dma_start3A_733 = arith.constant 0 : i32
    %dma_start3A_734 = tpu.memref_slice %arg6[%dma_start3A_730, %dma_start3A_732, %dma_start3A_733] : memref<4x184x64xf32, #tpu.memory_space<vmem>> -> memref<1x184x64xf32, #tpu.memory_space<vmem>>
    %dma_start3A_735 = tpu.memref_squeeze %dma_start3A_734 : memref<1x184x64xf32, #tpu.memory_space<vmem>> -> memref<184x64xf32, #tpu.memory_space<vmem>>
    %dma_start3A_736 = arith.constant 0 : i32
    %dma_start3A_737 = tpu.memref_slice %arg2[%add3A_711, %dma_start3A_736] : memref<100000x64xf32, #tpu.memory_space<hbm>> -> memref<184x64xf32, #tpu.memory_space<hbm>>
    %dma_start3A_738 = tpu.memref_slice %arg8[%dma_start3A_731] : memref<4x!tpu.dma_semaphore, #tpu.memory_space<semaphore_mem>> -> memref<1x!tpu.dma_semaphore, #tpu.memory_space<semaphore_mem>>
    %dma_start3A_739 = tpu.memref_squeeze %dma_start3A_738 : memref<1x!tpu.dma_semaphore, #tpu.memory_space<semaphore_mem>> -> memref<!tpu.dma_semaphore, #tpu.memory_space<semaphore_mem>>
    %dma_start3A_740 = arith.constant 0 : i32
    %dma_start3A_741 = arith.constant 0 : i32
    %dma_start3A_742 = tpu.memref_slice %arg6[%dma_start3A_730, %dma_start3A_740, %dma_start3A_741] : memref<4x184x64xf32, #tpu.memory_space<vmem>> -> memref<1x184x64xf32, #tpu.memory_space<vmem>>
    %dma_start3A_743 = tpu.memref_squeeze %dma_start3A_742 : memref<1x184x64xf32, #tpu.memory_space<vmem>> -> memref<184x64xf32, #tpu.memory_space<vmem>>
    %dma_start3A_744 = arith.constant 0 : i32
    %dma_start3A_745 = tpu.memref_slice %arg2[%add3A_711, %dma_start3A_744] : memref<100000x64xf32, #tpu.memory_space<hbm>> -> memref<184x64xf32, #tpu.memory_space<hbm>>
    tpu.enqueue_dma source(%dma_start3A_745 : memref<184x64xf32, #tpu.memory_space<hbm>>) target(%dma_start3A_743 : memref<184x64xf32, #tpu.memory_space<vmem>>) target_semaphore(%dma_start3A_739 : memref<!tpu.dma_semaphore, #tpu.memory_space<semaphore_mem>>)
    %add3A_746 = arith.constant 1840 : i32
    %add3A_747 = arith.addi %min3A_3, %add3A_746 : i32
    %dma_wait3A_748 = arith.constant 2 : i32
    %dma_wait3A_749 = arith.constant 2 : i32
    %dma_wait3A_750 = arith.constant 0 : i32
    %dma_wait3A_751 = arith.constant 0 : i32
    %dma_wait3A_752 = tpu.memref_slice %arg6[%dma_wait3A_748, %dma_wait3A_750, %dma_wait3A_751] : memref<4x184x64xf32, #tpu.memory_space<vmem>> -> memref<1x184x64xf32, #tpu.memory_space<vmem>>
    %dma_wait3A_753 = tpu.memref_squeeze %dma_wait3A_752 : memref<1x184x64xf32, #tpu.memory_space<vmem>> -> memref<184x64xf32, #tpu.memory_space<vmem>>
    %dma_wait3A_754 = arith.constant 0 : i32
    %dma_wait3A_755 = tpu.memref_slice %arg2[%add3A_747, %dma_wait3A_754] : memref<100000x64xf32, #tpu.memory_space<hbm>> -> memref<184x64xf32, #tpu.memory_space<hbm>>
    %dma_wait3A_756 = tpu.memref_slice %arg8[%dma_wait3A_749] : memref<4x!tpu.dma_semaphore, #tpu.memory_space<semaphore_mem>> -> memref<1x!tpu.dma_semaphore, #tpu.memory_space<semaphore_mem>>
    %dma_wait3A_757 = tpu.memref_squeeze %dma_wait3A_756 : memref<1x!tpu.dma_semaphore, #tpu.memory_space<semaphore_mem>> -> memref<!tpu.dma_semaphore, #tpu.memory_space<semaphore_mem>>
    %dma_wait3A_758 = arith.constant 0 : i32
    %dma_wait3A_759 = arith.constant 0 : i32
    %dma_wait3A_760 = tpu.memref_slice %arg6[%dma_wait3A_748, %dma_wait3A_758, %dma_wait3A_759] : memref<4x184x64xf32, #tpu.memory_space<vmem>> -> memref<1x184x64xf32, #tpu.memory_space<vmem>>
    %dma_wait3A_761 = tpu.memref_squeeze %dma_wait3A_760 : memref<1x184x64xf32, #tpu.memory_space<vmem>> -> memref<184x64xf32, #tpu.memory_space<vmem>>
    %dma_wait3A_762 = arith.constant 0 : i32
    %dma_wait3A_763 = tpu.memref_slice %arg2[%add3A_747, %dma_wait3A_762] : memref<100000x64xf32, #tpu.memory_space<hbm>> -> memref<184x64xf32, #tpu.memory_space<hbm>>
    tpu.wait_dma2 semaphore(%dma_wait3A_757 : memref<!tpu.dma_semaphore, #tpu.memory_space<semaphore_mem>>) src(%dma_wait3A_763 : memref<184x64xf32, #tpu.memory_space<hbm>>) dst(%dma_wait3A_761 : memref<184x64xf32, #tpu.memory_space<vmem>>)
    %dma_start3A_764 = arith.constant 2 : i32
    %dma_start3A_765 = arith.constant 2 : i32
    %dma_start3A_766 = arith.constant 0 : i32
    %dma_start3A_767 = arith.constant 0 : i32
    %dma_start3A_768 = tpu.memref_slice %arg6[%dma_start3A_764, %dma_start3A_766, %dma_start3A_767] : memref<4x184x64xf32, #tpu.memory_space<vmem>> -> memref<1x184x64xf32, #tpu.memory_space<vmem>>
    %dma_start3A_769 = tpu.memref_squeeze %dma_start3A_768 : memref<1x184x64xf32, #tpu.memory_space<vmem>> -> memref<184x64xf32, #tpu.memory_space<vmem>>
    %dma_start3A_770 = arith.constant 0 : i32
    %dma_start3A_771 = tpu.memref_slice %arg4[%add3A_747, %dma_start3A_770] : memref<100000x64xf32, #tpu.memory_space<hbm>> -> memref<184x64xf32, #tpu.memory_space<hbm>>
    %dma_start3A_772 = tpu.memref_slice %arg9[%dma_start3A_765] : memref<4x!tpu.dma_semaphore, #tpu.memory_space<semaphore_mem>> -> memref<1x!tpu.dma_semaphore, #tpu.memory_space<semaphore_mem>>
    %dma_start3A_773 = tpu.memref_squeeze %dma_start3A_772 : memref<1x!tpu.dma_semaphore, #tpu.memory_space<semaphore_mem>> -> memref<!tpu.dma_semaphore, #tpu.memory_space<semaphore_mem>>
    %dma_start3A_774 = arith.constant 0 : i32
    %dma_start3A_775 = tpu.memref_slice %arg4[%add3A_747, %dma_start3A_774] : memref<100000x64xf32, #tpu.memory_space<hbm>> -> memref<184x64xf32, #tpu.memory_space<hbm>>
    %dma_start3A_776 = arith.constant 0 : i32
    %dma_start3A_777 = arith.constant 0 : i32
    %dma_start3A_778 = tpu.memref_slice %arg6[%dma_start3A_764, %dma_start3A_776, %dma_start3A_777] : memref<4x184x64xf32, #tpu.memory_space<vmem>> -> memref<1x184x64xf32, #tpu.memory_space<vmem>>
    %dma_start3A_779 = tpu.memref_squeeze %dma_start3A_778 : memref<1x184x64xf32, #tpu.memory_space<vmem>> -> memref<184x64xf32, #tpu.memory_space<vmem>>
    tpu.enqueue_dma source(%dma_start3A_779 : memref<184x64xf32, #tpu.memory_space<vmem>>) target(%dma_start3A_775 : memref<184x64xf32, #tpu.memory_space<hbm>>) target_semaphore(%dma_start3A_773 : memref<!tpu.dma_semaphore, #tpu.memory_space<semaphore_mem>>)
    %add3A_780 = arith.constant 2392 : i32
    %add3A_781 = arith.addi %min3A_3, %add3A_780 : i32
    %add3A_782 = arith.constant 1656 : i32
    %add3A_783 = arith.addi %min3A_3, %add3A_782 : i32
    %dma_wait3A_784 = arith.constant 1 : i32
    %dma_wait3A_785 = arith.constant 1 : i32
    %dma_wait3A_786 = arith.constant 0 : i32
    %dma_wait3A_787 = arith.constant 0 : i32
    %dma_wait3A_788 = tpu.memref_slice %arg6[%dma_wait3A_784, %dma_wait3A_786, %dma_wait3A_787] : memref<4x184x64xf32, #tpu.memory_space<vmem>> -> memref<1x184x64xf32, #tpu.memory_space<vmem>>
    %dma_wait3A_789 = tpu.memref_squeeze %dma_wait3A_788 : memref<1x184x64xf32, #tpu.memory_space<vmem>> -> memref<184x64xf32, #tpu.memory_space<vmem>>
    %dma_wait3A_790 = arith.constant 0 : i32
    %dma_wait3A_791 = tpu.memref_slice %arg4[%add3A_783, %dma_wait3A_790] : memref<100000x64xf32, #tpu.memory_space<hbm>> -> memref<184x64xf32, #tpu.memory_space<hbm>>
    %dma_wait3A_792 = tpu.memref_slice %arg9[%dma_wait3A_785] : memref<4x!tpu.dma_semaphore, #tpu.memory_space<semaphore_mem>> -> memref<1x!tpu.dma_semaphore, #tpu.memory_space<semaphore_mem>>
    %dma_wait3A_793 = tpu.memref_squeeze %dma_wait3A_792 : memref<1x!tpu.dma_semaphore, #tpu.memory_space<semaphore_mem>> -> memref<!tpu.dma_semaphore, #tpu.memory_space<semaphore_mem>>
    %dma_wait3A_794 = arith.constant 0 : i32
    %dma_wait3A_795 = tpu.memref_slice %arg4[%add3A_783, %dma_wait3A_794] : memref<100000x64xf32, #tpu.memory_space<hbm>> -> memref<184x64xf32, #tpu.memory_space<hbm>>
    %dma_wait3A_796 = arith.constant 0 : i32
    %dma_wait3A_797 = arith.constant 0 : i32
    %dma_wait3A_798 = tpu.memref_slice %arg6[%dma_wait3A_784, %dma_wait3A_796, %dma_wait3A_797] : memref<4x184x64xf32, #tpu.memory_space<vmem>> -> memref<1x184x64xf32, #tpu.memory_space<vmem>>
    %dma_wait3A_799 = tpu.memref_squeeze %dma_wait3A_798 : memref<1x184x64xf32, #tpu.memory_space<vmem>> -> memref<184x64xf32, #tpu.memory_space<vmem>>
    tpu.wait_dma2 semaphore(%dma_wait3A_793 : memref<!tpu.dma_semaphore, #tpu.memory_space<semaphore_mem>>) src(%dma_wait3A_799 : memref<184x64xf32, #tpu.memory_space<vmem>>) dst(%dma_wait3A_795 : memref<184x64xf32, #tpu.memory_space<hbm>>)
    %dma_start3A_800 = arith.constant 1 : i32
    %dma_start3A_801 = arith.constant 1 : i32
    %dma_start3A_802 = arith.constant 0 : i32
    %dma_start3A_803 = arith.constant 0 : i32
    %dma_start3A_804 = tpu.memref_slice %arg6[%dma_start3A_800, %dma_start3A_802, %dma_start3A_803] : memref<4x184x64xf32, #tpu.memory_space<vmem>> -> memref<1x184x64xf32, #tpu.memory_space<vmem>>
    %dma_start3A_805 = tpu.memref_squeeze %dma_start3A_804 : memref<1x184x64xf32, #tpu.memory_space<vmem>> -> memref<184x64xf32, #tpu.memory_space<vmem>>
    %dma_start3A_806 = arith.constant 0 : i32
    %dma_start3A_807 = tpu.memref_slice %arg2[%add3A_781, %dma_start3A_806] : memref<100000x64xf32, #tpu.memory_space<hbm>> -> memref<184x64xf32, #tpu.memory_space<hbm>>
    %dma_start3A_808 = tpu.memref_slice %arg8[%dma_start3A_801] : memref<4x!tpu.dma_semaphore, #tpu.memory_space<semaphore_mem>> -> memref<1x!tpu.dma_semaphore, #tpu.memory_space<semaphore_mem>>
    %dma_start3A_809 = tpu.memref_squeeze %dma_start3A_808 : memref<1x!tpu.dma_semaphore, #tpu.memory_space<semaphore_mem>> -> memref<!tpu.dma_semaphore, #tpu.memory_space<semaphore_mem>>
    %dma_start3A_810 = arith.constant 0 : i32
    %dma_start3A_811 = arith.constant 0 : i32
    %dma_start3A_812 = tpu.memref_slice %arg6[%dma_start3A_800, %dma_start3A_810, %dma_start3A_811] : memref<4x184x64xf32, #tpu.memory_space<vmem>> -> memref<1x184x64xf32, #tpu.memory_space<vmem>>
    %dma_start3A_813 = tpu.memref_squeeze %dma_start3A_812 : memref<1x184x64xf32, #tpu.memory_space<vmem>> -> memref<184x64xf32, #tpu.memory_space<vmem>>
    %dma_start3A_814 = arith.constant 0 : i32
    %dma_start3A_815 = tpu.memref_slice %arg2[%add3A_781, %dma_start3A_814] : memref<100000x64xf32, #tpu.memory_space<hbm>> -> memref<184x64xf32, #tpu.memory_space<hbm>>
    tpu.enqueue_dma source(%dma_start3A_815 : memref<184x64xf32, #tpu.memory_space<hbm>>) target(%dma_start3A_813 : memref<184x64xf32, #tpu.memory_space<vmem>>) target_semaphore(%dma_start3A_809 : memref<!tpu.dma_semaphore, #tpu.memory_space<semaphore_mem>>)
    %add3A_816 = arith.constant 2024 : i32
    %add3A_817 = arith.addi %min3A_3, %add3A_816 : i32
    %dma_wait3A_818 = arith.constant 3 : i32
    %dma_wait3A_819 = arith.constant 3 : i32
    %dma_wait3A_820 = arith.constant 0 : i32
    %dma_wait3A_821 = arith.constant 0 : i32
    %dma_wait3A_822 = tpu.memref_slice %arg6[%dma_wait3A_818, %dma_wait3A_820, %dma_wait3A_821] : memref<4x184x64xf32, #tpu.memory_space<vmem>> -> memref<1x184x64xf32, #tpu.memory_space<vmem>>
    %dma_wait3A_823 = tpu.memref_squeeze %dma_wait3A_822 : memref<1x184x64xf32, #tpu.memory_space<vmem>> -> memref<184x64xf32, #tpu.memory_space<vmem>>
    %dma_wait3A_824 = arith.constant 0 : i32
    %dma_wait3A_825 = tpu.memref_slice %arg2[%add3A_817, %dma_wait3A_824] : memref<100000x64xf32, #tpu.memory_space<hbm>> -> memref<184x64xf32, #tpu.memory_space<hbm>>
    %dma_wait3A_826 = tpu.memref_slice %arg8[%dma_wait3A_819] : memref<4x!tpu.dma_semaphore, #tpu.memory_space<semaphore_mem>> -> memref<1x!tpu.dma_semaphore, #tpu.memory_space<semaphore_mem>>
    %dma_wait3A_827 = tpu.memref_squeeze %dma_wait3A_826 : memref<1x!tpu.dma_semaphore, #tpu.memory_space<semaphore_mem>> -> memref<!tpu.dma_semaphore, #tpu.memory_space<semaphore_mem>>
    %dma_wait3A_828 = arith.constant 0 : i32
    %dma_wait3A_829 = arith.constant 0 : i32
    %dma_wait3A_830 = tpu.memref_slice %arg6[%dma_wait3A_818, %dma_wait3A_828, %dma_wait3A_829] : memref<4x184x64xf32, #tpu.memory_space<vmem>> -> memref<1x184x64xf32, #tpu.memory_space<vmem>>
    %dma_wait3A_831 = tpu.memref_squeeze %dma_wait3A_830 : memref<1x184x64xf32, #tpu.memory_space<vmem>> -> memref<184x64xf32, #tpu.memory_space<vmem>>
    %dma_wait3A_832 = arith.constant 0 : i32
    %dma_wait3A_833 = tpu.memref_slice %arg2[%add3A_817, %dma_wait3A_832] : memref<100000x64xf32, #tpu.memory_space<hbm>> -> memref<184x64xf32, #tpu.memory_space<hbm>>
    tpu.wait_dma2 semaphore(%dma_wait3A_827 : memref<!tpu.dma_semaphore, #tpu.memory_space<semaphore_mem>>) src(%dma_wait3A_833 : memref<184x64xf32, #tpu.memory_space<hbm>>) dst(%dma_wait3A_831 : memref<184x64xf32, #tpu.memory_space<vmem>>)
    %dma_start3A_834 = arith.constant 3 : i32
    %dma_start3A_835 = arith.constant 3 : i32
    %dma_start3A_836 = arith.constant 0 : i32
    %dma_start3A_837 = arith.constant 0 : i32
    %dma_start3A_838 = tpu.memref_slice %arg6[%dma_start3A_834, %dma_start3A_836, %dma_start3A_837] : memref<4x184x64xf32, #tpu.memory_space<vmem>> -> memref<1x184x64xf32, #tpu.memory_space<vmem>>
    %dma_start3A_839 = tpu.memref_squeeze %dma_start3A_838 : memref<1x184x64xf32, #tpu.memory_space<vmem>> -> memref<184x64xf32, #tpu.memory_space<vmem>>
    %dma_start3A_840 = arith.constant 0 : i32
    %dma_start3A_841 = tpu.memref_slice %arg4[%add3A_817, %dma_start3A_840] : memref<100000x64xf32, #tpu.memory_space<hbm>> -> memref<184x64xf32, #tpu.memory_space<hbm>>
    %dma_start3A_842 = tpu.memref_slice %arg9[%dma_start3A_835] : memref<4x!tpu.dma_semaphore, #tpu.memory_space<semaphore_mem>> -> memref<1x!tpu.dma_semaphore, #tpu.memory_space<semaphore_mem>>
    %dma_start3A_843 = tpu.memref_squeeze %dma_start3A_842 : memref<1x!tpu.dma_semaphore, #tpu.memory_space<semaphore_mem>> -> memref<!tpu.dma_semaphore, #tpu.memory_space<semaphore_mem>>
    %dma_start3A_844 = arith.constant 0 : i32
    %dma_start3A_845 = tpu.memref_slice %arg4[%add3A_817, %dma_start3A_844] : memref<100000x64xf32, #tpu.memory_space<hbm>> -> memref<184x64xf32, #tpu.memory_space<hbm>>
    %dma_start3A_846 = arith.constant 0 : i32
    %dma_start3A_847 = arith.constant 0 : i32
    %dma_start3A_848 = tpu.memref_slice %arg6[%dma_start3A_834, %dma_start3A_846, %dma_start3A_847] : memref<4x184x64xf32, #tpu.memory_space<vmem>> -> memref<1x184x64xf32, #tpu.memory_space<vmem>>
    %dma_start3A_849 = tpu.memref_squeeze %dma_start3A_848 : memref<1x184x64xf32, #tpu.memory_space<vmem>> -> memref<184x64xf32, #tpu.memory_space<vmem>>
    tpu.enqueue_dma source(%dma_start3A_849 : memref<184x64xf32, #tpu.memory_space<vmem>>) target(%dma_start3A_845 : memref<184x64xf32, #tpu.memory_space<hbm>>) target_semaphore(%dma_start3A_843 : memref<!tpu.dma_semaphore, #tpu.memory_space<semaphore_mem>>)
    %add3A_850 = arith.constant 2576 : i32
    %add3A_851 = arith.addi %min3A_3, %add3A_850 : i32
    %add3A_852 = arith.constant 1840 : i32
    %add3A_853 = arith.addi %min3A_3, %add3A_852 : i32
    %dma_wait3A_854 = arith.constant 2 : i32
    %dma_wait3A_855 = arith.constant 2 : i32
    %dma_wait3A_856 = arith.constant 0 : i32
    %dma_wait3A_857 = arith.constant 0 : i32
    %dma_wait3A_858 = tpu.memref_slice %arg6[%dma_wait3A_854, %dma_wait3A_856, %dma_wait3A_857] : memref<4x184x64xf32, #tpu.memory_space<vmem>> -> memref<1x184x64xf32, #tpu.memory_space<vmem>>
    %dma_wait3A_859 = tpu.memref_squeeze %dma_wait3A_858 : memref<1x184x64xf32, #tpu.memory_space<vmem>> -> memref<184x64xf32, #tpu.memory_space<vmem>>
    %dma_wait3A_860 = arith.constant 0 : i32
    %dma_wait3A_861 = tpu.memref_slice %arg4[%add3A_853, %dma_wait3A_860] : memref<100000x64xf32, #tpu.memory_space<hbm>> -> memref<184x64xf32, #tpu.memory_space<hbm>>
    %dma_wait3A_862 = tpu.memref_slice %arg9[%dma_wait3A_855] : memref<4x!tpu.dma_semaphore, #tpu.memory_space<semaphore_mem>> -> memref<1x!tpu.dma_semaphore, #tpu.memory_space<semaphore_mem>>
    %dma_wait3A_863 = tpu.memref_squeeze %dma_wait3A_862 : memref<1x!tpu.dma_semaphore, #tpu.memory_space<semaphore_mem>> -> memref<!tpu.dma_semaphore, #tpu.memory_space<semaphore_mem>>
    %dma_wait3A_864 = arith.constant 0 : i32
    %dma_wait3A_865 = tpu.memref_slice %arg4[%add3A_853, %dma_wait3A_864] : memref<100000x64xf32, #tpu.memory_space<hbm>> -> memref<184x64xf32, #tpu.memory_space<hbm>>
    %dma_wait3A_866 = arith.constant 0 : i32
    %dma_wait3A_867 = arith.constant 0 : i32
    %dma_wait3A_868 = tpu.memref_slice %arg6[%dma_wait3A_854, %dma_wait3A_866, %dma_wait3A_867] : memref<4x184x64xf32, #tpu.memory_space<vmem>> -> memref<1x184x64xf32, #tpu.memory_space<vmem>>
    %dma_wait3A_869 = tpu.memref_squeeze %dma_wait3A_868 : memref<1x184x64xf32, #tpu.memory_space<vmem>> -> memref<184x64xf32, #tpu.memory_space<vmem>>
    tpu.wait_dma2 semaphore(%dma_wait3A_863 : memref<!tpu.dma_semaphore, #tpu.memory_space<semaphore_mem>>) src(%dma_wait3A_869 : memref<184x64xf32, #tpu.memory_space<vmem>>) dst(%dma_wait3A_865 : memref<184x64xf32, #tpu.memory_space<hbm>>)
    %dma_start3A_870 = arith.constant 2 : i32
    %dma_start3A_871 = arith.constant 2 : i32
    %dma_start3A_872 = arith.constant 0 : i32
    %dma_start3A_873 = arith.constant 0 : i32
    %dma_start3A_874 = tpu.memref_slice %arg6[%dma_start3A_870, %dma_start3A_872, %dma_start3A_873] : memref<4x184x64xf32, #tpu.memory_space<vmem>> -> memref<1x184x64xf32, #tpu.memory_space<vmem>>
    %dma_start3A_875 = tpu.memref_squeeze %dma_start3A_874 : memref<1x184x64xf32, #tpu.memory_space<vmem>> -> memref<184x64xf32, #tpu.memory_space<vmem>>
    %dma_start3A_876 = arith.constant 0 : i32
    %dma_start3A_877 = tpu.memref_slice %arg2[%add3A_851, %dma_start3A_876] : memref<100000x64xf32, #tpu.memory_space<hbm>> -> memref<184x64xf32, #tpu.memory_space<hbm>>
    %dma_start3A_878 = tpu.memref_slice %arg8[%dma_start3A_871] : memref<4x!tpu.dma_semaphore, #tpu.memory_space<semaphore_mem>> -> memref<1x!tpu.dma_semaphore, #tpu.memory_space<semaphore_mem>>
    %dma_start3A_879 = tpu.memref_squeeze %dma_start3A_878 : memref<1x!tpu.dma_semaphore, #tpu.memory_space<semaphore_mem>> -> memref<!tpu.dma_semaphore, #tpu.memory_space<semaphore_mem>>
    %dma_start3A_880 = arith.constant 0 : i32
    %dma_start3A_881 = arith.constant 0 : i32
    %dma_start3A_882 = tpu.memref_slice %arg6[%dma_start3A_870, %dma_start3A_880, %dma_start3A_881] : memref<4x184x64xf32, #tpu.memory_space<vmem>> -> memref<1x184x64xf32, #tpu.memory_space<vmem>>
    %dma_start3A_883 = tpu.memref_squeeze %dma_start3A_882 : memref<1x184x64xf32, #tpu.memory_space<vmem>> -> memref<184x64xf32, #tpu.memory_space<vmem>>
    %dma_start3A_884 = arith.constant 0 : i32
    %dma_start3A_885 = tpu.memref_slice %arg2[%add3A_851, %dma_start3A_884] : memref<100000x64xf32, #tpu.memory_space<hbm>> -> memref<184x64xf32, #tpu.memory_space<hbm>>
    tpu.enqueue_dma source(%dma_start3A_885 : memref<184x64xf32, #tpu.memory_space<hbm>>) target(%dma_start3A_883 : memref<184x64xf32, #tpu.memory_space<vmem>>) target_semaphore(%dma_start3A_879 : memref<!tpu.dma_semaphore, #tpu.memory_space<semaphore_mem>>)
    %add3A_886 = arith.constant 2208 : i32
    %add3A_887 = arith.addi %min3A_3, %add3A_886 : i32
    %dma_wait3A_888 = arith.constant 0 : i32
    %dma_wait3A_889 = arith.constant 0 : i32
    %dma_wait3A_890 = arith.constant 0 : i32
    %dma_wait3A_891 = arith.constant 0 : i32
    %dma_wait3A_892 = tpu.memref_slice %arg6[%dma_wait3A_888, %dma_wait3A_890, %dma_wait3A_891] : memref<4x184x64xf32, #tpu.memory_space<vmem>> -> memref<1x184x64xf32, #tpu.memory_space<vmem>>
    %dma_wait3A_893 = tpu.memref_squeeze %dma_wait3A_892 : memref<1x184x64xf32, #tpu.memory_space<vmem>> -> memref<184x64xf32, #tpu.memory_space<vmem>>
    %dma_wait3A_894 = arith.constant 0 : i32
    %dma_wait3A_895 = tpu.memref_slice %arg2[%add3A_887, %dma_wait3A_894] : memref<100000x64xf32, #tpu.memory_space<hbm>> -> memref<184x64xf32, #tpu.memory_space<hbm>>
    %dma_wait3A_896 = tpu.memref_slice %arg8[%dma_wait3A_889] : memref<4x!tpu.dma_semaphore, #tpu.memory_space<semaphore_mem>> -> memref<1x!tpu.dma_semaphore, #tpu.memory_space<semaphore_mem>>
    %dma_wait3A_897 = tpu.memref_squeeze %dma_wait3A_896 : memref<1x!tpu.dma_semaphore, #tpu.memory_space<semaphore_mem>> -> memref<!tpu.dma_semaphore, #tpu.memory_space<semaphore_mem>>
    %dma_wait3A_898 = arith.constant 0 : i32
    %dma_wait3A_899 = arith.constant 0 : i32
    %dma_wait3A_900 = tpu.memref_slice %arg6[%dma_wait3A_888, %dma_wait3A_898, %dma_wait3A_899] : memref<4x184x64xf32, #tpu.memory_space<vmem>> -> memref<1x184x64xf32, #tpu.memory_space<vmem>>
    %dma_wait3A_901 = tpu.memref_squeeze %dma_wait3A_900 : memref<1x184x64xf32, #tpu.memory_space<vmem>> -> memref<184x64xf32, #tpu.memory_space<vmem>>
    %dma_wait3A_902 = arith.constant 0 : i32
    %dma_wait3A_903 = tpu.memref_slice %arg2[%add3A_887, %dma_wait3A_902] : memref<100000x64xf32, #tpu.memory_space<hbm>> -> memref<184x64xf32, #tpu.memory_space<hbm>>
    tpu.wait_dma2 semaphore(%dma_wait3A_897 : memref<!tpu.dma_semaphore, #tpu.memory_space<semaphore_mem>>) src(%dma_wait3A_903 : memref<184x64xf32, #tpu.memory_space<hbm>>) dst(%dma_wait3A_901 : memref<184x64xf32, #tpu.memory_space<vmem>>)
    %dma_start3A_904 = arith.constant 0 : i32
    %dma_start3A_905 = arith.constant 0 : i32
    %dma_start3A_906 = arith.constant 0 : i32
    %dma_start3A_907 = arith.constant 0 : i32
    %dma_start3A_908 = tpu.memref_slice %arg6[%dma_start3A_904, %dma_start3A_906, %dma_start3A_907] : memref<4x184x64xf32, #tpu.memory_space<vmem>> -> memref<1x184x64xf32, #tpu.memory_space<vmem>>
    %dma_start3A_909 = tpu.memref_squeeze %dma_start3A_908 : memref<1x184x64xf32, #tpu.memory_space<vmem>> -> memref<184x64xf32, #tpu.memory_space<vmem>>
    %dma_start3A_910 = arith.constant 0 : i32
    %dma_start3A_911 = tpu.memref_slice %arg4[%add3A_887, %dma_start3A_910] : memref<100000x64xf32, #tpu.memory_space<hbm>> -> memref<184x64xf32, #tpu.memory_space<hbm>>
    %dma_start3A_912 = tpu.memref_slice %arg9[%dma_start3A_905] : memref<4x!tpu.dma_semaphore, #tpu.memory_space<semaphore_mem>> -> memref<1x!tpu.dma_semaphore, #tpu.memory_space<semaphore_mem>>
    %dma_start3A_913 = tpu.memref_squeeze %dma_start3A_912 : memref<1x!tpu.dma_semaphore, #tpu.memory_space<semaphore_mem>> -> memref<!tpu.dma_semaphore, #tpu.memory_space<semaphore_mem>>
    %dma_start3A_914 = arith.constant 0 : i32
    %dma_start3A_915 = tpu.memref_slice %arg4[%add3A_887, %dma_start3A_914] : memref<100000x64xf32, #tpu.memory_space<hbm>> -> memref<184x64xf32, #tpu.memory_space<hbm>>
    %dma_start3A_916 = arith.constant 0 : i32
    %dma_start3A_917 = arith.constant 0 : i32
    %dma_start3A_918 = tpu.memref_slice %arg6[%dma_start3A_904, %dma_start3A_916, %dma_start3A_917] : memref<4x184x64xf32, #tpu.memory_space<vmem>> -> memref<1x184x64xf32, #tpu.memory_space<vmem>>
    %dma_start3A_919 = tpu.memref_squeeze %dma_start3A_918 : memref<1x184x64xf32, #tpu.memory_space<vmem>> -> memref<184x64xf32, #tpu.memory_space<vmem>>
    tpu.enqueue_dma source(%dma_start3A_919 : memref<184x64xf32, #tpu.memory_space<vmem>>) target(%dma_start3A_915 : memref<184x64xf32, #tpu.memory_space<hbm>>) target_semaphore(%dma_start3A_913 : memref<!tpu.dma_semaphore, #tpu.memory_space<semaphore_mem>>)
    %add3A_920 = arith.constant 2760 : i32
    %add3A_921 = arith.addi %min3A_3, %add3A_920 : i32
    %add3A_922 = arith.constant 2024 : i32
    %add3A_923 = arith.addi %min3A_3, %add3A_922 : i32
    %dma_wait3A_924 = arith.constant 3 : i32
    %dma_wait3A_925 = arith.constant 3 : i32
    %dma_wait3A_926 = arith.constant 0 : i32
    %dma_wait3A_927 = arith.constant 0 : i32
    %dma_wait3A_928 = tpu.memref_slice %arg6[%dma_wait3A_924, %dma_wait3A_926, %dma_wait3A_927] : memref<4x184x64xf32, #tpu.memory_space<vmem>> -> memref<1x184x64xf32, #tpu.memory_space<vmem>>
    %dma_wait3A_929 = tpu.memref_squeeze %dma_wait3A_928 : memref<1x184x64xf32, #tpu.memory_space<vmem>> -> memref<184x64xf32, #tpu.memory_space<vmem>>
    %dma_wait3A_930 = arith.constant 0 : i32
    %dma_wait3A_931 = tpu.memref_slice %arg4[%add3A_923, %dma_wait3A_930] : memref<100000x64xf32, #tpu.memory_space<hbm>> -> memref<184x64xf32, #tpu.memory_space<hbm>>
    %dma_wait3A_932 = tpu.memref_slice %arg9[%dma_wait3A_925] : memref<4x!tpu.dma_semaphore, #tpu.memory_space<semaphore_mem>> -> memref<1x!tpu.dma_semaphore, #tpu.memory_space<semaphore_mem>>
    %dma_wait3A_933 = tpu.memref_squeeze %dma_wait3A_932 : memref<1x!tpu.dma_semaphore, #tpu.memory_space<semaphore_mem>> -> memref<!tpu.dma_semaphore, #tpu.memory_space<semaphore_mem>>
    %dma_wait3A_934 = arith.constant 0 : i32
    %dma_wait3A_935 = tpu.memref_slice %arg4[%add3A_923, %dma_wait3A_934] : memref<100000x64xf32, #tpu.memory_space<hbm>> -> memref<184x64xf32, #tpu.memory_space<hbm>>
    %dma_wait3A_936 = arith.constant 0 : i32
    %dma_wait3A_937 = arith.constant 0 : i32
    %dma_wait3A_938 = tpu.memref_slice %arg6[%dma_wait3A_924, %dma_wait3A_936, %dma_wait3A_937] : memref<4x184x64xf32, #tpu.memory_space<vmem>> -> memref<1x184x64xf32, #tpu.memory_space<vmem>>
    %dma_wait3A_939 = tpu.memref_squeeze %dma_wait3A_938 : memref<1x184x64xf32, #tpu.memory_space<vmem>> -> memref<184x64xf32, #tpu.memory_space<vmem>>
    tpu.wait_dma2 semaphore(%dma_wait3A_933 : memref<!tpu.dma_semaphore, #tpu.memory_space<semaphore_mem>>) src(%dma_wait3A_939 : memref<184x64xf32, #tpu.memory_space<vmem>>) dst(%dma_wait3A_935 : memref<184x64xf32, #tpu.memory_space<hbm>>)
    %dma_start3A_940 = arith.constant 3 : i32
    %dma_start3A_941 = arith.constant 3 : i32
    %dma_start3A_942 = arith.constant 0 : i32
    %dma_start3A_943 = arith.constant 0 : i32
    %dma_start3A_944 = tpu.memref_slice %arg6[%dma_start3A_940, %dma_start3A_942, %dma_start3A_943] : memref<4x184x64xf32, #tpu.memory_space<vmem>> -> memref<1x184x64xf32, #tpu.memory_space<vmem>>
    %dma_start3A_945 = tpu.memref_squeeze %dma_start3A_944 : memref<1x184x64xf32, #tpu.memory_space<vmem>> -> memref<184x64xf32, #tpu.memory_space<vmem>>
    %dma_start3A_946 = arith.constant 0 : i32
    %dma_start3A_947 = tpu.memref_slice %arg2[%add3A_921, %dma_start3A_946] : memref<100000x64xf32, #tpu.memory_space<hbm>> -> memref<184x64xf32, #tpu.memory_space<hbm>>
    %dma_start3A_948 = tpu.memref_slice %arg8[%dma_start3A_941] : memref<4x!tpu.dma_semaphore, #tpu.memory_space<semaphore_mem>> -> memref<1x!tpu.dma_semaphore, #tpu.memory_space<semaphore_mem>>
    %dma_start3A_949 = tpu.memref_squeeze %dma_start3A_948 : memref<1x!tpu.dma_semaphore, #tpu.memory_space<semaphore_mem>> -> memref<!tpu.dma_semaphore, #tpu.memory_space<semaphore_mem>>
    %dma_start3A_950 = arith.constant 0 : i32
    %dma_start3A_951 = arith.constant 0 : i32
    %dma_start3A_952 = tpu.memref_slice %arg6[%dma_start3A_940, %dma_start3A_950, %dma_start3A_951] : memref<4x184x64xf32, #tpu.memory_space<vmem>> -> memref<1x184x64xf32, #tpu.memory_space<vmem>>
    %dma_start3A_953 = tpu.memref_squeeze %dma_start3A_952 : memref<1x184x64xf32, #tpu.memory_space<vmem>> -> memref<184x64xf32, #tpu.memory_space<vmem>>
    %dma_start3A_954 = arith.constant 0 : i32
    %dma_start3A_955 = tpu.memref_slice %arg2[%add3A_921, %dma_start3A_954] : memref<100000x64xf32, #tpu.memory_space<hbm>> -> memref<184x64xf32, #tpu.memory_space<hbm>>
    tpu.enqueue_dma source(%dma_start3A_955 : memref<184x64xf32, #tpu.memory_space<hbm>>) target(%dma_start3A_953 : memref<184x64xf32, #tpu.memory_space<vmem>>) target_semaphore(%dma_start3A_949 : memref<!tpu.dma_semaphore, #tpu.memory_space<semaphore_mem>>)
    %add3A_956 = arith.constant 2392 : i32
    %add3A_957 = arith.addi %min3A_3, %add3A_956 : i32
    %dma_wait3A_958 = arith.constant 1 : i32
    %dma_wait3A_959 = arith.constant 1 : i32
    %dma_wait3A_960 = arith.constant 0 : i32
    %dma_wait3A_961 = arith.constant 0 : i32
    %dma_wait3A_962 = tpu.memref_slice %arg6[%dma_wait3A_958, %dma_wait3A_960, %dma_wait3A_961] : memref<4x184x64xf32, #tpu.memory_space<vmem>> -> memref<1x184x64xf32, #tpu.memory_space<vmem>>
    %dma_wait3A_963 = tpu.memref_squeeze %dma_wait3A_962 : memref<1x184x64xf32, #tpu.memory_space<vmem>> -> memref<184x64xf32, #tpu.memory_space<vmem>>
    %dma_wait3A_964 = arith.constant 0 : i32
    %dma_wait3A_965 = tpu.memref_slice %arg2[%add3A_957, %dma_wait3A_964] : memref<100000x64xf32, #tpu.memory_space<hbm>> -> memref<184x64xf32, #tpu.memory_space<hbm>>
    %dma_wait3A_966 = tpu.memref_slice %arg8[%dma_wait3A_959] : memref<4x!tpu.dma_semaphore, #tpu.memory_space<semaphore_mem>> -> memref<1x!tpu.dma_semaphore, #tpu.memory_space<semaphore_mem>>
    %dma_wait3A_967 = tpu.memref_squeeze %dma_wait3A_966 : memref<1x!tpu.dma_semaphore, #tpu.memory_space<semaphore_mem>> -> memref<!tpu.dma_semaphore, #tpu.memory_space<semaphore_mem>>
    %dma_wait3A_968 = arith.constant 0 : i32
    %dma_wait3A_969 = arith.constant 0 : i32
    %dma_wait3A_970 = tpu.memref_slice %arg6[%dma_wait3A_958, %dma_wait3A_968, %dma_wait3A_969] : memref<4x184x64xf32, #tpu.memory_space<vmem>> -> memref<1x184x64xf32, #tpu.memory_space<vmem>>
    %dma_wait3A_971 = tpu.memref_squeeze %dma_wait3A_970 : memref<1x184x64xf32, #tpu.memory_space<vmem>> -> memref<184x64xf32, #tpu.memory_space<vmem>>
    %dma_wait3A_972 = arith.constant 0 : i32
    %dma_wait3A_973 = tpu.memref_slice %arg2[%add3A_957, %dma_wait3A_972] : memref<100000x64xf32, #tpu.memory_space<hbm>> -> memref<184x64xf32, #tpu.memory_space<hbm>>
    tpu.wait_dma2 semaphore(%dma_wait3A_967 : memref<!tpu.dma_semaphore, #tpu.memory_space<semaphore_mem>>) src(%dma_wait3A_973 : memref<184x64xf32, #tpu.memory_space<hbm>>) dst(%dma_wait3A_971 : memref<184x64xf32, #tpu.memory_space<vmem>>)
    %dma_start3A_974 = arith.constant 1 : i32
    %dma_start3A_975 = arith.constant 1 : i32
    %dma_start3A_976 = arith.constant 0 : i32
    %dma_start3A_977 = arith.constant 0 : i32
    %dma_start3A_978 = tpu.memref_slice %arg6[%dma_start3A_974, %dma_start3A_976, %dma_start3A_977] : memref<4x184x64xf32, #tpu.memory_space<vmem>> -> memref<1x184x64xf32, #tpu.memory_space<vmem>>
    %dma_start3A_979 = tpu.memref_squeeze %dma_start3A_978 : memref<1x184x64xf32, #tpu.memory_space<vmem>> -> memref<184x64xf32, #tpu.memory_space<vmem>>
    %dma_start3A_980 = arith.constant 0 : i32
    %dma_start3A_981 = tpu.memref_slice %arg4[%add3A_957, %dma_start3A_980] : memref<100000x64xf32, #tpu.memory_space<hbm>> -> memref<184x64xf32, #tpu.memory_space<hbm>>
    %dma_start3A_982 = tpu.memref_slice %arg9[%dma_start3A_975] : memref<4x!tpu.dma_semaphore, #tpu.memory_space<semaphore_mem>> -> memref<1x!tpu.dma_semaphore, #tpu.memory_space<semaphore_mem>>
    %dma_start3A_983 = tpu.memref_squeeze %dma_start3A_982 : memref<1x!tpu.dma_semaphore, #tpu.memory_space<semaphore_mem>> -> memref<!tpu.dma_semaphore, #tpu.memory_space<semaphore_mem>>
    %dma_start3A_984 = arith.constant 0 : i32
    %dma_start3A_985 = tpu.memref_slice %arg4[%add3A_957, %dma_start3A_984] : memref<100000x64xf32, #tpu.memory_space<hbm>> -> memref<184x64xf32, #tpu.memory_space<hbm>>
    %dma_start3A_986 = arith.constant 0 : i32
    %dma_start3A_987 = arith.constant 0 : i32
    %dma_start3A_988 = tpu.memref_slice %arg6[%dma_start3A_974, %dma_start3A_986, %dma_start3A_987] : memref<4x184x64xf32, #tpu.memory_space<vmem>> -> memref<1x184x64xf32, #tpu.memory_space<vmem>>
    %dma_start3A_989 = tpu.memref_squeeze %dma_start3A_988 : memref<1x184x64xf32, #tpu.memory_space<vmem>> -> memref<184x64xf32, #tpu.memory_space<vmem>>
    tpu.enqueue_dma source(%dma_start3A_989 : memref<184x64xf32, #tpu.memory_space<vmem>>) target(%dma_start3A_985 : memref<184x64xf32, #tpu.memory_space<hbm>>) target_semaphore(%dma_start3A_983 : memref<!tpu.dma_semaphore, #tpu.memory_space<semaphore_mem>>)
    %add3A_990 = arith.constant 2944 : i32
    %add3A_991 = arith.addi %min3A_3, %add3A_990 : i32
    %add3A_992 = arith.constant 2208 : i32
    %add3A_993 = arith.addi %min3A_3, %add3A_992 : i32
    %dma_wait3A_994 = arith.constant 0 : i32
    %dma_wait3A_995 = arith.constant 0 : i32
    %dma_wait3A_996 = arith.constant 0 : i32
    %dma_wait3A_997 = arith.constant 0 : i32
    %dma_wait3A_998 = tpu.memref_slice %arg6[%dma_wait3A_994, %dma_wait3A_996, %dma_wait3A_997] : memref<4x184x64xf32, #tpu.memory_space<vmem>> -> memref<1x184x64xf32, #tpu.memory_space<vmem>>
    %dma_wait3A_999 = tpu.memref_squeeze %dma_wait3A_998 : memref<1x184x64xf32, #tpu.memory_space<vmem>> -> memref<184x64xf32, #tpu.memory_space<vmem>>
    %dma_wait3A_1000 = arith.constant 0 : i32
    %dma_wait3A_1001 = tpu.memref_slice %arg4[%add3A_993, %dma_wait3A_1000] : memref<100000x64xf32, #tpu.memory_space<hbm>> -> memref<184x64xf32, #tpu.memory_space<hbm>>
    %dma_wait3A_1002 = tpu.memref_slice %arg9[%dma_wait3A_995] : memref<4x!tpu.dma_semaphore, #tpu.memory_space<semaphore_mem>> -> memref<1x!tpu.dma_semaphore, #tpu.memory_space<semaphore_mem>>
    %dma_wait3A_1003 = tpu.memref_squeeze %dma_wait3A_1002 : memref<1x!tpu.dma_semaphore, #tpu.memory_space<semaphore_mem>> -> memref<!tpu.dma_semaphore, #tpu.memory_space<semaphore_mem>>
    %dma_wait3A_1004 = arith.constant 0 : i32
    %dma_wait3A_1005 = tpu.memref_slice %arg4[%add3A_993, %dma_wait3A_1004] : memref<100000x64xf32, #tpu.memory_space<hbm>> -> memref<184x64xf32, #tpu.memory_space<hbm>>
    %dma_wait3A_1006 = arith.constant 0 : i32
    %dma_wait3A_1007 = arith.constant 0 : i32
    %dma_wait3A_1008 = tpu.memref_slice %arg6[%dma_wait3A_994, %dma_wait3A_1006, %dma_wait3A_1007] : memref<4x184x64xf32, #tpu.memory_space<vmem>> -> memref<1x184x64xf32, #tpu.memory_space<vmem>>
    %dma_wait3A_1009 = tpu.memref_squeeze %dma_wait3A_1008 : memref<1x184x64xf32, #tpu.memory_space<vmem>> -> memref<184x64xf32, #tpu.memory_space<vmem>>
    tpu.wait_dma2 semaphore(%dma_wait3A_1003 : memref<!tpu.dma_semaphore, #tpu.memory_space<semaphore_mem>>) src(%dma_wait3A_1009 : memref<184x64xf32, #tpu.memory_space<vmem>>) dst(%dma_wait3A_1005 : memref<184x64xf32, #tpu.memory_space<hbm>>)
    %dma_start3A_1010 = arith.constant 0 : i32
    %dma_start3A_1011 = arith.constant 0 : i32
    %dma_start3A_1012 = arith.constant 0 : i32
    %dma_start3A_1013 = arith.constant 0 : i32
    %dma_start3A_1014 = tpu.memref_slice %arg6[%dma_start3A_1010, %dma_start3A_1012, %dma_start3A_1013] : memref<4x184x64xf32, #tpu.memory_space<vmem>> -> memref<1x184x64xf32, #tpu.memory_space<vmem>>
    %dma_start3A_1015 = tpu.memref_squeeze %dma_start3A_1014 : memref<1x184x64xf32, #tpu.memory_space<vmem>> -> memref<184x64xf32, #tpu.memory_space<vmem>>
    %dma_start3A_1016 = arith.constant 0 : i32
    %dma_start3A_1017 = tpu.memref_slice %arg2[%add3A_991, %dma_start3A_1016] : memref<100000x64xf32, #tpu.memory_space<hbm>> -> memref<184x64xf32, #tpu.memory_space<hbm>>
    %dma_start3A_1018 = tpu.memref_slice %arg8[%dma_start3A_1011] : memref<4x!tpu.dma_semaphore, #tpu.memory_space<semaphore_mem>> -> memref<1x!tpu.dma_semaphore, #tpu.memory_space<semaphore_mem>>
    %dma_start3A_1019 = tpu.memref_squeeze %dma_start3A_1018 : memref<1x!tpu.dma_semaphore, #tpu.memory_space<semaphore_mem>> -> memref<!tpu.dma_semaphore, #tpu.memory_space<semaphore_mem>>
    %dma_start3A_1020 = arith.constant 0 : i32
    %dma_start3A_1021 = arith.constant 0 : i32
    %dma_start3A_1022 = tpu.memref_slice %arg6[%dma_start3A_1010, %dma_start3A_1020, %dma_start3A_1021] : memref<4x184x64xf32, #tpu.memory_space<vmem>> -> memref<1x184x64xf32, #tpu.memory_space<vmem>>
    %dma_start3A_1023 = tpu.memref_squeeze %dma_start3A_1022 : memref<1x184x64xf32, #tpu.memory_space<vmem>> -> memref<184x64xf32, #tpu.memory_space<vmem>>
    %dma_start3A_1024 = arith.constant 0 : i32
    %dma_start3A_1025 = tpu.memref_slice %arg2[%add3A_991, %dma_start3A_1024] : memref<100000x64xf32, #tpu.memory_space<hbm>> -> memref<184x64xf32, #tpu.memory_space<hbm>>
    tpu.enqueue_dma source(%dma_start3A_1025 : memref<184x64xf32, #tpu.memory_space<hbm>>) target(%dma_start3A_1023 : memref<184x64xf32, #tpu.memory_space<vmem>>) target_semaphore(%dma_start3A_1019 : memref<!tpu.dma_semaphore, #tpu.memory_space<semaphore_mem>>)
    %add3A_1026 = arith.constant 2576 : i32
    %add3A_1027 = arith.addi %min3A_3, %add3A_1026 : i32
    %dma_wait3A_1028 = arith.constant 2 : i32
    %dma_wait3A_1029 = arith.constant 2 : i32
    %dma_wait3A_1030 = arith.constant 0 : i32
    %dma_wait3A_1031 = arith.constant 0 : i32
    %dma_wait3A_1032 = tpu.memref_slice %arg6[%dma_wait3A_1028, %dma_wait3A_1030, %dma_wait3A_1031] : memref<4x184x64xf32, #tpu.memory_space<vmem>> -> memref<1x184x64xf32, #tpu.memory_space<vmem>>
    %dma_wait3A_1033 = tpu.memref_squeeze %dma_wait3A_1032 : memref<1x184x64xf32, #tpu.memory_space<vmem>> -> memref<184x64xf32, #tpu.memory_space<vmem>>
    %dma_wait3A_1034 = arith.constant 0 : i32
    %dma_wait3A_1035 = tpu.memref_slice %arg2[%add3A_1027, %dma_wait3A_1034] : memref<100000x64xf32, #tpu.memory_space<hbm>> -> memref<184x64xf32, #tpu.memory_space<hbm>>
    %dma_wait3A_1036 = tpu.memref_slice %arg8[%dma_wait3A_1029] : memref<4x!tpu.dma_semaphore, #tpu.memory_space<semaphore_mem>> -> memref<1x!tpu.dma_semaphore, #tpu.memory_space<semaphore_mem>>
    %dma_wait3A_1037 = tpu.memref_squeeze %dma_wait3A_1036 : memref<1x!tpu.dma_semaphore, #tpu.memory_space<semaphore_mem>> -> memref<!tpu.dma_semaphore, #tpu.memory_space<semaphore_mem>>
    %dma_wait3A_1038 = arith.constant 0 : i32
    %dma_wait3A_1039 = arith.constant 0 : i32
    %dma_wait3A_1040 = tpu.memref_slice %arg6[%dma_wait3A_1028, %dma_wait3A_1038, %dma_wait3A_1039] : memref<4x184x64xf32, #tpu.memory_space<vmem>> -> memref<1x184x64xf32, #tpu.memory_space<vmem>>
    %dma_wait3A_1041 = tpu.memref_squeeze %dma_wait3A_1040 : memref<1x184x64xf32, #tpu.memory_space<vmem>> -> memref<184x64xf32, #tpu.memory_space<vmem>>
    %dma_wait3A_1042 = arith.constant 0 : i32
    %dma_wait3A_1043 = tpu.memref_slice %arg2[%add3A_1027, %dma_wait3A_1042] : memref<100000x64xf32, #tpu.memory_space<hbm>> -> memref<184x64xf32, #tpu.memory_space<hbm>>
    tpu.wait_dma2 semaphore(%dma_wait3A_1037 : memref<!tpu.dma_semaphore, #tpu.memory_space<semaphore_mem>>) src(%dma_wait3A_1043 : memref<184x64xf32, #tpu.memory_space<hbm>>) dst(%dma_wait3A_1041 : memref<184x64xf32, #tpu.memory_space<vmem>>)
    %dma_start3A_1044 = arith.constant 2 : i32
    %dma_start3A_1045 = arith.constant 2 : i32
    %dma_start3A_1046 = arith.constant 0 : i32
    %dma_start3A_1047 = arith.constant 0 : i32
    %dma_start3A_1048 = tpu.memref_slice %arg6[%dma_start3A_1044, %dma_start3A_1046, %dma_start3A_1047] : memref<4x184x64xf32, #tpu.memory_space<vmem>> -> memref<1x184x64xf32, #tpu.memory_space<vmem>>
    %dma_start3A_1049 = tpu.memref_squeeze %dma_start3A_1048 : memref<1x184x64xf32, #tpu.memory_space<vmem>> -> memref<184x64xf32, #tpu.memory_space<vmem>>
    %dma_start3A_1050 = arith.constant 0 : i32
    %dma_start3A_1051 = tpu.memref_slice %arg4[%add3A_1027, %dma_start3A_1050] : memref<100000x64xf32, #tpu.memory_space<hbm>> -> memref<184x64xf32, #tpu.memory_space<hbm>>
    %dma_start3A_1052 = tpu.memref_slice %arg9[%dma_start3A_1045] : memref<4x!tpu.dma_semaphore, #tpu.memory_space<semaphore_mem>> -> memref<1x!tpu.dma_semaphore, #tpu.memory_space<semaphore_mem>>
    %dma_start3A_1053 = tpu.memref_squeeze %dma_start3A_1052 : memref<1x!tpu.dma_semaphore, #tpu.memory_space<semaphore_mem>> -> memref<!tpu.dma_semaphore, #tpu.memory_space<semaphore_mem>>
    %dma_start3A_1054 = arith.constant 0 : i32
    %dma_start3A_1055 = tpu.memref_slice %arg4[%add3A_1027, %dma_start3A_1054] : memref<100000x64xf32, #tpu.memory_space<hbm>> -> memref<184x64xf32, #tpu.memory_space<hbm>>
    %dma_start3A_1056 = arith.constant 0 : i32
    %dma_start3A_1057 = arith.constant 0 : i32
    %dma_start3A_1058 = tpu.memref_slice %arg6[%dma_start3A_1044, %dma_start3A_1056, %dma_start3A_1057] : memref<4x184x64xf32, #tpu.memory_space<vmem>> -> memref<1x184x64xf32, #tpu.memory_space<vmem>>
    %dma_start3A_1059 = tpu.memref_squeeze %dma_start3A_1058 : memref<1x184x64xf32, #tpu.memory_space<vmem>> -> memref<184x64xf32, #tpu.memory_space<vmem>>
    tpu.enqueue_dma source(%dma_start3A_1059 : memref<184x64xf32, #tpu.memory_space<vmem>>) target(%dma_start3A_1055 : memref<184x64xf32, #tpu.memory_space<hbm>>) target_semaphore(%dma_start3A_1053 : memref<!tpu.dma_semaphore, #tpu.memory_space<semaphore_mem>>)
    %add3A_1060 = arith.constant 2760 : i32
    %add3A_1061 = arith.addi %min3A_3, %add3A_1060 : i32
    %dma_wait3A_1062 = arith.constant 3 : i32
    %dma_wait3A_1063 = arith.constant 3 : i32
    %dma_wait3A_1064 = arith.constant 0 : i32
    %dma_wait3A_1065 = arith.constant 0 : i32
    %dma_wait3A_1066 = tpu.memref_slice %arg6[%dma_wait3A_1062, %dma_wait3A_1064, %dma_wait3A_1065] : memref<4x184x64xf32, #tpu.memory_space<vmem>> -> memref<1x184x64xf32, #tpu.memory_space<vmem>>
    %dma_wait3A_1067 = tpu.memref_squeeze %dma_wait3A_1066 : memref<1x184x64xf32, #tpu.memory_space<vmem>> -> memref<184x64xf32, #tpu.memory_space<vmem>>
    %dma_wait3A_1068 = arith.constant 0 : i32
    %dma_wait3A_1069 = tpu.memref_slice %arg2[%add3A_1061, %dma_wait3A_1068] : memref<100000x64xf32, #tpu.memory_space<hbm>> -> memref<184x64xf32, #tpu.memory_space<hbm>>
    %dma_wait3A_1070 = tpu.memref_slice %arg8[%dma_wait3A_1063] : memref<4x!tpu.dma_semaphore, #tpu.memory_space<semaphore_mem>> -> memref<1x!tpu.dma_semaphore, #tpu.memory_space<semaphore_mem>>
    %dma_wait3A_1071 = tpu.memref_squeeze %dma_wait3A_1070 : memref<1x!tpu.dma_semaphore, #tpu.memory_space<semaphore_mem>> -> memref<!tpu.dma_semaphore, #tpu.memory_space<semaphore_mem>>
    %dma_wait3A_1072 = arith.constant 0 : i32
    %dma_wait3A_1073 = arith.constant 0 : i32
    %dma_wait3A_1074 = tpu.memref_slice %arg6[%dma_wait3A_1062, %dma_wait3A_1072, %dma_wait3A_1073] : memref<4x184x64xf32, #tpu.memory_space<vmem>> -> memref<1x184x64xf32, #tpu.memory_space<vmem>>
    %dma_wait3A_1075 = tpu.memref_squeeze %dma_wait3A_1074 : memref<1x184x64xf32, #tpu.memory_space<vmem>> -> memref<184x64xf32, #tpu.memory_space<vmem>>
    %dma_wait3A_1076 = arith.constant 0 : i32
    %dma_wait3A_1077 = tpu.memref_slice %arg2[%add3A_1061, %dma_wait3A_1076] : memref<100000x64xf32, #tpu.memory_space<hbm>> -> memref<184x64xf32, #tpu.memory_space<hbm>>
    tpu.wait_dma2 semaphore(%dma_wait3A_1071 : memref<!tpu.dma_semaphore, #tpu.memory_space<semaphore_mem>>) src(%dma_wait3A_1077 : memref<184x64xf32, #tpu.memory_space<hbm>>) dst(%dma_wait3A_1075 : memref<184x64xf32, #tpu.memory_space<vmem>>)
    %dma_start3A_1078 = arith.constant 3 : i32
    %dma_start3A_1079 = arith.constant 3 : i32
    %dma_start3A_1080 = arith.constant 0 : i32
    %dma_start3A_1081 = arith.constant 0 : i32
    %dma_start3A_1082 = tpu.memref_slice %arg6[%dma_start3A_1078, %dma_start3A_1080, %dma_start3A_1081] : memref<4x184x64xf32, #tpu.memory_space<vmem>> -> memref<1x184x64xf32, #tpu.memory_space<vmem>>
    %dma_start3A_1083 = tpu.memref_squeeze %dma_start3A_1082 : memref<1x184x64xf32, #tpu.memory_space<vmem>> -> memref<184x64xf32, #tpu.memory_space<vmem>>
    %dma_start3A_1084 = arith.constant 0 : i32
    %dma_start3A_1085 = tpu.memref_slice %arg4[%add3A_1061, %dma_start3A_1084] : memref<100000x64xf32, #tpu.memory_space<hbm>> -> memref<184x64xf32, #tpu.memory_space<hbm>>
    %dma_start3A_1086 = tpu.memref_slice %arg9[%dma_start3A_1079] : memref<4x!tpu.dma_semaphore, #tpu.memory_space<semaphore_mem>> -> memref<1x!tpu.dma_semaphore, #tpu.memory_space<semaphore_mem>>
    %dma_start3A_1087 = tpu.memref_squeeze %dma_start3A_1086 : memref<1x!tpu.dma_semaphore, #tpu.memory_space<semaphore_mem>> -> memref<!tpu.dma_semaphore, #tpu.memory_space<semaphore_mem>>
    %dma_start3A_1088 = arith.constant 0 : i32
    %dma_start3A_1089 = tpu.memref_slice %arg4[%add3A_1061, %dma_start3A_1088] : memref<100000x64xf32, #tpu.memory_space<hbm>> -> memref<184x64xf32, #tpu.memory_space<hbm>>
    %dma_start3A_1090 = arith.constant 0 : i32
    %dma_start3A_1091 = arith.constant 0 : i32
    %dma_start3A_1092 = tpu.memref_slice %arg6[%dma_start3A_1078, %dma_start3A_1090, %dma_start3A_1091] : memref<4x184x64xf32, #tpu.memory_space<vmem>> -> memref<1x184x64xf32, #tpu.memory_space<vmem>>
    %dma_start3A_1093 = tpu.memref_squeeze %dma_start3A_1092 : memref<1x184x64xf32, #tpu.memory_space<vmem>> -> memref<184x64xf32, #tpu.memory_space<vmem>>
    tpu.enqueue_dma source(%dma_start3A_1093 : memref<184x64xf32, #tpu.memory_space<vmem>>) target(%dma_start3A_1089 : memref<184x64xf32, #tpu.memory_space<hbm>>) target_semaphore(%dma_start3A_1087 : memref<!tpu.dma_semaphore, #tpu.memory_space<semaphore_mem>>)
    %add3A_1094 = arith.constant 2944 : i32
    %add3A_1095 = arith.addi %min3A_3, %add3A_1094 : i32
    %dma_wait3A_1096 = arith.constant 0 : i32
    %dma_wait3A_1097 = arith.constant 0 : i32
    %dma_wait3A_1098 = arith.constant 0 : i32
    %dma_wait3A_1099 = arith.constant 0 : i32
    %dma_wait3A_1100 = tpu.memref_slice %arg6[%dma_wait3A_1096, %dma_wait3A_1098, %dma_wait3A_1099] : memref<4x184x64xf32, #tpu.memory_space<vmem>> -> memref<1x184x64xf32, #tpu.memory_space<vmem>>
    %dma_wait3A_1101 = tpu.memref_squeeze %dma_wait3A_1100 : memref<1x184x64xf32, #tpu.memory_space<vmem>> -> memref<184x64xf32, #tpu.memory_space<vmem>>
    %dma_wait3A_1102 = arith.constant 0 : i32
    %dma_wait3A_1103 = tpu.memref_slice %arg2[%add3A_1095, %dma_wait3A_1102] : memref<100000x64xf32, #tpu.memory_space<hbm>> -> memref<184x64xf32, #tpu.memory_space<hbm>>
    %dma_wait3A_1104 = tpu.memref_slice %arg8[%dma_wait3A_1097] : memref<4x!tpu.dma_semaphore, #tpu.memory_space<semaphore_mem>> -> memref<1x!tpu.dma_semaphore, #tpu.memory_space<semaphore_mem>>
    %dma_wait3A_1105 = tpu.memref_squeeze %dma_wait3A_1104 : memref<1x!tpu.dma_semaphore, #tpu.memory_space<semaphore_mem>> -> memref<!tpu.dma_semaphore, #tpu.memory_space<semaphore_mem>>
    %dma_wait3A_1106 = arith.constant 0 : i32
    %dma_wait3A_1107 = arith.constant 0 : i32
    %dma_wait3A_1108 = tpu.memref_slice %arg6[%dma_wait3A_1096, %dma_wait3A_1106, %dma_wait3A_1107] : memref<4x184x64xf32, #tpu.memory_space<vmem>> -> memref<1x184x64xf32, #tpu.memory_space<vmem>>
    %dma_wait3A_1109 = tpu.memref_squeeze %dma_wait3A_1108 : memref<1x184x64xf32, #tpu.memory_space<vmem>> -> memref<184x64xf32, #tpu.memory_space<vmem>>
    %dma_wait3A_1110 = arith.constant 0 : i32
    %dma_wait3A_1111 = tpu.memref_slice %arg2[%add3A_1095, %dma_wait3A_1110] : memref<100000x64xf32, #tpu.memory_space<hbm>> -> memref<184x64xf32, #tpu.memory_space<hbm>>
    tpu.wait_dma2 semaphore(%dma_wait3A_1105 : memref<!tpu.dma_semaphore, #tpu.memory_space<semaphore_mem>>) src(%dma_wait3A_1111 : memref<184x64xf32, #tpu.memory_space<hbm>>) dst(%dma_wait3A_1109 : memref<184x64xf32, #tpu.memory_space<vmem>>)
    %dma_start3A_1112 = arith.constant 0 : i32
    %dma_start3A_1113 = arith.constant 0 : i32
    %dma_start3A_1114 = arith.constant 0 : i32
    %dma_start3A_1115 = arith.constant 0 : i32
    %dma_start3A_1116 = tpu.memref_slice %arg6[%dma_start3A_1112, %dma_start3A_1114, %dma_start3A_1115] : memref<4x184x64xf32, #tpu.memory_space<vmem>> -> memref<1x184x64xf32, #tpu.memory_space<vmem>>
    %dma_start3A_1117 = tpu.memref_squeeze %dma_start3A_1116 : memref<1x184x64xf32, #tpu.memory_space<vmem>> -> memref<184x64xf32, #tpu.memory_space<vmem>>
    %dma_start3A_1118 = arith.constant 0 : i32
    %dma_start3A_1119 = tpu.memref_slice %arg4[%add3A_1095, %dma_start3A_1118] : memref<100000x64xf32, #tpu.memory_space<hbm>> -> memref<184x64xf32, #tpu.memory_space<hbm>>
    %dma_start3A_1120 = tpu.memref_slice %arg9[%dma_start3A_1113] : memref<4x!tpu.dma_semaphore, #tpu.memory_space<semaphore_mem>> -> memref<1x!tpu.dma_semaphore, #tpu.memory_space<semaphore_mem>>
    %dma_start3A_1121 = tpu.memref_squeeze %dma_start3A_1120 : memref<1x!tpu.dma_semaphore, #tpu.memory_space<semaphore_mem>> -> memref<!tpu.dma_semaphore, #tpu.memory_space<semaphore_mem>>
    %dma_start3A_1122 = arith.constant 0 : i32
    %dma_start3A_1123 = tpu.memref_slice %arg4[%add3A_1095, %dma_start3A_1122] : memref<100000x64xf32, #tpu.memory_space<hbm>> -> memref<184x64xf32, #tpu.memory_space<hbm>>
    %dma_start3A_1124 = arith.constant 0 : i32
    %dma_start3A_1125 = arith.constant 0 : i32
    %dma_start3A_1126 = tpu.memref_slice %arg6[%dma_start3A_1112, %dma_start3A_1124, %dma_start3A_1125] : memref<4x184x64xf32, #tpu.memory_space<vmem>> -> memref<1x184x64xf32, #tpu.memory_space<vmem>>
    %dma_start3A_1127 = tpu.memref_squeeze %dma_start3A_1126 : memref<1x184x64xf32, #tpu.memory_space<vmem>> -> memref<184x64xf32, #tpu.memory_space<vmem>>
    tpu.enqueue_dma source(%dma_start3A_1127 : memref<184x64xf32, #tpu.memory_space<vmem>>) target(%dma_start3A_1123 : memref<184x64xf32, #tpu.memory_space<hbm>>) target_semaphore(%dma_start3A_1121 : memref<!tpu.dma_semaphore, #tpu.memory_space<semaphore_mem>>)
    %dma_wait3A_1128 = arith.constant 0 : i32
    %dma_wait3A_1129 = tpu.memref_slice %arg3[%min3A_7, %dma_wait3A_1128] : memref<1000x64xf32, #tpu.memory_space<hbm>> -> memref<32x64xf32, #tpu.memory_space<hbm>>
    %dma_wait3A_1130 = arith.constant 0 : i32
    %dma_wait3A_1131 = tpu.memref_slice %arg3[%min3A_7, %dma_wait3A_1130] : memref<1000x64xf32, #tpu.memory_space<hbm>> -> memref<32x64xf32, #tpu.memory_space<hbm>>
    tpu.wait_dma2 semaphore(%arg10 : memref<!tpu.dma_semaphore, #tpu.memory_space<semaphore_mem>>) src(%dma_wait3A_1131 : memref<32x64xf32, #tpu.memory_space<hbm>>) dst(%arg7 : memref<32x64xf32, #tpu.memory_space<vmem>>)
    %dma_start3A_1132 = arith.constant 0 : i32
    %dma_start3A_1133 = tpu.memref_slice %arg5[%min3A_7, %dma_start3A_1132] : memref<1000x64xf32, #tpu.memory_space<hbm>> -> memref<32x64xf32, #tpu.memory_space<hbm>>
    %dma_start3A_1134 = arith.constant 0 : i32
    %dma_start3A_1135 = tpu.memref_slice %arg5[%min3A_7, %dma_start3A_1134] : memref<1000x64xf32, #tpu.memory_space<hbm>> -> memref<32x64xf32, #tpu.memory_space<hbm>>
    tpu.enqueue_dma source(%arg7 : memref<32x64xf32, #tpu.memory_space<vmem>>) target(%dma_start3A_1135 : memref<32x64xf32, #tpu.memory_space<hbm>>) target_semaphore(%arg10 : memref<!tpu.dma_semaphore, #tpu.memory_space<semaphore_mem>>)
    %add3A_1136 = arith.constant 2392 : i32
    %add3A_1137 = arith.addi %min3A_3, %add3A_1136 : i32
    %dma_wait3A_1138 = arith.constant 1 : i32
    %dma_wait3A_1139 = arith.constant 1 : i32
    %dma_wait3A_1140 = arith.constant 0 : i32
    %dma_wait3A_1141 = arith.constant 0 : i32
    %dma_wait3A_1142 = tpu.memref_slice %arg6[%dma_wait3A_1138, %dma_wait3A_1140, %dma_wait3A_1141] : memref<4x184x64xf32, #tpu.memory_space<vmem>> -> memref<1x184x64xf32, #tpu.memory_space<vmem>>
    %dma_wait3A_1143 = tpu.memref_squeeze %dma_wait3A_1142 : memref<1x184x64xf32, #tpu.memory_space<vmem>> -> memref<184x64xf32, #tpu.memory_space<vmem>>
    %dma_wait3A_1144 = arith.constant 0 : i32
    %dma_wait3A_1145 = tpu.memref_slice %arg4[%add3A_1137, %dma_wait3A_1144] : memref<100000x64xf32, #tpu.memory_space<hbm>> -> memref<184x64xf32, #tpu.memory_space<hbm>>
    %dma_wait3A_1146 = tpu.memref_slice %arg9[%dma_wait3A_1139] : memref<4x!tpu.dma_semaphore, #tpu.memory_space<semaphore_mem>> -> memref<1x!tpu.dma_semaphore, #tpu.memory_space<semaphore_mem>>
    %dma_wait3A_1147 = tpu.memref_squeeze %dma_wait3A_1146 : memref<1x!tpu.dma_semaphore, #tpu.memory_space<semaphore_mem>> -> memref<!tpu.dma_semaphore, #tpu.memory_space<semaphore_mem>>
    %dma_wait3A_1148 = arith.constant 0 : i32
    %dma_wait3A_1149 = tpu.memref_slice %arg4[%add3A_1137, %dma_wait3A_1148] : memref<100000x64xf32, #tpu.memory_space<hbm>> -> memref<184x64xf32, #tpu.memory_space<hbm>>
    %dma_wait3A_1150 = arith.constant 0 : i32
    %dma_wait3A_1151 = arith.constant 0 : i32
    %dma_wait3A_1152 = tpu.memref_slice %arg6[%dma_wait3A_1138, %dma_wait3A_1150, %dma_wait3A_1151] : memref<4x184x64xf32, #tpu.memory_space<vmem>> -> memref<1x184x64xf32, #tpu.memory_space<vmem>>
    %dma_wait3A_1153 = tpu.memref_squeeze %dma_wait3A_1152 : memref<1x184x64xf32, #tpu.memory_space<vmem>> -> memref<184x64xf32, #tpu.memory_space<vmem>>
    tpu.wait_dma2 semaphore(%dma_wait3A_1147 : memref<!tpu.dma_semaphore, #tpu.memory_space<semaphore_mem>>) src(%dma_wait3A_1153 : memref<184x64xf32, #tpu.memory_space<vmem>>) dst(%dma_wait3A_1149 : memref<184x64xf32, #tpu.memory_space<hbm>>)
    %add3A_1154 = arith.constant 2576 : i32
    %add3A_1155 = arith.addi %min3A_3, %add3A_1154 : i32
    %dma_wait3A_1156 = arith.constant 2 : i32
    %dma_wait3A_1157 = arith.constant 2 : i32
    %dma_wait3A_1158 = arith.constant 0 : i32
    %dma_wait3A_1159 = arith.constant 0 : i32
    %dma_wait3A_1160 = tpu.memref_slice %arg6[%dma_wait3A_1156, %dma_wait3A_1158, %dma_wait3A_1159] : memref<4x184x64xf32, #tpu.memory_space<vmem>> -> memref<1x184x64xf32, #tpu.memory_space<vmem>>
    %dma_wait3A_1161 = tpu.memref_squeeze %dma_wait3A_1160 : memref<1x184x64xf32, #tpu.memory_space<vmem>> -> memref<184x64xf32, #tpu.memory_space<vmem>>
    %dma_wait3A_1162 = arith.constant 0 : i32
    %dma_wait3A_1163 = tpu.memref_slice %arg4[%add3A_1155, %dma_wait3A_1162] : memref<100000x64xf32, #tpu.memory_space<hbm>> -> memref<184x64xf32, #tpu.memory_space<hbm>>
    %dma_wait3A_1164 = tpu.memref_slice %arg9[%dma_wait3A_1157] : memref<4x!tpu.dma_semaphore, #tpu.memory_space<semaphore_mem>> -> memref<1x!tpu.dma_semaphore, #tpu.memory_space<semaphore_mem>>
    %dma_wait3A_1165 = tpu.memref_squeeze %dma_wait3A_1164 : memref<1x!tpu.dma_semaphore, #tpu.memory_space<semaphore_mem>> -> memref<!tpu.dma_semaphore, #tpu.memory_space<semaphore_mem>>
    %dma_wait3A_1166 = arith.constant 0 : i32
    %dma_wait3A_1167 = tpu.memref_slice %arg4[%add3A_1155, %dma_wait3A_1166] : memref<100000x64xf32, #tpu.memory_space<hbm>> -> memref<184x64xf32, #tpu.memory_space<hbm>>
    %dma_wait3A_1168 = arith.constant 0 : i32
    %dma_wait3A_1169 = arith.constant 0 : i32
    %dma_wait3A_1170 = tpu.memref_slice %arg6[%dma_wait3A_1156, %dma_wait3A_1168, %dma_wait3A_1169] : memref<4x184x64xf32, #tpu.memory_space<vmem>> -> memref<1x184x64xf32, #tpu.memory_space<vmem>>
    %dma_wait3A_1171 = tpu.memref_squeeze %dma_wait3A_1170 : memref<1x184x64xf32, #tpu.memory_space<vmem>> -> memref<184x64xf32, #tpu.memory_space<vmem>>
    tpu.wait_dma2 semaphore(%dma_wait3A_1165 : memref<!tpu.dma_semaphore, #tpu.memory_space<semaphore_mem>>) src(%dma_wait3A_1171 : memref<184x64xf32, #tpu.memory_space<vmem>>) dst(%dma_wait3A_1167 : memref<184x64xf32, #tpu.memory_space<hbm>>)
    %add3A_1172 = arith.constant 2760 : i32
    %add3A_1173 = arith.addi %min3A_3, %add3A_1172 : i32
    %dma_wait3A_1174 = arith.constant 3 : i32
    %dma_wait3A_1175 = arith.constant 3 : i32
    %dma_wait3A_1176 = arith.constant 0 : i32
    %dma_wait3A_1177 = arith.constant 0 : i32
    %dma_wait3A_1178 = tpu.memref_slice %arg6[%dma_wait3A_1174, %dma_wait3A_1176, %dma_wait3A_1177] : memref<4x184x64xf32, #tpu.memory_space<vmem>> -> memref<1x184x64xf32, #tpu.memory_space<vmem>>
    %dma_wait3A_1179 = tpu.memref_squeeze %dma_wait3A_1178 : memref<1x184x64xf32, #tpu.memory_space<vmem>> -> memref<184x64xf32, #tpu.memory_space<vmem>>
    %dma_wait3A_1180 = arith.constant 0 : i32
    %dma_wait3A_1181 = tpu.memref_slice %arg4[%add3A_1173, %dma_wait3A_1180] : memref<100000x64xf32, #tpu.memory_space<hbm>> -> memref<184x64xf32, #tpu.memory_space<hbm>>
    %dma_wait3A_1182 = tpu.memref_slice %arg9[%dma_wait3A_1175] : memref<4x!tpu.dma_semaphore, #tpu.memory_space<semaphore_mem>> -> memref<1x!tpu.dma_semaphore, #tpu.memory_space<semaphore_mem>>
    %dma_wait3A_1183 = tpu.memref_squeeze %dma_wait3A_1182 : memref<1x!tpu.dma_semaphore, #tpu.memory_space<semaphore_mem>> -> memref<!tpu.dma_semaphore, #tpu.memory_space<semaphore_mem>>
    %dma_wait3A_1184 = arith.constant 0 : i32
    %dma_wait3A_1185 = tpu.memref_slice %arg4[%add3A_1173, %dma_wait3A_1184] : memref<100000x64xf32, #tpu.memory_space<hbm>> -> memref<184x64xf32, #tpu.memory_space<hbm>>
    %dma_wait3A_1186 = arith.constant 0 : i32
    %dma_wait3A_1187 = arith.constant 0 : i32
    %dma_wait3A_1188 = tpu.memref_slice %arg6[%dma_wait3A_1174, %dma_wait3A_1186, %dma_wait3A_1187] : memref<4x184x64xf32, #tpu.memory_space<vmem>> -> memref<1x184x64xf32, #tpu.memory_space<vmem>>
    %dma_wait3A_1189 = tpu.memref_squeeze %dma_wait3A_1188 : memref<1x184x64xf32, #tpu.memory_space<vmem>> -> memref<184x64xf32, #tpu.memory_space<vmem>>
    tpu.wait_dma2 semaphore(%dma_wait3A_1183 : memref<!tpu.dma_semaphore, #tpu.memory_space<semaphore_mem>>) src(%dma_wait3A_1189 : memref<184x64xf32, #tpu.memory_space<vmem>>) dst(%dma_wait3A_1185 : memref<184x64xf32, #tpu.memory_space<hbm>>)
    %add3A_1190 = arith.constant 2944 : i32
    %add3A_1191 = arith.addi %min3A_3, %add3A_1190 : i32
    %dma_wait3A_1192 = arith.constant 0 : i32
    %dma_wait3A_1193 = arith.constant 0 : i32
    %dma_wait3A_1194 = arith.constant 0 : i32
    %dma_wait3A_1195 = arith.constant 0 : i32
    %dma_wait3A_1196 = tpu.memref_slice %arg6[%dma_wait3A_1192, %dma_wait3A_1194, %dma_wait3A_1195] : memref<4x184x64xf32, #tpu.memory_space<vmem>> -> memref<1x184x64xf32, #tpu.memory_space<vmem>>
    %dma_wait3A_1197 = tpu.memref_squeeze %dma_wait3A_1196 : memref<1x184x64xf32, #tpu.memory_space<vmem>> -> memref<184x64xf32, #tpu.memory_space<vmem>>
    %dma_wait3A_1198 = arith.constant 0 : i32
    %dma_wait3A_1199 = tpu.memref_slice %arg4[%add3A_1191, %dma_wait3A_1198] : memref<100000x64xf32, #tpu.memory_space<hbm>> -> memref<184x64xf32, #tpu.memory_space<hbm>>
    %dma_wait3A_1200 = tpu.memref_slice %arg9[%dma_wait3A_1193] : memref<4x!tpu.dma_semaphore, #tpu.memory_space<semaphore_mem>> -> memref<1x!tpu.dma_semaphore, #tpu.memory_space<semaphore_mem>>
    %dma_wait3A_1201 = tpu.memref_squeeze %dma_wait3A_1200 : memref<1x!tpu.dma_semaphore, #tpu.memory_space<semaphore_mem>> -> memref<!tpu.dma_semaphore, #tpu.memory_space<semaphore_mem>>
    %dma_wait3A_1202 = arith.constant 0 : i32
    %dma_wait3A_1203 = tpu.memref_slice %arg4[%add3A_1191, %dma_wait3A_1202] : memref<100000x64xf32, #tpu.memory_space<hbm>> -> memref<184x64xf32, #tpu.memory_space<hbm>>
    %dma_wait3A_1204 = arith.constant 0 : i32
    %dma_wait3A_1205 = arith.constant 0 : i32
    %dma_wait3A_1206 = tpu.memref_slice %arg6[%dma_wait3A_1192, %dma_wait3A_1204, %dma_wait3A_1205] : memref<4x184x64xf32, #tpu.memory_space<vmem>> -> memref<1x184x64xf32, #tpu.memory_space<vmem>>
    %dma_wait3A_1207 = tpu.memref_squeeze %dma_wait3A_1206 : memref<1x184x64xf32, #tpu.memory_space<vmem>> -> memref<184x64xf32, #tpu.memory_space<vmem>>
    tpu.wait_dma2 semaphore(%dma_wait3A_1201 : memref<!tpu.dma_semaphore, #tpu.memory_space<semaphore_mem>>) src(%dma_wait3A_1207 : memref<184x64xf32, #tpu.memory_space<vmem>>) dst(%dma_wait3A_1203 : memref<184x64xf32, #tpu.memory_space<hbm>>)
    %dma_wait3A_1208 = arith.constant 0 : i32
    %dma_wait3A_1209 = tpu.memref_slice %arg5[%min3A_7, %dma_wait3A_1208] : memref<1000x64xf32, #tpu.memory_space<hbm>> -> memref<32x64xf32, #tpu.memory_space<hbm>>
    %dma_wait3A_1210 = arith.constant 0 : i32
    %dma_wait3A_1211 = tpu.memref_slice %arg5[%min3A_7, %dma_wait3A_1210] : memref<1000x64xf32, #tpu.memory_space<hbm>> -> memref<32x64xf32, #tpu.memory_space<hbm>>
    tpu.wait_dma2 semaphore(%arg10 : memref<!tpu.dma_semaphore, #tpu.memory_space<semaphore_mem>>) src(%arg7 : memref<32x64xf32, #tpu.memory_space<vmem>>) dst(%dma_wait3A_1211 : memref<32x64xf32, #tpu.memory_space<hbm>>)
    return
  }
}

module attributes {stable_mosaic.version = 14 : i64} {
  func.func @_tc_relay(%arg0: memref<100000x64xf32, #tpu.memory_space<any>>, %arg1: memref<100000x64xf32, #tpu.memory_space<any>>, %arg2: memref<8x5000x64xf32, #tpu.memory_space<vmem>>, %arg3: memref<8x!tpu.dma_semaphore, #tpu.memory_space<semaphore_mem>>, %arg4: memref<8x!tpu.dma_semaphore, #tpu.memory_space<semaphore_mem>>) attributes {dimension_semantics = [], scalar_prefetch = 0 : i64, scratch_operands = 3 : i64, tpu.core_type = #tpu.core_type<tc>} {
    %dma_start3A = arith.constant 0 : i32
    %dma_start3A_0 = arith.constant 0 : i32
    %dma_start3A_1 = tpu.memref_slice %arg3[%dma_start3A_0] : memref<8x!tpu.dma_semaphore, #tpu.memory_space<semaphore_mem>> -> memref<1x!tpu.dma_semaphore, #tpu.memory_space<semaphore_mem>>
    %dma_start3A_2 = tpu.memref_squeeze %dma_start3A_1 : memref<1x!tpu.dma_semaphore, #tpu.memory_space<semaphore_mem>> -> memref<!tpu.dma_semaphore, #tpu.memory_space<semaphore_mem>>
    %dma_start3A_3 = arith.constant 0 : i32
    %dma_start3A_4 = arith.constant 0 : i32
    %dma_start3A_5 = tpu.memref_slice %arg2[%dma_start3A, %dma_start3A_3, %dma_start3A_4] : memref<8x5000x64xf32, #tpu.memory_space<vmem>> -> memref<1x5000x64xf32, #tpu.memory_space<vmem>>
    %dma_start3A_6 = tpu.memref_squeeze %dma_start3A_5 : memref<1x5000x64xf32, #tpu.memory_space<vmem>> -> memref<5000x64xf32, #tpu.memory_space<vmem>>
    %dma_start3A_7 = arith.constant 0 : i32
    %dma_start3A_8 = arith.constant 0 : i32
    %dma_start3A_9 = tpu.memref_slice %arg0[%dma_start3A_7, %dma_start3A_8] : memref<100000x64xf32, #tpu.memory_space<any>> -> memref<5000x64xf32, #tpu.memory_space<any>>
    tpu.enqueue_dma source(%dma_start3A_9 : memref<5000x64xf32, #tpu.memory_space<any>>) target(%dma_start3A_6 : memref<5000x64xf32, #tpu.memory_space<vmem>>) target_semaphore(%dma_start3A_2 : memref<!tpu.dma_semaphore, #tpu.memory_space<semaphore_mem>>)
    %dma_start3A_10 = arith.constant 1 : i32
    %dma_start3A_11 = arith.constant 1 : i32
    %dma_start3A_12 = tpu.memref_slice %arg3[%dma_start3A_11] : memref<8x!tpu.dma_semaphore, #tpu.memory_space<semaphore_mem>> -> memref<1x!tpu.dma_semaphore, #tpu.memory_space<semaphore_mem>>
    %dma_start3A_13 = tpu.memref_squeeze %dma_start3A_12 : memref<1x!tpu.dma_semaphore, #tpu.memory_space<semaphore_mem>> -> memref<!tpu.dma_semaphore, #tpu.memory_space<semaphore_mem>>
    %dma_start3A_14 = arith.constant 0 : i32
    %dma_start3A_15 = arith.constant 0 : i32
    %dma_start3A_16 = tpu.memref_slice %arg2[%dma_start3A_10, %dma_start3A_14, %dma_start3A_15] : memref<8x5000x64xf32, #tpu.memory_space<vmem>> -> memref<1x5000x64xf32, #tpu.memory_space<vmem>>
    %dma_start3A_17 = tpu.memref_squeeze %dma_start3A_16 : memref<1x5000x64xf32, #tpu.memory_space<vmem>> -> memref<5000x64xf32, #tpu.memory_space<vmem>>
    %dma_start3A_18 = arith.constant 5000 : i32
    %dma_start3A_19 = arith.constant 0 : i32
    %dma_start3A_20 = tpu.memref_slice %arg0[%dma_start3A_18, %dma_start3A_19] : memref<100000x64xf32, #tpu.memory_space<any>> -> memref<5000x64xf32, #tpu.memory_space<any>>
    tpu.enqueue_dma source(%dma_start3A_20 : memref<5000x64xf32, #tpu.memory_space<any>>) target(%dma_start3A_17 : memref<5000x64xf32, #tpu.memory_space<vmem>>) target_semaphore(%dma_start3A_13 : memref<!tpu.dma_semaphore, #tpu.memory_space<semaphore_mem>>)
    %dma_start3A_21 = arith.constant 2 : i32
    %dma_start3A_22 = arith.constant 2 : i32
    %dma_start3A_23 = tpu.memref_slice %arg3[%dma_start3A_22] : memref<8x!tpu.dma_semaphore, #tpu.memory_space<semaphore_mem>> -> memref<1x!tpu.dma_semaphore, #tpu.memory_space<semaphore_mem>>
    %dma_start3A_24 = tpu.memref_squeeze %dma_start3A_23 : memref<1x!tpu.dma_semaphore, #tpu.memory_space<semaphore_mem>> -> memref<!tpu.dma_semaphore, #tpu.memory_space<semaphore_mem>>
    %dma_start3A_25 = arith.constant 0 : i32
    %dma_start3A_26 = arith.constant 0 : i32
    %dma_start3A_27 = tpu.memref_slice %arg2[%dma_start3A_21, %dma_start3A_25, %dma_start3A_26] : memref<8x5000x64xf32, #tpu.memory_space<vmem>> -> memref<1x5000x64xf32, #tpu.memory_space<vmem>>
    %dma_start3A_28 = tpu.memref_squeeze %dma_start3A_27 : memref<1x5000x64xf32, #tpu.memory_space<vmem>> -> memref<5000x64xf32, #tpu.memory_space<vmem>>
    %dma_start3A_29 = arith.constant 10000 : i32
    %dma_start3A_30 = arith.constant 0 : i32
    %dma_start3A_31 = tpu.memref_slice %arg0[%dma_start3A_29, %dma_start3A_30] : memref<100000x64xf32, #tpu.memory_space<any>> -> memref<5000x64xf32, #tpu.memory_space<any>>
    tpu.enqueue_dma source(%dma_start3A_31 : memref<5000x64xf32, #tpu.memory_space<any>>) target(%dma_start3A_28 : memref<5000x64xf32, #tpu.memory_space<vmem>>) target_semaphore(%dma_start3A_24 : memref<!tpu.dma_semaphore, #tpu.memory_space<semaphore_mem>>)
    %dma_start3A_32 = arith.constant 3 : i32
    %dma_start3A_33 = arith.constant 3 : i32
    %dma_start3A_34 = tpu.memref_slice %arg3[%dma_start3A_33] : memref<8x!tpu.dma_semaphore, #tpu.memory_space<semaphore_mem>> -> memref<1x!tpu.dma_semaphore, #tpu.memory_space<semaphore_mem>>
    %dma_start3A_35 = tpu.memref_squeeze %dma_start3A_34 : memref<1x!tpu.dma_semaphore, #tpu.memory_space<semaphore_mem>> -> memref<!tpu.dma_semaphore, #tpu.memory_space<semaphore_mem>>
    %dma_start3A_36 = arith.constant 0 : i32
    %dma_start3A_37 = arith.constant 0 : i32
    %dma_start3A_38 = tpu.memref_slice %arg2[%dma_start3A_32, %dma_start3A_36, %dma_start3A_37] : memref<8x5000x64xf32, #tpu.memory_space<vmem>> -> memref<1x5000x64xf32, #tpu.memory_space<vmem>>
    %dma_start3A_39 = tpu.memref_squeeze %dma_start3A_38 : memref<1x5000x64xf32, #tpu.memory_space<vmem>> -> memref<5000x64xf32, #tpu.memory_space<vmem>>
    %dma_start3A_40 = arith.constant 15000 : i32
    %dma_start3A_41 = arith.constant 0 : i32
    %dma_start3A_42 = tpu.memref_slice %arg0[%dma_start3A_40, %dma_start3A_41] : memref<100000x64xf32, #tpu.memory_space<any>> -> memref<5000x64xf32, #tpu.memory_space<any>>
    tpu.enqueue_dma source(%dma_start3A_42 : memref<5000x64xf32, #tpu.memory_space<any>>) target(%dma_start3A_39 : memref<5000x64xf32, #tpu.memory_space<vmem>>) target_semaphore(%dma_start3A_35 : memref<!tpu.dma_semaphore, #tpu.memory_space<semaphore_mem>>)
    %dma_start3A_43 = arith.constant 4 : i32
    %dma_start3A_44 = arith.constant 4 : i32
    %dma_start3A_45 = tpu.memref_slice %arg3[%dma_start3A_44] : memref<8x!tpu.dma_semaphore, #tpu.memory_space<semaphore_mem>> -> memref<1x!tpu.dma_semaphore, #tpu.memory_space<semaphore_mem>>
    %dma_start3A_46 = tpu.memref_squeeze %dma_start3A_45 : memref<1x!tpu.dma_semaphore, #tpu.memory_space<semaphore_mem>> -> memref<!tpu.dma_semaphore, #tpu.memory_space<semaphore_mem>>
    %dma_start3A_47 = arith.constant 0 : i32
    %dma_start3A_48 = arith.constant 0 : i32
    %dma_start3A_49 = tpu.memref_slice %arg2[%dma_start3A_43, %dma_start3A_47, %dma_start3A_48] : memref<8x5000x64xf32, #tpu.memory_space<vmem>> -> memref<1x5000x64xf32, #tpu.memory_space<vmem>>
    %dma_start3A_50 = tpu.memref_squeeze %dma_start3A_49 : memref<1x5000x64xf32, #tpu.memory_space<vmem>> -> memref<5000x64xf32, #tpu.memory_space<vmem>>
    %dma_start3A_51 = arith.constant 20000 : i32
    %dma_start3A_52 = arith.constant 0 : i32
    %dma_start3A_53 = tpu.memref_slice %arg0[%dma_start3A_51, %dma_start3A_52] : memref<100000x64xf32, #tpu.memory_space<any>> -> memref<5000x64xf32, #tpu.memory_space<any>>
    tpu.enqueue_dma source(%dma_start3A_53 : memref<5000x64xf32, #tpu.memory_space<any>>) target(%dma_start3A_50 : memref<5000x64xf32, #tpu.memory_space<vmem>>) target_semaphore(%dma_start3A_46 : memref<!tpu.dma_semaphore, #tpu.memory_space<semaphore_mem>>)
    %dma_wait3A = arith.constant 0 : i32
    %dma_wait3A_54 = arith.constant 0 : i32
    %dma_wait3A_55 = tpu.memref_slice %arg3[%dma_wait3A_54] : memref<8x!tpu.dma_semaphore, #tpu.memory_space<semaphore_mem>> -> memref<1x!tpu.dma_semaphore, #tpu.memory_space<semaphore_mem>>
    %dma_wait3A_56 = tpu.memref_squeeze %dma_wait3A_55 : memref<1x!tpu.dma_semaphore, #tpu.memory_space<semaphore_mem>> -> memref<!tpu.dma_semaphore, #tpu.memory_space<semaphore_mem>>
    %dma_wait3A_57 = arith.constant 0 : i32
    %dma_wait3A_58 = arith.constant 0 : i32
    %dma_wait3A_59 = tpu.memref_slice %arg2[%dma_wait3A, %dma_wait3A_57, %dma_wait3A_58] : memref<8x5000x64xf32, #tpu.memory_space<vmem>> -> memref<1x5000x64xf32, #tpu.memory_space<vmem>>
    %dma_wait3A_60 = tpu.memref_squeeze %dma_wait3A_59 : memref<1x5000x64xf32, #tpu.memory_space<vmem>> -> memref<5000x64xf32, #tpu.memory_space<vmem>>
    %dma_wait3A_61 = arith.constant 0 : i32
    %dma_wait3A_62 = arith.constant 0 : i32
    %dma_wait3A_63 = tpu.memref_slice %arg0[%dma_wait3A_61, %dma_wait3A_62] : memref<100000x64xf32, #tpu.memory_space<any>> -> memref<5000x64xf32, #tpu.memory_space<any>>
    tpu.wait_dma2 semaphore(%dma_wait3A_56 : memref<!tpu.dma_semaphore, #tpu.memory_space<semaphore_mem>>) src(%dma_wait3A_63 : memref<5000x64xf32, #tpu.memory_space<any>>) dst(%dma_wait3A_60 : memref<5000x64xf32, #tpu.memory_space<vmem>>)
    %dma_start3A_64 = arith.constant 0 : i32
    %dma_start3A_65 = arith.constant 0 : i32
    %dma_start3A_66 = tpu.memref_slice %arg4[%dma_start3A_65] : memref<8x!tpu.dma_semaphore, #tpu.memory_space<semaphore_mem>> -> memref<1x!tpu.dma_semaphore, #tpu.memory_space<semaphore_mem>>
    %dma_start3A_67 = tpu.memref_squeeze %dma_start3A_66 : memref<1x!tpu.dma_semaphore, #tpu.memory_space<semaphore_mem>> -> memref<!tpu.dma_semaphore, #tpu.memory_space<semaphore_mem>>
    %dma_start3A_68 = arith.constant 0 : i32
    %dma_start3A_69 = arith.constant 0 : i32
    %dma_start3A_70 = tpu.memref_slice %arg1[%dma_start3A_68, %dma_start3A_69] : memref<100000x64xf32, #tpu.memory_space<any>> -> memref<5000x64xf32, #tpu.memory_space<any>>
    %dma_start3A_71 = arith.constant 0 : i32
    %dma_start3A_72 = arith.constant 0 : i32
    %dma_start3A_73 = tpu.memref_slice %arg2[%dma_start3A_64, %dma_start3A_71, %dma_start3A_72] : memref<8x5000x64xf32, #tpu.memory_space<vmem>> -> memref<1x5000x64xf32, #tpu.memory_space<vmem>>
    %dma_start3A_74 = tpu.memref_squeeze %dma_start3A_73 : memref<1x5000x64xf32, #tpu.memory_space<vmem>> -> memref<5000x64xf32, #tpu.memory_space<vmem>>
    tpu.enqueue_dma source(%dma_start3A_74 : memref<5000x64xf32, #tpu.memory_space<vmem>>) target(%dma_start3A_70 : memref<5000x64xf32, #tpu.memory_space<any>>) target_semaphore(%dma_start3A_67 : memref<!tpu.dma_semaphore, #tpu.memory_space<semaphore_mem>>)
    %dma_start3A_75 = arith.constant 5 : i32
    %dma_start3A_76 = arith.constant 5 : i32
    %dma_start3A_77 = tpu.memref_slice %arg3[%dma_start3A_76] : memref<8x!tpu.dma_semaphore, #tpu.memory_space<semaphore_mem>> -> memref<1x!tpu.dma_semaphore, #tpu.memory_space<semaphore_mem>>
    %dma_start3A_78 = tpu.memref_squeeze %dma_start3A_77 : memref<1x!tpu.dma_semaphore, #tpu.memory_space<semaphore_mem>> -> memref<!tpu.dma_semaphore, #tpu.memory_space<semaphore_mem>>
    %dma_start3A_79 = arith.constant 0 : i32
    %dma_start3A_80 = arith.constant 0 : i32
    %dma_start3A_81 = tpu.memref_slice %arg2[%dma_start3A_75, %dma_start3A_79, %dma_start3A_80] : memref<8x5000x64xf32, #tpu.memory_space<vmem>> -> memref<1x5000x64xf32, #tpu.memory_space<vmem>>
    %dma_start3A_82 = tpu.memref_squeeze %dma_start3A_81 : memref<1x5000x64xf32, #tpu.memory_space<vmem>> -> memref<5000x64xf32, #tpu.memory_space<vmem>>
    %dma_start3A_83 = arith.constant 25000 : i32
    %dma_start3A_84 = arith.constant 0 : i32
    %dma_start3A_85 = tpu.memref_slice %arg0[%dma_start3A_83, %dma_start3A_84] : memref<100000x64xf32, #tpu.memory_space<any>> -> memref<5000x64xf32, #tpu.memory_space<any>>
    tpu.enqueue_dma source(%dma_start3A_85 : memref<5000x64xf32, #tpu.memory_space<any>>) target(%dma_start3A_82 : memref<5000x64xf32, #tpu.memory_space<vmem>>) target_semaphore(%dma_start3A_78 : memref<!tpu.dma_semaphore, #tpu.memory_space<semaphore_mem>>)
    %dma_wait3A_86 = arith.constant 1 : i32
    %dma_wait3A_87 = arith.constant 1 : i32
    %dma_wait3A_88 = tpu.memref_slice %arg3[%dma_wait3A_87] : memref<8x!tpu.dma_semaphore, #tpu.memory_space<semaphore_mem>> -> memref<1x!tpu.dma_semaphore, #tpu.memory_space<semaphore_mem>>
    %dma_wait3A_89 = tpu.memref_squeeze %dma_wait3A_88 : memref<1x!tpu.dma_semaphore, #tpu.memory_space<semaphore_mem>> -> memref<!tpu.dma_semaphore, #tpu.memory_space<semaphore_mem>>
    %dma_wait3A_90 = arith.constant 0 : i32
    %dma_wait3A_91 = arith.constant 0 : i32
    %dma_wait3A_92 = tpu.memref_slice %arg2[%dma_wait3A_86, %dma_wait3A_90, %dma_wait3A_91] : memref<8x5000x64xf32, #tpu.memory_space<vmem>> -> memref<1x5000x64xf32, #tpu.memory_space<vmem>>
    %dma_wait3A_93 = tpu.memref_squeeze %dma_wait3A_92 : memref<1x5000x64xf32, #tpu.memory_space<vmem>> -> memref<5000x64xf32, #tpu.memory_space<vmem>>
    %dma_wait3A_94 = arith.constant 5000 : i32
    %dma_wait3A_95 = arith.constant 0 : i32
    %dma_wait3A_96 = tpu.memref_slice %arg0[%dma_wait3A_94, %dma_wait3A_95] : memref<100000x64xf32, #tpu.memory_space<any>> -> memref<5000x64xf32, #tpu.memory_space<any>>
    tpu.wait_dma2 semaphore(%dma_wait3A_89 : memref<!tpu.dma_semaphore, #tpu.memory_space<semaphore_mem>>) src(%dma_wait3A_96 : memref<5000x64xf32, #tpu.memory_space<any>>) dst(%dma_wait3A_93 : memref<5000x64xf32, #tpu.memory_space<vmem>>)
    %dma_start3A_97 = arith.constant 1 : i32
    %dma_start3A_98 = arith.constant 1 : i32
    %dma_start3A_99 = tpu.memref_slice %arg4[%dma_start3A_98] : memref<8x!tpu.dma_semaphore, #tpu.memory_space<semaphore_mem>> -> memref<1x!tpu.dma_semaphore, #tpu.memory_space<semaphore_mem>>
    %dma_start3A_100 = tpu.memref_squeeze %dma_start3A_99 : memref<1x!tpu.dma_semaphore, #tpu.memory_space<semaphore_mem>> -> memref<!tpu.dma_semaphore, #tpu.memory_space<semaphore_mem>>
    %dma_start3A_101 = arith.constant 5000 : i32
    %dma_start3A_102 = arith.constant 0 : i32
    %dma_start3A_103 = tpu.memref_slice %arg1[%dma_start3A_101, %dma_start3A_102] : memref<100000x64xf32, #tpu.memory_space<any>> -> memref<5000x64xf32, #tpu.memory_space<any>>
    %dma_start3A_104 = arith.constant 0 : i32
    %dma_start3A_105 = arith.constant 0 : i32
    %dma_start3A_106 = tpu.memref_slice %arg2[%dma_start3A_97, %dma_start3A_104, %dma_start3A_105] : memref<8x5000x64xf32, #tpu.memory_space<vmem>> -> memref<1x5000x64xf32, #tpu.memory_space<vmem>>
    %dma_start3A_107 = tpu.memref_squeeze %dma_start3A_106 : memref<1x5000x64xf32, #tpu.memory_space<vmem>> -> memref<5000x64xf32, #tpu.memory_space<vmem>>
    tpu.enqueue_dma source(%dma_start3A_107 : memref<5000x64xf32, #tpu.memory_space<vmem>>) target(%dma_start3A_103 : memref<5000x64xf32, #tpu.memory_space<any>>) target_semaphore(%dma_start3A_100 : memref<!tpu.dma_semaphore, #tpu.memory_space<semaphore_mem>>)
    %dma_start3A_108 = arith.constant 6 : i32
    %dma_start3A_109 = arith.constant 6 : i32
    %dma_start3A_110 = tpu.memref_slice %arg3[%dma_start3A_109] : memref<8x!tpu.dma_semaphore, #tpu.memory_space<semaphore_mem>> -> memref<1x!tpu.dma_semaphore, #tpu.memory_space<semaphore_mem>>
    %dma_start3A_111 = tpu.memref_squeeze %dma_start3A_110 : memref<1x!tpu.dma_semaphore, #tpu.memory_space<semaphore_mem>> -> memref<!tpu.dma_semaphore, #tpu.memory_space<semaphore_mem>>
    %dma_start3A_112 = arith.constant 0 : i32
    %dma_start3A_113 = arith.constant 0 : i32
    %dma_start3A_114 = tpu.memref_slice %arg2[%dma_start3A_108, %dma_start3A_112, %dma_start3A_113] : memref<8x5000x64xf32, #tpu.memory_space<vmem>> -> memref<1x5000x64xf32, #tpu.memory_space<vmem>>
    %dma_start3A_115 = tpu.memref_squeeze %dma_start3A_114 : memref<1x5000x64xf32, #tpu.memory_space<vmem>> -> memref<5000x64xf32, #tpu.memory_space<vmem>>
    %dma_start3A_116 = arith.constant 30000 : i32
    %dma_start3A_117 = arith.constant 0 : i32
    %dma_start3A_118 = tpu.memref_slice %arg0[%dma_start3A_116, %dma_start3A_117] : memref<100000x64xf32, #tpu.memory_space<any>> -> memref<5000x64xf32, #tpu.memory_space<any>>
    tpu.enqueue_dma source(%dma_start3A_118 : memref<5000x64xf32, #tpu.memory_space<any>>) target(%dma_start3A_115 : memref<5000x64xf32, #tpu.memory_space<vmem>>) target_semaphore(%dma_start3A_111 : memref<!tpu.dma_semaphore, #tpu.memory_space<semaphore_mem>>)
    %dma_wait3A_119 = arith.constant 2 : i32
    %dma_wait3A_120 = arith.constant 2 : i32
    %dma_wait3A_121 = tpu.memref_slice %arg3[%dma_wait3A_120] : memref<8x!tpu.dma_semaphore, #tpu.memory_space<semaphore_mem>> -> memref<1x!tpu.dma_semaphore, #tpu.memory_space<semaphore_mem>>
    %dma_wait3A_122 = tpu.memref_squeeze %dma_wait3A_121 : memref<1x!tpu.dma_semaphore, #tpu.memory_space<semaphore_mem>> -> memref<!tpu.dma_semaphore, #tpu.memory_space<semaphore_mem>>
    %dma_wait3A_123 = arith.constant 0 : i32
    %dma_wait3A_124 = arith.constant 0 : i32
    %dma_wait3A_125 = tpu.memref_slice %arg2[%dma_wait3A_119, %dma_wait3A_123, %dma_wait3A_124] : memref<8x5000x64xf32, #tpu.memory_space<vmem>> -> memref<1x5000x64xf32, #tpu.memory_space<vmem>>
    %dma_wait3A_126 = tpu.memref_squeeze %dma_wait3A_125 : memref<1x5000x64xf32, #tpu.memory_space<vmem>> -> memref<5000x64xf32, #tpu.memory_space<vmem>>
    %dma_wait3A_127 = arith.constant 10000 : i32
    %dma_wait3A_128 = arith.constant 0 : i32
    %dma_wait3A_129 = tpu.memref_slice %arg0[%dma_wait3A_127, %dma_wait3A_128] : memref<100000x64xf32, #tpu.memory_space<any>> -> memref<5000x64xf32, #tpu.memory_space<any>>
    tpu.wait_dma2 semaphore(%dma_wait3A_122 : memref<!tpu.dma_semaphore, #tpu.memory_space<semaphore_mem>>) src(%dma_wait3A_129 : memref<5000x64xf32, #tpu.memory_space<any>>) dst(%dma_wait3A_126 : memref<5000x64xf32, #tpu.memory_space<vmem>>)
    %dma_start3A_130 = arith.constant 2 : i32
    %dma_start3A_131 = arith.constant 2 : i32
    %dma_start3A_132 = tpu.memref_slice %arg4[%dma_start3A_131] : memref<8x!tpu.dma_semaphore, #tpu.memory_space<semaphore_mem>> -> memref<1x!tpu.dma_semaphore, #tpu.memory_space<semaphore_mem>>
    %dma_start3A_133 = tpu.memref_squeeze %dma_start3A_132 : memref<1x!tpu.dma_semaphore, #tpu.memory_space<semaphore_mem>> -> memref<!tpu.dma_semaphore, #tpu.memory_space<semaphore_mem>>
    %dma_start3A_134 = arith.constant 10000 : i32
    %dma_start3A_135 = arith.constant 0 : i32
    %dma_start3A_136 = tpu.memref_slice %arg1[%dma_start3A_134, %dma_start3A_135] : memref<100000x64xf32, #tpu.memory_space<any>> -> memref<5000x64xf32, #tpu.memory_space<any>>
    %dma_start3A_137 = arith.constant 0 : i32
    %dma_start3A_138 = arith.constant 0 : i32
    %dma_start3A_139 = tpu.memref_slice %arg2[%dma_start3A_130, %dma_start3A_137, %dma_start3A_138] : memref<8x5000x64xf32, #tpu.memory_space<vmem>> -> memref<1x5000x64xf32, #tpu.memory_space<vmem>>
    %dma_start3A_140 = tpu.memref_squeeze %dma_start3A_139 : memref<1x5000x64xf32, #tpu.memory_space<vmem>> -> memref<5000x64xf32, #tpu.memory_space<vmem>>
    tpu.enqueue_dma source(%dma_start3A_140 : memref<5000x64xf32, #tpu.memory_space<vmem>>) target(%dma_start3A_136 : memref<5000x64xf32, #tpu.memory_space<any>>) target_semaphore(%dma_start3A_133 : memref<!tpu.dma_semaphore, #tpu.memory_space<semaphore_mem>>)
    %dma_start3A_141 = arith.constant 7 : i32
    %dma_start3A_142 = arith.constant 7 : i32
    %dma_start3A_143 = tpu.memref_slice %arg3[%dma_start3A_142] : memref<8x!tpu.dma_semaphore, #tpu.memory_space<semaphore_mem>> -> memref<1x!tpu.dma_semaphore, #tpu.memory_space<semaphore_mem>>
    %dma_start3A_144 = tpu.memref_squeeze %dma_start3A_143 : memref<1x!tpu.dma_semaphore, #tpu.memory_space<semaphore_mem>> -> memref<!tpu.dma_semaphore, #tpu.memory_space<semaphore_mem>>
    %dma_start3A_145 = arith.constant 0 : i32
    %dma_start3A_146 = arith.constant 0 : i32
    %dma_start3A_147 = tpu.memref_slice %arg2[%dma_start3A_141, %dma_start3A_145, %dma_start3A_146] : memref<8x5000x64xf32, #tpu.memory_space<vmem>> -> memref<1x5000x64xf32, #tpu.memory_space<vmem>>
    %dma_start3A_148 = tpu.memref_squeeze %dma_start3A_147 : memref<1x5000x64xf32, #tpu.memory_space<vmem>> -> memref<5000x64xf32, #tpu.memory_space<vmem>>
    %dma_start3A_149 = arith.constant 35000 : i32
    %dma_start3A_150 = arith.constant 0 : i32
    %dma_start3A_151 = tpu.memref_slice %arg0[%dma_start3A_149, %dma_start3A_150] : memref<100000x64xf32, #tpu.memory_space<any>> -> memref<5000x64xf32, #tpu.memory_space<any>>
    tpu.enqueue_dma source(%dma_start3A_151 : memref<5000x64xf32, #tpu.memory_space<any>>) target(%dma_start3A_148 : memref<5000x64xf32, #tpu.memory_space<vmem>>) target_semaphore(%dma_start3A_144 : memref<!tpu.dma_semaphore, #tpu.memory_space<semaphore_mem>>)
    %dma_wait3A_152 = arith.constant 3 : i32
    %dma_wait3A_153 = arith.constant 3 : i32
    %dma_wait3A_154 = tpu.memref_slice %arg3[%dma_wait3A_153] : memref<8x!tpu.dma_semaphore, #tpu.memory_space<semaphore_mem>> -> memref<1x!tpu.dma_semaphore, #tpu.memory_space<semaphore_mem>>
    %dma_wait3A_155 = tpu.memref_squeeze %dma_wait3A_154 : memref<1x!tpu.dma_semaphore, #tpu.memory_space<semaphore_mem>> -> memref<!tpu.dma_semaphore, #tpu.memory_space<semaphore_mem>>
    %dma_wait3A_156 = arith.constant 0 : i32
    %dma_wait3A_157 = arith.constant 0 : i32
    %dma_wait3A_158 = tpu.memref_slice %arg2[%dma_wait3A_152, %dma_wait3A_156, %dma_wait3A_157] : memref<8x5000x64xf32, #tpu.memory_space<vmem>> -> memref<1x5000x64xf32, #tpu.memory_space<vmem>>
    %dma_wait3A_159 = tpu.memref_squeeze %dma_wait3A_158 : memref<1x5000x64xf32, #tpu.memory_space<vmem>> -> memref<5000x64xf32, #tpu.memory_space<vmem>>
    %dma_wait3A_160 = arith.constant 15000 : i32
    %dma_wait3A_161 = arith.constant 0 : i32
    %dma_wait3A_162 = tpu.memref_slice %arg0[%dma_wait3A_160, %dma_wait3A_161] : memref<100000x64xf32, #tpu.memory_space<any>> -> memref<5000x64xf32, #tpu.memory_space<any>>
    tpu.wait_dma2 semaphore(%dma_wait3A_155 : memref<!tpu.dma_semaphore, #tpu.memory_space<semaphore_mem>>) src(%dma_wait3A_162 : memref<5000x64xf32, #tpu.memory_space<any>>) dst(%dma_wait3A_159 : memref<5000x64xf32, #tpu.memory_space<vmem>>)
    %dma_start3A_163 = arith.constant 3 : i32
    %dma_start3A_164 = arith.constant 3 : i32
    %dma_start3A_165 = tpu.memref_slice %arg4[%dma_start3A_164] : memref<8x!tpu.dma_semaphore, #tpu.memory_space<semaphore_mem>> -> memref<1x!tpu.dma_semaphore, #tpu.memory_space<semaphore_mem>>
    %dma_start3A_166 = tpu.memref_squeeze %dma_start3A_165 : memref<1x!tpu.dma_semaphore, #tpu.memory_space<semaphore_mem>> -> memref<!tpu.dma_semaphore, #tpu.memory_space<semaphore_mem>>
    %dma_start3A_167 = arith.constant 15000 : i32
    %dma_start3A_168 = arith.constant 0 : i32
    %dma_start3A_169 = tpu.memref_slice %arg1[%dma_start3A_167, %dma_start3A_168] : memref<100000x64xf32, #tpu.memory_space<any>> -> memref<5000x64xf32, #tpu.memory_space<any>>
    %dma_start3A_170 = arith.constant 0 : i32
    %dma_start3A_171 = arith.constant 0 : i32
    %dma_start3A_172 = tpu.memref_slice %arg2[%dma_start3A_163, %dma_start3A_170, %dma_start3A_171] : memref<8x5000x64xf32, #tpu.memory_space<vmem>> -> memref<1x5000x64xf32, #tpu.memory_space<vmem>>
    %dma_start3A_173 = tpu.memref_squeeze %dma_start3A_172 : memref<1x5000x64xf32, #tpu.memory_space<vmem>> -> memref<5000x64xf32, #tpu.memory_space<vmem>>
    tpu.enqueue_dma source(%dma_start3A_173 : memref<5000x64xf32, #tpu.memory_space<vmem>>) target(%dma_start3A_169 : memref<5000x64xf32, #tpu.memory_space<any>>) target_semaphore(%dma_start3A_166 : memref<!tpu.dma_semaphore, #tpu.memory_space<semaphore_mem>>)
    %dma_wait3A_174 = arith.constant 0 : i32
    %dma_wait3A_175 = arith.constant 0 : i32
    %dma_wait3A_176 = tpu.memref_slice %arg4[%dma_wait3A_175] : memref<8x!tpu.dma_semaphore, #tpu.memory_space<semaphore_mem>> -> memref<1x!tpu.dma_semaphore, #tpu.memory_space<semaphore_mem>>
    %dma_wait3A_177 = tpu.memref_squeeze %dma_wait3A_176 : memref<1x!tpu.dma_semaphore, #tpu.memory_space<semaphore_mem>> -> memref<!tpu.dma_semaphore, #tpu.memory_space<semaphore_mem>>
    %dma_wait3A_178 = arith.constant 0 : i32
    %dma_wait3A_179 = arith.constant 0 : i32
    %dma_wait3A_180 = tpu.memref_slice %arg1[%dma_wait3A_178, %dma_wait3A_179] : memref<100000x64xf32, #tpu.memory_space<any>> -> memref<5000x64xf32, #tpu.memory_space<any>>
    %dma_wait3A_181 = arith.constant 0 : i32
    %dma_wait3A_182 = arith.constant 0 : i32
    %dma_wait3A_183 = tpu.memref_slice %arg2[%dma_wait3A_174, %dma_wait3A_181, %dma_wait3A_182] : memref<8x5000x64xf32, #tpu.memory_space<vmem>> -> memref<1x5000x64xf32, #tpu.memory_space<vmem>>
    %dma_wait3A_184 = tpu.memref_squeeze %dma_wait3A_183 : memref<1x5000x64xf32, #tpu.memory_space<vmem>> -> memref<5000x64xf32, #tpu.memory_space<vmem>>
    tpu.wait_dma2 semaphore(%dma_wait3A_177 : memref<!tpu.dma_semaphore, #tpu.memory_space<semaphore_mem>>) src(%dma_wait3A_184 : memref<5000x64xf32, #tpu.memory_space<vmem>>) dst(%dma_wait3A_180 : memref<5000x64xf32, #tpu.memory_space<any>>)
    %dma_start3A_185 = arith.constant 0 : i32
    %dma_start3A_186 = arith.constant 0 : i32
    %dma_start3A_187 = tpu.memref_slice %arg3[%dma_start3A_186] : memref<8x!tpu.dma_semaphore, #tpu.memory_space<semaphore_mem>> -> memref<1x!tpu.dma_semaphore, #tpu.memory_space<semaphore_mem>>
    %dma_start3A_188 = tpu.memref_squeeze %dma_start3A_187 : memref<1x!tpu.dma_semaphore, #tpu.memory_space<semaphore_mem>> -> memref<!tpu.dma_semaphore, #tpu.memory_space<semaphore_mem>>
    %dma_start3A_189 = arith.constant 0 : i32
    %dma_start3A_190 = arith.constant 0 : i32
    %dma_start3A_191 = tpu.memref_slice %arg2[%dma_start3A_185, %dma_start3A_189, %dma_start3A_190] : memref<8x5000x64xf32, #tpu.memory_space<vmem>> -> memref<1x5000x64xf32, #tpu.memory_space<vmem>>
    %dma_start3A_192 = tpu.memref_squeeze %dma_start3A_191 : memref<1x5000x64xf32, #tpu.memory_space<vmem>> -> memref<5000x64xf32, #tpu.memory_space<vmem>>
    %dma_start3A_193 = arith.constant 40000 : i32
    %dma_start3A_194 = arith.constant 0 : i32
    %dma_start3A_195 = tpu.memref_slice %arg0[%dma_start3A_193, %dma_start3A_194] : memref<100000x64xf32, #tpu.memory_space<any>> -> memref<5000x64xf32, #tpu.memory_space<any>>
    tpu.enqueue_dma source(%dma_start3A_195 : memref<5000x64xf32, #tpu.memory_space<any>>) target(%dma_start3A_192 : memref<5000x64xf32, #tpu.memory_space<vmem>>) target_semaphore(%dma_start3A_188 : memref<!tpu.dma_semaphore, #tpu.memory_space<semaphore_mem>>)
    %dma_wait3A_196 = arith.constant 4 : i32
    %dma_wait3A_197 = arith.constant 4 : i32
    %dma_wait3A_198 = tpu.memref_slice %arg3[%dma_wait3A_197] : memref<8x!tpu.dma_semaphore, #tpu.memory_space<semaphore_mem>> -> memref<1x!tpu.dma_semaphore, #tpu.memory_space<semaphore_mem>>
    %dma_wait3A_199 = tpu.memref_squeeze %dma_wait3A_198 : memref<1x!tpu.dma_semaphore, #tpu.memory_space<semaphore_mem>> -> memref<!tpu.dma_semaphore, #tpu.memory_space<semaphore_mem>>
    %dma_wait3A_200 = arith.constant 0 : i32
    %dma_wait3A_201 = arith.constant 0 : i32
    %dma_wait3A_202 = tpu.memref_slice %arg2[%dma_wait3A_196, %dma_wait3A_200, %dma_wait3A_201] : memref<8x5000x64xf32, #tpu.memory_space<vmem>> -> memref<1x5000x64xf32, #tpu.memory_space<vmem>>
    %dma_wait3A_203 = tpu.memref_squeeze %dma_wait3A_202 : memref<1x5000x64xf32, #tpu.memory_space<vmem>> -> memref<5000x64xf32, #tpu.memory_space<vmem>>
    %dma_wait3A_204 = arith.constant 20000 : i32
    %dma_wait3A_205 = arith.constant 0 : i32
    %dma_wait3A_206 = tpu.memref_slice %arg0[%dma_wait3A_204, %dma_wait3A_205] : memref<100000x64xf32, #tpu.memory_space<any>> -> memref<5000x64xf32, #tpu.memory_space<any>>
    tpu.wait_dma2 semaphore(%dma_wait3A_199 : memref<!tpu.dma_semaphore, #tpu.memory_space<semaphore_mem>>) src(%dma_wait3A_206 : memref<5000x64xf32, #tpu.memory_space<any>>) dst(%dma_wait3A_203 : memref<5000x64xf32, #tpu.memory_space<vmem>>)
    %dma_start3A_207 = arith.constant 4 : i32
    %dma_start3A_208 = arith.constant 4 : i32
    %dma_start3A_209 = tpu.memref_slice %arg4[%dma_start3A_208] : memref<8x!tpu.dma_semaphore, #tpu.memory_space<semaphore_mem>> -> memref<1x!tpu.dma_semaphore, #tpu.memory_space<semaphore_mem>>
    %dma_start3A_210 = tpu.memref_squeeze %dma_start3A_209 : memref<1x!tpu.dma_semaphore, #tpu.memory_space<semaphore_mem>> -> memref<!tpu.dma_semaphore, #tpu.memory_space<semaphore_mem>>
    %dma_start3A_211 = arith.constant 20000 : i32
    %dma_start3A_212 = arith.constant 0 : i32
    %dma_start3A_213 = tpu.memref_slice %arg1[%dma_start3A_211, %dma_start3A_212] : memref<100000x64xf32, #tpu.memory_space<any>> -> memref<5000x64xf32, #tpu.memory_space<any>>
    %dma_start3A_214 = arith.constant 0 : i32
    %dma_start3A_215 = arith.constant 0 : i32
    %dma_start3A_216 = tpu.memref_slice %arg2[%dma_start3A_207, %dma_start3A_214, %dma_start3A_215] : memref<8x5000x64xf32, #tpu.memory_space<vmem>> -> memref<1x5000x64xf32, #tpu.memory_space<vmem>>
    %dma_start3A_217 = tpu.memref_squeeze %dma_start3A_216 : memref<1x5000x64xf32, #tpu.memory_space<vmem>> -> memref<5000x64xf32, #tpu.memory_space<vmem>>
    tpu.enqueue_dma source(%dma_start3A_217 : memref<5000x64xf32, #tpu.memory_space<vmem>>) target(%dma_start3A_213 : memref<5000x64xf32, #tpu.memory_space<any>>) target_semaphore(%dma_start3A_210 : memref<!tpu.dma_semaphore, #tpu.memory_space<semaphore_mem>>)
    %dma_wait3A_218 = arith.constant 1 : i32
    %dma_wait3A_219 = arith.constant 1 : i32
    %dma_wait3A_220 = tpu.memref_slice %arg4[%dma_wait3A_219] : memref<8x!tpu.dma_semaphore, #tpu.memory_space<semaphore_mem>> -> memref<1x!tpu.dma_semaphore, #tpu.memory_space<semaphore_mem>>
    %dma_wait3A_221 = tpu.memref_squeeze %dma_wait3A_220 : memref<1x!tpu.dma_semaphore, #tpu.memory_space<semaphore_mem>> -> memref<!tpu.dma_semaphore, #tpu.memory_space<semaphore_mem>>
    %dma_wait3A_222 = arith.constant 5000 : i32
    %dma_wait3A_223 = arith.constant 0 : i32
    %dma_wait3A_224 = tpu.memref_slice %arg1[%dma_wait3A_222, %dma_wait3A_223] : memref<100000x64xf32, #tpu.memory_space<any>> -> memref<5000x64xf32, #tpu.memory_space<any>>
    %dma_wait3A_225 = arith.constant 0 : i32
    %dma_wait3A_226 = arith.constant 0 : i32
    %dma_wait3A_227 = tpu.memref_slice %arg2[%dma_wait3A_218, %dma_wait3A_225, %dma_wait3A_226] : memref<8x5000x64xf32, #tpu.memory_space<vmem>> -> memref<1x5000x64xf32, #tpu.memory_space<vmem>>
    %dma_wait3A_228 = tpu.memref_squeeze %dma_wait3A_227 : memref<1x5000x64xf32, #tpu.memory_space<vmem>> -> memref<5000x64xf32, #tpu.memory_space<vmem>>
    tpu.wait_dma2 semaphore(%dma_wait3A_221 : memref<!tpu.dma_semaphore, #tpu.memory_space<semaphore_mem>>) src(%dma_wait3A_228 : memref<5000x64xf32, #tpu.memory_space<vmem>>) dst(%dma_wait3A_224 : memref<5000x64xf32, #tpu.memory_space<any>>)
    %dma_start3A_229 = arith.constant 1 : i32
    %dma_start3A_230 = arith.constant 1 : i32
    %dma_start3A_231 = tpu.memref_slice %arg3[%dma_start3A_230] : memref<8x!tpu.dma_semaphore, #tpu.memory_space<semaphore_mem>> -> memref<1x!tpu.dma_semaphore, #tpu.memory_space<semaphore_mem>>
    %dma_start3A_232 = tpu.memref_squeeze %dma_start3A_231 : memref<1x!tpu.dma_semaphore, #tpu.memory_space<semaphore_mem>> -> memref<!tpu.dma_semaphore, #tpu.memory_space<semaphore_mem>>
    %dma_start3A_233 = arith.constant 0 : i32
    %dma_start3A_234 = arith.constant 0 : i32
    %dma_start3A_235 = tpu.memref_slice %arg2[%dma_start3A_229, %dma_start3A_233, %dma_start3A_234] : memref<8x5000x64xf32, #tpu.memory_space<vmem>> -> memref<1x5000x64xf32, #tpu.memory_space<vmem>>
    %dma_start3A_236 = tpu.memref_squeeze %dma_start3A_235 : memref<1x5000x64xf32, #tpu.memory_space<vmem>> -> memref<5000x64xf32, #tpu.memory_space<vmem>>
    %dma_start3A_237 = arith.constant 45000 : i32
    %dma_start3A_238 = arith.constant 0 : i32
    %dma_start3A_239 = tpu.memref_slice %arg0[%dma_start3A_237, %dma_start3A_238] : memref<100000x64xf32, #tpu.memory_space<any>> -> memref<5000x64xf32, #tpu.memory_space<any>>
    tpu.enqueue_dma source(%dma_start3A_239 : memref<5000x64xf32, #tpu.memory_space<any>>) target(%dma_start3A_236 : memref<5000x64xf32, #tpu.memory_space<vmem>>) target_semaphore(%dma_start3A_232 : memref<!tpu.dma_semaphore, #tpu.memory_space<semaphore_mem>>)
    %dma_wait3A_240 = arith.constant 5 : i32
    %dma_wait3A_241 = arith.constant 5 : i32
    %dma_wait3A_242 = tpu.memref_slice %arg3[%dma_wait3A_241] : memref<8x!tpu.dma_semaphore, #tpu.memory_space<semaphore_mem>> -> memref<1x!tpu.dma_semaphore, #tpu.memory_space<semaphore_mem>>
    %dma_wait3A_243 = tpu.memref_squeeze %dma_wait3A_242 : memref<1x!tpu.dma_semaphore, #tpu.memory_space<semaphore_mem>> -> memref<!tpu.dma_semaphore, #tpu.memory_space<semaphore_mem>>
    %dma_wait3A_244 = arith.constant 0 : i32
    %dma_wait3A_245 = arith.constant 0 : i32
    %dma_wait3A_246 = tpu.memref_slice %arg2[%dma_wait3A_240, %dma_wait3A_244, %dma_wait3A_245] : memref<8x5000x64xf32, #tpu.memory_space<vmem>> -> memref<1x5000x64xf32, #tpu.memory_space<vmem>>
    %dma_wait3A_247 = tpu.memref_squeeze %dma_wait3A_246 : memref<1x5000x64xf32, #tpu.memory_space<vmem>> -> memref<5000x64xf32, #tpu.memory_space<vmem>>
    %dma_wait3A_248 = arith.constant 25000 : i32
    %dma_wait3A_249 = arith.constant 0 : i32
    %dma_wait3A_250 = tpu.memref_slice %arg0[%dma_wait3A_248, %dma_wait3A_249] : memref<100000x64xf32, #tpu.memory_space<any>> -> memref<5000x64xf32, #tpu.memory_space<any>>
    tpu.wait_dma2 semaphore(%dma_wait3A_243 : memref<!tpu.dma_semaphore, #tpu.memory_space<semaphore_mem>>) src(%dma_wait3A_250 : memref<5000x64xf32, #tpu.memory_space<any>>) dst(%dma_wait3A_247 : memref<5000x64xf32, #tpu.memory_space<vmem>>)
    %dma_start3A_251 = arith.constant 5 : i32
    %dma_start3A_252 = arith.constant 5 : i32
    %dma_start3A_253 = tpu.memref_slice %arg4[%dma_start3A_252] : memref<8x!tpu.dma_semaphore, #tpu.memory_space<semaphore_mem>> -> memref<1x!tpu.dma_semaphore, #tpu.memory_space<semaphore_mem>>
    %dma_start3A_254 = tpu.memref_squeeze %dma_start3A_253 : memref<1x!tpu.dma_semaphore, #tpu.memory_space<semaphore_mem>> -> memref<!tpu.dma_semaphore, #tpu.memory_space<semaphore_mem>>
    %dma_start3A_255 = arith.constant 25000 : i32
    %dma_start3A_256 = arith.constant 0 : i32
    %dma_start3A_257 = tpu.memref_slice %arg1[%dma_start3A_255, %dma_start3A_256] : memref<100000x64xf32, #tpu.memory_space<any>> -> memref<5000x64xf32, #tpu.memory_space<any>>
    %dma_start3A_258 = arith.constant 0 : i32
    %dma_start3A_259 = arith.constant 0 : i32
    %dma_start3A_260 = tpu.memref_slice %arg2[%dma_start3A_251, %dma_start3A_258, %dma_start3A_259] : memref<8x5000x64xf32, #tpu.memory_space<vmem>> -> memref<1x5000x64xf32, #tpu.memory_space<vmem>>
    %dma_start3A_261 = tpu.memref_squeeze %dma_start3A_260 : memref<1x5000x64xf32, #tpu.memory_space<vmem>> -> memref<5000x64xf32, #tpu.memory_space<vmem>>
    tpu.enqueue_dma source(%dma_start3A_261 : memref<5000x64xf32, #tpu.memory_space<vmem>>) target(%dma_start3A_257 : memref<5000x64xf32, #tpu.memory_space<any>>) target_semaphore(%dma_start3A_254 : memref<!tpu.dma_semaphore, #tpu.memory_space<semaphore_mem>>)
    %dma_wait3A_262 = arith.constant 2 : i32
    %dma_wait3A_263 = arith.constant 2 : i32
    %dma_wait3A_264 = tpu.memref_slice %arg4[%dma_wait3A_263] : memref<8x!tpu.dma_semaphore, #tpu.memory_space<semaphore_mem>> -> memref<1x!tpu.dma_semaphore, #tpu.memory_space<semaphore_mem>>
    %dma_wait3A_265 = tpu.memref_squeeze %dma_wait3A_264 : memref<1x!tpu.dma_semaphore, #tpu.memory_space<semaphore_mem>> -> memref<!tpu.dma_semaphore, #tpu.memory_space<semaphore_mem>>
    %dma_wait3A_266 = arith.constant 10000 : i32
    %dma_wait3A_267 = arith.constant 0 : i32
    %dma_wait3A_268 = tpu.memref_slice %arg1[%dma_wait3A_266, %dma_wait3A_267] : memref<100000x64xf32, #tpu.memory_space<any>> -> memref<5000x64xf32, #tpu.memory_space<any>>
    %dma_wait3A_269 = arith.constant 0 : i32
    %dma_wait3A_270 = arith.constant 0 : i32
    %dma_wait3A_271 = tpu.memref_slice %arg2[%dma_wait3A_262, %dma_wait3A_269, %dma_wait3A_270] : memref<8x5000x64xf32, #tpu.memory_space<vmem>> -> memref<1x5000x64xf32, #tpu.memory_space<vmem>>
    %dma_wait3A_272 = tpu.memref_squeeze %dma_wait3A_271 : memref<1x5000x64xf32, #tpu.memory_space<vmem>> -> memref<5000x64xf32, #tpu.memory_space<vmem>>
    tpu.wait_dma2 semaphore(%dma_wait3A_265 : memref<!tpu.dma_semaphore, #tpu.memory_space<semaphore_mem>>) src(%dma_wait3A_272 : memref<5000x64xf32, #tpu.memory_space<vmem>>) dst(%dma_wait3A_268 : memref<5000x64xf32, #tpu.memory_space<any>>)
    %dma_start3A_273 = arith.constant 2 : i32
    %dma_start3A_274 = arith.constant 2 : i32
    %dma_start3A_275 = tpu.memref_slice %arg3[%dma_start3A_274] : memref<8x!tpu.dma_semaphore, #tpu.memory_space<semaphore_mem>> -> memref<1x!tpu.dma_semaphore, #tpu.memory_space<semaphore_mem>>
    %dma_start3A_276 = tpu.memref_squeeze %dma_start3A_275 : memref<1x!tpu.dma_semaphore, #tpu.memory_space<semaphore_mem>> -> memref<!tpu.dma_semaphore, #tpu.memory_space<semaphore_mem>>
    %dma_start3A_277 = arith.constant 0 : i32
    %dma_start3A_278 = arith.constant 0 : i32
    %dma_start3A_279 = tpu.memref_slice %arg2[%dma_start3A_273, %dma_start3A_277, %dma_start3A_278] : memref<8x5000x64xf32, #tpu.memory_space<vmem>> -> memref<1x5000x64xf32, #tpu.memory_space<vmem>>
    %dma_start3A_280 = tpu.memref_squeeze %dma_start3A_279 : memref<1x5000x64xf32, #tpu.memory_space<vmem>> -> memref<5000x64xf32, #tpu.memory_space<vmem>>
    %dma_start3A_281 = arith.constant 50000 : i32
    %dma_start3A_282 = arith.constant 0 : i32
    %dma_start3A_283 = tpu.memref_slice %arg0[%dma_start3A_281, %dma_start3A_282] : memref<100000x64xf32, #tpu.memory_space<any>> -> memref<5000x64xf32, #tpu.memory_space<any>>
    tpu.enqueue_dma source(%dma_start3A_283 : memref<5000x64xf32, #tpu.memory_space<any>>) target(%dma_start3A_280 : memref<5000x64xf32, #tpu.memory_space<vmem>>) target_semaphore(%dma_start3A_276 : memref<!tpu.dma_semaphore, #tpu.memory_space<semaphore_mem>>)
    %dma_wait3A_284 = arith.constant 6 : i32
    %dma_wait3A_285 = arith.constant 6 : i32
    %dma_wait3A_286 = tpu.memref_slice %arg3[%dma_wait3A_285] : memref<8x!tpu.dma_semaphore, #tpu.memory_space<semaphore_mem>> -> memref<1x!tpu.dma_semaphore, #tpu.memory_space<semaphore_mem>>
    %dma_wait3A_287 = tpu.memref_squeeze %dma_wait3A_286 : memref<1x!tpu.dma_semaphore, #tpu.memory_space<semaphore_mem>> -> memref<!tpu.dma_semaphore, #tpu.memory_space<semaphore_mem>>
    %dma_wait3A_288 = arith.constant 0 : i32
    %dma_wait3A_289 = arith.constant 0 : i32
    %dma_wait3A_290 = tpu.memref_slice %arg2[%dma_wait3A_284, %dma_wait3A_288, %dma_wait3A_289] : memref<8x5000x64xf32, #tpu.memory_space<vmem>> -> memref<1x5000x64xf32, #tpu.memory_space<vmem>>
    %dma_wait3A_291 = tpu.memref_squeeze %dma_wait3A_290 : memref<1x5000x64xf32, #tpu.memory_space<vmem>> -> memref<5000x64xf32, #tpu.memory_space<vmem>>
    %dma_wait3A_292 = arith.constant 30000 : i32
    %dma_wait3A_293 = arith.constant 0 : i32
    %dma_wait3A_294 = tpu.memref_slice %arg0[%dma_wait3A_292, %dma_wait3A_293] : memref<100000x64xf32, #tpu.memory_space<any>> -> memref<5000x64xf32, #tpu.memory_space<any>>
    tpu.wait_dma2 semaphore(%dma_wait3A_287 : memref<!tpu.dma_semaphore, #tpu.memory_space<semaphore_mem>>) src(%dma_wait3A_294 : memref<5000x64xf32, #tpu.memory_space<any>>) dst(%dma_wait3A_291 : memref<5000x64xf32, #tpu.memory_space<vmem>>)
    %dma_start3A_295 = arith.constant 6 : i32
    %dma_start3A_296 = arith.constant 6 : i32
    %dma_start3A_297 = tpu.memref_slice %arg4[%dma_start3A_296] : memref<8x!tpu.dma_semaphore, #tpu.memory_space<semaphore_mem>> -> memref<1x!tpu.dma_semaphore, #tpu.memory_space<semaphore_mem>>
    %dma_start3A_298 = tpu.memref_squeeze %dma_start3A_297 : memref<1x!tpu.dma_semaphore, #tpu.memory_space<semaphore_mem>> -> memref<!tpu.dma_semaphore, #tpu.memory_space<semaphore_mem>>
    %dma_start3A_299 = arith.constant 30000 : i32
    %dma_start3A_300 = arith.constant 0 : i32
    %dma_start3A_301 = tpu.memref_slice %arg1[%dma_start3A_299, %dma_start3A_300] : memref<100000x64xf32, #tpu.memory_space<any>> -> memref<5000x64xf32, #tpu.memory_space<any>>
    %dma_start3A_302 = arith.constant 0 : i32
    %dma_start3A_303 = arith.constant 0 : i32
    %dma_start3A_304 = tpu.memref_slice %arg2[%dma_start3A_295, %dma_start3A_302, %dma_start3A_303] : memref<8x5000x64xf32, #tpu.memory_space<vmem>> -> memref<1x5000x64xf32, #tpu.memory_space<vmem>>
    %dma_start3A_305 = tpu.memref_squeeze %dma_start3A_304 : memref<1x5000x64xf32, #tpu.memory_space<vmem>> -> memref<5000x64xf32, #tpu.memory_space<vmem>>
    tpu.enqueue_dma source(%dma_start3A_305 : memref<5000x64xf32, #tpu.memory_space<vmem>>) target(%dma_start3A_301 : memref<5000x64xf32, #tpu.memory_space<any>>) target_semaphore(%dma_start3A_298 : memref<!tpu.dma_semaphore, #tpu.memory_space<semaphore_mem>>)
    %dma_wait3A_306 = arith.constant 3 : i32
    %dma_wait3A_307 = arith.constant 3 : i32
    %dma_wait3A_308 = tpu.memref_slice %arg4[%dma_wait3A_307] : memref<8x!tpu.dma_semaphore, #tpu.memory_space<semaphore_mem>> -> memref<1x!tpu.dma_semaphore, #tpu.memory_space<semaphore_mem>>
    %dma_wait3A_309 = tpu.memref_squeeze %dma_wait3A_308 : memref<1x!tpu.dma_semaphore, #tpu.memory_space<semaphore_mem>> -> memref<!tpu.dma_semaphore, #tpu.memory_space<semaphore_mem>>
    %dma_wait3A_310 = arith.constant 15000 : i32
    %dma_wait3A_311 = arith.constant 0 : i32
    %dma_wait3A_312 = tpu.memref_slice %arg1[%dma_wait3A_310, %dma_wait3A_311] : memref<100000x64xf32, #tpu.memory_space<any>> -> memref<5000x64xf32, #tpu.memory_space<any>>
    %dma_wait3A_313 = arith.constant 0 : i32
    %dma_wait3A_314 = arith.constant 0 : i32
    %dma_wait3A_315 = tpu.memref_slice %arg2[%dma_wait3A_306, %dma_wait3A_313, %dma_wait3A_314] : memref<8x5000x64xf32, #tpu.memory_space<vmem>> -> memref<1x5000x64xf32, #tpu.memory_space<vmem>>
    %dma_wait3A_316 = tpu.memref_squeeze %dma_wait3A_315 : memref<1x5000x64xf32, #tpu.memory_space<vmem>> -> memref<5000x64xf32, #tpu.memory_space<vmem>>
    tpu.wait_dma2 semaphore(%dma_wait3A_309 : memref<!tpu.dma_semaphore, #tpu.memory_space<semaphore_mem>>) src(%dma_wait3A_316 : memref<5000x64xf32, #tpu.memory_space<vmem>>) dst(%dma_wait3A_312 : memref<5000x64xf32, #tpu.memory_space<any>>)
    %dma_start3A_317 = arith.constant 3 : i32
    %dma_start3A_318 = arith.constant 3 : i32
    %dma_start3A_319 = tpu.memref_slice %arg3[%dma_start3A_318] : memref<8x!tpu.dma_semaphore, #tpu.memory_space<semaphore_mem>> -> memref<1x!tpu.dma_semaphore, #tpu.memory_space<semaphore_mem>>
    %dma_start3A_320 = tpu.memref_squeeze %dma_start3A_319 : memref<1x!tpu.dma_semaphore, #tpu.memory_space<semaphore_mem>> -> memref<!tpu.dma_semaphore, #tpu.memory_space<semaphore_mem>>
    %dma_start3A_321 = arith.constant 0 : i32
    %dma_start3A_322 = arith.constant 0 : i32
    %dma_start3A_323 = tpu.memref_slice %arg2[%dma_start3A_317, %dma_start3A_321, %dma_start3A_322] : memref<8x5000x64xf32, #tpu.memory_space<vmem>> -> memref<1x5000x64xf32, #tpu.memory_space<vmem>>
    %dma_start3A_324 = tpu.memref_squeeze %dma_start3A_323 : memref<1x5000x64xf32, #tpu.memory_space<vmem>> -> memref<5000x64xf32, #tpu.memory_space<vmem>>
    %dma_start3A_325 = arith.constant 55000 : i32
    %dma_start3A_326 = arith.constant 0 : i32
    %dma_start3A_327 = tpu.memref_slice %arg0[%dma_start3A_325, %dma_start3A_326] : memref<100000x64xf32, #tpu.memory_space<any>> -> memref<5000x64xf32, #tpu.memory_space<any>>
    tpu.enqueue_dma source(%dma_start3A_327 : memref<5000x64xf32, #tpu.memory_space<any>>) target(%dma_start3A_324 : memref<5000x64xf32, #tpu.memory_space<vmem>>) target_semaphore(%dma_start3A_320 : memref<!tpu.dma_semaphore, #tpu.memory_space<semaphore_mem>>)
    %dma_wait3A_328 = arith.constant 7 : i32
    %dma_wait3A_329 = arith.constant 7 : i32
    %dma_wait3A_330 = tpu.memref_slice %arg3[%dma_wait3A_329] : memref<8x!tpu.dma_semaphore, #tpu.memory_space<semaphore_mem>> -> memref<1x!tpu.dma_semaphore, #tpu.memory_space<semaphore_mem>>
    %dma_wait3A_331 = tpu.memref_squeeze %dma_wait3A_330 : memref<1x!tpu.dma_semaphore, #tpu.memory_space<semaphore_mem>> -> memref<!tpu.dma_semaphore, #tpu.memory_space<semaphore_mem>>
    %dma_wait3A_332 = arith.constant 0 : i32
    %dma_wait3A_333 = arith.constant 0 : i32
    %dma_wait3A_334 = tpu.memref_slice %arg2[%dma_wait3A_328, %dma_wait3A_332, %dma_wait3A_333] : memref<8x5000x64xf32, #tpu.memory_space<vmem>> -> memref<1x5000x64xf32, #tpu.memory_space<vmem>>
    %dma_wait3A_335 = tpu.memref_squeeze %dma_wait3A_334 : memref<1x5000x64xf32, #tpu.memory_space<vmem>> -> memref<5000x64xf32, #tpu.memory_space<vmem>>
    %dma_wait3A_336 = arith.constant 35000 : i32
    %dma_wait3A_337 = arith.constant 0 : i32
    %dma_wait3A_338 = tpu.memref_slice %arg0[%dma_wait3A_336, %dma_wait3A_337] : memref<100000x64xf32, #tpu.memory_space<any>> -> memref<5000x64xf32, #tpu.memory_space<any>>
    tpu.wait_dma2 semaphore(%dma_wait3A_331 : memref<!tpu.dma_semaphore, #tpu.memory_space<semaphore_mem>>) src(%dma_wait3A_338 : memref<5000x64xf32, #tpu.memory_space<any>>) dst(%dma_wait3A_335 : memref<5000x64xf32, #tpu.memory_space<vmem>>)
    %dma_start3A_339 = arith.constant 7 : i32
    %dma_start3A_340 = arith.constant 7 : i32
    %dma_start3A_341 = tpu.memref_slice %arg4[%dma_start3A_340] : memref<8x!tpu.dma_semaphore, #tpu.memory_space<semaphore_mem>> -> memref<1x!tpu.dma_semaphore, #tpu.memory_space<semaphore_mem>>
    %dma_start3A_342 = tpu.memref_squeeze %dma_start3A_341 : memref<1x!tpu.dma_semaphore, #tpu.memory_space<semaphore_mem>> -> memref<!tpu.dma_semaphore, #tpu.memory_space<semaphore_mem>>
    %dma_start3A_343 = arith.constant 35000 : i32
    %dma_start3A_344 = arith.constant 0 : i32
    %dma_start3A_345 = tpu.memref_slice %arg1[%dma_start3A_343, %dma_start3A_344] : memref<100000x64xf32, #tpu.memory_space<any>> -> memref<5000x64xf32, #tpu.memory_space<any>>
    %dma_start3A_346 = arith.constant 0 : i32
    %dma_start3A_347 = arith.constant 0 : i32
    %dma_start3A_348 = tpu.memref_slice %arg2[%dma_start3A_339, %dma_start3A_346, %dma_start3A_347] : memref<8x5000x64xf32, #tpu.memory_space<vmem>> -> memref<1x5000x64xf32, #tpu.memory_space<vmem>>
    %dma_start3A_349 = tpu.memref_squeeze %dma_start3A_348 : memref<1x5000x64xf32, #tpu.memory_space<vmem>> -> memref<5000x64xf32, #tpu.memory_space<vmem>>
    tpu.enqueue_dma source(%dma_start3A_349 : memref<5000x64xf32, #tpu.memory_space<vmem>>) target(%dma_start3A_345 : memref<5000x64xf32, #tpu.memory_space<any>>) target_semaphore(%dma_start3A_342 : memref<!tpu.dma_semaphore, #tpu.memory_space<semaphore_mem>>)
    %dma_wait3A_350 = arith.constant 4 : i32
    %dma_wait3A_351 = arith.constant 4 : i32
    %dma_wait3A_352 = tpu.memref_slice %arg4[%dma_wait3A_351] : memref<8x!tpu.dma_semaphore, #tpu.memory_space<semaphore_mem>> -> memref<1x!tpu.dma_semaphore, #tpu.memory_space<semaphore_mem>>
    %dma_wait3A_353 = tpu.memref_squeeze %dma_wait3A_352 : memref<1x!tpu.dma_semaphore, #tpu.memory_space<semaphore_mem>> -> memref<!tpu.dma_semaphore, #tpu.memory_space<semaphore_mem>>
    %dma_wait3A_354 = arith.constant 20000 : i32
    %dma_wait3A_355 = arith.constant 0 : i32
    %dma_wait3A_356 = tpu.memref_slice %arg1[%dma_wait3A_354, %dma_wait3A_355] : memref<100000x64xf32, #tpu.memory_space<any>> -> memref<5000x64xf32, #tpu.memory_space<any>>
    %dma_wait3A_357 = arith.constant 0 : i32
    %dma_wait3A_358 = arith.constant 0 : i32
    %dma_wait3A_359 = tpu.memref_slice %arg2[%dma_wait3A_350, %dma_wait3A_357, %dma_wait3A_358] : memref<8x5000x64xf32, #tpu.memory_space<vmem>> -> memref<1x5000x64xf32, #tpu.memory_space<vmem>>
    %dma_wait3A_360 = tpu.memref_squeeze %dma_wait3A_359 : memref<1x5000x64xf32, #tpu.memory_space<vmem>> -> memref<5000x64xf32, #tpu.memory_space<vmem>>
    tpu.wait_dma2 semaphore(%dma_wait3A_353 : memref<!tpu.dma_semaphore, #tpu.memory_space<semaphore_mem>>) src(%dma_wait3A_360 : memref<5000x64xf32, #tpu.memory_space<vmem>>) dst(%dma_wait3A_356 : memref<5000x64xf32, #tpu.memory_space<any>>)
    %dma_start3A_361 = arith.constant 4 : i32
    %dma_start3A_362 = arith.constant 4 : i32
    %dma_start3A_363 = tpu.memref_slice %arg3[%dma_start3A_362] : memref<8x!tpu.dma_semaphore, #tpu.memory_space<semaphore_mem>> -> memref<1x!tpu.dma_semaphore, #tpu.memory_space<semaphore_mem>>
    %dma_start3A_364 = tpu.memref_squeeze %dma_start3A_363 : memref<1x!tpu.dma_semaphore, #tpu.memory_space<semaphore_mem>> -> memref<!tpu.dma_semaphore, #tpu.memory_space<semaphore_mem>>
    %dma_start3A_365 = arith.constant 0 : i32
    %dma_start3A_366 = arith.constant 0 : i32
    %dma_start3A_367 = tpu.memref_slice %arg2[%dma_start3A_361, %dma_start3A_365, %dma_start3A_366] : memref<8x5000x64xf32, #tpu.memory_space<vmem>> -> memref<1x5000x64xf32, #tpu.memory_space<vmem>>
    %dma_start3A_368 = tpu.memref_squeeze %dma_start3A_367 : memref<1x5000x64xf32, #tpu.memory_space<vmem>> -> memref<5000x64xf32, #tpu.memory_space<vmem>>
    %dma_start3A_369 = arith.constant 60000 : i32
    %dma_start3A_370 = arith.constant 0 : i32
    %dma_start3A_371 = tpu.memref_slice %arg0[%dma_start3A_369, %dma_start3A_370] : memref<100000x64xf32, #tpu.memory_space<any>> -> memref<5000x64xf32, #tpu.memory_space<any>>
    tpu.enqueue_dma source(%dma_start3A_371 : memref<5000x64xf32, #tpu.memory_space<any>>) target(%dma_start3A_368 : memref<5000x64xf32, #tpu.memory_space<vmem>>) target_semaphore(%dma_start3A_364 : memref<!tpu.dma_semaphore, #tpu.memory_space<semaphore_mem>>)
    %dma_wait3A_372 = arith.constant 0 : i32
    %dma_wait3A_373 = arith.constant 0 : i32
    %dma_wait3A_374 = tpu.memref_slice %arg3[%dma_wait3A_373] : memref<8x!tpu.dma_semaphore, #tpu.memory_space<semaphore_mem>> -> memref<1x!tpu.dma_semaphore, #tpu.memory_space<semaphore_mem>>
    %dma_wait3A_375 = tpu.memref_squeeze %dma_wait3A_374 : memref<1x!tpu.dma_semaphore, #tpu.memory_space<semaphore_mem>> -> memref<!tpu.dma_semaphore, #tpu.memory_space<semaphore_mem>>
    %dma_wait3A_376 = arith.constant 0 : i32
    %dma_wait3A_377 = arith.constant 0 : i32
    %dma_wait3A_378 = tpu.memref_slice %arg2[%dma_wait3A_372, %dma_wait3A_376, %dma_wait3A_377] : memref<8x5000x64xf32, #tpu.memory_space<vmem>> -> memref<1x5000x64xf32, #tpu.memory_space<vmem>>
    %dma_wait3A_379 = tpu.memref_squeeze %dma_wait3A_378 : memref<1x5000x64xf32, #tpu.memory_space<vmem>> -> memref<5000x64xf32, #tpu.memory_space<vmem>>
    %dma_wait3A_380 = arith.constant 40000 : i32
    %dma_wait3A_381 = arith.constant 0 : i32
    %dma_wait3A_382 = tpu.memref_slice %arg0[%dma_wait3A_380, %dma_wait3A_381] : memref<100000x64xf32, #tpu.memory_space<any>> -> memref<5000x64xf32, #tpu.memory_space<any>>
    tpu.wait_dma2 semaphore(%dma_wait3A_375 : memref<!tpu.dma_semaphore, #tpu.memory_space<semaphore_mem>>) src(%dma_wait3A_382 : memref<5000x64xf32, #tpu.memory_space<any>>) dst(%dma_wait3A_379 : memref<5000x64xf32, #tpu.memory_space<vmem>>)
    %dma_start3A_383 = arith.constant 0 : i32
    %dma_start3A_384 = arith.constant 0 : i32
    %dma_start3A_385 = tpu.memref_slice %arg4[%dma_start3A_384] : memref<8x!tpu.dma_semaphore, #tpu.memory_space<semaphore_mem>> -> memref<1x!tpu.dma_semaphore, #tpu.memory_space<semaphore_mem>>
    %dma_start3A_386 = tpu.memref_squeeze %dma_start3A_385 : memref<1x!tpu.dma_semaphore, #tpu.memory_space<semaphore_mem>> -> memref<!tpu.dma_semaphore, #tpu.memory_space<semaphore_mem>>
    %dma_start3A_387 = arith.constant 40000 : i32
    %dma_start3A_388 = arith.constant 0 : i32
    %dma_start3A_389 = tpu.memref_slice %arg1[%dma_start3A_387, %dma_start3A_388] : memref<100000x64xf32, #tpu.memory_space<any>> -> memref<5000x64xf32, #tpu.memory_space<any>>
    %dma_start3A_390 = arith.constant 0 : i32
    %dma_start3A_391 = arith.constant 0 : i32
    %dma_start3A_392 = tpu.memref_slice %arg2[%dma_start3A_383, %dma_start3A_390, %dma_start3A_391] : memref<8x5000x64xf32, #tpu.memory_space<vmem>> -> memref<1x5000x64xf32, #tpu.memory_space<vmem>>
    %dma_start3A_393 = tpu.memref_squeeze %dma_start3A_392 : memref<1x5000x64xf32, #tpu.memory_space<vmem>> -> memref<5000x64xf32, #tpu.memory_space<vmem>>
    tpu.enqueue_dma source(%dma_start3A_393 : memref<5000x64xf32, #tpu.memory_space<vmem>>) target(%dma_start3A_389 : memref<5000x64xf32, #tpu.memory_space<any>>) target_semaphore(%dma_start3A_386 : memref<!tpu.dma_semaphore, #tpu.memory_space<semaphore_mem>>)
    %dma_wait3A_394 = arith.constant 5 : i32
    %dma_wait3A_395 = arith.constant 5 : i32
    %dma_wait3A_396 = tpu.memref_slice %arg4[%dma_wait3A_395] : memref<8x!tpu.dma_semaphore, #tpu.memory_space<semaphore_mem>> -> memref<1x!tpu.dma_semaphore, #tpu.memory_space<semaphore_mem>>
    %dma_wait3A_397 = tpu.memref_squeeze %dma_wait3A_396 : memref<1x!tpu.dma_semaphore, #tpu.memory_space<semaphore_mem>> -> memref<!tpu.dma_semaphore, #tpu.memory_space<semaphore_mem>>
    %dma_wait3A_398 = arith.constant 25000 : i32
    %dma_wait3A_399 = arith.constant 0 : i32
    %dma_wait3A_400 = tpu.memref_slice %arg1[%dma_wait3A_398, %dma_wait3A_399] : memref<100000x64xf32, #tpu.memory_space<any>> -> memref<5000x64xf32, #tpu.memory_space<any>>
    %dma_wait3A_401 = arith.constant 0 : i32
    %dma_wait3A_402 = arith.constant 0 : i32
    %dma_wait3A_403 = tpu.memref_slice %arg2[%dma_wait3A_394, %dma_wait3A_401, %dma_wait3A_402] : memref<8x5000x64xf32, #tpu.memory_space<vmem>> -> memref<1x5000x64xf32, #tpu.memory_space<vmem>>
    %dma_wait3A_404 = tpu.memref_squeeze %dma_wait3A_403 : memref<1x5000x64xf32, #tpu.memory_space<vmem>> -> memref<5000x64xf32, #tpu.memory_space<vmem>>
    tpu.wait_dma2 semaphore(%dma_wait3A_397 : memref<!tpu.dma_semaphore, #tpu.memory_space<semaphore_mem>>) src(%dma_wait3A_404 : memref<5000x64xf32, #tpu.memory_space<vmem>>) dst(%dma_wait3A_400 : memref<5000x64xf32, #tpu.memory_space<any>>)
    %dma_start3A_405 = arith.constant 5 : i32
    %dma_start3A_406 = arith.constant 5 : i32
    %dma_start3A_407 = tpu.memref_slice %arg3[%dma_start3A_406] : memref<8x!tpu.dma_semaphore, #tpu.memory_space<semaphore_mem>> -> memref<1x!tpu.dma_semaphore, #tpu.memory_space<semaphore_mem>>
    %dma_start3A_408 = tpu.memref_squeeze %dma_start3A_407 : memref<1x!tpu.dma_semaphore, #tpu.memory_space<semaphore_mem>> -> memref<!tpu.dma_semaphore, #tpu.memory_space<semaphore_mem>>
    %dma_start3A_409 = arith.constant 0 : i32
    %dma_start3A_410 = arith.constant 0 : i32
    %dma_start3A_411 = tpu.memref_slice %arg2[%dma_start3A_405, %dma_start3A_409, %dma_start3A_410] : memref<8x5000x64xf32, #tpu.memory_space<vmem>> -> memref<1x5000x64xf32, #tpu.memory_space<vmem>>
    %dma_start3A_412 = tpu.memref_squeeze %dma_start3A_411 : memref<1x5000x64xf32, #tpu.memory_space<vmem>> -> memref<5000x64xf32, #tpu.memory_space<vmem>>
    %dma_start3A_413 = arith.constant 65000 : i32
    %dma_start3A_414 = arith.constant 0 : i32
    %dma_start3A_415 = tpu.memref_slice %arg0[%dma_start3A_413, %dma_start3A_414] : memref<100000x64xf32, #tpu.memory_space<any>> -> memref<5000x64xf32, #tpu.memory_space<any>>
    tpu.enqueue_dma source(%dma_start3A_415 : memref<5000x64xf32, #tpu.memory_space<any>>) target(%dma_start3A_412 : memref<5000x64xf32, #tpu.memory_space<vmem>>) target_semaphore(%dma_start3A_408 : memref<!tpu.dma_semaphore, #tpu.memory_space<semaphore_mem>>)
    %dma_wait3A_416 = arith.constant 1 : i32
    %dma_wait3A_417 = arith.constant 1 : i32
    %dma_wait3A_418 = tpu.memref_slice %arg3[%dma_wait3A_417] : memref<8x!tpu.dma_semaphore, #tpu.memory_space<semaphore_mem>> -> memref<1x!tpu.dma_semaphore, #tpu.memory_space<semaphore_mem>>
    %dma_wait3A_419 = tpu.memref_squeeze %dma_wait3A_418 : memref<1x!tpu.dma_semaphore, #tpu.memory_space<semaphore_mem>> -> memref<!tpu.dma_semaphore, #tpu.memory_space<semaphore_mem>>
    %dma_wait3A_420 = arith.constant 0 : i32
    %dma_wait3A_421 = arith.constant 0 : i32
    %dma_wait3A_422 = tpu.memref_slice %arg2[%dma_wait3A_416, %dma_wait3A_420, %dma_wait3A_421] : memref<8x5000x64xf32, #tpu.memory_space<vmem>> -> memref<1x5000x64xf32, #tpu.memory_space<vmem>>
    %dma_wait3A_423 = tpu.memref_squeeze %dma_wait3A_422 : memref<1x5000x64xf32, #tpu.memory_space<vmem>> -> memref<5000x64xf32, #tpu.memory_space<vmem>>
    %dma_wait3A_424 = arith.constant 45000 : i32
    %dma_wait3A_425 = arith.constant 0 : i32
    %dma_wait3A_426 = tpu.memref_slice %arg0[%dma_wait3A_424, %dma_wait3A_425] : memref<100000x64xf32, #tpu.memory_space<any>> -> memref<5000x64xf32, #tpu.memory_space<any>>
    tpu.wait_dma2 semaphore(%dma_wait3A_419 : memref<!tpu.dma_semaphore, #tpu.memory_space<semaphore_mem>>) src(%dma_wait3A_426 : memref<5000x64xf32, #tpu.memory_space<any>>) dst(%dma_wait3A_423 : memref<5000x64xf32, #tpu.memory_space<vmem>>)
    %dma_start3A_427 = arith.constant 1 : i32
    %dma_start3A_428 = arith.constant 1 : i32
    %dma_start3A_429 = tpu.memref_slice %arg4[%dma_start3A_428] : memref<8x!tpu.dma_semaphore, #tpu.memory_space<semaphore_mem>> -> memref<1x!tpu.dma_semaphore, #tpu.memory_space<semaphore_mem>>
    %dma_start3A_430 = tpu.memref_squeeze %dma_start3A_429 : memref<1x!tpu.dma_semaphore, #tpu.memory_space<semaphore_mem>> -> memref<!tpu.dma_semaphore, #tpu.memory_space<semaphore_mem>>
    %dma_start3A_431 = arith.constant 45000 : i32
    %dma_start3A_432 = arith.constant 0 : i32
    %dma_start3A_433 = tpu.memref_slice %arg1[%dma_start3A_431, %dma_start3A_432] : memref<100000x64xf32, #tpu.memory_space<any>> -> memref<5000x64xf32, #tpu.memory_space<any>>
    %dma_start3A_434 = arith.constant 0 : i32
    %dma_start3A_435 = arith.constant 0 : i32
    %dma_start3A_436 = tpu.memref_slice %arg2[%dma_start3A_427, %dma_start3A_434, %dma_start3A_435] : memref<8x5000x64xf32, #tpu.memory_space<vmem>> -> memref<1x5000x64xf32, #tpu.memory_space<vmem>>
    %dma_start3A_437 = tpu.memref_squeeze %dma_start3A_436 : memref<1x5000x64xf32, #tpu.memory_space<vmem>> -> memref<5000x64xf32, #tpu.memory_space<vmem>>
    tpu.enqueue_dma source(%dma_start3A_437 : memref<5000x64xf32, #tpu.memory_space<vmem>>) target(%dma_start3A_433 : memref<5000x64xf32, #tpu.memory_space<any>>) target_semaphore(%dma_start3A_430 : memref<!tpu.dma_semaphore, #tpu.memory_space<semaphore_mem>>)
    %dma_wait3A_438 = arith.constant 6 : i32
    %dma_wait3A_439 = arith.constant 6 : i32
    %dma_wait3A_440 = tpu.memref_slice %arg4[%dma_wait3A_439] : memref<8x!tpu.dma_semaphore, #tpu.memory_space<semaphore_mem>> -> memref<1x!tpu.dma_semaphore, #tpu.memory_space<semaphore_mem>>
    %dma_wait3A_441 = tpu.memref_squeeze %dma_wait3A_440 : memref<1x!tpu.dma_semaphore, #tpu.memory_space<semaphore_mem>> -> memref<!tpu.dma_semaphore, #tpu.memory_space<semaphore_mem>>
    %dma_wait3A_442 = arith.constant 30000 : i32
    %dma_wait3A_443 = arith.constant 0 : i32
    %dma_wait3A_444 = tpu.memref_slice %arg1[%dma_wait3A_442, %dma_wait3A_443] : memref<100000x64xf32, #tpu.memory_space<any>> -> memref<5000x64xf32, #tpu.memory_space<any>>
    %dma_wait3A_445 = arith.constant 0 : i32
    %dma_wait3A_446 = arith.constant 0 : i32
    %dma_wait3A_447 = tpu.memref_slice %arg2[%dma_wait3A_438, %dma_wait3A_445, %dma_wait3A_446] : memref<8x5000x64xf32, #tpu.memory_space<vmem>> -> memref<1x5000x64xf32, #tpu.memory_space<vmem>>
    %dma_wait3A_448 = tpu.memref_squeeze %dma_wait3A_447 : memref<1x5000x64xf32, #tpu.memory_space<vmem>> -> memref<5000x64xf32, #tpu.memory_space<vmem>>
    tpu.wait_dma2 semaphore(%dma_wait3A_441 : memref<!tpu.dma_semaphore, #tpu.memory_space<semaphore_mem>>) src(%dma_wait3A_448 : memref<5000x64xf32, #tpu.memory_space<vmem>>) dst(%dma_wait3A_444 : memref<5000x64xf32, #tpu.memory_space<any>>)
    %dma_start3A_449 = arith.constant 6 : i32
    %dma_start3A_450 = arith.constant 6 : i32
    %dma_start3A_451 = tpu.memref_slice %arg3[%dma_start3A_450] : memref<8x!tpu.dma_semaphore, #tpu.memory_space<semaphore_mem>> -> memref<1x!tpu.dma_semaphore, #tpu.memory_space<semaphore_mem>>
    %dma_start3A_452 = tpu.memref_squeeze %dma_start3A_451 : memref<1x!tpu.dma_semaphore, #tpu.memory_space<semaphore_mem>> -> memref<!tpu.dma_semaphore, #tpu.memory_space<semaphore_mem>>
    %dma_start3A_453 = arith.constant 0 : i32
    %dma_start3A_454 = arith.constant 0 : i32
    %dma_start3A_455 = tpu.memref_slice %arg2[%dma_start3A_449, %dma_start3A_453, %dma_start3A_454] : memref<8x5000x64xf32, #tpu.memory_space<vmem>> -> memref<1x5000x64xf32, #tpu.memory_space<vmem>>
    %dma_start3A_456 = tpu.memref_squeeze %dma_start3A_455 : memref<1x5000x64xf32, #tpu.memory_space<vmem>> -> memref<5000x64xf32, #tpu.memory_space<vmem>>
    %dma_start3A_457 = arith.constant 70000 : i32
    %dma_start3A_458 = arith.constant 0 : i32
    %dma_start3A_459 = tpu.memref_slice %arg0[%dma_start3A_457, %dma_start3A_458] : memref<100000x64xf32, #tpu.memory_space<any>> -> memref<5000x64xf32, #tpu.memory_space<any>>
    tpu.enqueue_dma source(%dma_start3A_459 : memref<5000x64xf32, #tpu.memory_space<any>>) target(%dma_start3A_456 : memref<5000x64xf32, #tpu.memory_space<vmem>>) target_semaphore(%dma_start3A_452 : memref<!tpu.dma_semaphore, #tpu.memory_space<semaphore_mem>>)
    %dma_wait3A_460 = arith.constant 2 : i32
    %dma_wait3A_461 = arith.constant 2 : i32
    %dma_wait3A_462 = tpu.memref_slice %arg3[%dma_wait3A_461] : memref<8x!tpu.dma_semaphore, #tpu.memory_space<semaphore_mem>> -> memref<1x!tpu.dma_semaphore, #tpu.memory_space<semaphore_mem>>
    %dma_wait3A_463 = tpu.memref_squeeze %dma_wait3A_462 : memref<1x!tpu.dma_semaphore, #tpu.memory_space<semaphore_mem>> -> memref<!tpu.dma_semaphore, #tpu.memory_space<semaphore_mem>>
    %dma_wait3A_464 = arith.constant 0 : i32
    %dma_wait3A_465 = arith.constant 0 : i32
    %dma_wait3A_466 = tpu.memref_slice %arg2[%dma_wait3A_460, %dma_wait3A_464, %dma_wait3A_465] : memref<8x5000x64xf32, #tpu.memory_space<vmem>> -> memref<1x5000x64xf32, #tpu.memory_space<vmem>>
    %dma_wait3A_467 = tpu.memref_squeeze %dma_wait3A_466 : memref<1x5000x64xf32, #tpu.memory_space<vmem>> -> memref<5000x64xf32, #tpu.memory_space<vmem>>
    %dma_wait3A_468 = arith.constant 50000 : i32
    %dma_wait3A_469 = arith.constant 0 : i32
    %dma_wait3A_470 = tpu.memref_slice %arg0[%dma_wait3A_468, %dma_wait3A_469] : memref<100000x64xf32, #tpu.memory_space<any>> -> memref<5000x64xf32, #tpu.memory_space<any>>
    tpu.wait_dma2 semaphore(%dma_wait3A_463 : memref<!tpu.dma_semaphore, #tpu.memory_space<semaphore_mem>>) src(%dma_wait3A_470 : memref<5000x64xf32, #tpu.memory_space<any>>) dst(%dma_wait3A_467 : memref<5000x64xf32, #tpu.memory_space<vmem>>)
    %dma_start3A_471 = arith.constant 2 : i32
    %dma_start3A_472 = arith.constant 2 : i32
    %dma_start3A_473 = tpu.memref_slice %arg4[%dma_start3A_472] : memref<8x!tpu.dma_semaphore, #tpu.memory_space<semaphore_mem>> -> memref<1x!tpu.dma_semaphore, #tpu.memory_space<semaphore_mem>>
    %dma_start3A_474 = tpu.memref_squeeze %dma_start3A_473 : memref<1x!tpu.dma_semaphore, #tpu.memory_space<semaphore_mem>> -> memref<!tpu.dma_semaphore, #tpu.memory_space<semaphore_mem>>
    %dma_start3A_475 = arith.constant 50000 : i32
    %dma_start3A_476 = arith.constant 0 : i32
    %dma_start3A_477 = tpu.memref_slice %arg1[%dma_start3A_475, %dma_start3A_476] : memref<100000x64xf32, #tpu.memory_space<any>> -> memref<5000x64xf32, #tpu.memory_space<any>>
    %dma_start3A_478 = arith.constant 0 : i32
    %dma_start3A_479 = arith.constant 0 : i32
    %dma_start3A_480 = tpu.memref_slice %arg2[%dma_start3A_471, %dma_start3A_478, %dma_start3A_479] : memref<8x5000x64xf32, #tpu.memory_space<vmem>> -> memref<1x5000x64xf32, #tpu.memory_space<vmem>>
    %dma_start3A_481 = tpu.memref_squeeze %dma_start3A_480 : memref<1x5000x64xf32, #tpu.memory_space<vmem>> -> memref<5000x64xf32, #tpu.memory_space<vmem>>
    tpu.enqueue_dma source(%dma_start3A_481 : memref<5000x64xf32, #tpu.memory_space<vmem>>) target(%dma_start3A_477 : memref<5000x64xf32, #tpu.memory_space<any>>) target_semaphore(%dma_start3A_474 : memref<!tpu.dma_semaphore, #tpu.memory_space<semaphore_mem>>)
    %dma_wait3A_482 = arith.constant 7 : i32
    %dma_wait3A_483 = arith.constant 7 : i32
    %dma_wait3A_484 = tpu.memref_slice %arg4[%dma_wait3A_483] : memref<8x!tpu.dma_semaphore, #tpu.memory_space<semaphore_mem>> -> memref<1x!tpu.dma_semaphore, #tpu.memory_space<semaphore_mem>>
    %dma_wait3A_485 = tpu.memref_squeeze %dma_wait3A_484 : memref<1x!tpu.dma_semaphore, #tpu.memory_space<semaphore_mem>> -> memref<!tpu.dma_semaphore, #tpu.memory_space<semaphore_mem>>
    %dma_wait3A_486 = arith.constant 35000 : i32
    %dma_wait3A_487 = arith.constant 0 : i32
    %dma_wait3A_488 = tpu.memref_slice %arg1[%dma_wait3A_486, %dma_wait3A_487] : memref<100000x64xf32, #tpu.memory_space<any>> -> memref<5000x64xf32, #tpu.memory_space<any>>
    %dma_wait3A_489 = arith.constant 0 : i32
    %dma_wait3A_490 = arith.constant 0 : i32
    %dma_wait3A_491 = tpu.memref_slice %arg2[%dma_wait3A_482, %dma_wait3A_489, %dma_wait3A_490] : memref<8x5000x64xf32, #tpu.memory_space<vmem>> -> memref<1x5000x64xf32, #tpu.memory_space<vmem>>
    %dma_wait3A_492 = tpu.memref_squeeze %dma_wait3A_491 : memref<1x5000x64xf32, #tpu.memory_space<vmem>> -> memref<5000x64xf32, #tpu.memory_space<vmem>>
    tpu.wait_dma2 semaphore(%dma_wait3A_485 : memref<!tpu.dma_semaphore, #tpu.memory_space<semaphore_mem>>) src(%dma_wait3A_492 : memref<5000x64xf32, #tpu.memory_space<vmem>>) dst(%dma_wait3A_488 : memref<5000x64xf32, #tpu.memory_space<any>>)
    %dma_start3A_493 = arith.constant 7 : i32
    %dma_start3A_494 = arith.constant 7 : i32
    %dma_start3A_495 = tpu.memref_slice %arg3[%dma_start3A_494] : memref<8x!tpu.dma_semaphore, #tpu.memory_space<semaphore_mem>> -> memref<1x!tpu.dma_semaphore, #tpu.memory_space<semaphore_mem>>
    %dma_start3A_496 = tpu.memref_squeeze %dma_start3A_495 : memref<1x!tpu.dma_semaphore, #tpu.memory_space<semaphore_mem>> -> memref<!tpu.dma_semaphore, #tpu.memory_space<semaphore_mem>>
    %dma_start3A_497 = arith.constant 0 : i32
    %dma_start3A_498 = arith.constant 0 : i32
    %dma_start3A_499 = tpu.memref_slice %arg2[%dma_start3A_493, %dma_start3A_497, %dma_start3A_498] : memref<8x5000x64xf32, #tpu.memory_space<vmem>> -> memref<1x5000x64xf32, #tpu.memory_space<vmem>>
    %dma_start3A_500 = tpu.memref_squeeze %dma_start3A_499 : memref<1x5000x64xf32, #tpu.memory_space<vmem>> -> memref<5000x64xf32, #tpu.memory_space<vmem>>
    %dma_start3A_501 = arith.constant 75000 : i32
    %dma_start3A_502 = arith.constant 0 : i32
    %dma_start3A_503 = tpu.memref_slice %arg0[%dma_start3A_501, %dma_start3A_502] : memref<100000x64xf32, #tpu.memory_space<any>> -> memref<5000x64xf32, #tpu.memory_space<any>>
    tpu.enqueue_dma source(%dma_start3A_503 : memref<5000x64xf32, #tpu.memory_space<any>>) target(%dma_start3A_500 : memref<5000x64xf32, #tpu.memory_space<vmem>>) target_semaphore(%dma_start3A_496 : memref<!tpu.dma_semaphore, #tpu.memory_space<semaphore_mem>>)
    %dma_wait3A_504 = arith.constant 3 : i32
    %dma_wait3A_505 = arith.constant 3 : i32
    %dma_wait3A_506 = tpu.memref_slice %arg3[%dma_wait3A_505] : memref<8x!tpu.dma_semaphore, #tpu.memory_space<semaphore_mem>> -> memref<1x!tpu.dma_semaphore, #tpu.memory_space<semaphore_mem>>
    %dma_wait3A_507 = tpu.memref_squeeze %dma_wait3A_506 : memref<1x!tpu.dma_semaphore, #tpu.memory_space<semaphore_mem>> -> memref<!tpu.dma_semaphore, #tpu.memory_space<semaphore_mem>>
    %dma_wait3A_508 = arith.constant 0 : i32
    %dma_wait3A_509 = arith.constant 0 : i32
    %dma_wait3A_510 = tpu.memref_slice %arg2[%dma_wait3A_504, %dma_wait3A_508, %dma_wait3A_509] : memref<8x5000x64xf32, #tpu.memory_space<vmem>> -> memref<1x5000x64xf32, #tpu.memory_space<vmem>>
    %dma_wait3A_511 = tpu.memref_squeeze %dma_wait3A_510 : memref<1x5000x64xf32, #tpu.memory_space<vmem>> -> memref<5000x64xf32, #tpu.memory_space<vmem>>
    %dma_wait3A_512 = arith.constant 55000 : i32
    %dma_wait3A_513 = arith.constant 0 : i32
    %dma_wait3A_514 = tpu.memref_slice %arg0[%dma_wait3A_512, %dma_wait3A_513] : memref<100000x64xf32, #tpu.memory_space<any>> -> memref<5000x64xf32, #tpu.memory_space<any>>
    tpu.wait_dma2 semaphore(%dma_wait3A_507 : memref<!tpu.dma_semaphore, #tpu.memory_space<semaphore_mem>>) src(%dma_wait3A_514 : memref<5000x64xf32, #tpu.memory_space<any>>) dst(%dma_wait3A_511 : memref<5000x64xf32, #tpu.memory_space<vmem>>)
    %dma_start3A_515 = arith.constant 3 : i32
    %dma_start3A_516 = arith.constant 3 : i32
    %dma_start3A_517 = tpu.memref_slice %arg4[%dma_start3A_516] : memref<8x!tpu.dma_semaphore, #tpu.memory_space<semaphore_mem>> -> memref<1x!tpu.dma_semaphore, #tpu.memory_space<semaphore_mem>>
    %dma_start3A_518 = tpu.memref_squeeze %dma_start3A_517 : memref<1x!tpu.dma_semaphore, #tpu.memory_space<semaphore_mem>> -> memref<!tpu.dma_semaphore, #tpu.memory_space<semaphore_mem>>
    %dma_start3A_519 = arith.constant 55000 : i32
    %dma_start3A_520 = arith.constant 0 : i32
    %dma_start3A_521 = tpu.memref_slice %arg1[%dma_start3A_519, %dma_start3A_520] : memref<100000x64xf32, #tpu.memory_space<any>> -> memref<5000x64xf32, #tpu.memory_space<any>>
    %dma_start3A_522 = arith.constant 0 : i32
    %dma_start3A_523 = arith.constant 0 : i32
    %dma_start3A_524 = tpu.memref_slice %arg2[%dma_start3A_515, %dma_start3A_522, %dma_start3A_523] : memref<8x5000x64xf32, #tpu.memory_space<vmem>> -> memref<1x5000x64xf32, #tpu.memory_space<vmem>>
    %dma_start3A_525 = tpu.memref_squeeze %dma_start3A_524 : memref<1x5000x64xf32, #tpu.memory_space<vmem>> -> memref<5000x64xf32, #tpu.memory_space<vmem>>
    tpu.enqueue_dma source(%dma_start3A_525 : memref<5000x64xf32, #tpu.memory_space<vmem>>) target(%dma_start3A_521 : memref<5000x64xf32, #tpu.memory_space<any>>) target_semaphore(%dma_start3A_518 : memref<!tpu.dma_semaphore, #tpu.memory_space<semaphore_mem>>)
    %dma_wait3A_526 = arith.constant 0 : i32
    %dma_wait3A_527 = arith.constant 0 : i32
    %dma_wait3A_528 = tpu.memref_slice %arg4[%dma_wait3A_527] : memref<8x!tpu.dma_semaphore, #tpu.memory_space<semaphore_mem>> -> memref<1x!tpu.dma_semaphore, #tpu.memory_space<semaphore_mem>>
    %dma_wait3A_529 = tpu.memref_squeeze %dma_wait3A_528 : memref<1x!tpu.dma_semaphore, #tpu.memory_space<semaphore_mem>> -> memref<!tpu.dma_semaphore, #tpu.memory_space<semaphore_mem>>
    %dma_wait3A_530 = arith.constant 40000 : i32
    %dma_wait3A_531 = arith.constant 0 : i32
    %dma_wait3A_532 = tpu.memref_slice %arg1[%dma_wait3A_530, %dma_wait3A_531] : memref<100000x64xf32, #tpu.memory_space<any>> -> memref<5000x64xf32, #tpu.memory_space<any>>
    %dma_wait3A_533 = arith.constant 0 : i32
    %dma_wait3A_534 = arith.constant 0 : i32
    %dma_wait3A_535 = tpu.memref_slice %arg2[%dma_wait3A_526, %dma_wait3A_533, %dma_wait3A_534] : memref<8x5000x64xf32, #tpu.memory_space<vmem>> -> memref<1x5000x64xf32, #tpu.memory_space<vmem>>
    %dma_wait3A_536 = tpu.memref_squeeze %dma_wait3A_535 : memref<1x5000x64xf32, #tpu.memory_space<vmem>> -> memref<5000x64xf32, #tpu.memory_space<vmem>>
    tpu.wait_dma2 semaphore(%dma_wait3A_529 : memref<!tpu.dma_semaphore, #tpu.memory_space<semaphore_mem>>) src(%dma_wait3A_536 : memref<5000x64xf32, #tpu.memory_space<vmem>>) dst(%dma_wait3A_532 : memref<5000x64xf32, #tpu.memory_space<any>>)
    %dma_start3A_537 = arith.constant 0 : i32
    %dma_start3A_538 = arith.constant 0 : i32
    %dma_start3A_539 = tpu.memref_slice %arg3[%dma_start3A_538] : memref<8x!tpu.dma_semaphore, #tpu.memory_space<semaphore_mem>> -> memref<1x!tpu.dma_semaphore, #tpu.memory_space<semaphore_mem>>
    %dma_start3A_540 = tpu.memref_squeeze %dma_start3A_539 : memref<1x!tpu.dma_semaphore, #tpu.memory_space<semaphore_mem>> -> memref<!tpu.dma_semaphore, #tpu.memory_space<semaphore_mem>>
    %dma_start3A_541 = arith.constant 0 : i32
    %dma_start3A_542 = arith.constant 0 : i32
    %dma_start3A_543 = tpu.memref_slice %arg2[%dma_start3A_537, %dma_start3A_541, %dma_start3A_542] : memref<8x5000x64xf32, #tpu.memory_space<vmem>> -> memref<1x5000x64xf32, #tpu.memory_space<vmem>>
    %dma_start3A_544 = tpu.memref_squeeze %dma_start3A_543 : memref<1x5000x64xf32, #tpu.memory_space<vmem>> -> memref<5000x64xf32, #tpu.memory_space<vmem>>
    %dma_start3A_545 = arith.constant 80000 : i32
    %dma_start3A_546 = arith.constant 0 : i32
    %dma_start3A_547 = tpu.memref_slice %arg0[%dma_start3A_545, %dma_start3A_546] : memref<100000x64xf32, #tpu.memory_space<any>> -> memref<5000x64xf32, #tpu.memory_space<any>>
    tpu.enqueue_dma source(%dma_start3A_547 : memref<5000x64xf32, #tpu.memory_space<any>>) target(%dma_start3A_544 : memref<5000x64xf32, #tpu.memory_space<vmem>>) target_semaphore(%dma_start3A_540 : memref<!tpu.dma_semaphore, #tpu.memory_space<semaphore_mem>>)
    %dma_wait3A_548 = arith.constant 4 : i32
    %dma_wait3A_549 = arith.constant 4 : i32
    %dma_wait3A_550 = tpu.memref_slice %arg3[%dma_wait3A_549] : memref<8x!tpu.dma_semaphore, #tpu.memory_space<semaphore_mem>> -> memref<1x!tpu.dma_semaphore, #tpu.memory_space<semaphore_mem>>
    %dma_wait3A_551 = tpu.memref_squeeze %dma_wait3A_550 : memref<1x!tpu.dma_semaphore, #tpu.memory_space<semaphore_mem>> -> memref<!tpu.dma_semaphore, #tpu.memory_space<semaphore_mem>>
    %dma_wait3A_552 = arith.constant 0 : i32
    %dma_wait3A_553 = arith.constant 0 : i32
    %dma_wait3A_554 = tpu.memref_slice %arg2[%dma_wait3A_548, %dma_wait3A_552, %dma_wait3A_553] : memref<8x5000x64xf32, #tpu.memory_space<vmem>> -> memref<1x5000x64xf32, #tpu.memory_space<vmem>>
    %dma_wait3A_555 = tpu.memref_squeeze %dma_wait3A_554 : memref<1x5000x64xf32, #tpu.memory_space<vmem>> -> memref<5000x64xf32, #tpu.memory_space<vmem>>
    %dma_wait3A_556 = arith.constant 60000 : i32
    %dma_wait3A_557 = arith.constant 0 : i32
    %dma_wait3A_558 = tpu.memref_slice %arg0[%dma_wait3A_556, %dma_wait3A_557] : memref<100000x64xf32, #tpu.memory_space<any>> -> memref<5000x64xf32, #tpu.memory_space<any>>
    tpu.wait_dma2 semaphore(%dma_wait3A_551 : memref<!tpu.dma_semaphore, #tpu.memory_space<semaphore_mem>>) src(%dma_wait3A_558 : memref<5000x64xf32, #tpu.memory_space<any>>) dst(%dma_wait3A_555 : memref<5000x64xf32, #tpu.memory_space<vmem>>)
    %dma_start3A_559 = arith.constant 4 : i32
    %dma_start3A_560 = arith.constant 4 : i32
    %dma_start3A_561 = tpu.memref_slice %arg4[%dma_start3A_560] : memref<8x!tpu.dma_semaphore, #tpu.memory_space<semaphore_mem>> -> memref<1x!tpu.dma_semaphore, #tpu.memory_space<semaphore_mem>>
    %dma_start3A_562 = tpu.memref_squeeze %dma_start3A_561 : memref<1x!tpu.dma_semaphore, #tpu.memory_space<semaphore_mem>> -> memref<!tpu.dma_semaphore, #tpu.memory_space<semaphore_mem>>
    %dma_start3A_563 = arith.constant 60000 : i32
    %dma_start3A_564 = arith.constant 0 : i32
    %dma_start3A_565 = tpu.memref_slice %arg1[%dma_start3A_563, %dma_start3A_564] : memref<100000x64xf32, #tpu.memory_space<any>> -> memref<5000x64xf32, #tpu.memory_space<any>>
    %dma_start3A_566 = arith.constant 0 : i32
    %dma_start3A_567 = arith.constant 0 : i32
    %dma_start3A_568 = tpu.memref_slice %arg2[%dma_start3A_559, %dma_start3A_566, %dma_start3A_567] : memref<8x5000x64xf32, #tpu.memory_space<vmem>> -> memref<1x5000x64xf32, #tpu.memory_space<vmem>>
    %dma_start3A_569 = tpu.memref_squeeze %dma_start3A_568 : memref<1x5000x64xf32, #tpu.memory_space<vmem>> -> memref<5000x64xf32, #tpu.memory_space<vmem>>
    tpu.enqueue_dma source(%dma_start3A_569 : memref<5000x64xf32, #tpu.memory_space<vmem>>) target(%dma_start3A_565 : memref<5000x64xf32, #tpu.memory_space<any>>) target_semaphore(%dma_start3A_562 : memref<!tpu.dma_semaphore, #tpu.memory_space<semaphore_mem>>)
    %dma_wait3A_570 = arith.constant 1 : i32
    %dma_wait3A_571 = arith.constant 1 : i32
    %dma_wait3A_572 = tpu.memref_slice %arg4[%dma_wait3A_571] : memref<8x!tpu.dma_semaphore, #tpu.memory_space<semaphore_mem>> -> memref<1x!tpu.dma_semaphore, #tpu.memory_space<semaphore_mem>>
    %dma_wait3A_573 = tpu.memref_squeeze %dma_wait3A_572 : memref<1x!tpu.dma_semaphore, #tpu.memory_space<semaphore_mem>> -> memref<!tpu.dma_semaphore, #tpu.memory_space<semaphore_mem>>
    %dma_wait3A_574 = arith.constant 45000 : i32
    %dma_wait3A_575 = arith.constant 0 : i32
    %dma_wait3A_576 = tpu.memref_slice %arg1[%dma_wait3A_574, %dma_wait3A_575] : memref<100000x64xf32, #tpu.memory_space<any>> -> memref<5000x64xf32, #tpu.memory_space<any>>
    %dma_wait3A_577 = arith.constant 0 : i32
    %dma_wait3A_578 = arith.constant 0 : i32
    %dma_wait3A_579 = tpu.memref_slice %arg2[%dma_wait3A_570, %dma_wait3A_577, %dma_wait3A_578] : memref<8x5000x64xf32, #tpu.memory_space<vmem>> -> memref<1x5000x64xf32, #tpu.memory_space<vmem>>
    %dma_wait3A_580 = tpu.memref_squeeze %dma_wait3A_579 : memref<1x5000x64xf32, #tpu.memory_space<vmem>> -> memref<5000x64xf32, #tpu.memory_space<vmem>>
    tpu.wait_dma2 semaphore(%dma_wait3A_573 : memref<!tpu.dma_semaphore, #tpu.memory_space<semaphore_mem>>) src(%dma_wait3A_580 : memref<5000x64xf32, #tpu.memory_space<vmem>>) dst(%dma_wait3A_576 : memref<5000x64xf32, #tpu.memory_space<any>>)
    %dma_start3A_581 = arith.constant 1 : i32
    %dma_start3A_582 = arith.constant 1 : i32
    %dma_start3A_583 = tpu.memref_slice %arg3[%dma_start3A_582] : memref<8x!tpu.dma_semaphore, #tpu.memory_space<semaphore_mem>> -> memref<1x!tpu.dma_semaphore, #tpu.memory_space<semaphore_mem>>
    %dma_start3A_584 = tpu.memref_squeeze %dma_start3A_583 : memref<1x!tpu.dma_semaphore, #tpu.memory_space<semaphore_mem>> -> memref<!tpu.dma_semaphore, #tpu.memory_space<semaphore_mem>>
    %dma_start3A_585 = arith.constant 0 : i32
    %dma_start3A_586 = arith.constant 0 : i32
    %dma_start3A_587 = tpu.memref_slice %arg2[%dma_start3A_581, %dma_start3A_585, %dma_start3A_586] : memref<8x5000x64xf32, #tpu.memory_space<vmem>> -> memref<1x5000x64xf32, #tpu.memory_space<vmem>>
    %dma_start3A_588 = tpu.memref_squeeze %dma_start3A_587 : memref<1x5000x64xf32, #tpu.memory_space<vmem>> -> memref<5000x64xf32, #tpu.memory_space<vmem>>
    %dma_start3A_589 = arith.constant 85000 : i32
    %dma_start3A_590 = arith.constant 0 : i32
    %dma_start3A_591 = tpu.memref_slice %arg0[%dma_start3A_589, %dma_start3A_590] : memref<100000x64xf32, #tpu.memory_space<any>> -> memref<5000x64xf32, #tpu.memory_space<any>>
    tpu.enqueue_dma source(%dma_start3A_591 : memref<5000x64xf32, #tpu.memory_space<any>>) target(%dma_start3A_588 : memref<5000x64xf32, #tpu.memory_space<vmem>>) target_semaphore(%dma_start3A_584 : memref<!tpu.dma_semaphore, #tpu.memory_space<semaphore_mem>>)
    %dma_wait3A_592 = arith.constant 5 : i32
    %dma_wait3A_593 = arith.constant 5 : i32
    %dma_wait3A_594 = tpu.memref_slice %arg3[%dma_wait3A_593] : memref<8x!tpu.dma_semaphore, #tpu.memory_space<semaphore_mem>> -> memref<1x!tpu.dma_semaphore, #tpu.memory_space<semaphore_mem>>
    %dma_wait3A_595 = tpu.memref_squeeze %dma_wait3A_594 : memref<1x!tpu.dma_semaphore, #tpu.memory_space<semaphore_mem>> -> memref<!tpu.dma_semaphore, #tpu.memory_space<semaphore_mem>>
    %dma_wait3A_596 = arith.constant 0 : i32
    %dma_wait3A_597 = arith.constant 0 : i32
    %dma_wait3A_598 = tpu.memref_slice %arg2[%dma_wait3A_592, %dma_wait3A_596, %dma_wait3A_597] : memref<8x5000x64xf32, #tpu.memory_space<vmem>> -> memref<1x5000x64xf32, #tpu.memory_space<vmem>>
    %dma_wait3A_599 = tpu.memref_squeeze %dma_wait3A_598 : memref<1x5000x64xf32, #tpu.memory_space<vmem>> -> memref<5000x64xf32, #tpu.memory_space<vmem>>
    %dma_wait3A_600 = arith.constant 65000 : i32
    %dma_wait3A_601 = arith.constant 0 : i32
    %dma_wait3A_602 = tpu.memref_slice %arg0[%dma_wait3A_600, %dma_wait3A_601] : memref<100000x64xf32, #tpu.memory_space<any>> -> memref<5000x64xf32, #tpu.memory_space<any>>
    tpu.wait_dma2 semaphore(%dma_wait3A_595 : memref<!tpu.dma_semaphore, #tpu.memory_space<semaphore_mem>>) src(%dma_wait3A_602 : memref<5000x64xf32, #tpu.memory_space<any>>) dst(%dma_wait3A_599 : memref<5000x64xf32, #tpu.memory_space<vmem>>)
    %dma_start3A_603 = arith.constant 5 : i32
    %dma_start3A_604 = arith.constant 5 : i32
    %dma_start3A_605 = tpu.memref_slice %arg4[%dma_start3A_604] : memref<8x!tpu.dma_semaphore, #tpu.memory_space<semaphore_mem>> -> memref<1x!tpu.dma_semaphore, #tpu.memory_space<semaphore_mem>>
    %dma_start3A_606 = tpu.memref_squeeze %dma_start3A_605 : memref<1x!tpu.dma_semaphore, #tpu.memory_space<semaphore_mem>> -> memref<!tpu.dma_semaphore, #tpu.memory_space<semaphore_mem>>
    %dma_start3A_607 = arith.constant 65000 : i32
    %dma_start3A_608 = arith.constant 0 : i32
    %dma_start3A_609 = tpu.memref_slice %arg1[%dma_start3A_607, %dma_start3A_608] : memref<100000x64xf32, #tpu.memory_space<any>> -> memref<5000x64xf32, #tpu.memory_space<any>>
    %dma_start3A_610 = arith.constant 0 : i32
    %dma_start3A_611 = arith.constant 0 : i32
    %dma_start3A_612 = tpu.memref_slice %arg2[%dma_start3A_603, %dma_start3A_610, %dma_start3A_611] : memref<8x5000x64xf32, #tpu.memory_space<vmem>> -> memref<1x5000x64xf32, #tpu.memory_space<vmem>>
    %dma_start3A_613 = tpu.memref_squeeze %dma_start3A_612 : memref<1x5000x64xf32, #tpu.memory_space<vmem>> -> memref<5000x64xf32, #tpu.memory_space<vmem>>
    tpu.enqueue_dma source(%dma_start3A_613 : memref<5000x64xf32, #tpu.memory_space<vmem>>) target(%dma_start3A_609 : memref<5000x64xf32, #tpu.memory_space<any>>) target_semaphore(%dma_start3A_606 : memref<!tpu.dma_semaphore, #tpu.memory_space<semaphore_mem>>)
    %dma_wait3A_614 = arith.constant 2 : i32
    %dma_wait3A_615 = arith.constant 2 : i32
    %dma_wait3A_616 = tpu.memref_slice %arg4[%dma_wait3A_615] : memref<8x!tpu.dma_semaphore, #tpu.memory_space<semaphore_mem>> -> memref<1x!tpu.dma_semaphore, #tpu.memory_space<semaphore_mem>>
    %dma_wait3A_617 = tpu.memref_squeeze %dma_wait3A_616 : memref<1x!tpu.dma_semaphore, #tpu.memory_space<semaphore_mem>> -> memref<!tpu.dma_semaphore, #tpu.memory_space<semaphore_mem>>
    %dma_wait3A_618 = arith.constant 50000 : i32
    %dma_wait3A_619 = arith.constant 0 : i32
    %dma_wait3A_620 = tpu.memref_slice %arg1[%dma_wait3A_618, %dma_wait3A_619] : memref<100000x64xf32, #tpu.memory_space<any>> -> memref<5000x64xf32, #tpu.memory_space<any>>
    %dma_wait3A_621 = arith.constant 0 : i32
    %dma_wait3A_622 = arith.constant 0 : i32
    %dma_wait3A_623 = tpu.memref_slice %arg2[%dma_wait3A_614, %dma_wait3A_621, %dma_wait3A_622] : memref<8x5000x64xf32, #tpu.memory_space<vmem>> -> memref<1x5000x64xf32, #tpu.memory_space<vmem>>
    %dma_wait3A_624 = tpu.memref_squeeze %dma_wait3A_623 : memref<1x5000x64xf32, #tpu.memory_space<vmem>> -> memref<5000x64xf32, #tpu.memory_space<vmem>>
    tpu.wait_dma2 semaphore(%dma_wait3A_617 : memref<!tpu.dma_semaphore, #tpu.memory_space<semaphore_mem>>) src(%dma_wait3A_624 : memref<5000x64xf32, #tpu.memory_space<vmem>>) dst(%dma_wait3A_620 : memref<5000x64xf32, #tpu.memory_space<any>>)
    %dma_start3A_625 = arith.constant 2 : i32
    %dma_start3A_626 = arith.constant 2 : i32
    %dma_start3A_627 = tpu.memref_slice %arg3[%dma_start3A_626] : memref<8x!tpu.dma_semaphore, #tpu.memory_space<semaphore_mem>> -> memref<1x!tpu.dma_semaphore, #tpu.memory_space<semaphore_mem>>
    %dma_start3A_628 = tpu.memref_squeeze %dma_start3A_627 : memref<1x!tpu.dma_semaphore, #tpu.memory_space<semaphore_mem>> -> memref<!tpu.dma_semaphore, #tpu.memory_space<semaphore_mem>>
    %dma_start3A_629 = arith.constant 0 : i32
    %dma_start3A_630 = arith.constant 0 : i32
    %dma_start3A_631 = tpu.memref_slice %arg2[%dma_start3A_625, %dma_start3A_629, %dma_start3A_630] : memref<8x5000x64xf32, #tpu.memory_space<vmem>> -> memref<1x5000x64xf32, #tpu.memory_space<vmem>>
    %dma_start3A_632 = tpu.memref_squeeze %dma_start3A_631 : memref<1x5000x64xf32, #tpu.memory_space<vmem>> -> memref<5000x64xf32, #tpu.memory_space<vmem>>
    %dma_start3A_633 = arith.constant 90000 : i32
    %dma_start3A_634 = arith.constant 0 : i32
    %dma_start3A_635 = tpu.memref_slice %arg0[%dma_start3A_633, %dma_start3A_634] : memref<100000x64xf32, #tpu.memory_space<any>> -> memref<5000x64xf32, #tpu.memory_space<any>>
    tpu.enqueue_dma source(%dma_start3A_635 : memref<5000x64xf32, #tpu.memory_space<any>>) target(%dma_start3A_632 : memref<5000x64xf32, #tpu.memory_space<vmem>>) target_semaphore(%dma_start3A_628 : memref<!tpu.dma_semaphore, #tpu.memory_space<semaphore_mem>>)
    %dma_wait3A_636 = arith.constant 6 : i32
    %dma_wait3A_637 = arith.constant 6 : i32
    %dma_wait3A_638 = tpu.memref_slice %arg3[%dma_wait3A_637] : memref<8x!tpu.dma_semaphore, #tpu.memory_space<semaphore_mem>> -> memref<1x!tpu.dma_semaphore, #tpu.memory_space<semaphore_mem>>
    %dma_wait3A_639 = tpu.memref_squeeze %dma_wait3A_638 : memref<1x!tpu.dma_semaphore, #tpu.memory_space<semaphore_mem>> -> memref<!tpu.dma_semaphore, #tpu.memory_space<semaphore_mem>>
    %dma_wait3A_640 = arith.constant 0 : i32
    %dma_wait3A_641 = arith.constant 0 : i32
    %dma_wait3A_642 = tpu.memref_slice %arg2[%dma_wait3A_636, %dma_wait3A_640, %dma_wait3A_641] : memref<8x5000x64xf32, #tpu.memory_space<vmem>> -> memref<1x5000x64xf32, #tpu.memory_space<vmem>>
    %dma_wait3A_643 = tpu.memref_squeeze %dma_wait3A_642 : memref<1x5000x64xf32, #tpu.memory_space<vmem>> -> memref<5000x64xf32, #tpu.memory_space<vmem>>
    %dma_wait3A_644 = arith.constant 70000 : i32
    %dma_wait3A_645 = arith.constant 0 : i32
    %dma_wait3A_646 = tpu.memref_slice %arg0[%dma_wait3A_644, %dma_wait3A_645] : memref<100000x64xf32, #tpu.memory_space<any>> -> memref<5000x64xf32, #tpu.memory_space<any>>
    tpu.wait_dma2 semaphore(%dma_wait3A_639 : memref<!tpu.dma_semaphore, #tpu.memory_space<semaphore_mem>>) src(%dma_wait3A_646 : memref<5000x64xf32, #tpu.memory_space<any>>) dst(%dma_wait3A_643 : memref<5000x64xf32, #tpu.memory_space<vmem>>)
    %dma_start3A_647 = arith.constant 6 : i32
    %dma_start3A_648 = arith.constant 6 : i32
    %dma_start3A_649 = tpu.memref_slice %arg4[%dma_start3A_648] : memref<8x!tpu.dma_semaphore, #tpu.memory_space<semaphore_mem>> -> memref<1x!tpu.dma_semaphore, #tpu.memory_space<semaphore_mem>>
    %dma_start3A_650 = tpu.memref_squeeze %dma_start3A_649 : memref<1x!tpu.dma_semaphore, #tpu.memory_space<semaphore_mem>> -> memref<!tpu.dma_semaphore, #tpu.memory_space<semaphore_mem>>
    %dma_start3A_651 = arith.constant 70000 : i32
    %dma_start3A_652 = arith.constant 0 : i32
    %dma_start3A_653 = tpu.memref_slice %arg1[%dma_start3A_651, %dma_start3A_652] : memref<100000x64xf32, #tpu.memory_space<any>> -> memref<5000x64xf32, #tpu.memory_space<any>>
    %dma_start3A_654 = arith.constant 0 : i32
    %dma_start3A_655 = arith.constant 0 : i32
    %dma_start3A_656 = tpu.memref_slice %arg2[%dma_start3A_647, %dma_start3A_654, %dma_start3A_655] : memref<8x5000x64xf32, #tpu.memory_space<vmem>> -> memref<1x5000x64xf32, #tpu.memory_space<vmem>>
    %dma_start3A_657 = tpu.memref_squeeze %dma_start3A_656 : memref<1x5000x64xf32, #tpu.memory_space<vmem>> -> memref<5000x64xf32, #tpu.memory_space<vmem>>
    tpu.enqueue_dma source(%dma_start3A_657 : memref<5000x64xf32, #tpu.memory_space<vmem>>) target(%dma_start3A_653 : memref<5000x64xf32, #tpu.memory_space<any>>) target_semaphore(%dma_start3A_650 : memref<!tpu.dma_semaphore, #tpu.memory_space<semaphore_mem>>)
    %dma_wait3A_658 = arith.constant 3 : i32
    %dma_wait3A_659 = arith.constant 3 : i32
    %dma_wait3A_660 = tpu.memref_slice %arg4[%dma_wait3A_659] : memref<8x!tpu.dma_semaphore, #tpu.memory_space<semaphore_mem>> -> memref<1x!tpu.dma_semaphore, #tpu.memory_space<semaphore_mem>>
    %dma_wait3A_661 = tpu.memref_squeeze %dma_wait3A_660 : memref<1x!tpu.dma_semaphore, #tpu.memory_space<semaphore_mem>> -> memref<!tpu.dma_semaphore, #tpu.memory_space<semaphore_mem>>
    %dma_wait3A_662 = arith.constant 55000 : i32
    %dma_wait3A_663 = arith.constant 0 : i32
    %dma_wait3A_664 = tpu.memref_slice %arg1[%dma_wait3A_662, %dma_wait3A_663] : memref<100000x64xf32, #tpu.memory_space<any>> -> memref<5000x64xf32, #tpu.memory_space<any>>
    %dma_wait3A_665 = arith.constant 0 : i32
    %dma_wait3A_666 = arith.constant 0 : i32
    %dma_wait3A_667 = tpu.memref_slice %arg2[%dma_wait3A_658, %dma_wait3A_665, %dma_wait3A_666] : memref<8x5000x64xf32, #tpu.memory_space<vmem>> -> memref<1x5000x64xf32, #tpu.memory_space<vmem>>
    %dma_wait3A_668 = tpu.memref_squeeze %dma_wait3A_667 : memref<1x5000x64xf32, #tpu.memory_space<vmem>> -> memref<5000x64xf32, #tpu.memory_space<vmem>>
    tpu.wait_dma2 semaphore(%dma_wait3A_661 : memref<!tpu.dma_semaphore, #tpu.memory_space<semaphore_mem>>) src(%dma_wait3A_668 : memref<5000x64xf32, #tpu.memory_space<vmem>>) dst(%dma_wait3A_664 : memref<5000x64xf32, #tpu.memory_space<any>>)
    %dma_start3A_669 = arith.constant 3 : i32
    %dma_start3A_670 = arith.constant 3 : i32
    %dma_start3A_671 = tpu.memref_slice %arg3[%dma_start3A_670] : memref<8x!tpu.dma_semaphore, #tpu.memory_space<semaphore_mem>> -> memref<1x!tpu.dma_semaphore, #tpu.memory_space<semaphore_mem>>
    %dma_start3A_672 = tpu.memref_squeeze %dma_start3A_671 : memref<1x!tpu.dma_semaphore, #tpu.memory_space<semaphore_mem>> -> memref<!tpu.dma_semaphore, #tpu.memory_space<semaphore_mem>>
    %dma_start3A_673 = arith.constant 0 : i32
    %dma_start3A_674 = arith.constant 0 : i32
    %dma_start3A_675 = tpu.memref_slice %arg2[%dma_start3A_669, %dma_start3A_673, %dma_start3A_674] : memref<8x5000x64xf32, #tpu.memory_space<vmem>> -> memref<1x5000x64xf32, #tpu.memory_space<vmem>>
    %dma_start3A_676 = tpu.memref_squeeze %dma_start3A_675 : memref<1x5000x64xf32, #tpu.memory_space<vmem>> -> memref<5000x64xf32, #tpu.memory_space<vmem>>
    %dma_start3A_677 = arith.constant 95000 : i32
    %dma_start3A_678 = arith.constant 0 : i32
    %dma_start3A_679 = tpu.memref_slice %arg0[%dma_start3A_677, %dma_start3A_678] : memref<100000x64xf32, #tpu.memory_space<any>> -> memref<5000x64xf32, #tpu.memory_space<any>>
    tpu.enqueue_dma source(%dma_start3A_679 : memref<5000x64xf32, #tpu.memory_space<any>>) target(%dma_start3A_676 : memref<5000x64xf32, #tpu.memory_space<vmem>>) target_semaphore(%dma_start3A_672 : memref<!tpu.dma_semaphore, #tpu.memory_space<semaphore_mem>>)
    %dma_wait3A_680 = arith.constant 7 : i32
    %dma_wait3A_681 = arith.constant 7 : i32
    %dma_wait3A_682 = tpu.memref_slice %arg3[%dma_wait3A_681] : memref<8x!tpu.dma_semaphore, #tpu.memory_space<semaphore_mem>> -> memref<1x!tpu.dma_semaphore, #tpu.memory_space<semaphore_mem>>
    %dma_wait3A_683 = tpu.memref_squeeze %dma_wait3A_682 : memref<1x!tpu.dma_semaphore, #tpu.memory_space<semaphore_mem>> -> memref<!tpu.dma_semaphore, #tpu.memory_space<semaphore_mem>>
    %dma_wait3A_684 = arith.constant 0 : i32
    %dma_wait3A_685 = arith.constant 0 : i32
    %dma_wait3A_686 = tpu.memref_slice %arg2[%dma_wait3A_680, %dma_wait3A_684, %dma_wait3A_685] : memref<8x5000x64xf32, #tpu.memory_space<vmem>> -> memref<1x5000x64xf32, #tpu.memory_space<vmem>>
    %dma_wait3A_687 = tpu.memref_squeeze %dma_wait3A_686 : memref<1x5000x64xf32, #tpu.memory_space<vmem>> -> memref<5000x64xf32, #tpu.memory_space<vmem>>
    %dma_wait3A_688 = arith.constant 75000 : i32
    %dma_wait3A_689 = arith.constant 0 : i32
    %dma_wait3A_690 = tpu.memref_slice %arg0[%dma_wait3A_688, %dma_wait3A_689] : memref<100000x64xf32, #tpu.memory_space<any>> -> memref<5000x64xf32, #tpu.memory_space<any>>
    tpu.wait_dma2 semaphore(%dma_wait3A_683 : memref<!tpu.dma_semaphore, #tpu.memory_space<semaphore_mem>>) src(%dma_wait3A_690 : memref<5000x64xf32, #tpu.memory_space<any>>) dst(%dma_wait3A_687 : memref<5000x64xf32, #tpu.memory_space<vmem>>)
    %dma_start3A_691 = arith.constant 7 : i32
    %dma_start3A_692 = arith.constant 7 : i32
    %dma_start3A_693 = tpu.memref_slice %arg4[%dma_start3A_692] : memref<8x!tpu.dma_semaphore, #tpu.memory_space<semaphore_mem>> -> memref<1x!tpu.dma_semaphore, #tpu.memory_space<semaphore_mem>>
    %dma_start3A_694 = tpu.memref_squeeze %dma_start3A_693 : memref<1x!tpu.dma_semaphore, #tpu.memory_space<semaphore_mem>> -> memref<!tpu.dma_semaphore, #tpu.memory_space<semaphore_mem>>
    %dma_start3A_695 = arith.constant 75000 : i32
    %dma_start3A_696 = arith.constant 0 : i32
    %dma_start3A_697 = tpu.memref_slice %arg1[%dma_start3A_695, %dma_start3A_696] : memref<100000x64xf32, #tpu.memory_space<any>> -> memref<5000x64xf32, #tpu.memory_space<any>>
    %dma_start3A_698 = arith.constant 0 : i32
    %dma_start3A_699 = arith.constant 0 : i32
    %dma_start3A_700 = tpu.memref_slice %arg2[%dma_start3A_691, %dma_start3A_698, %dma_start3A_699] : memref<8x5000x64xf32, #tpu.memory_space<vmem>> -> memref<1x5000x64xf32, #tpu.memory_space<vmem>>
    %dma_start3A_701 = tpu.memref_squeeze %dma_start3A_700 : memref<1x5000x64xf32, #tpu.memory_space<vmem>> -> memref<5000x64xf32, #tpu.memory_space<vmem>>
    tpu.enqueue_dma source(%dma_start3A_701 : memref<5000x64xf32, #tpu.memory_space<vmem>>) target(%dma_start3A_697 : memref<5000x64xf32, #tpu.memory_space<any>>) target_semaphore(%dma_start3A_694 : memref<!tpu.dma_semaphore, #tpu.memory_space<semaphore_mem>>)
    %dma_wait3A_702 = arith.constant 0 : i32
    %dma_wait3A_703 = arith.constant 0 : i32
    %dma_wait3A_704 = tpu.memref_slice %arg3[%dma_wait3A_703] : memref<8x!tpu.dma_semaphore, #tpu.memory_space<semaphore_mem>> -> memref<1x!tpu.dma_semaphore, #tpu.memory_space<semaphore_mem>>
    %dma_wait3A_705 = tpu.memref_squeeze %dma_wait3A_704 : memref<1x!tpu.dma_semaphore, #tpu.memory_space<semaphore_mem>> -> memref<!tpu.dma_semaphore, #tpu.memory_space<semaphore_mem>>
    %dma_wait3A_706 = arith.constant 0 : i32
    %dma_wait3A_707 = arith.constant 0 : i32
    %dma_wait3A_708 = tpu.memref_slice %arg2[%dma_wait3A_702, %dma_wait3A_706, %dma_wait3A_707] : memref<8x5000x64xf32, #tpu.memory_space<vmem>> -> memref<1x5000x64xf32, #tpu.memory_space<vmem>>
    %dma_wait3A_709 = tpu.memref_squeeze %dma_wait3A_708 : memref<1x5000x64xf32, #tpu.memory_space<vmem>> -> memref<5000x64xf32, #tpu.memory_space<vmem>>
    %dma_wait3A_710 = arith.constant 80000 : i32
    %dma_wait3A_711 = arith.constant 0 : i32
    %dma_wait3A_712 = tpu.memref_slice %arg0[%dma_wait3A_710, %dma_wait3A_711] : memref<100000x64xf32, #tpu.memory_space<any>> -> memref<5000x64xf32, #tpu.memory_space<any>>
    tpu.wait_dma2 semaphore(%dma_wait3A_705 : memref<!tpu.dma_semaphore, #tpu.memory_space<semaphore_mem>>) src(%dma_wait3A_712 : memref<5000x64xf32, #tpu.memory_space<any>>) dst(%dma_wait3A_709 : memref<5000x64xf32, #tpu.memory_space<vmem>>)
    %dma_start3A_713 = arith.constant 0 : i32
    %dma_start3A_714 = arith.constant 0 : i32
    %dma_start3A_715 = tpu.memref_slice %arg4[%dma_start3A_714] : memref<8x!tpu.dma_semaphore, #tpu.memory_space<semaphore_mem>> -> memref<1x!tpu.dma_semaphore, #tpu.memory_space<semaphore_mem>>
    %dma_start3A_716 = tpu.memref_squeeze %dma_start3A_715 : memref<1x!tpu.dma_semaphore, #tpu.memory_space<semaphore_mem>> -> memref<!tpu.dma_semaphore, #tpu.memory_space<semaphore_mem>>
    %dma_start3A_717 = arith.constant 80000 : i32
    %dma_start3A_718 = arith.constant 0 : i32
    %dma_start3A_719 = tpu.memref_slice %arg1[%dma_start3A_717, %dma_start3A_718] : memref<100000x64xf32, #tpu.memory_space<any>> -> memref<5000x64xf32, #tpu.memory_space<any>>
    %dma_start3A_720 = arith.constant 0 : i32
    %dma_start3A_721 = arith.constant 0 : i32
    %dma_start3A_722 = tpu.memref_slice %arg2[%dma_start3A_713, %dma_start3A_720, %dma_start3A_721] : memref<8x5000x64xf32, #tpu.memory_space<vmem>> -> memref<1x5000x64xf32, #tpu.memory_space<vmem>>
    %dma_start3A_723 = tpu.memref_squeeze %dma_start3A_722 : memref<1x5000x64xf32, #tpu.memory_space<vmem>> -> memref<5000x64xf32, #tpu.memory_space<vmem>>
    tpu.enqueue_dma source(%dma_start3A_723 : memref<5000x64xf32, #tpu.memory_space<vmem>>) target(%dma_start3A_719 : memref<5000x64xf32, #tpu.memory_space<any>>) target_semaphore(%dma_start3A_716 : memref<!tpu.dma_semaphore, #tpu.memory_space<semaphore_mem>>)
    %dma_wait3A_724 = arith.constant 1 : i32
    %dma_wait3A_725 = arith.constant 1 : i32
    %dma_wait3A_726 = tpu.memref_slice %arg3[%dma_wait3A_725] : memref<8x!tpu.dma_semaphore, #tpu.memory_space<semaphore_mem>> -> memref<1x!tpu.dma_semaphore, #tpu.memory_space<semaphore_mem>>
    %dma_wait3A_727 = tpu.memref_squeeze %dma_wait3A_726 : memref<1x!tpu.dma_semaphore, #tpu.memory_space<semaphore_mem>> -> memref<!tpu.dma_semaphore, #tpu.memory_space<semaphore_mem>>
    %dma_wait3A_728 = arith.constant 0 : i32
    %dma_wait3A_729 = arith.constant 0 : i32
    %dma_wait3A_730 = tpu.memref_slice %arg2[%dma_wait3A_724, %dma_wait3A_728, %dma_wait3A_729] : memref<8x5000x64xf32, #tpu.memory_space<vmem>> -> memref<1x5000x64xf32, #tpu.memory_space<vmem>>
    %dma_wait3A_731 = tpu.memref_squeeze %dma_wait3A_730 : memref<1x5000x64xf32, #tpu.memory_space<vmem>> -> memref<5000x64xf32, #tpu.memory_space<vmem>>
    %dma_wait3A_732 = arith.constant 85000 : i32
    %dma_wait3A_733 = arith.constant 0 : i32
    %dma_wait3A_734 = tpu.memref_slice %arg0[%dma_wait3A_732, %dma_wait3A_733] : memref<100000x64xf32, #tpu.memory_space<any>> -> memref<5000x64xf32, #tpu.memory_space<any>>
    tpu.wait_dma2 semaphore(%dma_wait3A_727 : memref<!tpu.dma_semaphore, #tpu.memory_space<semaphore_mem>>) src(%dma_wait3A_734 : memref<5000x64xf32, #tpu.memory_space<any>>) dst(%dma_wait3A_731 : memref<5000x64xf32, #tpu.memory_space<vmem>>)
    %dma_start3A_735 = arith.constant 1 : i32
    %dma_start3A_736 = arith.constant 1 : i32
    %dma_start3A_737 = tpu.memref_slice %arg4[%dma_start3A_736] : memref<8x!tpu.dma_semaphore, #tpu.memory_space<semaphore_mem>> -> memref<1x!tpu.dma_semaphore, #tpu.memory_space<semaphore_mem>>
    %dma_start3A_738 = tpu.memref_squeeze %dma_start3A_737 : memref<1x!tpu.dma_semaphore, #tpu.memory_space<semaphore_mem>> -> memref<!tpu.dma_semaphore, #tpu.memory_space<semaphore_mem>>
    %dma_start3A_739 = arith.constant 85000 : i32
    %dma_start3A_740 = arith.constant 0 : i32
    %dma_start3A_741 = tpu.memref_slice %arg1[%dma_start3A_739, %dma_start3A_740] : memref<100000x64xf32, #tpu.memory_space<any>> -> memref<5000x64xf32, #tpu.memory_space<any>>
    %dma_start3A_742 = arith.constant 0 : i32
    %dma_start3A_743 = arith.constant 0 : i32
    %dma_start3A_744 = tpu.memref_slice %arg2[%dma_start3A_735, %dma_start3A_742, %dma_start3A_743] : memref<8x5000x64xf32, #tpu.memory_space<vmem>> -> memref<1x5000x64xf32, #tpu.memory_space<vmem>>
    %dma_start3A_745 = tpu.memref_squeeze %dma_start3A_744 : memref<1x5000x64xf32, #tpu.memory_space<vmem>> -> memref<5000x64xf32, #tpu.memory_space<vmem>>
    tpu.enqueue_dma source(%dma_start3A_745 : memref<5000x64xf32, #tpu.memory_space<vmem>>) target(%dma_start3A_741 : memref<5000x64xf32, #tpu.memory_space<any>>) target_semaphore(%dma_start3A_738 : memref<!tpu.dma_semaphore, #tpu.memory_space<semaphore_mem>>)
    %dma_wait3A_746 = arith.constant 2 : i32
    %dma_wait3A_747 = arith.constant 2 : i32
    %dma_wait3A_748 = tpu.memref_slice %arg3[%dma_wait3A_747] : memref<8x!tpu.dma_semaphore, #tpu.memory_space<semaphore_mem>> -> memref<1x!tpu.dma_semaphore, #tpu.memory_space<semaphore_mem>>
    %dma_wait3A_749 = tpu.memref_squeeze %dma_wait3A_748 : memref<1x!tpu.dma_semaphore, #tpu.memory_space<semaphore_mem>> -> memref<!tpu.dma_semaphore, #tpu.memory_space<semaphore_mem>>
    %dma_wait3A_750 = arith.constant 0 : i32
    %dma_wait3A_751 = arith.constant 0 : i32
    %dma_wait3A_752 = tpu.memref_slice %arg2[%dma_wait3A_746, %dma_wait3A_750, %dma_wait3A_751] : memref<8x5000x64xf32, #tpu.memory_space<vmem>> -> memref<1x5000x64xf32, #tpu.memory_space<vmem>>
    %dma_wait3A_753 = tpu.memref_squeeze %dma_wait3A_752 : memref<1x5000x64xf32, #tpu.memory_space<vmem>> -> memref<5000x64xf32, #tpu.memory_space<vmem>>
    %dma_wait3A_754 = arith.constant 90000 : i32
    %dma_wait3A_755 = arith.constant 0 : i32
    %dma_wait3A_756 = tpu.memref_slice %arg0[%dma_wait3A_754, %dma_wait3A_755] : memref<100000x64xf32, #tpu.memory_space<any>> -> memref<5000x64xf32, #tpu.memory_space<any>>
    tpu.wait_dma2 semaphore(%dma_wait3A_749 : memref<!tpu.dma_semaphore, #tpu.memory_space<semaphore_mem>>) src(%dma_wait3A_756 : memref<5000x64xf32, #tpu.memory_space<any>>) dst(%dma_wait3A_753 : memref<5000x64xf32, #tpu.memory_space<vmem>>)
    %dma_start3A_757 = arith.constant 2 : i32
    %dma_start3A_758 = arith.constant 2 : i32
    %dma_start3A_759 = tpu.memref_slice %arg4[%dma_start3A_758] : memref<8x!tpu.dma_semaphore, #tpu.memory_space<semaphore_mem>> -> memref<1x!tpu.dma_semaphore, #tpu.memory_space<semaphore_mem>>
    %dma_start3A_760 = tpu.memref_squeeze %dma_start3A_759 : memref<1x!tpu.dma_semaphore, #tpu.memory_space<semaphore_mem>> -> memref<!tpu.dma_semaphore, #tpu.memory_space<semaphore_mem>>
    %dma_start3A_761 = arith.constant 90000 : i32
    %dma_start3A_762 = arith.constant 0 : i32
    %dma_start3A_763 = tpu.memref_slice %arg1[%dma_start3A_761, %dma_start3A_762] : memref<100000x64xf32, #tpu.memory_space<any>> -> memref<5000x64xf32, #tpu.memory_space<any>>
    %dma_start3A_764 = arith.constant 0 : i32
    %dma_start3A_765 = arith.constant 0 : i32
    %dma_start3A_766 = tpu.memref_slice %arg2[%dma_start3A_757, %dma_start3A_764, %dma_start3A_765] : memref<8x5000x64xf32, #tpu.memory_space<vmem>> -> memref<1x5000x64xf32, #tpu.memory_space<vmem>>
    %dma_start3A_767 = tpu.memref_squeeze %dma_start3A_766 : memref<1x5000x64xf32, #tpu.memory_space<vmem>> -> memref<5000x64xf32, #tpu.memory_space<vmem>>
    tpu.enqueue_dma source(%dma_start3A_767 : memref<5000x64xf32, #tpu.memory_space<vmem>>) target(%dma_start3A_763 : memref<5000x64xf32, #tpu.memory_space<any>>) target_semaphore(%dma_start3A_760 : memref<!tpu.dma_semaphore, #tpu.memory_space<semaphore_mem>>)
    %dma_wait3A_768 = arith.constant 3 : i32
    %dma_wait3A_769 = arith.constant 3 : i32
    %dma_wait3A_770 = tpu.memref_slice %arg3[%dma_wait3A_769] : memref<8x!tpu.dma_semaphore, #tpu.memory_space<semaphore_mem>> -> memref<1x!tpu.dma_semaphore, #tpu.memory_space<semaphore_mem>>
    %dma_wait3A_771 = tpu.memref_squeeze %dma_wait3A_770 : memref<1x!tpu.dma_semaphore, #tpu.memory_space<semaphore_mem>> -> memref<!tpu.dma_semaphore, #tpu.memory_space<semaphore_mem>>
    %dma_wait3A_772 = arith.constant 0 : i32
    %dma_wait3A_773 = arith.constant 0 : i32
    %dma_wait3A_774 = tpu.memref_slice %arg2[%dma_wait3A_768, %dma_wait3A_772, %dma_wait3A_773] : memref<8x5000x64xf32, #tpu.memory_space<vmem>> -> memref<1x5000x64xf32, #tpu.memory_space<vmem>>
    %dma_wait3A_775 = tpu.memref_squeeze %dma_wait3A_774 : memref<1x5000x64xf32, #tpu.memory_space<vmem>> -> memref<5000x64xf32, #tpu.memory_space<vmem>>
    %dma_wait3A_776 = arith.constant 95000 : i32
    %dma_wait3A_777 = arith.constant 0 : i32
    %dma_wait3A_778 = tpu.memref_slice %arg0[%dma_wait3A_776, %dma_wait3A_777] : memref<100000x64xf32, #tpu.memory_space<any>> -> memref<5000x64xf32, #tpu.memory_space<any>>
    tpu.wait_dma2 semaphore(%dma_wait3A_771 : memref<!tpu.dma_semaphore, #tpu.memory_space<semaphore_mem>>) src(%dma_wait3A_778 : memref<5000x64xf32, #tpu.memory_space<any>>) dst(%dma_wait3A_775 : memref<5000x64xf32, #tpu.memory_space<vmem>>)
    %dma_start3A_779 = arith.constant 3 : i32
    %dma_start3A_780 = arith.constant 3 : i32
    %dma_start3A_781 = tpu.memref_slice %arg4[%dma_start3A_780] : memref<8x!tpu.dma_semaphore, #tpu.memory_space<semaphore_mem>> -> memref<1x!tpu.dma_semaphore, #tpu.memory_space<semaphore_mem>>
    %dma_start3A_782 = tpu.memref_squeeze %dma_start3A_781 : memref<1x!tpu.dma_semaphore, #tpu.memory_space<semaphore_mem>> -> memref<!tpu.dma_semaphore, #tpu.memory_space<semaphore_mem>>
    %dma_start3A_783 = arith.constant 95000 : i32
    %dma_start3A_784 = arith.constant 0 : i32
    %dma_start3A_785 = tpu.memref_slice %arg1[%dma_start3A_783, %dma_start3A_784] : memref<100000x64xf32, #tpu.memory_space<any>> -> memref<5000x64xf32, #tpu.memory_space<any>>
    %dma_start3A_786 = arith.constant 0 : i32
    %dma_start3A_787 = arith.constant 0 : i32
    %dma_start3A_788 = tpu.memref_slice %arg2[%dma_start3A_779, %dma_start3A_786, %dma_start3A_787] : memref<8x5000x64xf32, #tpu.memory_space<vmem>> -> memref<1x5000x64xf32, #tpu.memory_space<vmem>>
    %dma_start3A_789 = tpu.memref_squeeze %dma_start3A_788 : memref<1x5000x64xf32, #tpu.memory_space<vmem>> -> memref<5000x64xf32, #tpu.memory_space<vmem>>
    tpu.enqueue_dma source(%dma_start3A_789 : memref<5000x64xf32, #tpu.memory_space<vmem>>) target(%dma_start3A_785 : memref<5000x64xf32, #tpu.memory_space<any>>) target_semaphore(%dma_start3A_782 : memref<!tpu.dma_semaphore, #tpu.memory_space<semaphore_mem>>)
    %dma_wait3A_790 = arith.constant 4 : i32
    %dma_wait3A_791 = arith.constant 4 : i32
    %dma_wait3A_792 = tpu.memref_slice %arg4[%dma_wait3A_791] : memref<8x!tpu.dma_semaphore, #tpu.memory_space<semaphore_mem>> -> memref<1x!tpu.dma_semaphore, #tpu.memory_space<semaphore_mem>>
    %dma_wait3A_793 = tpu.memref_squeeze %dma_wait3A_792 : memref<1x!tpu.dma_semaphore, #tpu.memory_space<semaphore_mem>> -> memref<!tpu.dma_semaphore, #tpu.memory_space<semaphore_mem>>
    %dma_wait3A_794 = arith.constant 60000 : i32
    %dma_wait3A_795 = arith.constant 0 : i32
    %dma_wait3A_796 = tpu.memref_slice %arg1[%dma_wait3A_794, %dma_wait3A_795] : memref<100000x64xf32, #tpu.memory_space<any>> -> memref<5000x64xf32, #tpu.memory_space<any>>
    %dma_wait3A_797 = arith.constant 0 : i32
    %dma_wait3A_798 = arith.constant 0 : i32
    %dma_wait3A_799 = tpu.memref_slice %arg2[%dma_wait3A_790, %dma_wait3A_797, %dma_wait3A_798] : memref<8x5000x64xf32, #tpu.memory_space<vmem>> -> memref<1x5000x64xf32, #tpu.memory_space<vmem>>
    %dma_wait3A_800 = tpu.memref_squeeze %dma_wait3A_799 : memref<1x5000x64xf32, #tpu.memory_space<vmem>> -> memref<5000x64xf32, #tpu.memory_space<vmem>>
    tpu.wait_dma2 semaphore(%dma_wait3A_793 : memref<!tpu.dma_semaphore, #tpu.memory_space<semaphore_mem>>) src(%dma_wait3A_800 : memref<5000x64xf32, #tpu.memory_space<vmem>>) dst(%dma_wait3A_796 : memref<5000x64xf32, #tpu.memory_space<any>>)
    %dma_wait3A_801 = arith.constant 5 : i32
    %dma_wait3A_802 = arith.constant 5 : i32
    %dma_wait3A_803 = tpu.memref_slice %arg4[%dma_wait3A_802] : memref<8x!tpu.dma_semaphore, #tpu.memory_space<semaphore_mem>> -> memref<1x!tpu.dma_semaphore, #tpu.memory_space<semaphore_mem>>
    %dma_wait3A_804 = tpu.memref_squeeze %dma_wait3A_803 : memref<1x!tpu.dma_semaphore, #tpu.memory_space<semaphore_mem>> -> memref<!tpu.dma_semaphore, #tpu.memory_space<semaphore_mem>>
    %dma_wait3A_805 = arith.constant 65000 : i32
    %dma_wait3A_806 = arith.constant 0 : i32
    %dma_wait3A_807 = tpu.memref_slice %arg1[%dma_wait3A_805, %dma_wait3A_806] : memref<100000x64xf32, #tpu.memory_space<any>> -> memref<5000x64xf32, #tpu.memory_space<any>>
    %dma_wait3A_808 = arith.constant 0 : i32
    %dma_wait3A_809 = arith.constant 0 : i32
    %dma_wait3A_810 = tpu.memref_slice %arg2[%dma_wait3A_801, %dma_wait3A_808, %dma_wait3A_809] : memref<8x5000x64xf32, #tpu.memory_space<vmem>> -> memref<1x5000x64xf32, #tpu.memory_space<vmem>>
    %dma_wait3A_811 = tpu.memref_squeeze %dma_wait3A_810 : memref<1x5000x64xf32, #tpu.memory_space<vmem>> -> memref<5000x64xf32, #tpu.memory_space<vmem>>
    tpu.wait_dma2 semaphore(%dma_wait3A_804 : memref<!tpu.dma_semaphore, #tpu.memory_space<semaphore_mem>>) src(%dma_wait3A_811 : memref<5000x64xf32, #tpu.memory_space<vmem>>) dst(%dma_wait3A_807 : memref<5000x64xf32, #tpu.memory_space<any>>)
    %dma_wait3A_812 = arith.constant 6 : i32
    %dma_wait3A_813 = arith.constant 6 : i32
    %dma_wait3A_814 = tpu.memref_slice %arg4[%dma_wait3A_813] : memref<8x!tpu.dma_semaphore, #tpu.memory_space<semaphore_mem>> -> memref<1x!tpu.dma_semaphore, #tpu.memory_space<semaphore_mem>>
    %dma_wait3A_815 = tpu.memref_squeeze %dma_wait3A_814 : memref<1x!tpu.dma_semaphore, #tpu.memory_space<semaphore_mem>> -> memref<!tpu.dma_semaphore, #tpu.memory_space<semaphore_mem>>
    %dma_wait3A_816 = arith.constant 70000 : i32
    %dma_wait3A_817 = arith.constant 0 : i32
    %dma_wait3A_818 = tpu.memref_slice %arg1[%dma_wait3A_816, %dma_wait3A_817] : memref<100000x64xf32, #tpu.memory_space<any>> -> memref<5000x64xf32, #tpu.memory_space<any>>
    %dma_wait3A_819 = arith.constant 0 : i32
    %dma_wait3A_820 = arith.constant 0 : i32
    %dma_wait3A_821 = tpu.memref_slice %arg2[%dma_wait3A_812, %dma_wait3A_819, %dma_wait3A_820] : memref<8x5000x64xf32, #tpu.memory_space<vmem>> -> memref<1x5000x64xf32, #tpu.memory_space<vmem>>
    %dma_wait3A_822 = tpu.memref_squeeze %dma_wait3A_821 : memref<1x5000x64xf32, #tpu.memory_space<vmem>> -> memref<5000x64xf32, #tpu.memory_space<vmem>>
    tpu.wait_dma2 semaphore(%dma_wait3A_815 : memref<!tpu.dma_semaphore, #tpu.memory_space<semaphore_mem>>) src(%dma_wait3A_822 : memref<5000x64xf32, #tpu.memory_space<vmem>>) dst(%dma_wait3A_818 : memref<5000x64xf32, #tpu.memory_space<any>>)
    %dma_wait3A_823 = arith.constant 7 : i32
    %dma_wait3A_824 = arith.constant 7 : i32
    %dma_wait3A_825 = tpu.memref_slice %arg4[%dma_wait3A_824] : memref<8x!tpu.dma_semaphore, #tpu.memory_space<semaphore_mem>> -> memref<1x!tpu.dma_semaphore, #tpu.memory_space<semaphore_mem>>
    %dma_wait3A_826 = tpu.memref_squeeze %dma_wait3A_825 : memref<1x!tpu.dma_semaphore, #tpu.memory_space<semaphore_mem>> -> memref<!tpu.dma_semaphore, #tpu.memory_space<semaphore_mem>>
    %dma_wait3A_827 = arith.constant 75000 : i32
    %dma_wait3A_828 = arith.constant 0 : i32
    %dma_wait3A_829 = tpu.memref_slice %arg1[%dma_wait3A_827, %dma_wait3A_828] : memref<100000x64xf32, #tpu.memory_space<any>> -> memref<5000x64xf32, #tpu.memory_space<any>>
    %dma_wait3A_830 = arith.constant 0 : i32
    %dma_wait3A_831 = arith.constant 0 : i32
    %dma_wait3A_832 = tpu.memref_slice %arg2[%dma_wait3A_823, %dma_wait3A_830, %dma_wait3A_831] : memref<8x5000x64xf32, #tpu.memory_space<vmem>> -> memref<1x5000x64xf32, #tpu.memory_space<vmem>>
    %dma_wait3A_833 = tpu.memref_squeeze %dma_wait3A_832 : memref<1x5000x64xf32, #tpu.memory_space<vmem>> -> memref<5000x64xf32, #tpu.memory_space<vmem>>
    tpu.wait_dma2 semaphore(%dma_wait3A_826 : memref<!tpu.dma_semaphore, #tpu.memory_space<semaphore_mem>>) src(%dma_wait3A_833 : memref<5000x64xf32, #tpu.memory_space<vmem>>) dst(%dma_wait3A_829 : memref<5000x64xf32, #tpu.memory_space<any>>)
    %dma_wait3A_834 = arith.constant 0 : i32
    %dma_wait3A_835 = arith.constant 0 : i32
    %dma_wait3A_836 = tpu.memref_slice %arg4[%dma_wait3A_835] : memref<8x!tpu.dma_semaphore, #tpu.memory_space<semaphore_mem>> -> memref<1x!tpu.dma_semaphore, #tpu.memory_space<semaphore_mem>>
    %dma_wait3A_837 = tpu.memref_squeeze %dma_wait3A_836 : memref<1x!tpu.dma_semaphore, #tpu.memory_space<semaphore_mem>> -> memref<!tpu.dma_semaphore, #tpu.memory_space<semaphore_mem>>
    %dma_wait3A_838 = arith.constant 80000 : i32
    %dma_wait3A_839 = arith.constant 0 : i32
    %dma_wait3A_840 = tpu.memref_slice %arg1[%dma_wait3A_838, %dma_wait3A_839] : memref<100000x64xf32, #tpu.memory_space<any>> -> memref<5000x64xf32, #tpu.memory_space<any>>
    %dma_wait3A_841 = arith.constant 0 : i32
    %dma_wait3A_842 = arith.constant 0 : i32
    %dma_wait3A_843 = tpu.memref_slice %arg2[%dma_wait3A_834, %dma_wait3A_841, %dma_wait3A_842] : memref<8x5000x64xf32, #tpu.memory_space<vmem>> -> memref<1x5000x64xf32, #tpu.memory_space<vmem>>
    %dma_wait3A_844 = tpu.memref_squeeze %dma_wait3A_843 : memref<1x5000x64xf32, #tpu.memory_space<vmem>> -> memref<5000x64xf32, #tpu.memory_space<vmem>>
    tpu.wait_dma2 semaphore(%dma_wait3A_837 : memref<!tpu.dma_semaphore, #tpu.memory_space<semaphore_mem>>) src(%dma_wait3A_844 : memref<5000x64xf32, #tpu.memory_space<vmem>>) dst(%dma_wait3A_840 : memref<5000x64xf32, #tpu.memory_space<any>>)
    %dma_wait3A_845 = arith.constant 1 : i32
    %dma_wait3A_846 = arith.constant 1 : i32
    %dma_wait3A_847 = tpu.memref_slice %arg4[%dma_wait3A_846] : memref<8x!tpu.dma_semaphore, #tpu.memory_space<semaphore_mem>> -> memref<1x!tpu.dma_semaphore, #tpu.memory_space<semaphore_mem>>
    %dma_wait3A_848 = tpu.memref_squeeze %dma_wait3A_847 : memref<1x!tpu.dma_semaphore, #tpu.memory_space<semaphore_mem>> -> memref<!tpu.dma_semaphore, #tpu.memory_space<semaphore_mem>>
    %dma_wait3A_849 = arith.constant 85000 : i32
    %dma_wait3A_850 = arith.constant 0 : i32
    %dma_wait3A_851 = tpu.memref_slice %arg1[%dma_wait3A_849, %dma_wait3A_850] : memref<100000x64xf32, #tpu.memory_space<any>> -> memref<5000x64xf32, #tpu.memory_space<any>>
    %dma_wait3A_852 = arith.constant 0 : i32
    %dma_wait3A_853 = arith.constant 0 : i32
    %dma_wait3A_854 = tpu.memref_slice %arg2[%dma_wait3A_845, %dma_wait3A_852, %dma_wait3A_853] : memref<8x5000x64xf32, #tpu.memory_space<vmem>> -> memref<1x5000x64xf32, #tpu.memory_space<vmem>>
    %dma_wait3A_855 = tpu.memref_squeeze %dma_wait3A_854 : memref<1x5000x64xf32, #tpu.memory_space<vmem>> -> memref<5000x64xf32, #tpu.memory_space<vmem>>
    tpu.wait_dma2 semaphore(%dma_wait3A_848 : memref<!tpu.dma_semaphore, #tpu.memory_space<semaphore_mem>>) src(%dma_wait3A_855 : memref<5000x64xf32, #tpu.memory_space<vmem>>) dst(%dma_wait3A_851 : memref<5000x64xf32, #tpu.memory_space<any>>)
    %dma_wait3A_856 = arith.constant 2 : i32
    %dma_wait3A_857 = arith.constant 2 : i32
    %dma_wait3A_858 = tpu.memref_slice %arg4[%dma_wait3A_857] : memref<8x!tpu.dma_semaphore, #tpu.memory_space<semaphore_mem>> -> memref<1x!tpu.dma_semaphore, #tpu.memory_space<semaphore_mem>>
    %dma_wait3A_859 = tpu.memref_squeeze %dma_wait3A_858 : memref<1x!tpu.dma_semaphore, #tpu.memory_space<semaphore_mem>> -> memref<!tpu.dma_semaphore, #tpu.memory_space<semaphore_mem>>
    %dma_wait3A_860 = arith.constant 90000 : i32
    %dma_wait3A_861 = arith.constant 0 : i32
    %dma_wait3A_862 = tpu.memref_slice %arg1[%dma_wait3A_860, %dma_wait3A_861] : memref<100000x64xf32, #tpu.memory_space<any>> -> memref<5000x64xf32, #tpu.memory_space<any>>
    %dma_wait3A_863 = arith.constant 0 : i32
    %dma_wait3A_864 = arith.constant 0 : i32
    %dma_wait3A_865 = tpu.memref_slice %arg2[%dma_wait3A_856, %dma_wait3A_863, %dma_wait3A_864] : memref<8x5000x64xf32, #tpu.memory_space<vmem>> -> memref<1x5000x64xf32, #tpu.memory_space<vmem>>
    %dma_wait3A_866 = tpu.memref_squeeze %dma_wait3A_865 : memref<1x5000x64xf32, #tpu.memory_space<vmem>> -> memref<5000x64xf32, #tpu.memory_space<vmem>>
    tpu.wait_dma2 semaphore(%dma_wait3A_859 : memref<!tpu.dma_semaphore, #tpu.memory_space<semaphore_mem>>) src(%dma_wait3A_866 : memref<5000x64xf32, #tpu.memory_space<vmem>>) dst(%dma_wait3A_862 : memref<5000x64xf32, #tpu.memory_space<any>>)
    %dma_wait3A_867 = arith.constant 3 : i32
    %dma_wait3A_868 = arith.constant 3 : i32
    %dma_wait3A_869 = tpu.memref_slice %arg4[%dma_wait3A_868] : memref<8x!tpu.dma_semaphore, #tpu.memory_space<semaphore_mem>> -> memref<1x!tpu.dma_semaphore, #tpu.memory_space<semaphore_mem>>
    %dma_wait3A_870 = tpu.memref_squeeze %dma_wait3A_869 : memref<1x!tpu.dma_semaphore, #tpu.memory_space<semaphore_mem>> -> memref<!tpu.dma_semaphore, #tpu.memory_space<semaphore_mem>>
    %dma_wait3A_871 = arith.constant 95000 : i32
    %dma_wait3A_872 = arith.constant 0 : i32
    %dma_wait3A_873 = tpu.memref_slice %arg1[%dma_wait3A_871, %dma_wait3A_872] : memref<100000x64xf32, #tpu.memory_space<any>> -> memref<5000x64xf32, #tpu.memory_space<any>>
    %dma_wait3A_874 = arith.constant 0 : i32
    %dma_wait3A_875 = arith.constant 0 : i32
    %dma_wait3A_876 = tpu.memref_slice %arg2[%dma_wait3A_867, %dma_wait3A_874, %dma_wait3A_875] : memref<8x5000x64xf32, #tpu.memory_space<vmem>> -> memref<1x5000x64xf32, #tpu.memory_space<vmem>>
    %dma_wait3A_877 = tpu.memref_squeeze %dma_wait3A_876 : memref<1x5000x64xf32, #tpu.memory_space<vmem>> -> memref<5000x64xf32, #tpu.memory_space<vmem>>
    tpu.wait_dma2 semaphore(%dma_wait3A_870 : memref<!tpu.dma_semaphore, #tpu.memory_space<semaphore_mem>>) src(%dma_wait3A_877 : memref<5000x64xf32, #tpu.memory_space<vmem>>) dst(%dma_wait3A_873 : memref<5000x64xf32, #tpu.memory_space<any>>)
    return
  }
}

</mosaic_0001>

<sc_bundles>
// kernel: kernel.4.cloned.1.call-start
scs
__scs_entry_jumppad:
0x0: {  	(pc) =	sbr.rel $0x88, $3  }
0x1: {  	(tag) =	ssettag $0x0;
	lr =	simm.s32 $0x1  }
0x2: {  	[smem:$0x3F9E] =	sst lr;
	_ =	strace $0xD0000000  }
0x3: {  	_ = 	snop  }
0x4: {  	_ = 	snop  }
0x5: {  	_ = 	snop  }
0x6: {  	_ = 	snop  }
0x7: {  	_ = 	snop  }
__scs_overlays_trampoline_lowered:
0x8: {  	[smem:$0x3FAD] =	sst s0  }
0x9: {  	[smem:$0x3FAE] =	sst s1  }
0xa: {  	[smem:$0x3FAF] =	sst s2  }
0xb: {  	[smem:$0x3FB0] =	sst s3  }
0xc: {  	[smem:$0x3FB1] =	sst s4  }
0xd: {  	[smem:$0x3FB2] =	sst s5  }
0xe: {  	[smem:$0x3FB3] =	sst s6  }
0xf: {  	[smem:$0x3FB4] =	sst s7  }
0x10: {  	[smem:$0x3FB5] =	sst s8  }
0x11: {  	[smem:$0x3FB6] =	sst s9;
	s0 =	simm.s32 @!p0 $0x0  }
0x12: {  	s1 =	sld [smem:$0x3F9C];
	s0 =	simm.s32 @p0 $0x1  }
0x13: {  	[smem:$0x3FB7] =	sst s0;
	s0 =	simm.s32 @!p1 $0x0  }
0x14: {  	s2 =	sld [smem:$0x3F9B];
	s0 =	simm.s32 @p1 $0x1  }
0x15: {  	[smem:$0x3FB8] =	sst s0;
	s0 =	simm.s32 @!p2 $0x0  }
0x16: {  	s3 =	sld [smem:$0x3FDB];
	s0 =	simm.s32 @p2 $0x1  }
0x17: {  	s4 =	simm.s32 $0x1BF5;
	[smem:$0x3FBA] =	sst s0  }
0x18: {  	s0 =	sld [smem:$0x3F9D];
	_ =	swait.ge [sflag:s4], $0x0  }
0x19: {  	s7 =	sld [smem:$0x3F9E]  }
0x1a: {  	s8 =	sadd.s32 $0xFFFFE003, lr  }
0x1b: {  	s9 =	sadd.s32 $0xFFFFFEF7, lr;
	s5 =	simm.s32 $0xFFFFFFFF;
	p2 =	slt.u32 s8, $0xFFFFF086  }
0x1c: {  	p1 =	slt.u32 s9, $0xF7A;
	s5 =	simm.s32 @!p2 $0x0  }
0x1d: {  	s5 =	simm.s32 @p1 $0x1;
	p0 =	seq.s32 s7, s2  }
0x1e: {  	s7 =	smul.u32 @!p0 $0xF7A, s2;
	p2 =	seq.s32 @!p0 s5, $0x0  }
0x1f: {  	s9 =	smul.u32 $0xF7A, s1;
	s8 =	simm.s32 @!p0 $0x1BF5;
	p2 =	por !p2, p0  }
0x20: {  	[sflag:s8] =	ssyncset.s32 @!p0 $0xFFFFF086;
	s6 =	sadd.s32 @!p0 s3, s7;
	s7 =	simm.s32 @!p0 $0x108  }
0x21: {  	s3 =	sadd.s32 s3, s9;
	s6 =	sadd.s32 @!p0 $0x88, s6;
	s7 =	simm.s32 @p2 $0x1082  }
0x22: {  	[simem:s7], [sflag:s8] =	dma.local @!p0 [hbm:s6], $0xF7A  }
0x23: {  	s9 =	sor.u32 $0xD0000000, s2;
	s6 =	simm.s32 $0x108;
	_ =	swait.ge @!p0 [sflag:s8], $0x0  }
0x24: {  	s3 =	sadd.s32 $0x88, s3;
	s6 =	simm.s32 @!p1 $0x1082;
	[sflag:s4] =	ssyncset.s32 $0xFFFFF086  }
0x25: {  	[simem:s6], [sflag:s4] =	dma.local [hbm:s3], $0xF7A  }
0x26: {  	[smem:$0x3F9E] =	sst s1;
	(tag) =	ssettag s2;
	_ =	strace s9  }
0x27: {  	s1 =	sld [smem:$0x3FAE]  }
0x28: {  	s2 =	sld [smem:$0x3FAF]  }
0x29: {  	s4 =	sld [smem:$0x3FB1]  }
0x2a: {  	p0 =	seq.s32 s5, $0x0;
	s5 =	sld [smem:$0x3FB2]  }
0x2b: {  	s6 =	sld [smem:$0x3FB3]  }
0x2c: {  	s7 =	sld [smem:$0x3FB4]  }
0x2d: {  	s3 =	simm.s32 $0x108;
	s8 =	sld [smem:$0x3FB5]  }
0x2e: {  	s3 =	simm.s32 @!p0 $0x1082;
	s9 =	sld [smem:$0x3FB6]  }
0x2f: {  	lr =	sadd.s32 s0, s3;
	s0 =	sld [smem:$0x3FAD]  }
0x30: {  	s3 =	sld [smem:$0x3FB0]  }
0x31: {  	[smem:$0x3FB9] =	sst s10  }
0x32: {  	s10 =	sld [smem:$0x3FB7];
	_ =	sdelay $0x3  }
0x33: {  	p0 =	seq.s32 s10, $0x1;
	s10 =	sld [smem:$0x3FB9];
	_ =	sdelay $0x3  }
0x34: {  	[smem:$0x3FB9] =	sst s10  }
0x35: {  	s10 =	sld [smem:$0x3FB8];
	_ =	sdelay $0x3  }
0x36: {  	p1 =	seq.s32 s10, $0x1;
	s10 =	sld [smem:$0x3FB9];
	_ =	sdelay $0x3  }
0x37: {  	[smem:$0x3FB9] =	sst s10  }
0x38: {  	s10 =	sld [smem:$0x3FBA]  }
0x39: {  	_ = 	snop;
	(pc) =	sbr.ind lr, $3  }
0x3a: {  	_ = 	snop  }
0x3b: {  	_ = 	snop  }
0x3c: {  	p2 =	seq.s32 s10, $0x1;
	s10 =	sld [smem:$0x3FB9]  }
0x3d: {  	_ =	shalt  }
0x3e: {  	_ =	shalt  }
0x3f: {  	_ =	shalt  }
0x40: {  	_ =	shalt  }
0x41: {  	_ =	shalt  }
0x42: {  	_ =	shalt  }
0x43: {  	_ =	shalt  }
0x44: {  	_ =	shalt  }
0x45: {  	_ =	shalt  }
0x46: {  	_ =	shalt  }
0x47: {  	_ =	shalt  }
0x48: {  	_ =	shalt  }
0x49: {  	_ =	shalt  }
0x4a: {  	_ =	shalt  }
0x4b: {  	_ =	shalt  }
0x4c: {  	_ =	shalt  }
0x4d: {  	_ =	shalt  }
0x4e: {  	_ =	shalt  }
0x4f: {  	_ =	shalt  }
0x50: {  	_ =	shalt  }
0x51: {  	_ =	shalt  }
0x52: {  	_ =	shalt  }
0x53: {  	_ =	shalt  }
0x54: {  	_ =	shalt  }
0x55: {  	_ =	shalt  }
0x56: {  	_ =	shalt  }
0x57: {  	_ =	shalt  }
0x58: {  	_ =	shalt  }
0x59: {  	_ =	shalt  }
0x5a: {  	_ =	shalt  }
0x5b: {  	_ =	shalt  }
0x5c: {  	_ =	shalt  }
0x5d: {  	_ =	shalt  }
0x5e: {  	_ =	shalt  }
0x5f: {  	_ =	shalt  }
0x60: {  	_ =	shalt  }
0x61: {  	_ =	shalt  }
0x62: {  	_ =	shalt  }
0x63: {  	_ =	shalt  }
0x64: {  	_ =	shalt  }
0x65: {  	_ =	shalt  }
0x66: {  	_ =	shalt  }
0x67: {  	_ =	shalt  }
0x68: {  	_ =	shalt  }
0x69: {  	_ =	shalt  }
0x6a: {  	_ =	shalt  }
0x6b: {  	_ =	shalt  }
0x6c: {  	_ =	shalt  }
0x6d: {  	_ =	shalt  }
0x6e: {  	_ =	shalt  }
0x6f: {  	_ =	shalt  }
0x70: {  	_ =	shalt  }
0x71: {  	_ =	shalt  }
0x72: {  	_ =	shalt  }
0x73: {  	_ =	shalt  }
0x74: {  	_ =	shalt  }
0x75: {  	_ =	shalt  }
0x76: {  	_ =	shalt  }
0x77: {  	_ =	shalt  }
0x78: {  	_ =	shalt  }
0x79: {  	_ =	shalt  }
0x7a: {  	_ =	shalt  }
0x7b: {  	_ =	shalt  }
0x7c: {  	_ =	shalt  }
0x7d: {  	_ =	shalt  }
0x7e: {  	_ =	shalt  }
0x7f: {  	_ =	shalt  }
0x80: {  	_ =	shalt  }
0x81: {  	_ =	shalt  }
0x82: {  	_ =	shalt  }
0x83: {  	_ =	shalt  }
0x84: {  	_ =	shalt  }
0x85: {  	_ =	shalt  }
0x86: {  	_ =	shalt  }
0x87: {  	_ =	shalt  }
.Lfunc_end0:
.L_simem_size_0:
called_computation_lowered:
.L_overlay_start_0:
0x88: {  	s2 =	sld [smem:$0x3FD9]  }
0x89: {  	s3 =	sld [smem:$0x3FFE];
	_ =	sdelay $0x1  }
0x8a: {  	s1 =	srdreg.scid  }
0x8b: {  	s0 =	sand.u32 $0x1, s1  }
0x8c: {  	s14 =	sshll.u32 s0, $0xA;
	s2 =	sadd.s32 s3, s2  }
0x8d: {  	s2 =	sadd.s32 s2, s14  }
0x8e: {  	[smem:$0x3FC5] =	sst s2  }
0x8f: {  	_ = 	snop  }
0x90: {  	s2 =	sld [smem:$0x3FD0];
	_ =	sdelay $0x2  }
0x91: {  	s15 =	simm.s32 $0xA;
	s4 =	simm.s32 $0x10  }
0x92: {  	[smem:s4], [sflag:s15] =	dma.local [hbm:s2], $0x1  }
0x93: {  	_ =	swait.eq [sflag:s15], $0x1  }
0x94: {  	[sflag:s15] =	ssyncset.done $0x0  }
0x95: {  	[sflag:s15] =	ssyncadd.s32 $0xFFFFFFFF  }
0x96: {  	s16 =	sld [smem:$0x11];
	(tm) =	ssettm $0x1  }
0x97: {  	s17 =	sld [smem:$0x3FFB];
	_ =	sdelay $0x3  }
0x98: {  	_ =	strace s17  }
0x99: {  	s3 =	sld [smem:$0x3FFC];
	_ =	sdelay $0x3  }
0x9a: {  	_ =	strace s3  }
0x9b: {  	s3 =	sld [smem:$0x3FFD];
	_ =	sdelay $0x3  }
0x9c: {  	_ =	strace s3  }
0x9d: {  	_ =	strace $0x8FFFFFFF  }
0x9e: {  	s18 =	sld [smem:$0x3FDB];
	_ =	sdelay $0x1  }
0x9f: {  	s19 =	simm.s32 $_scs_section_size  }
0xa0: {  	s5 =	simm.s32 $_size__tile_overlayer_lowered;
	s6 =	simm.s32 $_tile_overlayer_lowered  }
0xa1: {  	s22 =	simm.s32 $0x1BFF;
	s21 =	sshll.u32 s6, $0x1;
	s3 =	sadd.s32 s19, s18  }
0xa2: {  	s7 =	simm.s32 $0x0;
	s20 =	sshll.u32 s5, $0x1;
	s5 =	sadd.s32 s21, s3  }
0xa3: {  	[timem:s7], [sflag:s22] =	dma.local [hbm:s5], s20  }
0xa4: {  	_ =	swait.ge [sflag:s22], s20  }
0xa5: {  	s4 =	ssub.s32 $0x0, s20;
	[sflag:s22] =	ssyncset.done $0x0  }
0xa6: {  	[sflag:s22] =	ssyncadd.s32 s4;
	_ =	sdelay $0x1  }
0xa7: {  	s23 =	simm.s32 $0x1B8B  }
0xa8: {  	_ =	swait.ge [sflag:s23], $0x1  }
0xa9: {  	[sflag:s23] =	ssyncset.done $0x0  }
0xaa: {  	s25 =	simm.s32 $0x1B8E;
	s24 =	sld [smem:$0x3FFE];
	[sflag:s23] =	ssyncadd.s32 $0xFFFFFFFF  }
0xab: {  	s26 =	simm.s32 $execute0_lowered;
	[smem:$0x3FD2] =	sst s25  }
0xac: {  	s5 =	sshll.u32 s26, $0x1;
	_ =	strace $0x80000046;
	[dreg:$0x1] =	wrdreg $0xFFFFFFFF  }
0xad: {  	s28 =	simm.s32 $_size_execute0_lowered;
	s3 =	sadd.s32 s3, s5;
	[dreg:$0x0] =	wrdreg $0x0  }
0xae: {  	s5 =	sshll.u32 s28, $0x1;
	[dreg:$0x2] =	wrdreg s3  }
0xaf: {  	[dreg:$0x3] =	wrdreg s5  }
0xb0: {  	[dreg:$0x4] =	wrdreg $0xC0  }
0xb1: {  	_ =	task [dreg:s7], $0x5FFFF  }
0xb2: {  	[dreg:$0x1] =	wrdreg $0xFFFFFFFF  }
0xb3: {  	[dreg:$0x0] =	wrdreg $0x60  }
0xb4: {  	[dreg:$0x2] =	wrdreg s24  }
0xb5: {  	[dreg:$0x3] =	wrdreg s16  }
0xb6: {  	[dreg:$0x4] =	wrdreg $0x9  }
0xb7: {  	_ =	task.clear_ibuf [dreg:s7], $0x5FFFF;
	_ =	strace $0x90000046  }
0xb8: {  	s29 =	simm.s32 $0x9;
	_ =	strace $0x80000048  }
0xb9: {  	_ =	swait.ge [sflag:s29], $0x1  }
0xba: {  	[sflag:s29] =	ssyncadd.s32 $0xFFFFFFFF  }
0xbb: {  	_ =	strace $0x90000048  }
0xbc: {  	_ =	sfence  }
0xbd: {  	s30 =	sld [smem:$0x0];
	_ =	sdelay $0x2  }
0xbe: {  	s31 =	sshll.u32 s1, $0xD;
	s1 =	sshrl.u32 s1, $0x2  }
0xbf: {  	s3 =	sand.u32 $0x4000, s31;
	s1 =	sadd.s32 s1, s30  }
0xc0: {  	s0 =	sor.u32 s3, s0;
	s1 =	sshll.u32 s1, $0x11  }
0xc1: {  	s0 =	sor.u32 s1, s0  }
0xc2: {  	s0 =	sadd.s32 $0x8F2B, s0  }
0xc3: {  	[sflag:s0] =	ssyncadd.remote.s32 $0x1  }
0xc4: {  	_ =	sfence.sel $0xFFFF  }
0xc5: {  	[dreg:$0x0] =	wrdreg $0xFFFFFFFF;
	(pc) =	sbr.abs _section_cstart, $3  }
0xc6: {  	[dreg:$0x1] =	wrdreg $0xFFFFFFFF  }
0xc7: {  	_ =	task.clear_ibuf [dreg:s7], $0x2FFFF;
	_ =	strace $0x9FFFFFFF  }
0xc8: {  	(tm) =	ssettm $0x7FFFFFFF  }
0xc9: {  	_ =	shalt  }
tec
execute0_lowered:
.L_overlay_start_1:
0x0: {  	(tag) =	ssettag $0x1  }
0x1: {  	s1 =	srdreg.scid;
	s2 =	stileid.u32  }
0x2: {  	s5 =	sand.u32 $0x1, s1;
	s19 =	sshll.u32 s2, $0x1  }
0x3: {  	s0 =	rddreg [dreg:$0x0];
	s1 =	sor.u32 s5, s19  }
0x4: {  	s3 =	rddreg [dreg:$0x1];
	p0 =	por $0x0, $0x0;
	s4 =	sshll.u32 s1, $0x5  }
0x5: {  	s2 =	simm.s32 $0x0;
	s1 =	smul.u32 $0xC38, s1;
	s4 =	smin.u32 s4, $0x3C8  }
0x6: {  	[smem:$0x7FF] =	sst s2;
	s5 =	ssub.s32 $0x2, s5;
	s6 =	sshll.u32 s4, $0x4  }
0x7: {  	_ =	strace $0x80000047;
	s20 =	smin.u32 s1, $0x17A68;
	s7 =	sadd.s32 s3, s6  }
0x8: {  	s1 =	sadd.s32 $0x2800, s0;
	s3 =	sshll.u32 s20, $0x4;
	[dreg:$0x3] =	wrdreg s7  }
0x9: {  	s4 =	sadd.s32 s1, s3;
	s21 =	sadd.s32 $0xB80, s3;
	s9 =	sadd.s32 $0x1700, s3  }
0xa: {  	s10 =	sadd.s32 $0x2280, s3;
	[dreg:$0x4] =	wrdreg s4;
	s8 =	sadd.s32 s1, s21  }
0xb: {  	s25 =	sadd.s32 $0x2E00, s3;
	s22 =	sadd.s32 s1, s9;
	[dreg:$0x5] =	wrdreg s8  }
0xc: {  	s12 =	sadd.s32 $0x3980, s3;
	s24 =	sadd.s32 s1, s10;
	[dreg:$0x6] =	wrdreg s22  }
0xd: {  	s15 =	sadd.s32 $0x4500, s3;
	s26 =	sadd.s32 s1, s25;
	[dreg:$0x8] =	wrdreg s24  }
0xe: {  	s18 =	sadd.s32 $0x5080, s3;
	s13 =	sadd.s32 s1, s12;
	[dreg:$0xa] =	wrdreg s26  }
0xf: {  	s4 =	sadd.s32 $0x189200, s0;
	s16 =	sadd.s32 s1, s15;
	[dreg:$0xc] =	wrdreg s13  }
0x10: {  	s0 =	sadd.s32 s6, s0;
	s19 =	sadd.s32 s1, s18;
	[dreg:$0xe] =	wrdreg s16  }
0x11: {  	s6 =	simm.s32 $0x9;
	s23 =	sadd.s32 s4, s3;
	[dreg:$0x10] =	wrdreg s19  }
0x12: {  	s7 =	sadd.s32 s4, s21;
	s11 =	sadd.s32 s4, s9;
	[dreg:$0x7] =	wrdreg s23  }
0x13: {  	s14 =	sadd.s32 s4, s10;
	s17 =	sadd.s32 s4, s25;
	[dreg:$0x9] =	wrdreg s7  }
0x14: {  	s20 =	sadd.s32 s4, s12;
	s21 =	sadd.s32 $0x5C00, s3;
	[dreg:$0xb] =	wrdreg s11  }
0x15: {  	s24 =	sadd.s32 $0x6780, s3;
	s25 =	sshrl.u32 s5, $0x1;
	[dreg:$0xd] =	wrdreg s14  }
0x16: {  	s12 =	sadd.s32 $0x7300, s3;
	s16 =	sadd.s32 $0x8A00, s3;
	[dreg:$0xf] =	wrdreg s17  }
0x17: {  	s9 =	simm.s32 $0x8;
	[dreg:$0x11] =	wrdreg s20;
	s22 =	sadd.s32 s1, s21  }
0x18: {  	s23 =	sadd.s32 s4, s15;
	s26 =	sadd.s32 s1, s24;
	s11 =	sadd.s32 s4, s18  }
0x19: {  	s5 =	ssub.s32 s5, s25;
	s13 =	sadd.s32 s1, s12;
	[dreg:$0x12] =	wrdreg s22  }
0x1a: {  	s14 =	sadd.s32 s4, s21;
	s15 =	sadd.s32 $0x7E80, s3;
	[dreg:$0x13] =	wrdreg s23  }
0x1b: {  	s30 =	sadd.s32 s4, s24;
	s29 =	sadd.s32 s1, s16;
	[dreg:$0x14] =	wrdreg s26  }
0x1c: {  	s17 =	sadd.s32 $0x9580, s3;
	s28 =	sadd.s32 s4, s12;
	[dreg:$0x15] =	wrdreg s11  }
0x1d: {  	s21 =	sadd.s32 $0xA100, s3;
	s19 =	sadd.s32 s4, s16;
	[dreg:$0x16] =	wrdreg s13  }
0x1e: {  	s12 =	simm.s32 $0x1;
	[dreg:$0x17] =	wrdreg s14;
	s31 =	sadd.s32 s1, s15  }
0x1f: {  	s25 =	sadd.s32 s1, s17;
	s23 =	sadd.s32 s4, s15;
	s20 =	sadd.s32 s1, s21  }
0x20: {  	s22 =	sadd.s32 $0xAC80, s3;
	s3 =	sadd.s32 $0xB800, s3;
	s16 =	sadd.s32 s4, s17  }
0x21: {  	s10 =	sadd.s32 s4, s21;
	s24 =	smax.u32 s5, $0x1;
	s5 =	simm.s32 $0x17000  }
0x22: {  	s21 =	simm.s32 $0x5C00;
	s17 =	simm.s32 $0xB800;
	p1 =	sne.s32 s24, $0x1  }
.Ltmp0:
0x23: {  	s15 =	simm.s32 $0x11400;
	s26 =	simm.s32 $0x2;
	(pc) =	sbr.rel @!p1 .LBB2_3-.Ltmp0, $4  }
0x24: {  	s13 =	simm.s32 $0x6;
	s11 =	simm.s32 $0x7;
	s18 =	sadd.s32 s1, s22  }
0x25: {  	s14 =	sadd.s32 s1, s3;
	s8 =	sadd.s32 s4, s22;
	s7 =	sadd.s32 s4, s3  }
0x26: {  	s4 =	sadd.s32 $0x30FC00, s0;
	s3 =	simm.s32 $0x5;
	s1 =	sadd.s32 $0xFFFFFFFF, s24  }
0x27: {  	s24 =	simm.s32 $0x3;
	s22 =	simm.s32 $0x4;
	s0 =	rddreg [dreg:$0x3]  }
0x28: {  	[dreg:$0x18] =	wrdreg s1  }
0x29: {  	[tilespmem:s5], [sflag:$0x9] =	stream.linear.gather [hbm4b:s0+s2], $0x1000, $0x38;
	[tilespmem:$0x18000] =	vst v63  }
0x2a: {  	s1 =	rddreg [dreg:$0x4]  }
0x2b: {  	[tilespmem:s2], [sflag:$0x1] =	stream.linear.gather [hbm4b:s1+s2], $0x5C00, $0x38;
	[tilespmem:$0x18000] =	vst v63  }
0x2c: {  	s0 =	rddreg [dreg:$0x5]  }
0x2d: {  	[tilespmem:s21], [sflag:$0x2] =	stream.linear.gather [hbm4b:s0+s2], $0x5C00, $0x38;
	[tilespmem:$0x18000] =	vst v63  }
0x2e: {  	s1 =	rddreg [dreg:$0x6]  }
0x2f: {  	[tilespmem:s17], [sflag:$0x3] =	stream.linear.gather [hbm4b:s1+s2], $0x5C00, $0x38;
	[tilespmem:$0x18000] =	vst v63  }
0x30: {  	_ =	swait.ge [sflag:s12], $0x5C00  }
0x31: {  	[sflag:s12] =	ssyncset.done $0x0  }
0x32: {  	s0 =	rddreg [dreg:$0x7];
	[sflag:s12] =	ssyncadd.s32 $0xFFFFA400  }
0x33: {  	[hbm4b:s0+s2] =	stream.linear.scatter [tilespmem:s2], [sflag:$0x5], $0x5C00, $0x38;
	[tilespmem:$0x18000] =	vst v63  }
0x34: {  	s1 =	rddreg [dreg:$0x8]  }
0x35: {  	[tilespmem:s15], [sflag:$0x4] =	stream.linear.gather [hbm4b:s1+s2], $0x5C00, $0x38;
	[tilespmem:$0x18000] =	vst v63  }
0x36: {  	_ =	swait.ge [sflag:s26], $0x5C00  }
0x37: {  	[sflag:s26] =	ssyncset.done $0x0  }
0x38: {  	s1 =	rddreg [dreg:$0x9];
	[sflag:s26] =	ssyncadd.s32 $0xFFFFA400  }
0x39: {  	[hbm4b:s1+s2] =	stream.linear.scatter [tilespmem:s21], [sflag:$0x6], $0x5C00, $0x38;
	[tilespmem:$0x18000] =	vst v63  }
0x3a: {  	_ =	swait.ge [sflag:s3], $0x5C00  }
0x3b: {  	[sflag:s3] =	ssyncset.done $0x0  }
0x3c: {  	s1 =	rddreg [dreg:$0xa];
	[sflag:s3] =	ssyncadd.s32 $0xFFFFA400  }
0x3d: {  	[tilespmem:s2], [sflag:$0x1] =	stream.linear.gather [hbm4b:s1+s2], $0x5C00, $0x38;
	[tilespmem:$0x18000] =	vst v63  }
0x3e: {  	_ =	swait.ge [sflag:s24], $0x5C00  }
0x3f: {  	[sflag:s24] =	ssyncset.done $0x0  }
0x40: {  	s1 =	rddreg [dreg:$0xb];
	[sflag:s24] =	ssyncadd.s32 $0xFFFFA400  }
0x41: {  	[hbm4b:s1+s2] =	stream.linear.scatter [tilespmem:s17], [sflag:$0x7], $0x5C00, $0x38;
	[tilespmem:$0x18000] =	vst v63  }
0x42: {  	_ =	swait.ge [sflag:s13], $0x5C00  }
0x43: {  	[sflag:s13] =	ssyncset.done $0x0  }
0x44: {  	s1 =	rddreg [dreg:$0xc];
	[sflag:s13] =	ssyncadd.s32 $0xFFFFA400  }
0x45: {  	[tilespmem:s21], [sflag:$0x2] =	stream.linear.gather [hbm4b:s1+s2], $0x5C00, $0x38;
	[tilespmem:$0x18000] =	vst v63  }
0x46: {  	_ =	swait.ge [sflag:s22], $0x5C00  }
0x47: {  	[sflag:s22] =	ssyncset.done $0x0  }
0x48: {  	s1 =	rddreg [dreg:$0xd];
	[sflag:s22] =	ssyncadd.s32 $0xFFFFA400  }
0x49: {  	[hbm4b:s1+s2] =	stream.linear.scatter [tilespmem:s15], [sflag:$0x8], $0x5C00, $0x38;
	[tilespmem:$0x18000] =	vst v63  }
0x4a: {  	_ =	swait.ge [sflag:s11], $0x5C00  }
0x4b: {  	[sflag:s11] =	ssyncset.done $0x0  }
0x4c: {  	s1 =	rddreg [dreg:$0xe];
	[sflag:s11] =	ssyncadd.s32 $0xFFFFA400  }
0x4d: {  	[tilespmem:s17], [sflag:$0x3] =	stream.linear.gather [hbm4b:s1+s2], $0x5C00, $0x38;
	[tilespmem:$0x18000] =	vst v63  }
0x4e: {  	_ =	swait.ge [sflag:s12], $0x5C00  }
0x4f: {  	[sflag:s12] =	ssyncset.done $0x0  }
0x50: {  	s1 =	rddreg [dreg:$0xf];
	[sflag:s12] =	ssyncadd.s32 $0xFFFFA400  }
0x51: {  	[hbm4b:s1+s2] =	stream.linear.scatter [tilespmem:s2], [sflag:$0x5], $0x5C00, $0x38;
	[tilespmem:$0x18000] =	vst v63  }
0x52: {  	_ =	swait.ge [sflag:s9], $0x5C00  }
0x53: {  	[sflag:s9] =	ssyncset.done $0x0  }
0x54: {  	s1 =	rddreg [dreg:$0x10];
	[sflag:s9] =	ssyncadd.s32 $0xFFFFA400  }
0x55: {  	[tilespmem:s15], [sflag:$0x4] =	stream.linear.gather [hbm4b:s1+s2], $0x5C00, $0x38;
	[tilespmem:$0x18000] =	vst v63  }
0x56: {  	_ =	swait.ge [sflag:s26], $0x5C00  }
0x57: {  	[sflag:s26] =	ssyncset.done $0x0  }
0x58: {  	s1 =	rddreg [dreg:$0x11];
	[sflag:s26] =	ssyncadd.s32 $0xFFFFA400  }
0x59: {  	[hbm4b:s1+s2] =	stream.linear.scatter [tilespmem:s21], [sflag:$0x6], $0x5C00, $0x38;
	[tilespmem:$0x18000] =	vst v63  }
0x5a: {  	_ =	swait.ge [sflag:s3], $0x5C00  }
0x5b: {  	[sflag:s3] =	ssyncset.done $0x0  }
0x5c: {  	s1 =	rddreg [dreg:$0x12];
	[sflag:s3] =	ssyncadd.s32 $0xFFFFA400  }
0x5d: {  	[tilespmem:s2], [sflag:$0x1] =	stream.linear.gather [hbm4b:s1+s2], $0x5C00, $0x38;
	[tilespmem:$0x18000] =	vst v63  }
0x5e: {  	_ =	swait.ge [sflag:s24], $0x5C00  }
0x5f: {  	[sflag:s24] =	ssyncset.done $0x0  }
0x60: {  	s1 =	rddreg [dreg:$0x13];
	[sflag:s24] =	ssyncadd.s32 $0xFFFFA400  }
0x61: {  	[hbm4b:s1+s2] =	stream.linear.scatter [tilespmem:s17], [sflag:$0x7], $0x5C00, $0x38;
	[tilespmem:$0x18000] =	vst v63  }
0x62: {  	_ =	swait.ge [sflag:s13], $0x5C00  }
0x63: {  	[sflag:s13] =	ssyncset.done $0x0  }
0x64: {  	s1 =	rddreg [dreg:$0x14];
	[sflag:s13] =	ssyncadd.s32 $0xFFFFA400  }
0x65: {  	[tilespmem:s21], [sflag:$0x2] =	stream.linear.gather [hbm4b:s1+s2], $0x5C00, $0x38;
	[tilespmem:$0x18000] =	vst v63  }
0x66: {  	_ =	swait.ge [sflag:s22], $0x5C00  }
0x67: {  	[sflag:s22] =	ssyncset.done $0x0  }
0x68: {  	s1 =	rddreg [dreg:$0x15];
	[sflag:s22] =	ssyncadd.s32 $0xFFFFA400  }
0x69: {  	[hbm4b:s1+s2] =	stream.linear.scatter [tilespmem:s15], [sflag:$0x8], $0x5C00, $0x38;
	[tilespmem:$0x18000] =	vst v63  }
0x6a: {  	_ =	swait.ge [sflag:s11], $0x5C00  }
0x6b: {  	[sflag:s11] =	ssyncset.done $0x0  }
0x6c: {  	s1 =	rddreg [dreg:$0x16];
	[sflag:s11] =	ssyncadd.s32 $0xFFFFA400  }
0x6d: {  	[tilespmem:s17], [sflag:$0x3] =	stream.linear.gather [hbm4b:s1+s2], $0x5C00, $0x38;
	[tilespmem:$0x18000] =	vst v63  }
0x6e: {  	_ =	swait.ge [sflag:s12], $0x5C00  }
0x6f: {  	[sflag:s12] =	ssyncset.done $0x0  }
0x70: {  	s1 =	rddreg [dreg:$0x17];
	[sflag:s12] =	ssyncadd.s32 $0xFFFFA400  }
0x71: {  	[hbm4b:s1+s2] =	stream.linear.scatter [tilespmem:s2], [sflag:$0x5], $0x5C00, $0x38;
	[tilespmem:$0x18000] =	vst v63  }
0x72: {  	_ =	swait.ge [sflag:s9], $0x5C00  }
0x73: {  	[sflag:s9] =	ssyncset.done $0x0  }
0x74: {  	[sflag:s9] =	ssyncadd.s32 $0xFFFFA400  }
0x75: {  	[tilespmem:s15], [sflag:$0x4] =	stream.linear.gather [hbm4b:s31+s2], $0x5C00, $0x38;
	[tilespmem:$0x18000] =	vst v63  }
0x76: {  	_ =	swait.ge [sflag:s26], $0x5C00  }
0x77: {  	[sflag:s26] =	ssyncset.done $0x0  }
0x78: {  	[sflag:s26] =	ssyncadd.s32 $0xFFFFA400  }
0x79: {  	[hbm4b:s30+s2] =	stream.linear.scatter [tilespmem:s21], [sflag:$0x6], $0x5C00, $0x38;
	[tilespmem:$0x18000] =	vst v63  }
0x7a: {  	_ =	swait.ge [sflag:s3], $0x5C00  }
0x7b: {  	[sflag:s3] =	ssyncset.done $0x0  }
0x7c: {  	[sflag:s3] =	ssyncadd.s32 $0xFFFFA400  }
0x7d: {  	[tilespmem:s2], [sflag:$0x1] =	stream.linear.gather [hbm4b:s29+s2], $0x5C00, $0x38;
	[tilespmem:$0x18000] =	vst v63  }
0x7e: {  	_ =	swait.ge [sflag:s24], $0x5C00  }
0x7f: {  	[sflag:s24] =	ssyncset.done $0x0  }
0x80: {  	[sflag:s24] =	ssyncadd.s32 $0xFFFFA400  }
0x81: {  	[hbm4b:s28+s2] =	stream.linear.scatter [tilespmem:s17], [sflag:$0x7], $0x5C00, $0x38;
	[tilespmem:$0x18000] =	vst v63  }
0x82: {  	_ =	swait.ge [sflag:s13], $0x5C00  }
0x83: {  	[sflag:s13] =	ssyncset.done $0x0  }
0x84: {  	[sflag:s13] =	ssyncadd.s32 $0xFFFFA400  }
0x85: {  	[tilespmem:s21], [sflag:$0x2] =	stream.linear.gather [hbm4b:s25+s2], $0x5C00, $0x38;
	[tilespmem:$0x18000] =	vst v63  }
0x86: {  	_ =	swait.ge [sflag:s22], $0x5C00  }
0x87: {  	[sflag:s22] =	ssyncset.done $0x0  }
0x88: {  	[sflag:s22] =	ssyncadd.s32 $0xFFFFA400  }
0x89: {  	[hbm4b:s23+s2] =	stream.linear.scatter [tilespmem:s15], [sflag:$0x8], $0x5C00, $0x38;
	[tilespmem:$0x18000] =	vst v63  }
0x8a: {  	_ =	swait.ge [sflag:s11], $0x5C00  }
0x8b: {  	[sflag:s11] =	ssyncset.done $0x0  }
0x8c: {  	[sflag:s11] =	ssyncadd.s32 $0xFFFFA400  }
0x8d: {  	[tilespmem:s17], [sflag:$0x3] =	stream.linear.gather [hbm4b:s20+s2], $0x5C00, $0x38;
	[tilespmem:$0x18000] =	vst v63  }
0x8e: {  	_ =	swait.ge [sflag:s12], $0x5C00  }
0x8f: {  	[sflag:s12] =	ssyncset.done $0x0  }
0x90: {  	[sflag:s12] =	ssyncadd.s32 $0xFFFFA400  }
0x91: {  	[hbm4b:s19+s2] =	stream.linear.scatter [tilespmem:s2], [sflag:$0x5], $0x5C00, $0x38;
	[tilespmem:$0x18000] =	vst v63  }
0x92: {  	_ =	swait.ge [sflag:s9], $0x5C00  }
0x93: {  	[sflag:s9] =	ssyncset.done $0x0  }
0x94: {  	[sflag:s9] =	ssyncadd.s32 $0xFFFFA400  }
0x95: {  	[tilespmem:s15], [sflag:$0x4] =	stream.linear.gather [hbm4b:s18+s2], $0x5C00, $0x38;
	[tilespmem:$0x18000] =	vst v63  }
0x96: {  	_ =	swait.ge [sflag:s26], $0x5C00  }
0x97: {  	[sflag:s26] =	ssyncset.done $0x0  }
0x98: {  	[sflag:s26] =	ssyncadd.s32 $0xFFFFA400  }
0x99: {  	[hbm4b:s16+s2] =	stream.linear.scatter [tilespmem:s21], [sflag:$0x6], $0x5C00, $0x38;
	[tilespmem:$0x18000] =	vst v63  }
0x9a: {  	_ =	swait.ge [sflag:s3], $0x5C00  }
0x9b: {  	[sflag:s3] =	ssyncset.done $0x0  }
0x9c: {  	[sflag:s3] =	ssyncadd.s32 $0xFFFFA400  }
0x9d: {  	[tilespmem:s2], [sflag:$0x1] =	stream.linear.gather [hbm4b:s14+s2], $0x5C00, $0x38;
	[tilespmem:$0x18000] =	vst v63  }
0x9e: {  	_ =	swait.ge [sflag:s24], $0x5C00  }
0x9f: {  	[sflag:s24] =	ssyncset.done $0x0  }
0xa0: {  	[sflag:s24] =	ssyncadd.s32 $0xFFFFA400  }
0xa1: {  	[hbm4b:s10+s2] =	stream.linear.scatter [tilespmem:s17], [sflag:$0x7], $0x5C00, $0x38;
	[tilespmem:$0x18000] =	vst v63  }
0xa2: {  	_ =	swait.ge [sflag:s22], $0x5C00  }
0xa3: {  	[sflag:s22] =	ssyncset.done $0x0  }
0xa4: {  	[sflag:s22] =	ssyncadd.s32 $0xFFFFA400  }
0xa5: {  	[hbm4b:s8+s2] =	stream.linear.scatter [tilespmem:s15], [sflag:$0x8], $0x5C00, $0x38;
	[tilespmem:$0x18000] =	vst v63  }
0xa6: {  	_ =	swait.ge [sflag:s12], $0x5C00  }
0xa7: {  	[sflag:s12] =	ssyncset.done $0x0  }
0xa8: {  	[sflag:s12] =	ssyncadd.s32 $0xFFFFA400  }
0xa9: {  	[hbm4b:s7+s2] =	stream.linear.scatter [tilespmem:s2], [sflag:$0x5], $0x5C00, $0x38;
	[tilespmem:$0x18000] =	vst v63  }
0xaa: {  	_ =	swait.ge [sflag:s6], $0x1000  }
0xab: {  	[sflag:s6] =	ssyncset.done $0x0  }
0xac: {  	[sflag:s6] =	ssyncadd.s32 $0xFFFFF000  }
0xad: {  	[hbm4b:s4+s2] =	stream.linear.scatter [tilespmem:s5], [sflag:$0x9], $0x1000, $0x38;
	[tilespmem:$0x18000] =	vst v63  }
0xae: {  	_ =	swait.ge [sflag:s13], $0x5C00  }
0xaf: {  	[sflag:s13] =	ssyncset.done $0x0  }
0xb0: {  	[sflag:s13] =	ssyncadd.s32 $0xFFFFA400  }
0xb1: {  	_ =	swait.ge [sflag:s11], $0x5C00  }
0xb2: {  	[sflag:s11] =	ssyncset.done $0x0  }
0xb3: {  	[sflag:s11] =	ssyncadd.s32 $0xFFFFA400  }
0xb4: {  	_ =	swait.ge [sflag:s9], $0x5C00  }
0xb5: {  	[sflag:s9] =	ssyncset.done $0x0  }
0xb6: {  	[sflag:s9] =	ssyncadd.s32 $0xFFFFA400  }
0xb7: {  	_ =	swait.ge [sflag:s3], $0x5C00  }
0xb8: {  	s1 =	rddreg [dreg:$0x18]  }
0xb9: {  	p1 =	sne.s32 s1, $0x1  }
.Ltmp1:
0xba: {  	_ = 	snop;
	(pc) =	sbr.rel @!p1 .LBB2_3-.Ltmp1, $4  }
0xbb: {  	[sflag:s3] =	ssyncset.done $0x0  }
0xbc: {  	[sflag:s3] =	ssyncadd.s32 $0xFFFFA400  }
0xbd: {  	p0 =	por $0x1, $0x1;
	_ =	swait.ge [sflag:s6], $0x1000  }
0xbe: {  	s1 =	sadd.s32 $0xFFFFFFFF, s1;
	s0 =	rddreg [dreg:$0x3];
	[sflag:s6] =	ssyncset.done $0x0  }
.LBB2_2:
0xbf: {  	[sflag:s6] =	ssyncadd.s32 $0xFFFFF000;
	s6 =	simm.s32 $0x17000  }
0xc0: {  	[tilespmem:s6], [sflag:$0x9] =	stream.linear.gather [hbm4b:s0+s2], $0x1000, $0x38;
	[tilespmem:$0x18000] =	vst v63  }
0xc1: {  	s5 =	smov.u32 s4;
	s4 =	rddreg [dreg:$0x4]  }
0xc2: {  	[tilespmem:s2], [sflag:$0x1] =	stream.linear.gather [hbm4b:s4+s2], $0x5C00, $0x38;
	[tilespmem:$0x18000] =	vst v63  }
0xc3: {  	s0 =	rddreg [dreg:$0x5]  }
0xc4: {  	[tilespmem:s21], [sflag:$0x2] =	stream.linear.gather [hbm4b:s0+s2], $0x5C00, $0x38;
	[tilespmem:$0x18000] =	vst v63  }
0xc5: {  	s4 =	rddreg [dreg:$0x6]  }
0xc6: {  	[tilespmem:s17], [sflag:$0x3] =	stream.linear.gather [hbm4b:s4+s2], $0x5C00, $0x38;
	[tilespmem:$0x18000] =	vst v63  }
0xc7: {  	_ =	swait.ge [sflag:s12], $0x5C00  }
0xc8: {  	[sflag:s12] =	ssyncset.done $0x0  }
0xc9: {  	s0 =	rddreg [dreg:$0x7];
	[sflag:s12] =	ssyncadd.s32 $0xFFFFA400  }
0xca: {  	[hbm4b:s0+s2] =	stream.linear.scatter [tilespmem:s2], [sflag:$0x5], $0x5C00, $0x38;
	[tilespmem:$0x18000] =	vst v63  }
0xcb: {  	s4 =	rddreg [dreg:$0x8]  }
0xcc: {  	[tilespmem:s15], [sflag:$0x4] =	stream.linear.gather [hbm4b:s4+s2], $0x5C00, $0x38;
	[tilespmem:$0x18000] =	vst v63  }
0xcd: {  	_ =	swait.ge [sflag:s26], $0x5C00  }
0xce: {  	[sflag:s26] =	ssyncset.done $0x0  }
0xcf: {  	s0 =	rddreg [dreg:$0x9];
	[sflag:s26] =	ssyncadd.s32 $0xFFFFA400  }
0xd0: {  	[hbm4b:s0+s2] =	stream.linear.scatter [tilespmem:s21], [sflag:$0x6], $0x5C00, $0x38;
	[tilespmem:$0x18000] =	vst v63  }
0xd1: {  	_ =	swait.ge [sflag:s3], $0x5C00  }
0xd2: {  	[sflag:s3] =	ssyncset.done $0x0  }
0xd3: {  	s0 =	rddreg [dreg:$0xa];
	[sflag:s3] =	ssyncadd.s32 $0xFFFFA400  }
0xd4: {  	[tilespmem:s2], [sflag:$0x1] =	stream.linear.gather [hbm4b:s0+s2], $0x5C00, $0x38;
	[tilespmem:$0x18000] =	vst v63  }
0xd5: {  	_ =	swait.ge [sflag:s24], $0x5C00  }
0xd6: {  	[sflag:s24] =	ssyncset.done $0x0  }
0xd7: {  	s0 =	rddreg [dreg:$0xb];
	[sflag:s24] =	ssyncadd.s32 $0xFFFFA400  }
0xd8: {  	[hbm4b:s0+s2] =	stream.linear.scatter [tilespmem:s17], [sflag:$0x7], $0x5C00, $0x38;
	[tilespmem:$0x18000] =	vst v63  }
0xd9: {  	_ =	swait.ge [sflag:s13], $0x5C00  }
0xda: {  	[sflag:s13] =	ssyncset.done $0x0  }
0xdb: {  	s0 =	rddreg [dreg:$0xc];
	[sflag:s13] =	ssyncadd.s32 $0xFFFFA400  }
0xdc: {  	[tilespmem:s21], [sflag:$0x2] =	stream.linear.gather [hbm4b:s0+s2], $0x5C00, $0x38;
	[tilespmem:$0x18000] =	vst v63  }
0xdd: {  	_ =	swait.ge [sflag:s22], $0x5C00  }
0xde: {  	[sflag:s22] =	ssyncset.done $0x0  }
0xdf: {  	s0 =	rddreg [dreg:$0xd];
	[sflag:s22] =	ssyncadd.s32 $0xFFFFA400  }
0xe0: {  	[hbm4b:s0+s2] =	stream.linear.scatter [tilespmem:s15], [sflag:$0x8], $0x5C00, $0x38;
	[tilespmem:$0x18000] =	vst v63  }
0xe1: {  	_ =	swait.ge [sflag:s11], $0x5C00  }
0xe2: {  	[sflag:s11] =	ssyncset.done $0x0  }
0xe3: {  	s0 =	rddreg [dreg:$0xe];
	[sflag:s11] =	ssyncadd.s32 $0xFFFFA400  }
0xe4: {  	[tilespmem:s17], [sflag:$0x3] =	stream.linear.gather [hbm4b:s0+s2], $0x5C00, $0x38;
	[tilespmem:$0x18000] =	vst v63  }
0xe5: {  	_ =	swait.ge [sflag:s12], $0x5C00  }
0xe6: {  	[sflag:s12] =	ssyncset.done $0x0  }
0xe7: {  	s0 =	rddreg [dreg:$0xf];
	[sflag:s12] =	ssyncadd.s32 $0xFFFFA400  }
0xe8: {  	[hbm4b:s0+s2] =	stream.linear.scatter [tilespmem:s2], [sflag:$0x5], $0x5C00, $0x38;
	[tilespmem:$0x18000] =	vst v63  }
0xe9: {  	_ =	swait.ge [sflag:s9], $0x5C00  }
0xea: {  	[sflag:s9] =	ssyncset.done $0x0  }
0xeb: {  	s0 =	rddreg [dreg:$0x10];
	[sflag:s9] =	ssyncadd.s32 $0xFFFFA400  }
0xec: {  	[tilespmem:s15], [sflag:$0x4] =	stream.linear.gather [hbm4b:s0+s2], $0x5C00, $0x38;
	[tilespmem:$0x18000] =	vst v63  }
0xed: {  	_ =	swait.ge [sflag:s26], $0x5C00  }
0xee: {  	[sflag:s26] =	ssyncset.done $0x0  }
0xef: {  	s0 =	rddreg [dreg:$0x11];
	[sflag:s26] =	ssyncadd.s32 $0xFFFFA400  }
0xf0: {  	[hbm4b:s0+s2] =	stream.linear.scatter [tilespmem:s21], [sflag:$0x6], $0x5C00, $0x38;
	[tilespmem:$0x18000] =	vst v63  }
0xf1: {  	_ =	swait.ge [sflag:s3], $0x5C00  }
0xf2: {  	[sflag:s3] =	ssyncset.done $0x0  }
0xf3: {  	s0 =	rddreg [dreg:$0x12];
	[sflag:s3] =	ssyncadd.s32 $0xFFFFA400  }
0xf4: {  	[tilespmem:s2], [sflag:$0x1] =	stream.linear.gather [hbm4b:s0+s2], $0x5C00, $0x38;
	[tilespmem:$0x18000] =	vst v63  }
0xf5: {  	_ =	swait.ge [sflag:s24], $0x5C00  }
0xf6: {  	[sflag:s24] =	ssyncset.done $0x0  }
0xf7: {  	s0 =	rddreg [dreg:$0x13];
	[sflag:s24] =	ssyncadd.s32 $0xFFFFA400  }
0xf8: {  	[hbm4b:s0+s2] =	stream.linear.scatter [tilespmem:s17], [sflag:$0x7], $0x5C00, $0x38;
	[tilespmem:$0x18000] =	vst v63  }
0xf9: {  	_ =	swait.ge [sflag:s13], $0x5C00  }
0xfa: {  	[sflag:s13] =	ssyncset.done $0x0  }
0xfb: {  	s0 =	rddreg [dreg:$0x14];
	[sflag:s13] =	ssyncadd.s32 $0xFFFFA400  }
0xfc: {  	[tilespmem:s21], [sflag:$0x2] =	stream.linear.gather [hbm4b:s0+s2], $0x5C00, $0x38;
	[tilespmem:$0x18000] =	vst v63  }
0xfd: {  	_ =	swait.ge [sflag:s22], $0x5C00  }
0xfe: {  	[sflag:s22] =	ssyncset.done $0x0  }
0xff: {  	s0 =	rddreg [dreg:$0x15];
	[sflag:s22] =	ssyncadd.s32 $0xFFFFA400  }
0x100: {  	[hbm4b:s0+s2] =	stream.linear.scatter [tilespmem:s15], [sflag:$0x8], $0x5C00, $0x38;
	[tilespmem:$0x18000] =	vst v63  }
0x101: {  	_ =	swait.ge [sflag:s11], $0x5C00  }
0x102: {  	[sflag:s11] =	ssyncset.done $0x0  }
0x103: {  	s0 =	rddreg [dreg:$0x16];
	[sflag:s11] =	ssyncadd.s32 $0xFFFFA400  }
0x104: {  	[tilespmem:s17], [sflag:$0x3] =	stream.linear.gather [hbm4b:s0+s2], $0x5C00, $0x38;
	[tilespmem:$0x18000] =	vst v63  }
0x105: {  	_ =	swait.ge [sflag:s12], $0x5C00  }
0x106: {  	[sflag:s12] =	ssyncset.done $0x0  }
0x107: {  	s0 =	rddreg [dreg:$0x17];
	[sflag:s12] =	ssyncadd.s32 $0xFFFFA400  }
0x108: {  	[hbm4b:s0+s2] =	stream.linear.scatter [tilespmem:s2], [sflag:$0x5], $0x5C00, $0x38;
	[tilespmem:$0x18000] =	vst v63  }
0x109: {  	_ =	swait.ge [sflag:s9], $0x5C00  }
0x10a: {  	[sflag:s9] =	ssyncset.done $0x0  }
0x10b: {  	[sflag:s9] =	ssyncadd.s32 $0xFFFFA400  }
0x10c: {  	[tilespmem:s15], [sflag:$0x4] =	stream.linear.gather [hbm4b:s31+s2], $0x5C00, $0x38;
	[tilespmem:$0x18000] =	vst v63  }
0x10d: {  	_ =	swait.ge [sflag:s26], $0x5C00  }
0x10e: {  	[sflag:s26] =	ssyncset.done $0x0  }
0x10f: {  	[sflag:s26] =	ssyncadd.s32 $0xFFFFA400  }
0x110: {  	[hbm4b:s30+s2] =	stream.linear.scatter [tilespmem:s21], [sflag:$0x6], $0x5C00, $0x38;
	[tilespmem:$0x18000] =	vst v63  }
0x111: {  	_ =	swait.ge [sflag:s3], $0x5C00  }
0x112: {  	[sflag:s3] =	ssyncset.done $0x0  }
0x113: {  	[sflag:s3] =	ssyncadd.s32 $0xFFFFA400  }
0x114: {  	[tilespmem:s2], [sflag:$0x1] =	stream.linear.gather [hbm4b:s29+s2], $0x5C00, $0x38;
	[tilespmem:$0x18000] =	vst v63  }
0x115: {  	_ =	swait.ge [sflag:s24], $0x5C00  }
0x116: {  	[sflag:s24] =	ssyncset.done $0x0  }
0x117: {  	[sflag:s24] =	ssyncadd.s32 $0xFFFFA400  }
0x118: {  	[hbm4b:s28+s2] =	stream.linear.scatter [tilespmem:s17], [sflag:$0x7], $0x5C00, $0x38;
	[tilespmem:$0x18000] =	vst v63  }
0x119: {  	_ =	swait.ge [sflag:s13], $0x5C00  }
0x11a: {  	[sflag:s13] =	ssyncset.done $0x0  }
0x11b: {  	[sflag:s13] =	ssyncadd.s32 $0xFFFFA400  }
0x11c: {  	[tilespmem:s21], [sflag:$0x2] =	stream.linear.gather [hbm4b:s25+s2], $0x5C00, $0x38;
	[tilespmem:$0x18000] =	vst v63  }
0x11d: {  	_ =	swait.ge [sflag:s22], $0x5C00  }
0x11e: {  	[sflag:s22] =	ssyncset.done $0x0  }
0x11f: {  	[sflag:s22] =	ssyncadd.s32 $0xFFFFA400  }
0x120: {  	[hbm4b:s23+s2] =	stream.linear.scatter [tilespmem:s15], [sflag:$0x8], $0x5C00, $0x38;
	[tilespmem:$0x18000] =	vst v63  }
0x121: {  	_ =	swait.ge [sflag:s11], $0x5C00  }
0x122: {  	[sflag:s11] =	ssyncset.done $0x0  }
0x123: {  	[sflag:s11] =	ssyncadd.s32 $0xFFFFA400  }
0x124: {  	[tilespmem:s17], [sflag:$0x3] =	stream.linear.gather [hbm4b:s20+s2], $0x5C00, $0x38;
	[tilespmem:$0x18000] =	vst v63  }
0x125: {  	_ =	swait.ge [sflag:s12], $0x5C00  }
0x126: {  	[sflag:s12] =	ssyncset.done $0x0  }
0x127: {  	[sflag:s12] =	ssyncadd.s32 $0xFFFFA400  }
0x128: {  	[hbm4b:s19+s2] =	stream.linear.scatter [tilespmem:s2], [sflag:$0x5], $0x5C00, $0x38;
	[tilespmem:$0x18000] =	vst v63  }
0x129: {  	_ =	swait.ge [sflag:s9], $0x5C00  }
0x12a: {  	[sflag:s9] =	ssyncset.done $0x0  }
0x12b: {  	[sflag:s9] =	ssyncadd.s32 $0xFFFFA400  }
0x12c: {  	[tilespmem:s15], [sflag:$0x4] =	stream.linear.gather [hbm4b:s18+s2], $0x5C00, $0x38;
	[tilespmem:$0x18000] =	vst v63  }
0x12d: {  	_ =	swait.ge [sflag:s26], $0x5C00  }
0x12e: {  	[sflag:s26] =	ssyncset.done $0x0  }
0x12f: {  	[sflag:s26] =	ssyncadd.s32 $0xFFFFA400  }
0x130: {  	[hbm4b:s16+s2] =	stream.linear.scatter [tilespmem:s21], [sflag:$0x6], $0x5C00, $0x38;
	[tilespmem:$0x18000] =	vst v63  }
0x131: {  	_ =	swait.ge [sflag:s3], $0x5C00  }
0x132: {  	[sflag:s3] =	ssyncset.done $0x0  }
0x133: {  	[sflag:s3] =	ssyncadd.s32 $0xFFFFA400  }
0x134: {  	[tilespmem:s2], [sflag:$0x1] =	stream.linear.gather [hbm4b:s14+s2], $0x5C00, $0x38;
	[tilespmem:$0x18000] =	vst v63  }
0x135: {  	_ =	swait.ge [sflag:s24], $0x5C00  }
0x136: {  	[sflag:s24] =	ssyncset.done $0x0  }
0x137: {  	[sflag:s24] =	ssyncadd.s32 $0xFFFFA400  }
0x138: {  	[hbm4b:s10+s2] =	stream.linear.scatter [tilespmem:s17], [sflag:$0x7], $0x5C00, $0x38;
	[tilespmem:$0x18000] =	vst v63  }
0x139: {  	_ =	swait.ge [sflag:s22], $0x5C00  }
0x13a: {  	[sflag:s22] =	ssyncset.done $0x0  }
0x13b: {  	[sflag:s22] =	ssyncadd.s32 $0xFFFFA400  }
0x13c: {  	[hbm4b:s8+s2] =	stream.linear.scatter [tilespmem:s15], [sflag:$0x8], $0x5C00, $0x38;
	[tilespmem:$0x18000] =	vst v63  }
0x13d: {  	_ =	swait.ge [sflag:s12], $0x5C00  }
0x13e: {  	[sflag:s12] =	ssyncset.done $0x0  }
0x13f: {  	s6 =	simm.s32 $0x9;
	[sflag:s12] =	ssyncadd.s32 $0xFFFFA400  }
0x140: {  	[hbm4b:s7+s2] =	stream.linear.scatter [tilespmem:s2], [sflag:$0x5], $0x5C00, $0x38;
	[tilespmem:$0x18000] =	vst v63  }
0x141: {  	_ =	swait.ge [sflag:s6], $0x1000  }
0x142: {  	[sflag:s6] =	ssyncset.done $0x0  }
0x143: {  	s4 =	smov.u32 s5;
	s5 =	simm.s32 $0x17000;
	[sflag:s6] =	ssyncadd.s32 $0xFFFFF000  }
0x144: {  	[hbm4b:s4+s2] =	stream.linear.scatter [tilespmem:s5], [sflag:$0x9], $0x1000, $0x38;
	[tilespmem:$0x18000] =	vst v63  }
0x145: {  	_ =	swait.ge [sflag:s13], $0x5C00  }
0x146: {  	[sflag:s13] =	ssyncset.done $0x0  }
0x147: {  	[sflag:s13] =	ssyncadd.s32 $0xFFFFA400  }
0x148: {  	_ =	swait.ge [sflag:s11], $0x5C00  }
0x149: {  	[sflag:s11] =	ssyncset.done $0x0  }
0x14a: {  	[sflag:s11] =	ssyncadd.s32 $0xFFFFA400  }
0x14b: {  	_ =	swait.ge [sflag:s9], $0x5C00  }
0x14c: {  	[sflag:s9] =	ssyncset.done $0x0  }
0x14d: {  	p1 =	sne.s32 s1, $0x1;
	[sflag:s9] =	ssyncadd.s32 $0xFFFFA400  }
.Ltmp2:
0x14e: {  	_ =	swait.ge [sflag:s3], $0x5C00;
	(pc) =	sbr.rel @p1 .LBB2_2-.Ltmp2, $4  }
0x14f: {  	[sflag:s3] =	ssyncset.done $0x0  }
0x150: {  	[sflag:s3] =	ssyncadd.s32 $0xFFFFA400  }
0x151: {  	_ =	swait.ge [sflag:s6], $0x1000  }
0x152: {  	s1 =	sadd.s32 $0xFFFFFFFF, s1;
	s0 =	rddreg [dreg:$0x3];
	[sflag:s6] =	ssyncset.done $0x0  }
.LBB2_3:
0x153: {  	[sflag:s6] =	ssyncadd.s32 @p0 $0xFFFFF000  }
0x154: {  	[tilespmem:s5], [sflag:$0x9] =	stream.linear.gather [hbm4b:s0+s2], $0x1000, $0x38;
	[tilespmem:$0x18000] =	vst v63  }
0x155: {  	s1 =	rddreg [dreg:$0x4]  }
0x156: {  	[tilespmem:s2], [sflag:$0x1] =	stream.linear.gather [hbm4b:s1+s2], $0x5C00, $0x38;
	[tilespmem:$0x18000] =	vst v63  }
0x157: {  	s0 =	rddreg [dreg:$0x5]  }
0x158: {  	[tilespmem:s21], [sflag:$0x2] =	stream.linear.gather [hbm4b:s0+s2], $0x5C00, $0x38;
	[tilespmem:$0x18000] =	vst v63  }
0x159: {  	s1 =	rddreg [dreg:$0x6]  }
0x15a: {  	[tilespmem:s17], [sflag:$0x3] =	stream.linear.gather [hbm4b:s1+s2], $0x5C00, $0x38;
	[tilespmem:$0x18000] =	vst v63  }
0x15b: {  	_ =	swait.ge [sflag:s12], $0x5C00  }
0x15c: {  	[sflag:s12] =	ssyncset.done $0x0  }
0x15d: {  	s0 =	rddreg [dreg:$0x7];
	[sflag:s12] =	ssyncadd.s32 $0xFFFFA400  }
0x15e: {  	[hbm4b:s0+s2] =	stream.linear.scatter [tilespmem:s2], [sflag:$0x5], $0x5C00, $0x38;
	[tilespmem:$0x18000] =	vst v63  }
0x15f: {  	s1 =	rddreg [dreg:$0x8]  }
0x160: {  	[tilespmem:s15], [sflag:$0x4] =	stream.linear.gather [hbm4b:s1+s2], $0x5C00, $0x38;
	[tilespmem:$0x18000] =	vst v63  }
0x161: {  	_ =	swait.ge [sflag:s26], $0x5C00  }
0x162: {  	[sflag:s26] =	ssyncset.done $0x0  }
0x163: {  	s1 =	rddreg [dreg:$0x9];
	[sflag:s26] =	ssyncadd.s32 $0xFFFFA400  }
0x164: {  	[hbm4b:s1+s2] =	stream.linear.scatter [tilespmem:s21], [sflag:$0x6], $0x5C00, $0x38;
	[tilespmem:$0x18000] =	vst v63  }
0x165: {  	_ =	swait.ge [sflag:s3], $0x5C00  }
0x166: {  	[sflag:s3] =	ssyncset.done $0x0  }
0x167: {  	s1 =	rddreg [dreg:$0xa];
	[sflag:s3] =	ssyncadd.s32 $0xFFFFA400  }
0x168: {  	[tilespmem:s2], [sflag:$0x1] =	stream.linear.gather [hbm4b:s1+s2], $0x5C00, $0x38;
	[tilespmem:$0x18000] =	vst v63  }
0x169: {  	_ =	swait.ge [sflag:s24], $0x5C00  }
0x16a: {  	[sflag:s24] =	ssyncset.done $0x0  }
0x16b: {  	s1 =	rddreg [dreg:$0xb];
	[sflag:s24] =	ssyncadd.s32 $0xFFFFA400  }
0x16c: {  	[hbm4b:s1+s2] =	stream.linear.scatter [tilespmem:s17], [sflag:$0x7], $0x5C00, $0x38;
	[tilespmem:$0x18000] =	vst v63  }
0x16d: {  	_ =	swait.ge [sflag:s13], $0x5C00  }
0x16e: {  	[sflag:s13] =	ssyncset.done $0x0  }
0x16f: {  	s1 =	rddreg [dreg:$0xc];
	[sflag:s13] =	ssyncadd.s32 $0xFFFFA400  }
0x170: {  	[tilespmem:s21], [sflag:$0x2] =	stream.linear.gather [hbm4b:s1+s2], $0x5C00, $0x38;
	[tilespmem:$0x18000] =	vst v63  }
0x171: {  	_ =	swait.ge [sflag:s22], $0x5C00  }
0x172: {  	[sflag:s22] =	ssyncset.done $0x0  }
0x173: {  	s1 =	rddreg [dreg:$0xd];
	[sflag:s22] =	ssyncadd.s32 $0xFFFFA400  }
0x174: {  	[hbm4b:s1+s2] =	stream.linear.scatter [tilespmem:s15], [sflag:$0x8], $0x5C00, $0x38;
	[tilespmem:$0x18000] =	vst v63  }
0x175: {  	_ =	swait.ge [sflag:s11], $0x5C00  }
0x176: {  	[sflag:s11] =	ssyncset.done $0x0  }
0x177: {  	s1 =	rddreg [dreg:$0xe];
	[sflag:s11] =	ssyncadd.s32 $0xFFFFA400  }
0x178: {  	[tilespmem:s17], [sflag:$0x3] =	stream.linear.gather [hbm4b:s1+s2], $0x5C00, $0x38;
	[tilespmem:$0x18000] =	vst v63  }
0x179: {  	_ =	swait.ge [sflag:s12], $0x5C00  }
0x17a: {  	[sflag:s12] =	ssyncset.done $0x0  }
0x17b: {  	s1 =	rddreg [dreg:$0xf];
	[sflag:s12] =	ssyncadd.s32 $0xFFFFA400  }
0x17c: {  	[hbm4b:s1+s2] =	stream.linear.scatter [tilespmem:s2], [sflag:$0x5], $0x5C00, $0x38;
	[tilespmem:$0x18000] =	vst v63  }
0x17d: {  	_ =	swait.ge [sflag:s9], $0x5C00  }
0x17e: {  	[sflag:s9] =	ssyncset.done $0x0  }
0x17f: {  	s1 =	rddreg [dreg:$0x10];
	[sflag:s9] =	ssyncadd.s32 $0xFFFFA400  }
0x180: {  	[tilespmem:s15], [sflag:$0x4] =	stream.linear.gather [hbm4b:s1+s2], $0x5C00, $0x38;
	[tilespmem:$0x18000] =	vst v63  }
0x181: {  	_ =	swait.ge [sflag:s26], $0x5C00  }
0x182: {  	[sflag:s26] =	ssyncset.done $0x0  }
0x183: {  	s1 =	rddreg [dreg:$0x11];
	[sflag:s26] =	ssyncadd.s32 $0xFFFFA400  }
0x184: {  	[hbm4b:s1+s2] =	stream.linear.scatter [tilespmem:s21], [sflag:$0x6], $0x5C00, $0x38;
	[tilespmem:$0x18000] =	vst v63  }
0x185: {  	_ =	swait.ge [sflag:s3], $0x5C00  }
0x186: {  	[sflag:s3] =	ssyncset.done $0x0  }
0x187: {  	s1 =	rddreg [dreg:$0x12];
	[sflag:s3] =	ssyncadd.s32 $0xFFFFA400  }
0x188: {  	[tilespmem:s2], [sflag:$0x1] =	stream.linear.gather [hbm4b:s1+s2], $0x5C00, $0x38;
	[tilespmem:$0x18000] =	vst v63  }
0x189: {  	_ =	swait.ge [sflag:s24], $0x5C00  }
0x18a: {  	[sflag:s24] =	ssyncset.done $0x0  }
0x18b: {  	s1 =	rddreg [dreg:$0x13];
	[sflag:s24] =	ssyncadd.s32 $0xFFFFA400  }
0x18c: {  	[hbm4b:s1+s2] =	stream.linear.scatter [tilespmem:s17], [sflag:$0x7], $0x5C00, $0x38;
	[tilespmem:$0x18000] =	vst v63  }
0x18d: {  	_ =	swait.ge [sflag:s13], $0x5C00  }
0x18e: {  	[sflag:s13] =	ssyncset.done $0x0  }
0x18f: {  	s1 =	rddreg [dreg:$0x14];
	[sflag:s13] =	ssyncadd.s32 $0xFFFFA400  }
0x190: {  	[tilespmem:s21], [sflag:$0x2] =	stream.linear.gather [hbm4b:s1+s2], $0x5C00, $0x38;
	[tilespmem:$0x18000] =	vst v63  }
0x191: {  	_ =	swait.ge [sflag:s22], $0x5C00  }
0x192: {  	[sflag:s22] =	ssyncset.done $0x0  }
0x193: {  	s1 =	rddreg [dreg:$0x15];
	[sflag:s22] =	ssyncadd.s32 $0xFFFFA400  }
0x194: {  	[hbm4b:s1+s2] =	stream.linear.scatter [tilespmem:s15], [sflag:$0x8], $0x5C00, $0x38;
	[tilespmem:$0x18000] =	vst v63  }
0x195: {  	_ =	swait.ge [sflag:s11], $0x5C00  }
0x196: {  	[sflag:s11] =	ssyncset.done $0x0  }
0x197: {  	s1 =	rddreg [dreg:$0x16];
	[sflag:s11] =	ssyncadd.s32 $0xFFFFA400  }
0x198: {  	[tilespmem:s17], [sflag:$0x3] =	stream.linear.gather [hbm4b:s1+s2], $0x5C00, $0x38;
	[tilespmem:$0x18000] =	vst v63  }
0x199: {  	_ =	swait.ge [sflag:s12], $0x5C00  }
0x19a: {  	[sflag:s12] =	ssyncset.done $0x0  }
0x19b: {  	s1 =	rddreg [dreg:$0x17];
	[sflag:s12] =	ssyncadd.s32 $0xFFFFA400  }
0x19c: {  	[hbm4b:s1+s2] =	stream.linear.scatter [tilespmem:s2], [sflag:$0x5], $0x5C00, $0x38;
	[tilespmem:$0x18000] =	vst v63  }
0x19d: {  	_ =	swait.ge [sflag:s9], $0x5C00  }
0x19e: {  	[sflag:s9] =	ssyncset.done $0x0  }
0x19f: {  	[sflag:s9] =	ssyncadd.s32 $0xFFFFA400  }
0x1a0: {  	[tilespmem:s15], [sflag:$0x4] =	stream.linear.gather [hbm4b:s31+s2], $0x5C00, $0x38;
	[tilespmem:$0x18000] =	vst v63  }
0x1a1: {  	_ =	swait.ge [sflag:s26], $0x5C00  }
0x1a2: {  	[sflag:s26] =	ssyncset.done $0x0  }
0x1a3: {  	[sflag:s26] =	ssyncadd.s32 $0xFFFFA400  }
0x1a4: {  	[hbm4b:s30+s2] =	stream.linear.scatter [tilespmem:s21], [sflag:$0x6], $0x5C00, $0x38;
	[tilespmem:$0x18000] =	vst v63  }
0x1a5: {  	_ =	swait.ge [sflag:s3], $0x5C00  }
0x1a6: {  	[sflag:s3] =	ssyncset.done $0x0  }
0x1a7: {  	[sflag:s3] =	ssyncadd.s32 $0xFFFFA400  }
0x1a8: {  	[tilespmem:s2], [sflag:$0x1] =	stream.linear.gather [hbm4b:s29+s2], $0x5C00, $0x38;
	[tilespmem:$0x18000] =	vst v63  }
0x1a9: {  	_ =	swait.ge [sflag:s24], $0x5C00  }
0x1aa: {  	[sflag:s24] =	ssyncset.done $0x0  }
0x1ab: {  	[sflag:s24] =	ssyncadd.s32 $0xFFFFA400  }
0x1ac: {  	[hbm4b:s28+s2] =	stream.linear.scatter [tilespmem:s17], [sflag:$0x7], $0x5C00, $0x38;
	[tilespmem:$0x18000] =	vst v63  }
0x1ad: {  	_ =	swait.ge [sflag:s13], $0x5C00  }
0x1ae: {  	[sflag:s13] =	ssyncset.done $0x0  }
0x1af: {  	[sflag:s13] =	ssyncadd.s32 $0xFFFFA400  }
0x1b0: {  	[tilespmem:s21], [sflag:$0x2] =	stream.linear.gather [hbm4b:s25+s2], $0x5C00, $0x38;
	[tilespmem:$0x18000] =	vst v63  }
0x1b1: {  	_ =	swait.ge [sflag:s22], $0x5C00  }
0x1b2: {  	[sflag:s22] =	ssyncset.done $0x0  }
0x1b3: {  	[sflag:s22] =	ssyncadd.s32 $0xFFFFA400  }
0x1b4: {  	[hbm4b:s23+s2] =	stream.linear.scatter [tilespmem:s15], [sflag:$0x8], $0x5C00, $0x38;
	[tilespmem:$0x18000] =	vst v63  }
0x1b5: {  	_ =	swait.ge [sflag:s11], $0x5C00  }
0x1b6: {  	[sflag:s11] =	ssyncset.done $0x0  }
0x1b7: {  	[sflag:s11] =	ssyncadd.s32 $0xFFFFA400  }
0x1b8: {  	[tilespmem:s17], [sflag:$0x3] =	stream.linear.gather [hbm4b:s20+s2], $0x5C00, $0x38;
	[tilespmem:$0x18000] =	vst v63  }
0x1b9: {  	_ =	swait.ge [sflag:s12], $0x5C00  }
0x1ba: {  	[sflag:s12] =	ssyncset.done $0x0  }
0x1bb: {  	[sflag:s12] =	ssyncadd.s32 $0xFFFFA400  }
0x1bc: {  	[hbm4b:s19+s2] =	stream.linear.scatter [tilespmem:s2], [sflag:$0x5], $0x5C00, $0x38;
	[tilespmem:$0x18000] =	vst v63  }
0x1bd: {  	_ =	swait.ge [sflag:s9], $0x5C00  }
0x1be: {  	[sflag:s9] =	ssyncset.done $0x0  }
0x1bf: {  	[sflag:s9] =	ssyncadd.s32 $0xFFFFA400  }
0x1c0: {  	[tilespmem:s15], [sflag:$0x4] =	stream.linear.gather [hbm4b:s18+s2], $0x5C00, $0x38;
	[tilespmem:$0x18000] =	vst v63  }
0x1c1: {  	_ =	swait.ge [sflag:s26], $0x5C00  }
0x1c2: {  	[sflag:s26] =	ssyncset.done $0x0  }
0x1c3: {  	[sflag:s26] =	ssyncadd.s32 $0xFFFFA400  }
0x1c4: {  	[hbm4b:s16+s2] =	stream.linear.scatter [tilespmem:s21], [sflag:$0x6], $0x5C00, $0x38;
	[tilespmem:$0x18000] =	vst v63  }
0x1c5: {  	_ =	swait.ge [sflag:s3], $0x5C00  }
0x1c6: {  	[sflag:s3] =	ssyncset.done $0x0  }
0x1c7: {  	[sflag:s3] =	ssyncadd.s32 $0xFFFFA400  }
0x1c8: {  	[tilespmem:s2], [sflag:$0x1] =	stream.linear.gather [hbm4b:s14+s2], $0x5C00, $0x38;
	[tilespmem:$0x18000] =	vst v63  }
0x1c9: {  	_ =	swait.ge [sflag:s24], $0x5C00  }
0x1ca: {  	[sflag:s24] =	ssyncset.done $0x0  }
0x1cb: {  	[sflag:s24] =	ssyncadd.s32 $0xFFFFA400  }
0x1cc: {  	[hbm4b:s10+s2] =	stream.linear.scatter [tilespmem:s17], [sflag:$0x7], $0x5C00, $0x38;
	[tilespmem:$0x18000] =	vst v63  }
0x1cd: {  	_ =	swait.ge [sflag:s22], $0x5C00  }
0x1ce: {  	[sflag:s22] =	ssyncset.done $0x0  }
0x1cf: {  	[sflag:s22] =	ssyncadd.s32 $0xFFFFA400  }
0x1d0: {  	[hbm4b:s8+s2] =	stream.linear.scatter [tilespmem:s15], [sflag:$0x8], $0x5C00, $0x38;
	[tilespmem:$0x18000] =	vst v63  }
0x1d1: {  	_ =	swait.ge [sflag:s12], $0x5C00  }
0x1d2: {  	[sflag:s12] =	ssyncset.done $0x0  }
0x1d3: {  	[sflag:s12] =	ssyncadd.s32 $0xFFFFA400  }
0x1d4: {  	[hbm4b:s7+s2] =	stream.linear.scatter [tilespmem:s2], [sflag:$0x5], $0x5C00, $0x38;
	[tilespmem:$0x18000] =	vst v63  }
0x1d5: {  	_ =	swait.ge [sflag:s6], $0x1000  }
0x1d6: {  	[sflag:s6] =	ssyncset.done $0x0  }
0x1d7: {  	[sflag:s6] =	ssyncadd.s32 $0xFFFFF000  }
0x1d8: {  	[hbm4b:s4+s2] =	stream.linear.scatter [tilespmem:s5], [sflag:$0x9], $0x1000, $0x38;
	[tilespmem:$0x18000] =	vst v63  }
0x1d9: {  	_ =	swait.ge [sflag:s13], $0x5C00  }
0x1da: {  	[sflag:s13] =	ssyncset.done $0x0  }
0x1db: {  	[sflag:s13] =	ssyncadd.s32 $0xFFFFA400  }
0x1dc: {  	_ =	swait.ge [sflag:s11], $0x5C00  }
0x1dd: {  	[sflag:s11] =	ssyncset.done $0x0  }
0x1de: {  	[sflag:s11] =	ssyncadd.s32 $0xFFFFA400  }
0x1df: {  	_ =	swait.ge [sflag:s9], $0x5C00  }
0x1e0: {  	[sflag:s9] =	ssyncset.done $0x0  }
0x1e1: {  	[sflag:s9] =	ssyncadd.s32 $0xFFFFA400  }
0x1e2: {  	_ =	swait.ge [sflag:s3], $0x5C00  }
0x1e3: {  	[sflag:s3] =	ssyncset.done $0x0  }
0x1e4: {  	[sflag:s3] =	ssyncadd.s32 $0xFFFFA400  }
0x1e5: {  	_ =	swait.ge [sflag:s6], $0x1000  }
0x1e6: {  	[sflag:s6] =	ssyncset.done $0x0  }
0x1e7: {  	[sflag:s6] =	ssyncadd.s32 $0xFFFFF000  }
0x1e8: {  	_ =	sfence.sel $0x180000  }
0x1e9: {  	[bflag:$0x0] =	sbarrier.arrive $0xFFFF  }
0x1ea: {  	_ =	strace $0x90000047  }
0x1eb: {  	s31 =	stileid.u32;
	[bflag:$0x2] =	sbarrier.arrive $0xFFFF  }
0x1ec: {  	p0 =	sne.s32 s31, $0x0;
	s0 =	rddreg [dreg:$0x2]  }
0x1ed: {  	s0 =	sadd.s32 @!p0 $0x100000, s0  }
0x1ee: {  	[sflag:s0] =	ssyncadd.tile.s32 @!p0 $0x1;
	_ =	shalt  }
.Lfunc_end2:
_tile_overlayer_lowered:
.L_overlay_start_2:
0x1ef: {  	(tag) =	ssettag $0x2  }
0x1f0: {  	s0 =	rddreg [dreg:$0x0];
	s2 =	stileid.u32  }
0x1f1: {  	s1 =	rddreg [dreg:$0x1];
	p0 =	sne.s32 s2, $0x0  }
0x1f2: {  	s3 =	rddreg [dreg:$0x2];
	[bflag:$0x3] =	sbarrier.arrive $0xFFFF;
	s2 =	simm.s32 @!p0 $0x1C0A  }
0x1f3: {  	[timem:s3], [sflag:s2] =	dma.local @!p0 [hbm:s0], s1  }
0x1f4: {  	s0 =	simm.s32 @!p0 $0xA  }
0x1f5: {  	_ =	swait.ge @!p0 [sflag:s0], s1  }
0x1f6: {  	s1 =	ssub.s32 @!p0 $0x0, s1;
	[sflag:s0] =	ssyncset.done @!p0 $0x0  }
0x1f7: {  	[sflag:s0] =	ssyncadd.s32 @!p0 s1  }
0x1f8: {  	[bflag:$0x3] =	sbarrier.arrive $0xFFFF  }
0x1f9: {  	_ =	shalt  }

</sc_bundles>
